<compile_context>
chip_gen: v7x
topology: tpu7x:2x2x1
jax: 0.10.2.dev20260603
libtpu: 0.0.44.dev20260713+nightly
codegen_flags: <defaults>
</compile_context>

<pallas_src>
import functools

import jax
import jax.numpy as jnp
from jax import lax
from jax.experimental import pallas as pl
from jax.experimental.pallas import tpu as pltpu
from jax.experimental.pallas import tpu_sc as plsc

N = 10000
E = 320000
H = 128
L = 6
T = 128
G = 64

NC = 2
NS = 16
NW = NC * NS
EPT = E // NW
CH = 80
NCHUNK = EPT // CH
RPT = 640
RPT_LAST = N - (NS - 1) * RPT

BN = 1000

@functools.cache
def _build_sc_agg():
    mesh = plsc.VectorSubcoreMesh(core_axis_name="c", subcore_axis_name="s",
                                  num_cores=NC, num_subcores=NS)

    @functools.partial(
        pl.kernel,
        out_type=jax.ShapeDtypeStruct((NC, N, H), jnp.float32),
        mesh=mesh,
        scratch_types=[
            pltpu.VMEM((EPT,), jnp.int32),
            pltpu.VMEM((NCHUNK, CH), jnp.int32),
            pltpu.VMEM((CH, H), jnp.float32),
            pltpu.VMEM((CH, H), jnp.float32),
            pltpu.VMEM_SHARED((N, H), jnp.float32),
            pltpu.SemaphoreType.DMA,
            pltpu.SemaphoreType.DMA,
            pltpu.SemaphoreType.DMA,
            pltpu.SemaphoreType.DMA,
        ],
    )
    def sc_agg(h_hbm, src_hbm, dst_hbm, out_hbm, srcv, dstv,
               rows0, rows1, slab, semg0, semg1, sems0, sems1):
        c = lax.axis_index("c")
        s = lax.axis_index("s")
        wid = s * NC + c
        @pl.when(s < NS - 1)
        def _():
            pltpu.sync_copy(h_hbm.at[pl.ds(s * RPT, RPT)],
                            slab.at[pl.ds(s * RPT, RPT)])

        @pl.when(s == NS - 1)
        def _():
            pltpu.sync_copy(h_hbm.at[pl.ds((NS - 1) * RPT, RPT_LAST)],
                            slab.at[pl.ds((NS - 1) * RPT, RPT_LAST)])

        pltpu.sync_copy(src_hbm.at[wid], srcv)
        pltpu.sync_copy(dst_hbm.at[wid], dstv)

        bufs = [(rows0, semg0, sems0), (rows1, semg1, sems1)]

        def wait_g(jj, b):
            pltpu.make_async_copy(h_hbm.at[srcv.at[pl.ds(jj * CH, CH)]],
                                  bufs[b][0], bufs[b][1]).wait()

        def start_s(jj, b):
            pltpu.async_copy(bufs[b][0], slab.at[dstv.at[jj]], bufs[b][2],
                             add=True)

        def wait_s(jj, b):
            pltpu.make_async_copy(bufs[b][0], slab.at[dstv.at[jj]],
                                  bufs[b][2]).wait()

        def start_g(jj, b):
            pltpu.async_copy(h_hbm.at[srcv.at[pl.ds(jj * CH, CH)]],
                             bufs[b][0], bufs[b][1])

        start_g(0, 0)
        start_g(1, 1)
        plsc.subcore_barrier()

        wait_g(0, 0)
        start_s(0, 0)

        @pl.loop(1, NCHUNK - 2, step=2)
        def _edges(j):
            for d in range(2):
                jj = j + d
                b = (1 + d) % 2
                wait_g(jj, b)
                start_s(jj, b)
                wait_s(jj - 1, 1 - b)
                start_g(jj + 1, 1 - b)

        wait_g(NCHUNK - 2, 1)
        start_s(NCHUNK - 2, 1)
        wait_s(NCHUNK - 3, 0)
        start_g(NCHUNK - 1, 0)

        wait_g(NCHUNK - 1, 0)
        start_s(NCHUNK - 1, 0)
        wait_s(NCHUNK - 2, 1)
        wait_s(NCHUNK - 1, 0)

        plsc.subcore_barrier()

        @pl.when(s < NS - 1)
        def _():
            pltpu.sync_copy(slab.at[pl.ds(s * RPT, RPT)],
                            out_hbm.at[c].at[pl.ds(s * RPT, RPT)])

        @pl.when(s == NS - 1)
        def _():
            pltpu.sync_copy(slab.at[pl.ds((NS - 1) * RPT, RPT_LAST)],
                            out_hbm.at[c].at[pl.ds((NS - 1) * RPT, RPT_LAST)])

    return sc_agg


def _sc_agg(h, src, dst):
    return _build_sc_agg()(h, src, dst)


def _embed_body(x_ref, emb_ref, o_ref):
    xv = x_ref[...]
    onehot = (xv == lax.broadcasted_iota(jnp.int32, (BN, T), 1)).astype(jnp.float32)
    o_ref[...] = jnp.dot(onehot, emb_ref[...], preferred_element_type=jnp.float32)


def _embed(x2, emb):
    return pl.pallas_call(
        _embed_body,
        grid=(N // BN,),
        in_specs=[
            pl.BlockSpec((BN, 1), lambda i: (i, 0)),
            pl.BlockSpec((T, H), lambda i: (0, 0)),
        ],
        out_specs=pl.BlockSpec((BN, H), lambda i: (i, 0)),
        out_shape=jax.ShapeDtypeStruct((N, H), jnp.float32),
    )(x2, emb)


def _mlp_body(h_ref, a0_ref, a1_ref, w1_ref, b1_ref, w2_ref, b2_ref, o_ref):
    z = a0_ref[...] + a1_ref[...] - h_ref[...]
    y = lax.dot_general(z, w1_ref[...], (((1,), (1,)), ((), ())),
                        preferred_element_type=jnp.float32) + b1_ref[...]
    y = jnp.maximum(y, 0.0)
    y = lax.dot_general(y, w2_ref[...], (((1,), (1,)), ((), ())),
                        preferred_element_type=jnp.float32) + b2_ref[...]
    o_ref[...] = jnp.maximum(y, 0.0)


def _mlp(h, a0, a1, w1, b1, w2, b2):
    full = lambda i: (0, 0)
    return pl.pallas_call(
        _mlp_body,
        grid=(N // BN,),
        in_specs=[
            pl.BlockSpec((BN, H), lambda i: (i, 0)),
            pl.BlockSpec((BN, H), lambda i: (i, 0)),
            pl.BlockSpec((BN, H), lambda i: (i, 0)),
            pl.BlockSpec((H, H), full),
            pl.BlockSpec((1, H), full),
            pl.BlockSpec((H, H), full),
            pl.BlockSpec((1, H), full),
        ],
        out_specs=pl.BlockSpec((BN, H), lambda i: (i, 0)),
        out_shape=jax.ShapeDtypeStruct((N, H), jnp.float32),
    )(h, a0, a1, w1, b1, w2, b2)


def _mlp_pool_body(b_ref, h_ref, a0_ref, a1_ref, w1_ref, b1_ref, w2_ref,
                   b2_ref, o_ref, cnt_ref):
    i = pl.program_id(0)

    @pl.when(i == 0)
    def _():
        o_ref[...] = jnp.zeros_like(o_ref)
        cnt_ref[...] = jnp.zeros_like(cnt_ref)

    z = a0_ref[...] + a1_ref[...] - h_ref[...]
    y = lax.dot_general(z, w1_ref[...], (((1,), (1,)), ((), ())),
                        preferred_element_type=jnp.float32) + b1_ref[...]
    y = jnp.maximum(y, 0.0)
    y = lax.dot_general(y, w2_ref[...], (((1,), (1,)), ((), ())),
                        preferred_element_type=jnp.float32) + b2_ref[...]
    y = jnp.maximum(y, 0.0)

    bv = b_ref[...]
    onehot = (bv == lax.broadcasted_iota(jnp.int32, (BN, G), 1)).astype(jnp.float32)
    o_ref[...] += lax.dot_general(onehot, y, (((0,), (0,)), ((), ())),
                                  preferred_element_type=jnp.float32)
    cnt_ref[...] += lax.dot_general(onehot, jnp.ones((BN, H), jnp.float32),
                                    (((0,), (0,)), ((), ())),
                                    preferred_element_type=jnp.float32)

    @pl.when(i == pl.num_programs(0) - 1)
    def _():
        o_ref[...] = o_ref[...] / jnp.maximum(cnt_ref[...], 1.0)


def _mlp_pool(b2d, h, a0, a1, w1, b1, w2, b2):
    full = lambda i: (0, 0)
    return pl.pallas_call(
        _mlp_pool_body,
        grid=(N // BN,),
        in_specs=[
            pl.BlockSpec((BN, 1), lambda i: (i, 0)),
            pl.BlockSpec((BN, H), lambda i: (i, 0)),
            pl.BlockSpec((BN, H), lambda i: (i, 0)),
            pl.BlockSpec((BN, H), lambda i: (i, 0)),
            pl.BlockSpec((H, H), full),
            pl.BlockSpec((1, H), full),
            pl.BlockSpec((H, H), full),
            pl.BlockSpec((1, H), full),
        ],
        out_specs=pl.BlockSpec((G, H), lambda i: (0, 0)),
        out_shape=jax.ShapeDtypeStruct((G, H), jnp.float32),
        scratch_shapes=[pltpu.VMEM((G, H), jnp.float32)],
    )(b2d, h, a0, a1, w1, b1, w2, b2)


def kernel(x, edge_index, batch, emb, W1, b1, W2, b2):
    x2 = x.astype(jnp.int32).reshape(N, 1)
    b2d = batch.astype(jnp.int32).reshape(N, 1)
    src = edge_index[0].astype(jnp.int32).reshape(NW, EPT)
    dst = edge_index[1].astype(jnp.int32).reshape(NW, NCHUNK, CH)

    h = _embed(x2, emb)
    for l in range(L - 1):
        agg = _sc_agg(h, src, dst)
        h = _mlp(h, agg[0], agg[1], W1[l], b1[l].reshape(1, H),
                 W2[l], b2[l].reshape(1, H))
    agg = _sc_agg(h, src, dst)
    return _mlp_pool(b2d, h, agg[0], agg[1], W1[L - 1], b1[L - 1].reshape(1, H),
                     W2[L - 1], b2[L - 1].reshape(1, H))

# --- scband reference (transcript-rebuilt; emitter-appended) ---
"""Pipeline reference for scband-encoder-41669772706622 (READ-ONLY COPY).

The authoritative reference and input builder live on the scoring server;
editing this copy changes nothing except your own understanding.
"""

import jax, jax.numpy as jnp
import numpy as np

N = 10000
E = 320000
H = 128
L = 6
NUM_TOKENS = 128  # FIRST_ATOM_ID + MAX_ATOMIC_NUM + 1
NUM_GRAPHS = 64


def setup_inputs(seed: int = 0) -> dict:
    key = jax.random.key(seed)
    ks = jax.random.split(key, 8)
    x = jax.random.randint(ks[0], (N,), 0, NUM_TOKENS)
    edge_index = jax.random.randint(ks[1], (2, E), 0, N)
    batch = jnp.sort(jax.random.randint(ks[2], (N,), 0, NUM_GRAPHS))
    scale = 1.0 / np.sqrt(H)
    emb = jax.random.normal(ks[3], (NUM_TOKENS, H), dtype=jnp.float32) * scale
    W1 = jax.random.normal(ks[4], (L, H, H), dtype=jnp.float32) * scale
    b1 = jnp.zeros((L, H), dtype=jnp.float32)
    W2 = jax.random.normal(ks[5], (L, H, H), dtype=jnp.float32) * scale
    b2 = jnp.zeros((L, H), dtype=jnp.float32)
    return {"x": x, "edge_index": edge_index, "batch": batch,
            "emb": emb, "W1": W1, "b1": b1, "W2": W2, "b2": b2}


def reference(x, edge_index, batch, emb, W1, b1, W2, b2):
    # AtomEncoder: embedding lookup on flattened atom tokens
    h = jnp.take(emb, x, axis=0)  # [N, H]
    src = edge_index[0]
    dst = edge_index[1]
    # GINBackbone: 6 x GINConv (eps=0): h_i' = MLP(h_i + sum_{j->i} h_j), then ReLU (dropout is identity at eval)
    for l in range(L):
        agg = jax.ops.segment_sum(jnp.take(h, src, axis=0), dst, num_segments=N)
        z = h + agg
        z = jnp.maximum(z @ W1[l].T + b1[l], 0.0) @ W2[l].T + b2[l]
        h = jnp.maximum(z, 0.0)
    # global_mean_pool over batch segments
    counts = jax.ops.segment_sum(jnp.ones((N,), dtype=jnp.float32), batch, num_segments=NUM_GRAPHS)
    g = jax.ops.segment_sum(h, batch, num_segments=NUM_GRAPHS) / jnp.maximum(counts, 1.0)[:, None]
    return g

if __name__ == "__main__":
    import jax
    _d = setup_inputs()
    print(jax.jit(kernel)(*tuple(_d.values())))

</pallas_src>

<mosaic_0001>
#map = affine_map<(d0, d1) -> (0, 0)>
#map1 = affine_map<(d0, d1) -> (0, 0, 0)>
module attributes {stable_mosaic.version = 14 : i64} {
  func.func @sc_agg(%arg0: i32, %arg1: i32, %arg2: memref<10000x128xf32, #tpu.memory_space<hbm>>, %arg3: memref<32x10000xi32, #tpu.memory_space<hbm>>, %arg4: memref<32x125x80xi32, #tpu.memory_space<hbm>>, %arg5: memref<2x10000x128xf32, #tpu.memory_space<hbm>>, %arg6: memref<10000xi32, #tpu.memory_space<vmem>>, %arg7: memref<125x80xi32, #tpu.memory_space<vmem>>, %arg8: memref<80x128xf32, #tpu.memory_space<vmem>>, %arg9: memref<80x128xf32, #tpu.memory_space<vmem>>, %arg10: memref<10000x128xf32, #tpu.memory_space<vmem_shared>>, %arg11: memref<!tpu.dma_semaphore, #tpu.memory_space<semaphore_mem>>, %arg12: memref<!tpu.dma_semaphore, #tpu.memory_space<semaphore_mem>>, %arg13: memref<!tpu.dma_semaphore, #tpu.memory_space<semaphore_mem>>, %arg14: memref<!tpu.dma_semaphore, #tpu.memory_space<semaphore_mem>>) attributes {dimension_semantics = [#tpu.dimension_semantics<core_parallel>, #tpu.dimension_semantics<subcore_parallel>], iteration_bounds = array<i64: 2, 16>, scalar_prefetch = 0 : i64, scratch_operands = 9 : i64, tpu.core_type = #tpu.core_type<sc_vector_subcore>, window_params = [{transform_indices = #map}, {transform_indices = #map}, {transform_indices = #map1}, {transform_indices = #map1}]} {
    %mul3A = arith.constant 2 : i32
    %mul3A_0 = arith.muli %arg1, %mul3A : i32
    %add3A = arith.addi %mul3A_0, %arg0 : i32
    %lt3A = arith.constant 15 : i32
    %lt3A_1 = arith.cmpi slt, %arg1, %lt3A : i32
    %convert_element_type3A = arith.extui %lt3A_1 : i1 to i32
    %cond3A = arith.constant 0 : i32
    %cond3A_2 = arith.cmpi ne, %convert_element_type3A, %cond3A : i32
    scf.if %cond3A_2 {
      %mul3A_92 = arith.constant 640 : i32
      %mul3A_93 = arith.muli %arg1, %mul3A_92 : i32
      %mul3A_94 = arith.constant 640 : i32
      %mul3A_95 = arith.muli %arg1, %mul3A_94 : i32
      "tpu.region"() ({
        %run_scoped3A = tpu.sem_alloc : memref<!tpu.dma_semaphore, #tpu.memory_space<semaphore_mem>>
        %dma_start3A_96 = arith.constant 0 : i32
        %dma_start3A_97 = tpu.memref_slice %arg10[%mul3A_95, %dma_start3A_96] : memref<10000x128xf32, #tpu.memory_space<vmem_shared>> -> memref<640x128xf32, #tpu.memory_space<vmem_shared>>
        %dma_start3A_98 = arith.constant 0 : i32
        %dma_start3A_99 = tpu.memref_slice %arg2[%mul3A_93, %dma_start3A_98] : memref<10000x128xf32, #tpu.memory_space<hbm>> -> memref<640x128xf32, #tpu.memory_space<hbm>>
        tpu.enqueue_dma source(%dma_start3A_99 : memref<640x128xf32, #tpu.memory_space<hbm>>) target(%dma_start3A_97 : memref<640x128xf32, #tpu.memory_space<vmem_shared>>) target_semaphore(%run_scoped3A : memref<!tpu.dma_semaphore, #tpu.memory_space<semaphore_mem>>)
        %dma_wait3A_100 = arith.constant 0 : i32
        %dma_wait3A_101 = tpu.memref_slice %arg10[%mul3A_95, %dma_wait3A_100] : memref<10000x128xf32, #tpu.memory_space<vmem_shared>> -> memref<640x128xf32, #tpu.memory_space<vmem_shared>>
        %dma_wait3A_102 = arith.constant 0 : i32
        %dma_wait3A_103 = tpu.memref_slice %arg2[%mul3A_93, %dma_wait3A_102] : memref<10000x128xf32, #tpu.memory_space<hbm>> -> memref<640x128xf32, #tpu.memory_space<hbm>>
        tpu.wait_dma2 semaphore(%run_scoped3A : memref<!tpu.dma_semaphore, #tpu.memory_space<semaphore_mem>>) src(%dma_wait3A_103 : memref<640x128xf32, #tpu.memory_space<hbm>>) dst(%dma_wait3A_101 : memref<640x128xf32, #tpu.memory_space<vmem_shared>>)
        tpu.yield
      }) : () -> ()
    } else {
    }
    %eq3A = arith.constant 15 : i32
    %eq3A_3 = arith.cmpi eq, %arg1, %eq3A : i32
    %convert_element_type3A_4 = arith.extui %eq3A_3 : i1 to i32
    %cond3A_5 = arith.constant 0 : i32
    %cond3A_6 = arith.cmpi ne, %convert_element_type3A_4, %cond3A_5 : i32
    scf.if %cond3A_6 {
      "tpu.region"() ({
        %run_scoped3A = tpu.sem_alloc : memref<!tpu.dma_semaphore, #tpu.memory_space<semaphore_mem>>
        %dma_start3A_92 = arith.constant 9600 : i32
        %dma_start3A_93 = arith.constant 0 : i32
        %dma_start3A_94 = tpu.memref_slice %arg10[%dma_start3A_92, %dma_start3A_93] : memref<10000x128xf32, #tpu.memory_space<vmem_shared>> -> memref<400x128xf32, #tpu.memory_space<vmem_shared>>
        %dma_start3A_95 = arith.constant 9600 : i32
        %dma_start3A_96 = arith.constant 0 : i32
        %dma_start3A_97 = tpu.memref_slice %arg2[%dma_start3A_95, %dma_start3A_96] : memref<10000x128xf32, #tpu.memory_space<hbm>> -> memref<400x128xf32, #tpu.memory_space<hbm>>
        tpu.enqueue_dma source(%dma_start3A_97 : memref<400x128xf32, #tpu.memory_space<hbm>>) target(%dma_start3A_94 : memref<400x128xf32, #tpu.memory_space<vmem_shared>>) target_semaphore(%run_scoped3A : memref<!tpu.dma_semaphore, #tpu.memory_space<semaphore_mem>>)
        %dma_wait3A_98 = arith.constant 9600 : i32
        %dma_wait3A_99 = arith.constant 0 : i32
        %dma_wait3A_100 = tpu.memref_slice %arg10[%dma_wait3A_98, %dma_wait3A_99] : memref<10000x128xf32, #tpu.memory_space<vmem_shared>> -> memref<400x128xf32, #tpu.memory_space<vmem_shared>>
        %dma_wait3A_101 = arith.constant 9600 : i32
        %dma_wait3A_102 = arith.constant 0 : i32
        %dma_wait3A_103 = tpu.memref_slice %arg2[%dma_wait3A_101, %dma_wait3A_102] : memref<10000x128xf32, #tpu.memory_space<hbm>> -> memref<400x128xf32, #tpu.memory_space<hbm>>
        tpu.wait_dma2 semaphore(%run_scoped3A : memref<!tpu.dma_semaphore, #tpu.memory_space<semaphore_mem>>) src(%dma_wait3A_103 : memref<400x128xf32, #tpu.memory_space<hbm>>) dst(%dma_wait3A_100 : memref<400x128xf32, #tpu.memory_space<vmem_shared>>)
        tpu.yield
      }) : () -> ()
    } else {
    }
    "tpu.region"() ({
      %run_scoped3A = tpu.sem_alloc : memref<!tpu.dma_semaphore, #tpu.memory_space<semaphore_mem>>
      %dma_start3A_92 = arith.constant 0 : i32
      %dma_start3A_93 = tpu.memref_slice %arg3[%add3A, %dma_start3A_92] : memref<32x10000xi32, #tpu.memory_space<hbm>> -> memref<1x10000xi32, #tpu.memory_space<hbm>>
      %dma_start3A_94 = tpu.memref_squeeze %dma_start3A_93 : memref<1x10000xi32, #tpu.memory_space<hbm>> -> memref<10000xi32, #tpu.memory_space<hbm>>
      %dma_start3A_95 = arith.constant 0 : i32
      %dma_start3A_96 = tpu.memref_slice %arg3[%add3A, %dma_start3A_95] : memref<32x10000xi32, #tpu.memory_space<hbm>> -> memref<1x10000xi32, #tpu.memory_space<hbm>>
      %dma_start3A_97 = tpu.memref_squeeze %dma_start3A_96 : memref<1x10000xi32, #tpu.memory_space<hbm>> -> memref<10000xi32, #tpu.memory_space<hbm>>
      tpu.enqueue_dma source(%dma_start3A_97 : memref<10000xi32, #tpu.memory_space<hbm>>) target(%arg6 : memref<10000xi32, #tpu.memory_space<vmem>>) target_semaphore(%run_scoped3A : memref<!tpu.dma_semaphore, #tpu.memory_space<semaphore_mem>>)
      %dma_wait3A_98 = arith.constant 0 : i32
      %dma_wait3A_99 = tpu.memref_slice %arg3[%add3A, %dma_wait3A_98] : memref<32x10000xi32, #tpu.memory_space<hbm>> -> memref<1x10000xi32, #tpu.memory_space<hbm>>
      %dma_wait3A_100 = tpu.memref_squeeze %dma_wait3A_99 : memref<1x10000xi32, #tpu.memory_space<hbm>> -> memref<10000xi32, #tpu.memory_space<hbm>>
      %dma_wait3A_101 = arith.constant 0 : i32
      %dma_wait3A_102 = tpu.memref_slice %arg3[%add3A, %dma_wait3A_101] : memref<32x10000xi32, #tpu.memory_space<hbm>> -> memref<1x10000xi32, #tpu.memory_space<hbm>>
      %dma_wait3A_103 = tpu.memref_squeeze %dma_wait3A_102 : memref<1x10000xi32, #tpu.memory_space<hbm>> -> memref<10000xi32, #tpu.memory_space<hbm>>
      tpu.wait_dma2 semaphore(%run_scoped3A : memref<!tpu.dma_semaphore, #tpu.memory_space<semaphore_mem>>) src(%dma_wait3A_103 : memref<10000xi32, #tpu.memory_space<hbm>>) dst(%arg6 : memref<10000xi32, #tpu.memory_space<vmem>>)
      tpu.yield
    }) : () -> ()
    "tpu.region"() ({
      %run_scoped3A = tpu.sem_alloc : memref<!tpu.dma_semaphore, #tpu.memory_space<semaphore_mem>>
      %dma_start3A_92 = arith.constant 0 : i32
      %dma_start3A_93 = arith.constant 0 : i32
      %dma_start3A_94 = tpu.memref_slice %arg4[%add3A, %dma_start3A_92, %dma_start3A_93] : memref<32x125x80xi32, #tpu.memory_space<hbm>> -> memref<1x125x80xi32, #tpu.memory_space<hbm>>
      %dma_start3A_95 = tpu.memref_squeeze %dma_start3A_94 : memref<1x125x80xi32, #tpu.memory_space<hbm>> -> memref<125x80xi32, #tpu.memory_space<hbm>>
      %dma_start3A_96 = arith.constant 0 : i32
      %dma_start3A_97 = arith.constant 0 : i32
      %dma_start3A_98 = tpu.memref_slice %arg4[%add3A, %dma_start3A_96, %dma_start3A_97] : memref<32x125x80xi32, #tpu.memory_space<hbm>> -> memref<1x125x80xi32, #tpu.memory_space<hbm>>
      %dma_start3A_99 = tpu.memref_squeeze %dma_start3A_98 : memref<1x125x80xi32, #tpu.memory_space<hbm>> -> memref<125x80xi32, #tpu.memory_space<hbm>>
      tpu.enqueue_dma source(%dma_start3A_99 : memref<125x80xi32, #tpu.memory_space<hbm>>) target(%arg7 : memref<125x80xi32, #tpu.memory_space<vmem>>) target_semaphore(%run_scoped3A : memref<!tpu.dma_semaphore, #tpu.memory_space<semaphore_mem>>)
      %dma_wait3A_100 = arith.constant 0 : i32
      %dma_wait3A_101 = arith.constant 0 : i32
      %dma_wait3A_102 = tpu.memref_slice %arg4[%add3A, %dma_wait3A_100, %dma_wait3A_101] : memref<32x125x80xi32, #tpu.memory_space<hbm>> -> memref<1x125x80xi32, #tpu.memory_space<hbm>>
      %dma_wait3A_103 = tpu.memref_squeeze %dma_wait3A_102 : memref<1x125x80xi32, #tpu.memory_space<hbm>> -> memref<125x80xi32, #tpu.memory_space<hbm>>
      %dma_wait3A_104 = arith.constant 0 : i32
      %dma_wait3A_105 = arith.constant 0 : i32
      %dma_wait3A_106 = tpu.memref_slice %arg4[%add3A, %dma_wait3A_104, %dma_wait3A_105] : memref<32x125x80xi32, #tpu.memory_space<hbm>> -> memref<1x125x80xi32, #tpu.memory_space<hbm>>
      %dma_wait3A_107 = tpu.memref_squeeze %dma_wait3A_106 : memref<1x125x80xi32, #tpu.memory_space<hbm>> -> memref<125x80xi32, #tpu.memory_space<hbm>>
      tpu.wait_dma2 semaphore(%run_scoped3A : memref<!tpu.dma_semaphore, #tpu.memory_space<semaphore_mem>>) src(%dma_wait3A_107 : memref<125x80xi32, #tpu.memory_space<hbm>>) dst(%arg7 : memref<125x80xi32, #tpu.memory_space<vmem>>)
      tpu.yield
    }) : () -> ()
    %dma_start3A = arith.constant 0 : i32
    %dma_start3A_7 = tpu.memref_slice %arg6[%dma_start3A] : memref<10000xi32, #tpu.memory_space<vmem>> -> memref<80xi32, #tpu.memory_space<vmem>>
    %dma_start3A_8 = arith.constant 0 : i32
    %dma_start3A_9 = arith.constant 0 : i32
    %dma_start3A_10 = tpu.memref_slice %arg2[%dma_start3A_8, %dma_start3A_9] : memref<10000x128xf32, #tpu.memory_space<hbm>> -> memref<10000x128xf32, #tpu.memory_space<hbm>>
    tpu.enqueue_indirect_dma source(%dma_start3A_10 : memref<10000x128xf32, #tpu.memory_space<hbm>>) target(%arg8 : memref<80x128xf32, #tpu.memory_space<vmem>>) offsets(%dma_start3A_7 : memref<80xi32, #tpu.memory_space<vmem>>) semaphore(%arg11 : memref<!tpu.dma_semaphore, #tpu.memory_space<semaphore_mem>>)
    %dma_start3A_11 = arith.constant 80 : i32
    %dma_start3A_12 = tpu.memref_slice %arg6[%dma_start3A_11] : memref<10000xi32, #tpu.memory_space<vmem>> -> memref<80xi32, #tpu.memory_space<vmem>>
    %dma_start3A_13 = arith.constant 0 : i32
    %dma_start3A_14 = arith.constant 0 : i32
    %dma_start3A_15 = tpu.memref_slice %arg2[%dma_start3A_13, %dma_start3A_14] : memref<10000x128xf32, #tpu.memory_space<hbm>> -> memref<10000x128xf32, #tpu.memory_space<hbm>>
    tpu.enqueue_indirect_dma source(%dma_start3A_15 : memref<10000x128xf32, #tpu.memory_space<hbm>>) target(%arg9 : memref<80x128xf32, #tpu.memory_space<vmem>>) offsets(%dma_start3A_12 : memref<80xi32, #tpu.memory_space<vmem>>) semaphore(%arg12 : memref<!tpu.dma_semaphore, #tpu.memory_space<semaphore_mem>>)
    %barrier3A = arith.constant 0 : index
    tpu.barrier barrier_id(%barrier3A)
    %dma_wait3A = arith.constant 0 : i32
    %dma_wait3A_16 = tpu.memref_slice %arg6[%dma_wait3A] : memref<10000xi32, #tpu.memory_space<vmem>> -> memref<80xi32, #tpu.memory_space<vmem>>
    %dma_wait3A_17 = arith.constant 0 : i32
    %dma_wait3A_18 = arith.constant 0 : i32
    %dma_wait3A_19 = tpu.memref_slice %arg2[%dma_wait3A_17, %dma_wait3A_18] : memref<10000x128xf32, #tpu.memory_space<hbm>> -> memref<10000x128xf32, #tpu.memory_space<hbm>>
    tpu.wait_indirect_dma semaphore(%arg11 : memref<!tpu.dma_semaphore, #tpu.memory_space<semaphore_mem>>) src(%dma_wait3A_19 : memref<10000x128xf32, #tpu.memory_space<hbm>>) dst(%arg8 : memref<80x128xf32, #tpu.memory_space<vmem>>)
    %dma_start3A_20 = arith.constant 0 : i32
    %dma_start3A_21 = arith.constant 0 : i32
    %dma_start3A_22 = tpu.memref_slice %arg7[%dma_start3A_20, %dma_start3A_21] : memref<125x80xi32, #tpu.memory_space<vmem>> -> memref<1x80xi32, #tpu.memory_space<vmem>>
    %dma_start3A_23 = tpu.memref_squeeze %dma_start3A_22 : memref<1x80xi32, #tpu.memory_space<vmem>> -> memref<80xi32, #tpu.memory_space<vmem>>
    %dma_start3A_24 = arith.constant 0 : i32
    %dma_start3A_25 = arith.constant 0 : i32
    %dma_start3A_26 = tpu.memref_slice %arg10[%dma_start3A_24, %dma_start3A_25] : memref<10000x128xf32, #tpu.memory_space<vmem_shared>> -> memref<10000x128xf32, #tpu.memory_space<vmem_shared>>
    tpu.enqueue_indirect_dma source(%arg8 : memref<80x128xf32, #tpu.memory_space<vmem>>) target(%dma_start3A_26 : memref<10000x128xf32, #tpu.memory_space<vmem_shared>>) offsets(%dma_start3A_23 : memref<80xi32, #tpu.memory_space<vmem>>) semaphore(%arg13 : memref<!tpu.dma_semaphore, #tpu.memory_space<semaphore_mem>>) {add = true}
    %scan3A = arith.constant 0 : i32
    %scan3A_27 = arith.constant 61 : i32
    %scan3A_28 = arith.addi %scan3A, %scan3A_27 : i32
    %scan3A_29 = arith.constant 1 : i32
    scf.for %scan3A_92 = %scan3A to %scan3A_28 step %scan3A_29  : i32 {
      %mul3A_93 = arith.constant 2 : i32
      %mul3A_94 = arith.muli %scan3A_92, %mul3A_93 : i32
      %add3A_95 = arith.constant 1 : i32
      %add3A_96 = arith.addi %add3A_95, %mul3A_94 : i32
      %add3A_97 = arith.constant 0 : i32
      %add3A_98 = arith.addi %add3A_96, %add3A_97 : i32
      %mul3A_99 = arith.constant 80 : i32
      %mul3A_100 = arith.muli %add3A_98, %mul3A_99 : i32
      %dma_wait3A_101 = tpu.memref_slice %arg6[%mul3A_100] : memref<10000xi32, #tpu.memory_space<vmem>> -> memref<80xi32, #tpu.memory_space<vmem>>
      %dma_wait3A_102 = arith.constant 0 : i32
      %dma_wait3A_103 = arith.constant 0 : i32
      %dma_wait3A_104 = tpu.memref_slice %arg2[%dma_wait3A_102, %dma_wait3A_103] : memref<10000x128xf32, #tpu.memory_space<hbm>> -> memref<10000x128xf32, #tpu.memory_space<hbm>>
      tpu.wait_indirect_dma semaphore(%arg12 : memref<!tpu.dma_semaphore, #tpu.memory_space<semaphore_mem>>) src(%dma_wait3A_104 : memref<10000x128xf32, #tpu.memory_space<hbm>>) dst(%arg9 : memref<80x128xf32, #tpu.memory_space<vmem>>)
      %dma_start3A_105 = arith.constant 0 : i32
      %dma_start3A_106 = tpu.memref_slice %arg7[%add3A_98, %dma_start3A_105] : memref<125x80xi32, #tpu.memory_space<vmem>> -> memref<1x80xi32, #tpu.memory_space<vmem>>
      %dma_start3A_107 = tpu.memref_squeeze %dma_start3A_106 : memref<1x80xi32, #tpu.memory_space<vmem>> -> memref<80xi32, #tpu.memory_space<vmem>>
      %dma_start3A_108 = arith.constant 0 : i32
      %dma_start3A_109 = arith.constant 0 : i32
      %dma_start3A_110 = tpu.memref_slice %arg10[%dma_start3A_108, %dma_start3A_109] : memref<10000x128xf32, #tpu.memory_space<vmem_shared>> -> memref<10000x128xf32, #tpu.memory_space<vmem_shared>>
      tpu.enqueue_indirect_dma source(%arg9 : memref<80x128xf32, #tpu.memory_space<vmem>>) target(%dma_start3A_110 : memref<10000x128xf32, #tpu.memory_space<vmem_shared>>) offsets(%dma_start3A_107 : memref<80xi32, #tpu.memory_space<vmem>>) semaphore(%arg14 : memref<!tpu.dma_semaphore, #tpu.memory_space<semaphore_mem>>) {add = true}
      %sub3A = arith.constant 1 : i32
      %sub3A_111 = arith.subi %add3A_98, %sub3A : i32
      %dma_wait3A_112 = arith.constant 0 : i32
      %dma_wait3A_113 = tpu.memref_slice %arg7[%sub3A_111, %dma_wait3A_112] : memref<125x80xi32, #tpu.memory_space<vmem>> -> memref<1x80xi32, #tpu.memory_space<vmem>>
      %dma_wait3A_114 = tpu.memref_squeeze %dma_wait3A_113 : memref<1x80xi32, #tpu.memory_space<vmem>> -> memref<80xi32, #tpu.memory_space<vmem>>
      %dma_wait3A_115 = arith.constant 0 : i32
      %dma_wait3A_116 = arith.constant 0 : i32
      %dma_wait3A_117 = tpu.memref_slice %arg10[%dma_wait3A_115, %dma_wait3A_116] : memref<10000x128xf32, #tpu.memory_space<vmem_shared>> -> memref<10000x128xf32, #tpu.memory_space<vmem_shared>>
      tpu.wait_indirect_dma semaphore(%arg13 : memref<!tpu.dma_semaphore, #tpu.memory_space<semaphore_mem>>) src(%arg8 : memref<80x128xf32, #tpu.memory_space<vmem>>) dst(%dma_wait3A_117 : memref<10000x128xf32, #tpu.memory_space<vmem_shared>>)
      %add3A_118 = arith.constant 1 : i32
      %add3A_119 = arith.addi %add3A_98, %add3A_118 : i32
      %mul3A_120 = arith.constant 80 : i32
      %mul3A_121 = arith.muli %add3A_119, %mul3A_120 : i32
      %dma_start3A_122 = tpu.memref_slice %arg6[%mul3A_121] : memref<10000xi32, #tpu.memory_space<vmem>> -> memref<80xi32, #tpu.memory_space<vmem>>
      %dma_start3A_123 = arith.constant 0 : i32
      %dma_start3A_124 = arith.constant 0 : i32
      %dma_start3A_125 = tpu.memref_slice %arg2[%dma_start3A_123, %dma_start3A_124] : memref<10000x128xf32, #tpu.memory_space<hbm>> -> memref<10000x128xf32, #tpu.memory_space<hbm>>
      tpu.enqueue_indirect_dma source(%dma_start3A_125 : memref<10000x128xf32, #tpu.memory_space<hbm>>) target(%arg8 : memref<80x128xf32, #tpu.memory_space<vmem>>) offsets(%dma_start3A_122 : memref<80xi32, #tpu.memory_space<vmem>>) semaphore(%arg11 : memref<!tpu.dma_semaphore, #tpu.memory_space<semaphore_mem>>)
      %add3A_126 = arith.constant 1 : i32
      %add3A_127 = arith.addi %add3A_96, %add3A_126 : i32
      %mul3A_128 = arith.constant 80 : i32
      %mul3A_129 = arith.muli %add3A_127, %mul3A_128 : i32
      %dma_wait3A_130 = tpu.memref_slice %arg6[%mul3A_129] : memref<10000xi32, #tpu.memory_space<vmem>> -> memref<80xi32, #tpu.memory_space<vmem>>
      %dma_wait3A_131 = arith.constant 0 : i32
      %dma_wait3A_132 = arith.constant 0 : i32
      %dma_wait3A_133 = tpu.memref_slice %arg2[%dma_wait3A_131, %dma_wait3A_132] : memref<10000x128xf32, #tpu.memory_space<hbm>> -> memref<10000x128xf32, #tpu.memory_space<hbm>>
      tpu.wait_indirect_dma semaphore(%arg11 : memref<!tpu.dma_semaphore, #tpu.memory_space<semaphore_mem>>) src(%dma_wait3A_133 : memref<10000x128xf32, #tpu.memory_space<hbm>>) dst(%arg8 : memref<80x128xf32, #tpu.memory_space<vmem>>)
      %dma_start3A_134 = arith.constant 0 : i32
      %dma_start3A_135 = tpu.memref_slice %arg7[%add3A_127, %dma_start3A_134] : memref<125x80xi32, #tpu.memory_space<vmem>> -> memref<1x80xi32, #tpu.memory_space<vmem>>
      %dma_start3A_136 = tpu.memref_squeeze %dma_start3A_135 : memref<1x80xi32, #tpu.memory_space<vmem>> -> memref<80xi32, #tpu.memory_space<vmem>>
      %dma_start3A_137 = arith.constant 0 : i32
      %dma_start3A_138 = arith.constant 0 : i32
      %dma_start3A_139 = tpu.memref_slice %arg10[%dma_start3A_137, %dma_start3A_138] : memref<10000x128xf32, #tpu.memory_space<vmem_shared>> -> memref<10000x128xf32, #tpu.memory_space<vmem_shared>>
      tpu.enqueue_indirect_dma source(%arg8 : memref<80x128xf32, #tpu.memory_space<vmem>>) target(%dma_start3A_139 : memref<10000x128xf32, #tpu.memory_space<vmem_shared>>) offsets(%dma_start3A_136 : memref<80xi32, #tpu.memory_space<vmem>>) semaphore(%arg13 : memref<!tpu.dma_semaphore, #tpu.memory_space<semaphore_mem>>) {add = true}
      %sub3A_140 = arith.constant 1 : i32
      %sub3A_141 = arith.subi %add3A_127, %sub3A_140 : i32
      %dma_wait3A_142 = arith.constant 0 : i32
      %dma_wait3A_143 = tpu.memref_slice %arg7[%sub3A_141, %dma_wait3A_142] : memref<125x80xi32, #tpu.memory_space<vmem>> -> memref<1x80xi32, #tpu.memory_space<vmem>>
      %dma_wait3A_144 = tpu.memref_squeeze %dma_wait3A_143 : memref<1x80xi32, #tpu.memory_space<vmem>> -> memref<80xi32, #tpu.memory_space<vmem>>
      %dma_wait3A_145 = arith.constant 0 : i32
      %dma_wait3A_146 = arith.constant 0 : i32
      %dma_wait3A_147 = tpu.memref_slice %arg10[%dma_wait3A_145, %dma_wait3A_146] : memref<10000x128xf32, #tpu.memory_space<vmem_shared>> -> memref<10000x128xf32, #tpu.memory_space<vmem_shared>>
      tpu.wait_indirect_dma semaphore(%arg14 : memref<!tpu.dma_semaphore, #tpu.memory_space<semaphore_mem>>) src(%arg9 : memref<80x128xf32, #tpu.memory_space<vmem>>) dst(%dma_wait3A_147 : memref<10000x128xf32, #tpu.memory_space<vmem_shared>>)
      %add3A_148 = arith.constant 1 : i32
      %add3A_149 = arith.addi %add3A_127, %add3A_148 : i32
      %mul3A_150 = arith.constant 80 : i32
      %mul3A_151 = arith.muli %add3A_149, %mul3A_150 : i32
      %dma_start3A_152 = tpu.memref_slice %arg6[%mul3A_151] : memref<10000xi32, #tpu.memory_space<vmem>> -> memref<80xi32, #tpu.memory_space<vmem>>
      %dma_start3A_153 = arith.constant 0 : i32
      %dma_start3A_154 = arith.constant 0 : i32
      %dma_start3A_155 = tpu.memref_slice %arg2[%dma_start3A_153, %dma_start3A_154] : memref<10000x128xf32, #tpu.memory_space<hbm>> -> memref<10000x128xf32, #tpu.memory_space<hbm>>
      tpu.enqueue_indirect_dma source(%dma_start3A_155 : memref<10000x128xf32, #tpu.memory_space<hbm>>) target(%arg9 : memref<80x128xf32, #tpu.memory_space<vmem>>) offsets(%dma_start3A_152 : memref<80xi32, #tpu.memory_space<vmem>>) semaphore(%arg12 : memref<!tpu.dma_semaphore, #tpu.memory_space<semaphore_mem>>)
    }
    %scan3A_30 = arith.constant 61 : i32
    %dma_wait3A_31 = arith.constant 9840 : i32
    %dma_wait3A_32 = tpu.memref_slice %arg6[%dma_wait3A_31] : memref<10000xi32, #tpu.memory_space<vmem>> -> memref<80xi32, #tpu.memory_space<vmem>>
    %dma_wait3A_33 = arith.constant 0 : i32
    %dma_wait3A_34 = arith.constant 0 : i32
    %dma_wait3A_35 = tpu.memref_slice %arg2[%dma_wait3A_33, %dma_wait3A_34] : memref<10000x128xf32, #tpu.memory_space<hbm>> -> memref<10000x128xf32, #tpu.memory_space<hbm>>
    tpu.wait_indirect_dma semaphore(%arg12 : memref<!tpu.dma_semaphore, #tpu.memory_space<semaphore_mem>>) src(%dma_wait3A_35 : memref<10000x128xf32, #tpu.memory_space<hbm>>) dst(%arg9 : memref<80x128xf32, #tpu.memory_space<vmem>>)
    %dma_start3A_36 = arith.constant 123 : i32
    %dma_start3A_37 = arith.constant 0 : i32
    %dma_start3A_38 = tpu.memref_slice %arg7[%dma_start3A_36, %dma_start3A_37] : memref<125x80xi32, #tpu.memory_space<vmem>> -> memref<1x80xi32, #tpu.memory_space<vmem>>
    %dma_start3A_39 = tpu.memref_squeeze %dma_start3A_38 : memref<1x80xi32, #tpu.memory_space<vmem>> -> memref<80xi32, #tpu.memory_space<vmem>>
    %dma_start3A_40 = arith.constant 0 : i32
    %dma_start3A_41 = arith.constant 0 : i32
    %dma_start3A_42 = tpu.memref_slice %arg10[%dma_start3A_40, %dma_start3A_41] : memref<10000x128xf32, #tpu.memory_space<vmem_shared>> -> memref<10000x128xf32, #tpu.memory_space<vmem_shared>>
    tpu.enqueue_indirect_dma source(%arg9 : memref<80x128xf32, #tpu.memory_space<vmem>>) target(%dma_start3A_42 : memref<10000x128xf32, #tpu.memory_space<vmem_shared>>) offsets(%dma_start3A_39 : memref<80xi32, #tpu.memory_space<vmem>>) semaphore(%arg14 : memref<!tpu.dma_semaphore, #tpu.memory_space<semaphore_mem>>) {add = true}
    %dma_wait3A_43 = arith.constant 122 : i32
    %dma_wait3A_44 = arith.constant 0 : i32
    %dma_wait3A_45 = tpu.memref_slice %arg7[%dma_wait3A_43, %dma_wait3A_44] : memref<125x80xi32, #tpu.memory_space<vmem>> -> memref<1x80xi32, #tpu.memory_space<vmem>>
    %dma_wait3A_46 = tpu.memref_squeeze %dma_wait3A_45 : memref<1x80xi32, #tpu.memory_space<vmem>> -> memref<80xi32, #tpu.memory_space<vmem>>
    %dma_wait3A_47 = arith.constant 0 : i32
    %dma_wait3A_48 = arith.constant 0 : i32
    %dma_wait3A_49 = tpu.memref_slice %arg10[%dma_wait3A_47, %dma_wait3A_48] : memref<10000x128xf32, #tpu.memory_space<vmem_shared>> -> memref<10000x128xf32, #tpu.memory_space<vmem_shared>>
    tpu.wait_indirect_dma semaphore(%arg13 : memref<!tpu.dma_semaphore, #tpu.memory_space<semaphore_mem>>) src(%arg8 : memref<80x128xf32, #tpu.memory_space<vmem>>) dst(%dma_wait3A_49 : memref<10000x128xf32, #tpu.memory_space<vmem_shared>>)
    %dma_start3A_50 = arith.constant 9920 : i32
    %dma_start3A_51 = tpu.memref_slice %arg6[%dma_start3A_50] : memref<10000xi32, #tpu.memory_space<vmem>> -> memref<80xi32, #tpu.memory_space<vmem>>
    %dma_start3A_52 = arith.constant 0 : i32
    %dma_start3A_53 = arith.constant 0 : i32
    %dma_start3A_54 = tpu.memref_slice %arg2[%dma_start3A_52, %dma_start3A_53] : memref<10000x128xf32, #tpu.memory_space<hbm>> -> memref<10000x128xf32, #tpu.memory_space<hbm>>
    tpu.enqueue_indirect_dma source(%dma_start3A_54 : memref<10000x128xf32, #tpu.memory_space<hbm>>) target(%arg8 : memref<80x128xf32, #tpu.memory_space<vmem>>) offsets(%dma_start3A_51 : memref<80xi32, #tpu.memory_space<vmem>>) semaphore(%arg11 : memref<!tpu.dma_semaphore, #tpu.memory_space<semaphore_mem>>)
    %dma_wait3A_55 = arith.constant 9920 : i32
    %dma_wait3A_56 = tpu.memref_slice %arg6[%dma_wait3A_55] : memref<10000xi32, #tpu.memory_space<vmem>> -> memref<80xi32, #tpu.memory_space<vmem>>
    %dma_wait3A_57 = arith.constant 0 : i32
    %dma_wait3A_58 = arith.constant 0 : i32
    %dma_wait3A_59 = tpu.memref_slice %arg2[%dma_wait3A_57, %dma_wait3A_58] : memref<10000x128xf32, #tpu.memory_space<hbm>> -> memref<10000x128xf32, #tpu.memory_space<hbm>>
    tpu.wait_indirect_dma semaphore(%arg11 : memref<!tpu.dma_semaphore, #tpu.memory_space<semaphore_mem>>) src(%dma_wait3A_59 : memref<10000x128xf32, #tpu.memory_space<hbm>>) dst(%arg8 : memref<80x128xf32, #tpu.memory_space<vmem>>)
    %dma_start3A_60 = arith.constant 124 : i32
    %dma_start3A_61 = arith.constant 0 : i32
    %dma_start3A_62 = tpu.memref_slice %arg7[%dma_start3A_60, %dma_start3A_61] : memref<125x80xi32, #tpu.memory_space<vmem>> -> memref<1x80xi32, #tpu.memory_space<vmem>>
    %dma_start3A_63 = tpu.memref_squeeze %dma_start3A_62 : memref<1x80xi32, #tpu.memory_space<vmem>> -> memref<80xi32, #tpu.memory_space<vmem>>
    %dma_start3A_64 = arith.constant 0 : i32
    %dma_start3A_65 = arith.constant 0 : i32
    %dma_start3A_66 = tpu.memref_slice %arg10[%dma_start3A_64, %dma_start3A_65] : memref<10000x128xf32, #tpu.memory_space<vmem_shared>> -> memref<10000x128xf32, #tpu.memory_space<vmem_shared>>
    tpu.enqueue_indirect_dma source(%arg8 : memref<80x128xf32, #tpu.memory_space<vmem>>) target(%dma_start3A_66 : memref<10000x128xf32, #tpu.memory_space<vmem_shared>>) offsets(%dma_start3A_63 : memref<80xi32, #tpu.memory_space<vmem>>) semaphore(%arg13 : memref<!tpu.dma_semaphore, #tpu.memory_space<semaphore_mem>>) {add = true}
    %dma_wait3A_67 = arith.constant 123 : i32
    %dma_wait3A_68 = arith.constant 0 : i32
    %dma_wait3A_69 = tpu.memref_slice %arg7[%dma_wait3A_67, %dma_wait3A_68] : memref<125x80xi32, #tpu.memory_space<vmem>> -> memref<1x80xi32, #tpu.memory_space<vmem>>
    %dma_wait3A_70 = tpu.memref_squeeze %dma_wait3A_69 : memref<1x80xi32, #tpu.memory_space<vmem>> -> memref<80xi32, #tpu.memory_space<vmem>>
    %dma_wait3A_71 = arith.constant 0 : i32
    %dma_wait3A_72 = arith.constant 0 : i32
    %dma_wait3A_73 = tpu.memref_slice %arg10[%dma_wait3A_71, %dma_wait3A_72] : memref<10000x128xf32, #tpu.memory_space<vmem_shared>> -> memref<10000x128xf32, #tpu.memory_space<vmem_shared>>
    tpu.wait_indirect_dma semaphore(%arg14 : memref<!tpu.dma_semaphore, #tpu.memory_space<semaphore_mem>>) src(%arg9 : memref<80x128xf32, #tpu.memory_space<vmem>>) dst(%dma_wait3A_73 : memref<10000x128xf32, #tpu.memory_space<vmem_shared>>)
    %dma_wait3A_74 = arith.constant 124 : i32
    %dma_wait3A_75 = arith.constant 0 : i32
    %dma_wait3A_76 = tpu.memref_slice %arg7[%dma_wait3A_74, %dma_wait3A_75] : memref<125x80xi32, #tpu.memory_space<vmem>> -> memref<1x80xi32, #tpu.memory_space<vmem>>
    %dma_wait3A_77 = tpu.memref_squeeze %dma_wait3A_76 : memref<1x80xi32, #tpu.memory_space<vmem>> -> memref<80xi32, #tpu.memory_space<vmem>>
    %dma_wait3A_78 = arith.constant 0 : i32
    %dma_wait3A_79 = arith.constant 0 : i32
    %dma_wait3A_80 = tpu.memref_slice %arg10[%dma_wait3A_78, %dma_wait3A_79] : memref<10000x128xf32, #tpu.memory_space<vmem_shared>> -> memref<10000x128xf32, #tpu.memory_space<vmem_shared>>
    tpu.wait_indirect_dma semaphore(%arg13 : memref<!tpu.dma_semaphore, #tpu.memory_space<semaphore_mem>>) src(%arg8 : memref<80x128xf32, #tpu.memory_space<vmem>>) dst(%dma_wait3A_80 : memref<10000x128xf32, #tpu.memory_space<vmem_shared>>)
    %barrier3A_81 = arith.constant 0 : index
    tpu.barrier barrier_id(%barrier3A_81)
    %lt3A_82 = arith.constant 15 : i32
    %lt3A_83 = arith.cmpi slt, %arg1, %lt3A_82 : i32
    %convert_element_type3A_84 = arith.extui %lt3A_83 : i1 to i32
    %cond3A_85 = arith.constant 0 : i32
    %cond3A_86 = arith.cmpi ne, %convert_element_type3A_84, %cond3A_85 : i32
    scf.if %cond3A_86 {
      %mul3A_92 = arith.constant 640 : i32
      %mul3A_93 = arith.muli %arg1, %mul3A_92 : i32
      %mul3A_94 = arith.constant 640 : i32
      %mul3A_95 = arith.muli %arg1, %mul3A_94 : i32
      "tpu.region"() ({
        %run_scoped3A = tpu.sem_alloc : memref<!tpu.dma_semaphore, #tpu.memory_space<semaphore_mem>>
        %dma_start3A_96 = arith.constant 0 : i32
        %dma_start3A_97 = arith.constant 0 : i32
        %dma_start3A_98 = tpu.memref_slice %arg5[%arg0, %dma_start3A_96, %dma_start3A_97] : memref<2x10000x128xf32, #tpu.memory_space<hbm>> -> memref<1x10000x128xf32, #tpu.memory_space<hbm>>
        %dma_start3A_99 = tpu.memref_squeeze %dma_start3A_98 : memref<1x10000x128xf32, #tpu.memory_space<hbm>> -> memref<10000x128xf32, #tpu.memory_space<hbm>>
        %dma_start3A_100 = arith.constant 0 : i32
        %dma_start3A_101 = tpu.memref_slice %dma_start3A_99[%mul3A_95, %dma_start3A_100] : memref<10000x128xf32, #tpu.memory_space<hbm>> -> memref<640x128xf32, #tpu.memory_space<hbm>>
        %dma_start3A_102 = arith.constant 0 : i32
        %dma_start3A_103 = tpu.memref_slice %arg10[%mul3A_93, %dma_start3A_102] : memref<10000x128xf32, #tpu.memory_space<vmem_shared>> -> memref<640x128xf32, #tpu.memory_space<vmem_shared>>
        tpu.enqueue_dma source(%dma_start3A_103 : memref<640x128xf32, #tpu.memory_space<vmem_shared>>) target(%dma_start3A_101 : memref<640x128xf32, #tpu.memory_space<hbm>>) target_semaphore(%run_scoped3A : memref<!tpu.dma_semaphore, #tpu.memory_space<semaphore_mem>>)
        %dma_wait3A_104 = arith.constant 0 : i32
        %dma_wait3A_105 = arith.constant 0 : i32
        %dma_wait3A_106 = tpu.memref_slice %arg5[%arg0, %dma_wait3A_104, %dma_wait3A_105] : memref<2x10000x128xf32, #tpu.memory_space<hbm>> -> memref<1x10000x128xf32, #tpu.memory_space<hbm>>
        %dma_wait3A_107 = tpu.memref_squeeze %dma_wait3A_106 : memref<1x10000x128xf32, #tpu.memory_space<hbm>> -> memref<10000x128xf32, #tpu.memory_space<hbm>>
        %dma_wait3A_108 = arith.constant 0 : i32
        %dma_wait3A_109 = tpu.memref_slice %dma_wait3A_107[%mul3A_95, %dma_wait3A_108] : memref<10000x128xf32, #tpu.memory_space<hbm>> -> memref<640x128xf32, #tpu.memory_space<hbm>>
        %dma_wait3A_110 = arith.constant 0 : i32
        %dma_wait3A_111 = tpu.memref_slice %arg10[%mul3A_93, %dma_wait3A_110] : memref<10000x128xf32, #tpu.memory_space<vmem_shared>> -> memref<640x128xf32, #tpu.memory_space<vmem_shared>>
        tpu.wait_dma2 semaphore(%run_scoped3A : memref<!tpu.dma_semaphore, #tpu.memory_space<semaphore_mem>>) src(%dma_wait3A_111 : memref<640x128xf32, #tpu.memory_space<vmem_shared>>) dst(%dma_wait3A_109 : memref<640x128xf32, #tpu.memory_space<hbm>>)
        tpu.yield
      }) : () -> ()
    } else {
    }
    %eq3A_87 = arith.constant 15 : i32
    %eq3A_88 = arith.cmpi eq, %arg1, %eq3A_87 : i32
    %convert_element_type3A_89 = arith.extui %eq3A_88 : i1 to i32
    %cond3A_90 = arith.constant 0 : i32
    %cond3A_91 = arith.cmpi ne, %convert_element_type3A_89, %cond3A_90 : i32
    scf.if %cond3A_91 {
      "tpu.region"() ({
        %run_scoped3A = tpu.sem_alloc : memref<!tpu.dma_semaphore, #tpu.memory_space<semaphore_mem>>
        %dma_start3A_92 = arith.constant 0 : i32
        %dma_start3A_93 = arith.constant 0 : i32
        %dma_start3A_94 = tpu.memref_slice %arg5[%arg0, %dma_start3A_92, %dma_start3A_93] : memref<2x10000x128xf32, #tpu.memory_space<hbm>> -> memref<1x10000x128xf32, #tpu.memory_space<hbm>>
        %dma_start3A_95 = tpu.memref_squeeze %dma_start3A_94 : memref<1x10000x128xf32, #tpu.memory_space<hbm>> -> memref<10000x128xf32, #tpu.memory_space<hbm>>
        %dma_start3A_96 = arith.constant 9600 : i32
        %dma_start3A_97 = arith.constant 0 : i32
        %dma_start3A_98 = tpu.memref_slice %dma_start3A_95[%dma_start3A_96, %dma_start3A_97] : memref<10000x128xf32, #tpu.memory_space<hbm>> -> memref<400x128xf32, #tpu.memory_space<hbm>>
        %dma_start3A_99 = arith.constant 9600 : i32
        %dma_start3A_100 = arith.constant 0 : i32
        %dma_start3A_101 = tpu.memref_slice %arg10[%dma_start3A_99, %dma_start3A_100] : memref<10000x128xf32, #tpu.memory_space<vmem_shared>> -> memref<400x128xf32, #tpu.memory_space<vmem_shared>>
        tpu.enqueue_dma source(%dma_start3A_101 : memref<400x128xf32, #tpu.memory_space<vmem_shared>>) target(%dma_start3A_98 : memref<400x128xf32, #tpu.memory_space<hbm>>) target_semaphore(%run_scoped3A : memref<!tpu.dma_semaphore, #tpu.memory_space<semaphore_mem>>)
        %dma_wait3A_102 = arith.constant 0 : i32
        %dma_wait3A_103 = arith.constant 0 : i32
        %dma_wait3A_104 = tpu.memref_slice %arg5[%arg0, %dma_wait3A_102, %dma_wait3A_103] : memref<2x10000x128xf32, #tpu.memory_space<hbm>> -> memref<1x10000x128xf32, #tpu.memory_space<hbm>>
        %dma_wait3A_105 = tpu.memref_squeeze %dma_wait3A_104 : memref<1x10000x128xf32, #tpu.memory_space<hbm>> -> memref<10000x128xf32, #tpu.memory_space<hbm>>
        %dma_wait3A_106 = arith.constant 9600 : i32
        %dma_wait3A_107 = arith.constant 0 : i32
        %dma_wait3A_108 = tpu.memref_slice %dma_wait3A_105[%dma_wait3A_106, %dma_wait3A_107] : memref<10000x128xf32, #tpu.memory_space<hbm>> -> memref<400x128xf32, #tpu.memory_space<hbm>>
        %dma_wait3A_109 = arith.constant 9600 : i32
        %dma_wait3A_110 = arith.constant 0 : i32
        %dma_wait3A_111 = tpu.memref_slice %arg10[%dma_wait3A_109, %dma_wait3A_110] : memref<10000x128xf32, #tpu.memory_space<vmem_shared>> -> memref<400x128xf32, #tpu.memory_space<vmem_shared>>
        tpu.wait_dma2 semaphore(%run_scoped3A : memref<!tpu.dma_semaphore, #tpu.memory_space<semaphore_mem>>) src(%dma_wait3A_111 : memref<400x128xf32, #tpu.memory_space<vmem_shared>>) dst(%dma_wait3A_108 : memref<400x128xf32, #tpu.memory_space<hbm>>)
        tpu.yield
      }) : () -> ()
    } else {
    }
    return
  }
}

#map = affine_map<(d0, d1) -> (0, 0)>
#map1 = affine_map<(d0, d1) -> (0, 0, 0)>
module attributes {stable_mosaic.version = 14 : i64} {
  func.func @sc_agg(%arg0: i32, %arg1: i32, %arg2: memref<10000x128xf32, #tpu.memory_space<hbm>>, %arg3: memref<32x10000xi32, #tpu.memory_space<hbm>>, %arg4: memref<32x125x80xi32, #tpu.memory_space<hbm>>, %arg5: memref<2x10000x128xf32, #tpu.memory_space<hbm>>, %arg6: memref<10000xi32, #tpu.memory_space<vmem>>, %arg7: memref<125x80xi32, #tpu.memory_space<vmem>>, %arg8: memref<80x128xf32, #tpu.memory_space<vmem>>, %arg9: memref<80x128xf32, #tpu.memory_space<vmem>>, %arg10: memref<10000x128xf32, #tpu.memory_space<vmem_shared>>, %arg11: memref<!tpu.dma_semaphore, #tpu.memory_space<semaphore_mem>>, %arg12: memref<!tpu.dma_semaphore, #tpu.memory_space<semaphore_mem>>, %arg13: memref<!tpu.dma_semaphore, #tpu.memory_space<semaphore_mem>>, %arg14: memref<!tpu.dma_semaphore, #tpu.memory_space<semaphore_mem>>) attributes {dimension_semantics = [#tpu.dimension_semantics<core_parallel>, #tpu.dimension_semantics<subcore_parallel>], iteration_bounds = array<i64: 2, 16>, scalar_prefetch = 0 : i64, scratch_operands = 9 : i64, tpu.core_type = #tpu.core_type<sc_vector_subcore>, window_params = [{transform_indices = #map}, {transform_indices = #map}, {transform_indices = #map1}, {transform_indices = #map1}]} {
    %mul3A = arith.constant 2 : i32
    %mul3A_0 = arith.muli %arg1, %mul3A : i32
    %add3A = arith.addi %mul3A_0, %arg0 : i32
    %lt3A = arith.constant 15 : i32
    %lt3A_1 = arith.cmpi slt, %arg1, %lt3A : i32
    %convert_element_type3A = arith.extui %lt3A_1 : i1 to i32
    %cond3A = arith.constant 0 : i32
    %cond3A_2 = arith.cmpi ne, %convert_element_type3A, %cond3A : i32
    scf.if %cond3A_2 {
      %mul3A_92 = arith.constant 640 : i32
      %mul3A_93 = arith.muli %arg1, %mul3A_92 : i32
      %mul3A_94 = arith.constant 640 : i32
      %mul3A_95 = arith.muli %arg1, %mul3A_94 : i32
      "tpu.region"() ({
        %run_scoped3A = tpu.sem_alloc : memref<!tpu.dma_semaphore, #tpu.memory_space<semaphore_mem>>
        %dma_start3A_96 = arith.constant 0 : i32
        %dma_start3A_97 = tpu.memref_slice %arg10[%mul3A_95, %dma_start3A_96] : memref<10000x128xf32, #tpu.memory_space<vmem_shared>> -> memref<640x128xf32, #tpu.memory_space<vmem_shared>>
        %dma_start3A_98 = arith.constant 0 : i32
        %dma_start3A_99 = tpu.memref_slice %arg2[%mul3A_93, %dma_start3A_98] : memref<10000x128xf32, #tpu.memory_space<hbm>> -> memref<640x128xf32, #tpu.memory_space<hbm>>
        tpu.enqueue_dma source(%dma_start3A_99 : memref<640x128xf32, #tpu.memory_space<hbm>>) target(%dma_start3A_97 : memref<640x128xf32, #tpu.memory_space<vmem_shared>>) target_semaphore(%run_scoped3A : memref<!tpu.dma_semaphore, #tpu.memory_space<semaphore_mem>>)
        %dma_wait3A_100 = arith.constant 0 : i32
        %dma_wait3A_101 = tpu.memref_slice %arg10[%mul3A_95, %dma_wait3A_100] : memref<10000x128xf32, #tpu.memory_space<vmem_shared>> -> memref<640x128xf32, #tpu.memory_space<vmem_shared>>
        %dma_wait3A_102 = arith.constant 0 : i32
        %dma_wait3A_103 = tpu.memref_slice %arg2[%mul3A_93, %dma_wait3A_102] : memref<10000x128xf32, #tpu.memory_space<hbm>> -> memref<640x128xf32, #tpu.memory_space<hbm>>
        tpu.wait_dma2 semaphore(%run_scoped3A : memref<!tpu.dma_semaphore, #tpu.memory_space<semaphore_mem>>) src(%dma_wait3A_103 : memref<640x128xf32, #tpu.memory_space<hbm>>) dst(%dma_wait3A_101 : memref<640x128xf32, #tpu.memory_space<vmem_shared>>)
        tpu.yield
      }) : () -> ()
    } else {
    }
    %eq3A = arith.constant 15 : i32
    %eq3A_3 = arith.cmpi eq, %arg1, %eq3A : i32
    %convert_element_type3A_4 = arith.extui %eq3A_3 : i1 to i32
    %cond3A_5 = arith.constant 0 : i32
    %cond3A_6 = arith.cmpi ne, %convert_element_type3A_4, %cond3A_5 : i32
    scf.if %cond3A_6 {
      "tpu.region"() ({
        %run_scoped3A = tpu.sem_alloc : memref<!tpu.dma_semaphore, #tpu.memory_space<semaphore_mem>>
        %dma_start3A_92 = arith.constant 9600 : i32
        %dma_start3A_93 = arith.constant 0 : i32
        %dma_start3A_94 = tpu.memref_slice %arg10[%dma_start3A_92, %dma_start3A_93] : memref<10000x128xf32, #tpu.memory_space<vmem_shared>> -> memref<400x128xf32, #tpu.memory_space<vmem_shared>>
        %dma_start3A_95 = arith.constant 9600 : i32
        %dma_start3A_96 = arith.constant 0 : i32
        %dma_start3A_97 = tpu.memref_slice %arg2[%dma_start3A_95, %dma_start3A_96] : memref<10000x128xf32, #tpu.memory_space<hbm>> -> memref<400x128xf32, #tpu.memory_space<hbm>>
        tpu.enqueue_dma source(%dma_start3A_97 : memref<400x128xf32, #tpu.memory_space<hbm>>) target(%dma_start3A_94 : memref<400x128xf32, #tpu.memory_space<vmem_shared>>) target_semaphore(%run_scoped3A : memref<!tpu.dma_semaphore, #tpu.memory_space<semaphore_mem>>)
        %dma_wait3A_98 = arith.constant 9600 : i32
        %dma_wait3A_99 = arith.constant 0 : i32
        %dma_wait3A_100 = tpu.memref_slice %arg10[%dma_wait3A_98, %dma_wait3A_99] : memref<10000x128xf32, #tpu.memory_space<vmem_shared>> -> memref<400x128xf32, #tpu.memory_space<vmem_shared>>
        %dma_wait3A_101 = arith.constant 9600 : i32
        %dma_wait3A_102 = arith.constant 0 : i32
        %dma_wait3A_103 = tpu.memref_slice %arg2[%dma_wait3A_101, %dma_wait3A_102] : memref<10000x128xf32, #tpu.memory_space<hbm>> -> memref<400x128xf32, #tpu.memory_space<hbm>>
        tpu.wait_dma2 semaphore(%run_scoped3A : memref<!tpu.dma_semaphore, #tpu.memory_space<semaphore_mem>>) src(%dma_wait3A_103 : memref<400x128xf32, #tpu.memory_space<hbm>>) dst(%dma_wait3A_100 : memref<400x128xf32, #tpu.memory_space<vmem_shared>>)
        tpu.yield
      }) : () -> ()
    } else {
    }
    "tpu.region"() ({
      %run_scoped3A = tpu.sem_alloc : memref<!tpu.dma_semaphore, #tpu.memory_space<semaphore_mem>>
      %dma_start3A_92 = arith.constant 0 : i32
      %dma_start3A_93 = tpu.memref_slice %arg3[%add3A, %dma_start3A_92] : memref<32x10000xi32, #tpu.memory_space<hbm>> -> memref<1x10000xi32, #tpu.memory_space<hbm>>
      %dma_start3A_94 = tpu.memref_squeeze %dma_start3A_93 : memref<1x10000xi32, #tpu.memory_space<hbm>> -> memref<10000xi32, #tpu.memory_space<hbm>>
      %dma_start3A_95 = arith.constant 0 : i32
      %dma_start3A_96 = tpu.memref_slice %arg3[%add3A, %dma_start3A_95] : memref<32x10000xi32, #tpu.memory_space<hbm>> -> memref<1x10000xi32, #tpu.memory_space<hbm>>
      %dma_start3A_97 = tpu.memref_squeeze %dma_start3A_96 : memref<1x10000xi32, #tpu.memory_space<hbm>> -> memref<10000xi32, #tpu.memory_space<hbm>>
      tpu.enqueue_dma source(%dma_start3A_97 : memref<10000xi32, #tpu.memory_space<hbm>>) target(%arg6 : memref<10000xi32, #tpu.memory_space<vmem>>) target_semaphore(%run_scoped3A : memref<!tpu.dma_semaphore, #tpu.memory_space<semaphore_mem>>)
      %dma_wait3A_98 = arith.constant 0 : i32
      %dma_wait3A_99 = tpu.memref_slice %arg3[%add3A, %dma_wait3A_98] : memref<32x10000xi32, #tpu.memory_space<hbm>> -> memref<1x10000xi32, #tpu.memory_space<hbm>>
      %dma_wait3A_100 = tpu.memref_squeeze %dma_wait3A_99 : memref<1x10000xi32, #tpu.memory_space<hbm>> -> memref<10000xi32, #tpu.memory_space<hbm>>
      %dma_wait3A_101 = arith.constant 0 : i32
      %dma_wait3A_102 = tpu.memref_slice %arg3[%add3A, %dma_wait3A_101] : memref<32x10000xi32, #tpu.memory_space<hbm>> -> memref<1x10000xi32, #tpu.memory_space<hbm>>
      %dma_wait3A_103 = tpu.memref_squeeze %dma_wait3A_102 : memref<1x10000xi32, #tpu.memory_space<hbm>> -> memref<10000xi32, #tpu.memory_space<hbm>>
      tpu.wait_dma2 semaphore(%run_scoped3A : memref<!tpu.dma_semaphore, #tpu.memory_space<semaphore_mem>>) src(%dma_wait3A_103 : memref<10000xi32, #tpu.memory_space<hbm>>) dst(%arg6 : memref<10000xi32, #tpu.memory_space<vmem>>)
      tpu.yield
    }) : () -> ()
    "tpu.region"() ({
      %run_scoped3A = tpu.sem_alloc : memref<!tpu.dma_semaphore, #tpu.memory_space<semaphore_mem>>
      %dma_start3A_92 = arith.constant 0 : i32
      %dma_start3A_93 = arith.constant 0 : i32
      %dma_start3A_94 = tpu.memref_slice %arg4[%add3A, %dma_start3A_92, %dma_start3A_93] : memref<32x125x80xi32, #tpu.memory_space<hbm>> -> memref<1x125x80xi32, #tpu.memory_space<hbm>>
      %dma_start3A_95 = tpu.memref_squeeze %dma_start3A_94 : memref<1x125x80xi32, #tpu.memory_space<hbm>> -> memref<125x80xi32, #tpu.memory_space<hbm>>
      %dma_start3A_96 = arith.constant 0 : i32
      %dma_start3A_97 = arith.constant 0 : i32
      %dma_start3A_98 = tpu.memref_slice %arg4[%add3A, %dma_start3A_96, %dma_start3A_97] : memref<32x125x80xi32, #tpu.memory_space<hbm>> -> memref<1x125x80xi32, #tpu.memory_space<hbm>>
      %dma_start3A_99 = tpu.memref_squeeze %dma_start3A_98 : memref<1x125x80xi32, #tpu.memory_space<hbm>> -> memref<125x80xi32, #tpu.memory_space<hbm>>
      tpu.enqueue_dma source(%dma_start3A_99 : memref<125x80xi32, #tpu.memory_space<hbm>>) target(%arg7 : memref<125x80xi32, #tpu.memory_space<vmem>>) target_semaphore(%run_scoped3A : memref<!tpu.dma_semaphore, #tpu.memory_space<semaphore_mem>>)
      %dma_wait3A_100 = arith.constant 0 : i32
      %dma_wait3A_101 = arith.constant 0 : i32
      %dma_wait3A_102 = tpu.memref_slice %arg4[%add3A, %dma_wait3A_100, %dma_wait3A_101] : memref<32x125x80xi32, #tpu.memory_space<hbm>> -> memref<1x125x80xi32, #tpu.memory_space<hbm>>
      %dma_wait3A_103 = tpu.memref_squeeze %dma_wait3A_102 : memref<1x125x80xi32, #tpu.memory_space<hbm>> -> memref<125x80xi32, #tpu.memory_space<hbm>>
      %dma_wait3A_104 = arith.constant 0 : i32
      %dma_wait3A_105 = arith.constant 0 : i32
      %dma_wait3A_106 = tpu.memref_slice %arg4[%add3A, %dma_wait3A_104, %dma_wait3A_105] : memref<32x125x80xi32, #tpu.memory_space<hbm>> -> memref<1x125x80xi32, #tpu.memory_space<hbm>>
      %dma_wait3A_107 = tpu.memref_squeeze %dma_wait3A_106 : memref<1x125x80xi32, #tpu.memory_space<hbm>> -> memref<125x80xi32, #tpu.memory_space<hbm>>
      tpu.wait_dma2 semaphore(%run_scoped3A : memref<!tpu.dma_semaphore, #tpu.memory_space<semaphore_mem>>) src(%dma_wait3A_107 : memref<125x80xi32, #tpu.memory_space<hbm>>) dst(%arg7 : memref<125x80xi32, #tpu.memory_space<vmem>>)
      tpu.yield
    }) : () -> ()
    %dma_start3A = arith.constant 0 : i32
    %dma_start3A_7 = tpu.memref_slice %arg6[%dma_start3A] : memref<10000xi32, #tpu.memory_space<vmem>> -> memref<80xi32, #tpu.memory_space<vmem>>
    %dma_start3A_8 = arith.constant 0 : i32
    %dma_start3A_9 = arith.constant 0 : i32
    %dma_start3A_10 = tpu.memref_slice %arg2[%dma_start3A_8, %dma_start3A_9] : memref<10000x128xf32, #tpu.memory_space<hbm>> -> memref<10000x128xf32, #tpu.memory_space<hbm>>
    tpu.enqueue_indirect_dma source(%dma_start3A_10 : memref<10000x128xf32, #tpu.memory_space<hbm>>) target(%arg8 : memref<80x128xf32, #tpu.memory_space<vmem>>) offsets(%dma_start3A_7 : memref<80xi32, #tpu.memory_space<vmem>>) semaphore(%arg11 : memref<!tpu.dma_semaphore, #tpu.memory_space<semaphore_mem>>)
    %dma_start3A_11 = arith.constant 80 : i32
    %dma_start3A_12 = tpu.memref_slice %arg6[%dma_start3A_11] : memref<10000xi32, #tpu.memory_space<vmem>> -> memref<80xi32, #tpu.memory_space<vmem>>
    %dma_start3A_13 = arith.constant 0 : i32
    %dma_start3A_14 = arith.constant 0 : i32
    %dma_start3A_15 = tpu.memref_slice %arg2[%dma_start3A_13, %dma_start3A_14] : memref<10000x128xf32, #tpu.memory_space<hbm>> -> memref<10000x128xf32, #tpu.memory_space<hbm>>
    tpu.enqueue_indirect_dma source(%dma_start3A_15 : memref<10000x128xf32, #tpu.memory_space<hbm>>) target(%arg9 : memref<80x128xf32, #tpu.memory_space<vmem>>) offsets(%dma_start3A_12 : memref<80xi32, #tpu.memory_space<vmem>>) semaphore(%arg12 : memref<!tpu.dma_semaphore, #tpu.memory_space<semaphore_mem>>)
    %barrier3A = arith.constant 0 : index
    tpu.barrier barrier_id(%barrier3A)
    %dma_wait3A = arith.constant 0 : i32
    %dma_wait3A_16 = tpu.memref_slice %arg6[%dma_wait3A] : memref<10000xi32, #tpu.memory_space<vmem>> -> memref<80xi32, #tpu.memory_space<vmem>>
    %dma_wait3A_17 = arith.constant 0 : i32
    %dma_wait3A_18 = arith.constant 0 : i32
    %dma_wait3A_19 = tpu.memref_slice %arg2[%dma_wait3A_17, %dma_wait3A_18] : memref<10000x128xf32, #tpu.memory_space<hbm>> -> memref<10000x128xf32, #tpu.memory_space<hbm>>
    tpu.wait_indirect_dma semaphore(%arg11 : memref<!tpu.dma_semaphore, #tpu.memory_space<semaphore_mem>>) src(%dma_wait3A_19 : memref<10000x128xf32, #tpu.memory_space<hbm>>) dst(%arg8 : memref<80x128xf32, #tpu.memory_space<vmem>>)
    %dma_start3A_20 = arith.constant 0 : i32
    %dma_start3A_21 = arith.constant 0 : i32
    %dma_start3A_22 = tpu.memref_slice %arg7[%dma_start3A_20, %dma_start3A_21] : memref<125x80xi32, #tpu.memory_space<vmem>> -> memref<1x80xi32, #tpu.memory_space<vmem>>
    %dma_start3A_23 = tpu.memref_squeeze %dma_start3A_22 : memref<1x80xi32, #tpu.memory_space<vmem>> -> memref<80xi32, #tpu.memory_space<vmem>>
    %dma_start3A_24 = arith.constant 0 : i32
    %dma_start3A_25 = arith.constant 0 : i32
    %dma_start3A_26 = tpu.memref_slice %arg10[%dma_start3A_24, %dma_start3A_25] : memref<10000x128xf32, #tpu.memory_space<vmem_shared>> -> memref<10000x128xf32, #tpu.memory_space<vmem_shared>>
    tpu.enqueue_indirect_dma source(%arg8 : memref<80x128xf32, #tpu.memory_space<vmem>>) target(%dma_start3A_26 : memref<10000x128xf32, #tpu.memory_space<vmem_shared>>) offsets(%dma_start3A_23 : memref<80xi32, #tpu.memory_space<vmem>>) semaphore(%arg13 : memref<!tpu.dma_semaphore, #tpu.memory_space<semaphore_mem>>) {add = true}
    %scan3A = arith.constant 0 : i32
    %scan3A_27 = arith.constant 61 : i32
    %scan3A_28 = arith.addi %scan3A, %scan3A_27 : i32
    %scan3A_29 = arith.constant 1 : i32
    scf.for %scan3A_92 = %scan3A to %scan3A_28 step %scan3A_29  : i32 {
      %mul3A_93 = arith.constant 2 : i32
      %mul3A_94 = arith.muli %scan3A_92, %mul3A_93 : i32
      %add3A_95 = arith.constant 1 : i32
      %add3A_96 = arith.addi %add3A_95, %mul3A_94 : i32
      %add3A_97 = arith.constant 0 : i32
      %add3A_98 = arith.addi %add3A_96, %add3A_97 : i32
      %mul3A_99 = arith.constant 80 : i32
      %mul3A_100 = arith.muli %add3A_98, %mul3A_99 : i32
      %dma_wait3A_101 = tpu.memref_slice %arg6[%mul3A_100] : memref<10000xi32, #tpu.memory_space<vmem>> -> memref<80xi32, #tpu.memory_space<vmem>>
      %dma_wait3A_102 = arith.constant 0 : i32
      %dma_wait3A_103 = arith.constant 0 : i32
      %dma_wait3A_104 = tpu.memref_slice %arg2[%dma_wait3A_102, %dma_wait3A_103] : memref<10000x128xf32, #tpu.memory_space<hbm>> -> memref<10000x128xf32, #tpu.memory_space<hbm>>
      tpu.wait_indirect_dma semaphore(%arg12 : memref<!tpu.dma_semaphore, #tpu.memory_space<semaphore_mem>>) src(%dma_wait3A_104 : memref<10000x128xf32, #tpu.memory_space<hbm>>) dst(%arg9 : memref<80x128xf32, #tpu.memory_space<vmem>>)
      %dma_start3A_105 = arith.constant 0 : i32
      %dma_start3A_106 = tpu.memref_slice %arg7[%add3A_98, %dma_start3A_105] : memref<125x80xi32, #tpu.memory_space<vmem>> -> memref<1x80xi32, #tpu.memory_space<vmem>>
      %dma_start3A_107 = tpu.memref_squeeze %dma_start3A_106 : memref<1x80xi32, #tpu.memory_space<vmem>> -> memref<80xi32, #tpu.memory_space<vmem>>
      %dma_start3A_108 = arith.constant 0 : i32
      %dma_start3A_109 = arith.constant 0 : i32
      %dma_start3A_110 = tpu.memref_slice %arg10[%dma_start3A_108, %dma_start3A_109] : memref<10000x128xf32, #tpu.memory_space<vmem_shared>> -> memref<10000x128xf32, #tpu.memory_space<vmem_shared>>
      tpu.enqueue_indirect_dma source(%arg9 : memref<80x128xf32, #tpu.memory_space<vmem>>) target(%dma_start3A_110 : memref<10000x128xf32, #tpu.memory_space<vmem_shared>>) offsets(%dma_start3A_107 : memref<80xi32, #tpu.memory_space<vmem>>) semaphore(%arg14 : memref<!tpu.dma_semaphore, #tpu.memory_space<semaphore_mem>>) {add = true}
      %sub3A = arith.constant 1 : i32
      %sub3A_111 = arith.subi %add3A_98, %sub3A : i32
      %dma_wait3A_112 = arith.constant 0 : i32
      %dma_wait3A_113 = tpu.memref_slice %arg7[%sub3A_111, %dma_wait3A_112] : memref<125x80xi32, #tpu.memory_space<vmem>> -> memref<1x80xi32, #tpu.memory_space<vmem>>
      %dma_wait3A_114 = tpu.memref_squeeze %dma_wait3A_113 : memref<1x80xi32, #tpu.memory_space<vmem>> -> memref<80xi32, #tpu.memory_space<vmem>>
      %dma_wait3A_115 = arith.constant 0 : i32
      %dma_wait3A_116 = arith.constant 0 : i32
      %dma_wait3A_117 = tpu.memref_slice %arg10[%dma_wait3A_115, %dma_wait3A_116] : memref<10000x128xf32, #tpu.memory_space<vmem_shared>> -> memref<10000x128xf32, #tpu.memory_space<vmem_shared>>
      tpu.wait_indirect_dma semaphore(%arg13 : memref<!tpu.dma_semaphore, #tpu.memory_space<semaphore_mem>>) src(%arg8 : memref<80x128xf32, #tpu.memory_space<vmem>>) dst(%dma_wait3A_117 : memref<10000x128xf32, #tpu.memory_space<vmem_shared>>)
      %add3A_118 = arith.constant 1 : i32
      %add3A_119 = arith.addi %add3A_98, %add3A_118 : i32
      %mul3A_120 = arith.constant 80 : i32
      %mul3A_121 = arith.muli %add3A_119, %mul3A_120 : i32
      %dma_start3A_122 = tpu.memref_slice %arg6[%mul3A_121] : memref<10000xi32, #tpu.memory_space<vmem>> -> memref<80xi32, #tpu.memory_space<vmem>>
      %dma_start3A_123 = arith.constant 0 : i32
      %dma_start3A_124 = arith.constant 0 : i32
      %dma_start3A_125 = tpu.memref_slice %arg2[%dma_start3A_123, %dma_start3A_124] : memref<10000x128xf32, #tpu.memory_space<hbm>> -> memref<10000x128xf32, #tpu.memory_space<hbm>>
      tpu.enqueue_indirect_dma source(%dma_start3A_125 : memref<10000x128xf32, #tpu.memory_space<hbm>>) target(%arg8 : memref<80x128xf32, #tpu.memory_space<vmem>>) offsets(%dma_start3A_122 : memref<80xi32, #tpu.memory_space<vmem>>) semaphore(%arg11 : memref<!tpu.dma_semaphore, #tpu.memory_space<semaphore_mem>>)
      %add3A_126 = arith.constant 1 : i32
      %add3A_127 = arith.addi %add3A_96, %add3A_126 : i32
      %mul3A_128 = arith.constant 80 : i32
      %mul3A_129 = arith.muli %add3A_127, %mul3A_128 : i32
      %dma_wait3A_130 = tpu.memref_slice %arg6[%mul3A_129] : memref<10000xi32, #tpu.memory_space<vmem>> -> memref<80xi32, #tpu.memory_space<vmem>>
      %dma_wait3A_131 = arith.constant 0 : i32
      %dma_wait3A_132 = arith.constant 0 : i32
      %dma_wait3A_133 = tpu.memref_slice %arg2[%dma_wait3A_131, %dma_wait3A_132] : memref<10000x128xf32, #tpu.memory_space<hbm>> -> memref<10000x128xf32, #tpu.memory_space<hbm>>
      tpu.wait_indirect_dma semaphore(%arg11 : memref<!tpu.dma_semaphore, #tpu.memory_space<semaphore_mem>>) src(%dma_wait3A_133 : memref<10000x128xf32, #tpu.memory_space<hbm>>) dst(%arg8 : memref<80x128xf32, #tpu.memory_space<vmem>>)
      %dma_start3A_134 = arith.constant 0 : i32
      %dma_start3A_135 = tpu.memref_slice %arg7[%add3A_127, %dma_start3A_134] : memref<125x80xi32, #tpu.memory_space<vmem>> -> memref<1x80xi32, #tpu.memory_space<vmem>>
      %dma_start3A_136 = tpu.memref_squeeze %dma_start3A_135 : memref<1x80xi32, #tpu.memory_space<vmem>> -> memref<80xi32, #tpu.memory_space<vmem>>
      %dma_start3A_137 = arith.constant 0 : i32
      %dma_start3A_138 = arith.constant 0 : i32
      %dma_start3A_139 = tpu.memref_slice %arg10[%dma_start3A_137, %dma_start3A_138] : memref<10000x128xf32, #tpu.memory_space<vmem_shared>> -> memref<10000x128xf32, #tpu.memory_space<vmem_shared>>
      tpu.enqueue_indirect_dma source(%arg8 : memref<80x128xf32, #tpu.memory_space<vmem>>) target(%dma_start3A_139 : memref<10000x128xf32, #tpu.memory_space<vmem_shared>>) offsets(%dma_start3A_136 : memref<80xi32, #tpu.memory_space<vmem>>) semaphore(%arg13 : memref<!tpu.dma_semaphore, #tpu.memory_space<semaphore_mem>>) {add = true}
      %sub3A_140 = arith.constant 1 : i32
      %sub3A_141 = arith.subi %add3A_127, %sub3A_140 : i32
      %dma_wait3A_142 = arith.constant 0 : i32
      %dma_wait3A_143 = tpu.memref_slice %arg7[%sub3A_141, %dma_wait3A_142] : memref<125x80xi32, #tpu.memory_space<vmem>> -> memref<1x80xi32, #tpu.memory_space<vmem>>
      %dma_wait3A_144 = tpu.memref_squeeze %dma_wait3A_143 : memref<1x80xi32, #tpu.memory_space<vmem>> -> memref<80xi32, #tpu.memory_space<vmem>>
      %dma_wait3A_145 = arith.constant 0 : i32
      %dma_wait3A_146 = arith.constant 0 : i32
      %dma_wait3A_147 = tpu.memref_slice %arg10[%dma_wait3A_145, %dma_wait3A_146] : memref<10000x128xf32, #tpu.memory_space<vmem_shared>> -> memref<10000x128xf32, #tpu.memory_space<vmem_shared>>
      tpu.wait_indirect_dma semaphore(%arg14 : memref<!tpu.dma_semaphore, #tpu.memory_space<semaphore_mem>>) src(%arg9 : memref<80x128xf32, #tpu.memory_space<vmem>>) dst(%dma_wait3A_147 : memref<10000x128xf32, #tpu.memory_space<vmem_shared>>)
      %add3A_148 = arith.constant 1 : i32
      %add3A_149 = arith.addi %add3A_127, %add3A_148 : i32
      %mul3A_150 = arith.constant 80 : i32
      %mul3A_151 = arith.muli %add3A_149, %mul3A_150 : i32
      %dma_start3A_152 = tpu.memref_slice %arg6[%mul3A_151] : memref<10000xi32, #tpu.memory_space<vmem>> -> memref<80xi32, #tpu.memory_space<vmem>>
      %dma_start3A_153 = arith.constant 0 : i32
      %dma_start3A_154 = arith.constant 0 : i32
      %dma_start3A_155 = tpu.memref_slice %arg2[%dma_start3A_153, %dma_start3A_154] : memref<10000x128xf32, #tpu.memory_space<hbm>> -> memref<10000x128xf32, #tpu.memory_space<hbm>>
      tpu.enqueue_indirect_dma source(%dma_start3A_155 : memref<10000x128xf32, #tpu.memory_space<hbm>>) target(%arg9 : memref<80x128xf32, #tpu.memory_space<vmem>>) offsets(%dma_start3A_152 : memref<80xi32, #tpu.memory_space<vmem>>) semaphore(%arg12 : memref<!tpu.dma_semaphore, #tpu.memory_space<semaphore_mem>>)
    }
    %scan3A_30 = arith.constant 61 : i32
    %dma_wait3A_31 = arith.constant 9840 : i32
    %dma_wait3A_32 = tpu.memref_slice %arg6[%dma_wait3A_31] : memref<10000xi32, #tpu.memory_space<vmem>> -> memref<80xi32, #tpu.memory_space<vmem>>
    %dma_wait3A_33 = arith.constant 0 : i32
    %dma_wait3A_34 = arith.constant 0 : i32
    %dma_wait3A_35 = tpu.memref_slice %arg2[%dma_wait3A_33, %dma_wait3A_34] : memref<10000x128xf32, #tpu.memory_space<hbm>> -> memref<10000x128xf32, #tpu.memory_space<hbm>>
    tpu.wait_indirect_dma semaphore(%arg12 : memref<!tpu.dma_semaphore, #tpu.memory_space<semaphore_mem>>) src(%dma_wait3A_35 : memref<10000x128xf32, #tpu.memory_space<hbm>>) dst(%arg9 : memref<80x128xf32, #tpu.memory_space<vmem>>)
    %dma_start3A_36 = arith.constant 123 : i32
    %dma_start3A_37 = arith.constant 0 : i32
    %dma_start3A_38 = tpu.memref_slice %arg7[%dma_start3A_36, %dma_start3A_37] : memref<125x80xi32, #tpu.memory_space<vmem>> -> memref<1x80xi32, #tpu.memory_space<vmem>>
    %dma_start3A_39 = tpu.memref_squeeze %dma_start3A_38 : memref<1x80xi32, #tpu.memory_space<vmem>> -> memref<80xi32, #tpu.memory_space<vmem>>
    %dma_start3A_40 = arith.constant 0 : i32
    %dma_start3A_41 = arith.constant 0 : i32
    %dma_start3A_42 = tpu.memref_slice %arg10[%dma_start3A_40, %dma_start3A_41] : memref<10000x128xf32, #tpu.memory_space<vmem_shared>> -> memref<10000x128xf32, #tpu.memory_space<vmem_shared>>
    tpu.enqueue_indirect_dma source(%arg9 : memref<80x128xf32, #tpu.memory_space<vmem>>) target(%dma_start3A_42 : memref<10000x128xf32, #tpu.memory_space<vmem_shared>>) offsets(%dma_start3A_39 : memref<80xi32, #tpu.memory_space<vmem>>) semaphore(%arg14 : memref<!tpu.dma_semaphore, #tpu.memory_space<semaphore_mem>>) {add = true}
    %dma_wait3A_43 = arith.constant 122 : i32
    %dma_wait3A_44 = arith.constant 0 : i32
    %dma_wait3A_45 = tpu.memref_slice %arg7[%dma_wait3A_43, %dma_wait3A_44] : memref<125x80xi32, #tpu.memory_space<vmem>> -> memref<1x80xi32, #tpu.memory_space<vmem>>
    %dma_wait3A_46 = tpu.memref_squeeze %dma_wait3A_45 : memref<1x80xi32, #tpu.memory_space<vmem>> -> memref<80xi32, #tpu.memory_space<vmem>>
    %dma_wait3A_47 = arith.constant 0 : i32
    %dma_wait3A_48 = arith.constant 0 : i32
    %dma_wait3A_49 = tpu.memref_slice %arg10[%dma_wait3A_47, %dma_wait3A_48] : memref<10000x128xf32, #tpu.memory_space<vmem_shared>> -> memref<10000x128xf32, #tpu.memory_space<vmem_shared>>
    tpu.wait_indirect_dma semaphore(%arg13 : memref<!tpu.dma_semaphore, #tpu.memory_space<semaphore_mem>>) src(%arg8 : memref<80x128xf32, #tpu.memory_space<vmem>>) dst(%dma_wait3A_49 : memref<10000x128xf32, #tpu.memory_space<vmem_shared>>)
    %dma_start3A_50 = arith.constant 9920 : i32
    %dma_start3A_51 = tpu.memref_slice %arg6[%dma_start3A_50] : memref<10000xi32, #tpu.memory_space<vmem>> -> memref<80xi32, #tpu.memory_space<vmem>>
    %dma_start3A_52 = arith.constant 0 : i32
    %dma_start3A_53 = arith.constant 0 : i32
    %dma_start3A_54 = tpu.memref_slice %arg2[%dma_start3A_52, %dma_start3A_53] : memref<10000x128xf32, #tpu.memory_space<hbm>> -> memref<10000x128xf32, #tpu.memory_space<hbm>>
    tpu.enqueue_indirect_dma source(%dma_start3A_54 : memref<10000x128xf32, #tpu.memory_space<hbm>>) target(%arg8 : memref<80x128xf32, #tpu.memory_space<vmem>>) offsets(%dma_start3A_51 : memref<80xi32, #tpu.memory_space<vmem>>) semaphore(%arg11 : memref<!tpu.dma_semaphore, #tpu.memory_space<semaphore_mem>>)
    %dma_wait3A_55 = arith.constant 9920 : i32
    %dma_wait3A_56 = tpu.memref_slice %arg6[%dma_wait3A_55] : memref<10000xi32, #tpu.memory_space<vmem>> -> memref<80xi32, #tpu.memory_space<vmem>>
    %dma_wait3A_57 = arith.constant 0 : i32
    %dma_wait3A_58 = arith.constant 0 : i32
    %dma_wait3A_59 = tpu.memref_slice %arg2[%dma_wait3A_57, %dma_wait3A_58] : memref<10000x128xf32, #tpu.memory_space<hbm>> -> memref<10000x128xf32, #tpu.memory_space<hbm>>
    tpu.wait_indirect_dma semaphore(%arg11 : memref<!tpu.dma_semaphore, #tpu.memory_space<semaphore_mem>>) src(%dma_wait3A_59 : memref<10000x128xf32, #tpu.memory_space<hbm>>) dst(%arg8 : memref<80x128xf32, #tpu.memory_space<vmem>>)
    %dma_start3A_60 = arith.constant 124 : i32
    %dma_start3A_61 = arith.constant 0 : i32
    %dma_start3A_62 = tpu.memref_slice %arg7[%dma_start3A_60, %dma_start3A_61] : memref<125x80xi32, #tpu.memory_space<vmem>> -> memref<1x80xi32, #tpu.memory_space<vmem>>
    %dma_start3A_63 = tpu.memref_squeeze %dma_start3A_62 : memref<1x80xi32, #tpu.memory_space<vmem>> -> memref<80xi32, #tpu.memory_space<vmem>>
    %dma_start3A_64 = arith.constant 0 : i32
    %dma_start3A_65 = arith.constant 0 : i32
    %dma_start3A_66 = tpu.memref_slice %arg10[%dma_start3A_64, %dma_start3A_65] : memref<10000x128xf32, #tpu.memory_space<vmem_shared>> -> memref<10000x128xf32, #tpu.memory_space<vmem_shared>>
    tpu.enqueue_indirect_dma source(%arg8 : memref<80x128xf32, #tpu.memory_space<vmem>>) target(%dma_start3A_66 : memref<10000x128xf32, #tpu.memory_space<vmem_shared>>) offsets(%dma_start3A_63 : memref<80xi32, #tpu.memory_space<vmem>>) semaphore(%arg13 : memref<!tpu.dma_semaphore, #tpu.memory_space<semaphore_mem>>) {add = true}
    %dma_wait3A_67 = arith.constant 123 : i32
    %dma_wait3A_68 = arith.constant 0 : i32
    %dma_wait3A_69 = tpu.memref_slice %arg7[%dma_wait3A_67, %dma_wait3A_68] : memref<125x80xi32, #tpu.memory_space<vmem>> -> memref<1x80xi32, #tpu.memory_space<vmem>>
    %dma_wait3A_70 = tpu.memref_squeeze %dma_wait3A_69 : memref<1x80xi32, #tpu.memory_space<vmem>> -> memref<80xi32, #tpu.memory_space<vmem>>
    %dma_wait3A_71 = arith.constant 0 : i32
    %dma_wait3A_72 = arith.constant 0 : i32
    %dma_wait3A_73 = tpu.memref_slice %arg10[%dma_wait3A_71, %dma_wait3A_72] : memref<10000x128xf32, #tpu.memory_space<vmem_shared>> -> memref<10000x128xf32, #tpu.memory_space<vmem_shared>>
    tpu.wait_indirect_dma semaphore(%arg14 : memref<!tpu.dma_semaphore, #tpu.memory_space<semaphore_mem>>) src(%arg9 : memref<80x128xf32, #tpu.memory_space<vmem>>) dst(%dma_wait3A_73 : memref<10000x128xf32, #tpu.memory_space<vmem_shared>>)
    %dma_wait3A_74 = arith.constant 124 : i32
    %dma_wait3A_75 = arith.constant 0 : i32
    %dma_wait3A_76 = tpu.memref_slice %arg7[%dma_wait3A_74, %dma_wait3A_75] : memref<125x80xi32, #tpu.memory_space<vmem>> -> memref<1x80xi32, #tpu.memory_space<vmem>>
    %dma_wait3A_77 = tpu.memref_squeeze %dma_wait3A_76 : memref<1x80xi32, #tpu.memory_space<vmem>> -> memref<80xi32, #tpu.memory_space<vmem>>
    %dma_wait3A_78 = arith.constant 0 : i32
    %dma_wait3A_79 = arith.constant 0 : i32
    %dma_wait3A_80 = tpu.memref_slice %arg10[%dma_wait3A_78, %dma_wait3A_79] : memref<10000x128xf32, #tpu.memory_space<vmem_shared>> -> memref<10000x128xf32, #tpu.memory_space<vmem_shared>>
    tpu.wait_indirect_dma semaphore(%arg13 : memref<!tpu.dma_semaphore, #tpu.memory_space<semaphore_mem>>) src(%arg8 : memref<80x128xf32, #tpu.memory_space<vmem>>) dst(%dma_wait3A_80 : memref<10000x128xf32, #tpu.memory_space<vmem_shared>>)
    %barrier3A_81 = arith.constant 0 : index
    tpu.barrier barrier_id(%barrier3A_81)
    %lt3A_82 = arith.constant 15 : i32
    %lt3A_83 = arith.cmpi slt, %arg1, %lt3A_82 : i32
    %convert_element_type3A_84 = arith.extui %lt3A_83 : i1 to i32
    %cond3A_85 = arith.constant 0 : i32
    %cond3A_86 = arith.cmpi ne, %convert_element_type3A_84, %cond3A_85 : i32
    scf.if %cond3A_86 {
      %mul3A_92 = arith.constant 640 : i32
      %mul3A_93 = arith.muli %arg1, %mul3A_92 : i32
      %mul3A_94 = arith.constant 640 : i32
      %mul3A_95 = arith.muli %arg1, %mul3A_94 : i32
      "tpu.region"() ({
        %run_scoped3A = tpu.sem_alloc : memref<!tpu.dma_semaphore, #tpu.memory_space<semaphore_mem>>
        %dma_start3A_96 = arith.constant 0 : i32
        %dma_start3A_97 = arith.constant 0 : i32
        %dma_start3A_98 = tpu.memref_slice %arg5[%arg0, %dma_start3A_96, %dma_start3A_97] : memref<2x10000x128xf32, #tpu.memory_space<hbm>> -> memref<1x10000x128xf32, #tpu.memory_space<hbm>>
        %dma_start3A_99 = tpu.memref_squeeze %dma_start3A_98 : memref<1x10000x128xf32, #tpu.memory_space<hbm>> -> memref<10000x128xf32, #tpu.memory_space<hbm>>
        %dma_start3A_100 = arith.constant 0 : i32
        %dma_start3A_101 = tpu.memref_slice %dma_start3A_99[%mul3A_95, %dma_start3A_100] : memref<10000x128xf32, #tpu.memory_space<hbm>> -> memref<640x128xf32, #tpu.memory_space<hbm>>
        %dma_start3A_102 = arith.constant 0 : i32
        %dma_start3A_103 = tpu.memref_slice %arg10[%mul3A_93, %dma_start3A_102] : memref<10000x128xf32, #tpu.memory_space<vmem_shared>> -> memref<640x128xf32, #tpu.memory_space<vmem_shared>>
        tpu.enqueue_dma source(%dma_start3A_103 : memref<640x128xf32, #tpu.memory_space<vmem_shared>>) target(%dma_start3A_101 : memref<640x128xf32, #tpu.memory_space<hbm>>) target_semaphore(%run_scoped3A : memref<!tpu.dma_semaphore, #tpu.memory_space<semaphore_mem>>)
        %dma_wait3A_104 = arith.constant 0 : i32
        %dma_wait3A_105 = arith.constant 0 : i32
        %dma_wait3A_106 = tpu.memref_slice %arg5[%arg0, %dma_wait3A_104, %dma_wait3A_105] : memref<2x10000x128xf32, #tpu.memory_space<hbm>> -> memref<1x10000x128xf32, #tpu.memory_space<hbm>>
        %dma_wait3A_107 = tpu.memref_squeeze %dma_wait3A_106 : memref<1x10000x128xf32, #tpu.memory_space<hbm>> -> memref<10000x128xf32, #tpu.memory_space<hbm>>
        %dma_wait3A_108 = arith.constant 0 : i32
        %dma_wait3A_109 = tpu.memref_slice %dma_wait3A_107[%mul3A_95, %dma_wait3A_108] : memref<10000x128xf32, #tpu.memory_space<hbm>> -> memref<640x128xf32, #tpu.memory_space<hbm>>
        %dma_wait3A_110 = arith.constant 0 : i32
        %dma_wait3A_111 = tpu.memref_slice %arg10[%mul3A_93, %dma_wait3A_110] : memref<10000x128xf32, #tpu.memory_space<vmem_shared>> -> memref<640x128xf32, #tpu.memory_space<vmem_shared>>
        tpu.wait_dma2 semaphore(%run_scoped3A : memref<!tpu.dma_semaphore, #tpu.memory_space<semaphore_mem>>) src(%dma_wait3A_111 : memref<640x128xf32, #tpu.memory_space<vmem_shared>>) dst(%dma_wait3A_109 : memref<640x128xf32, #tpu.memory_space<hbm>>)
        tpu.yield
      }) : () -> ()
    } else {
    }
    %eq3A_87 = arith.constant 15 : i32
    %eq3A_88 = arith.cmpi eq, %arg1, %eq3A_87 : i32
    %convert_element_type3A_89 = arith.extui %eq3A_88 : i1 to i32
    %cond3A_90 = arith.constant 0 : i32
    %cond3A_91 = arith.cmpi ne, %convert_element_type3A_89, %cond3A_90 : i32
    scf.if %cond3A_91 {
      "tpu.region"() ({
        %run_scoped3A = tpu.sem_alloc : memref<!tpu.dma_semaphore, #tpu.memory_space<semaphore_mem>>
        %dma_start3A_92 = arith.constant 0 : i32
        %dma_start3A_93 = arith.constant 0 : i32
        %dma_start3A_94 = tpu.memref_slice %arg5[%arg0, %dma_start3A_92, %dma_start3A_93] : memref<2x10000x128xf32, #tpu.memory_space<hbm>> -> memref<1x10000x128xf32, #tpu.memory_space<hbm>>
        %dma_start3A_95 = tpu.memref_squeeze %dma_start3A_94 : memref<1x10000x128xf32, #tpu.memory_space<hbm>> -> memref<10000x128xf32, #tpu.memory_space<hbm>>
        %dma_start3A_96 = arith.constant 9600 : i32
        %dma_start3A_97 = arith.constant 0 : i32
        %dma_start3A_98 = tpu.memref_slice %dma_start3A_95[%dma_start3A_96, %dma_start3A_97] : memref<10000x128xf32, #tpu.memory_space<hbm>> -> memref<400x128xf32, #tpu.memory_space<hbm>>
        %dma_start3A_99 = arith.constant 9600 : i32
        %dma_start3A_100 = arith.constant 0 : i32
        %dma_start3A_101 = tpu.memref_slice %arg10[%dma_start3A_99, %dma_start3A_100] : memref<10000x128xf32, #tpu.memory_space<vmem_shared>> -> memref<400x128xf32, #tpu.memory_space<vmem_shared>>
        tpu.enqueue_dma source(%dma_start3A_101 : memref<400x128xf32, #tpu.memory_space<vmem_shared>>) target(%dma_start3A_98 : memref<400x128xf32, #tpu.memory_space<hbm>>) target_semaphore(%run_scoped3A : memref<!tpu.dma_semaphore, #tpu.memory_space<semaphore_mem>>)
        %dma_wait3A_102 = arith.constant 0 : i32
        %dma_wait3A_103 = arith.constant 0 : i32
        %dma_wait3A_104 = tpu.memref_slice %arg5[%arg0, %dma_wait3A_102, %dma_wait3A_103] : memref<2x10000x128xf32, #tpu.memory_space<hbm>> -> memref<1x10000x128xf32, #tpu.memory_space<hbm>>
        %dma_wait3A_105 = tpu.memref_squeeze %dma_wait3A_104 : memref<1x10000x128xf32, #tpu.memory_space<hbm>> -> memref<10000x128xf32, #tpu.memory_space<hbm>>
        %dma_wait3A_106 = arith.constant 9600 : i32
        %dma_wait3A_107 = arith.constant 0 : i32
        %dma_wait3A_108 = tpu.memref_slice %dma_wait3A_105[%dma_wait3A_106, %dma_wait3A_107] : memref<10000x128xf32, #tpu.memory_space<hbm>> -> memref<400x128xf32, #tpu.memory_space<hbm>>
        %dma_wait3A_109 = arith.constant 9600 : i32
        %dma_wait3A_110 = arith.constant 0 : i32
        %dma_wait3A_111 = tpu.memref_slice %arg10[%dma_wait3A_109, %dma_wait3A_110] : memref<10000x128xf32, #tpu.memory_space<vmem_shared>> -> memref<400x128xf32, #tpu.memory_space<vmem_shared>>
        tpu.wait_dma2 semaphore(%run_scoped3A : memref<!tpu.dma_semaphore, #tpu.memory_space<semaphore_mem>>) src(%dma_wait3A_111 : memref<400x128xf32, #tpu.memory_space<vmem_shared>>) dst(%dma_wait3A_108 : memref<400x128xf32, #tpu.memory_space<hbm>>)
        tpu.yield
      }) : () -> ()
    } else {
    }
    return
  }
}

#map = affine_map<(d0, d1) -> (0, 0)>
#map1 = affine_map<(d0, d1) -> (0, 0, 0)>
module attributes {stable_mosaic.version = 14 : i64} {
  func.func @sc_agg(%arg0: i32, %arg1: i32, %arg2: memref<10000x128xf32, #tpu.memory_space<hbm>>, %arg3: memref<32x10000xi32, #tpu.memory_space<hbm>>, %arg4: memref<32x125x80xi32, #tpu.memory_space<hbm>>, %arg5: memref<2x10000x128xf32, #tpu.memory_space<hbm>>, %arg6: memref<10000xi32, #tpu.memory_space<vmem>>, %arg7: memref<125x80xi32, #tpu.memory_space<vmem>>, %arg8: memref<80x128xf32, #tpu.memory_space<vmem>>, %arg9: memref<80x128xf32, #tpu.memory_space<vmem>>, %arg10: memref<10000x128xf32, #tpu.memory_space<vmem_shared>>, %arg11: memref<!tpu.dma_semaphore, #tpu.memory_space<semaphore_mem>>, %arg12: memref<!tpu.dma_semaphore, #tpu.memory_space<semaphore_mem>>, %arg13: memref<!tpu.dma_semaphore, #tpu.memory_space<semaphore_mem>>, %arg14: memref<!tpu.dma_semaphore, #tpu.memory_space<semaphore_mem>>) attributes {dimension_semantics = [#tpu.dimension_semantics<core_parallel>, #tpu.dimension_semantics<subcore_parallel>], iteration_bounds = array<i64: 2, 16>, scalar_prefetch = 0 : i64, scratch_operands = 9 : i64, tpu.core_type = #tpu.core_type<sc_vector_subcore>, window_params = [{transform_indices = #map}, {transform_indices = #map}, {transform_indices = #map1}, {transform_indices = #map1}]} {
    %mul3A = arith.constant 2 : i32
    %mul3A_0 = arith.muli %arg1, %mul3A : i32
    %add3A = arith.addi %mul3A_0, %arg0 : i32
    %lt3A = arith.constant 15 : i32
    %lt3A_1 = arith.cmpi slt, %arg1, %lt3A : i32
    %convert_element_type3A = arith.extui %lt3A_1 : i1 to i32
    %cond3A = arith.constant 0 : i32
    %cond3A_2 = arith.cmpi ne, %convert_element_type3A, %cond3A : i32
    scf.if %cond3A_2 {
      %mul3A_92 = arith.constant 640 : i32
      %mul3A_93 = arith.muli %arg1, %mul3A_92 : i32
      %mul3A_94 = arith.constant 640 : i32
      %mul3A_95 = arith.muli %arg1, %mul3A_94 : i32
      "tpu.region"() ({
        %run_scoped3A = tpu.sem_alloc : memref<!tpu.dma_semaphore, #tpu.memory_space<semaphore_mem>>
        %dma_start3A_96 = arith.constant 0 : i32
        %dma_start3A_97 = tpu.memref_slice %arg10[%mul3A_95, %dma_start3A_96] : memref<10000x128xf32, #tpu.memory_space<vmem_shared>> -> memref<640x128xf32, #tpu.memory_space<vmem_shared>>
        %dma_start3A_98 = arith.constant 0 : i32
        %dma_start3A_99 = tpu.memref_slice %arg2[%mul3A_93, %dma_start3A_98] : memref<10000x128xf32, #tpu.memory_space<hbm>> -> memref<640x128xf32, #tpu.memory_space<hbm>>
        tpu.enqueue_dma source(%dma_start3A_99 : memref<640x128xf32, #tpu.memory_space<hbm>>) target(%dma_start3A_97 : memref<640x128xf32, #tpu.memory_space<vmem_shared>>) target_semaphore(%run_scoped3A : memref<!tpu.dma_semaphore, #tpu.memory_space<semaphore_mem>>)
        %dma_wait3A_100 = arith.constant 0 : i32
        %dma_wait3A_101 = tpu.memref_slice %arg10[%mul3A_95, %dma_wait3A_100] : memref<10000x128xf32, #tpu.memory_space<vmem_shared>> -> memref<640x128xf32, #tpu.memory_space<vmem_shared>>
        %dma_wait3A_102 = arith.constant 0 : i32
        %dma_wait3A_103 = tpu.memref_slice %arg2[%mul3A_93, %dma_wait3A_102] : memref<10000x128xf32, #tpu.memory_space<hbm>> -> memref<640x128xf32, #tpu.memory_space<hbm>>
        tpu.wait_dma2 semaphore(%run_scoped3A : memref<!tpu.dma_semaphore, #tpu.memory_space<semaphore_mem>>) src(%dma_wait3A_103 : memref<640x128xf32, #tpu.memory_space<hbm>>) dst(%dma_wait3A_101 : memref<640x128xf32, #tpu.memory_space<vmem_shared>>)
        tpu.yield
      }) : () -> ()
    } else {
    }
    %eq3A = arith.constant 15 : i32
    %eq3A_3 = arith.cmpi eq, %arg1, %eq3A : i32
    %convert_element_type3A_4 = arith.extui %eq3A_3 : i1 to i32
    %cond3A_5 = arith.constant 0 : i32
    %cond3A_6 = arith.cmpi ne, %convert_element_type3A_4, %cond3A_5 : i32
    scf.if %cond3A_6 {
      "tpu.region"() ({
        %run_scoped3A = tpu.sem_alloc : memref<!tpu.dma_semaphore, #tpu.memory_space<semaphore_mem>>
        %dma_start3A_92 = arith.constant 9600 : i32
        %dma_start3A_93 = arith.constant 0 : i32
        %dma_start3A_94 = tpu.memref_slice %arg10[%dma_start3A_92, %dma_start3A_93] : memref<10000x128xf32, #tpu.memory_space<vmem_shared>> -> memref<400x128xf32, #tpu.memory_space<vmem_shared>>
        %dma_start3A_95 = arith.constant 9600 : i32
        %dma_start3A_96 = arith.constant 0 : i32
        %dma_start3A_97 = tpu.memref_slice %arg2[%dma_start3A_95, %dma_start3A_96] : memref<10000x128xf32, #tpu.memory_space<hbm>> -> memref<400x128xf32, #tpu.memory_space<hbm>>
        tpu.enqueue_dma source(%dma_start3A_97 : memref<400x128xf32, #tpu.memory_space<hbm>>) target(%dma_start3A_94 : memref<400x128xf32, #tpu.memory_space<vmem_shared>>) target_semaphore(%run_scoped3A : memref<!tpu.dma_semaphore, #tpu.memory_space<semaphore_mem>>)
        %dma_wait3A_98 = arith.constant 9600 : i32
        %dma_wait3A_99 = arith.constant 0 : i32
        %dma_wait3A_100 = tpu.memref_slice %arg10[%dma_wait3A_98, %dma_wait3A_99] : memref<10000x128xf32, #tpu.memory_space<vmem_shared>> -> memref<400x128xf32, #tpu.memory_space<vmem_shared>>
        %dma_wait3A_101 = arith.constant 9600 : i32
        %dma_wait3A_102 = arith.constant 0 : i32
        %dma_wait3A_103 = tpu.memref_slice %arg2[%dma_wait3A_101, %dma_wait3A_102] : memref<10000x128xf32, #tpu.memory_space<hbm>> -> memref<400x128xf32, #tpu.memory_space<hbm>>
        tpu.wait_dma2 semaphore(%run_scoped3A : memref<!tpu.dma_semaphore, #tpu.memory_space<semaphore_mem>>) src(%dma_wait3A_103 : memref<400x128xf32, #tpu.memory_space<hbm>>) dst(%dma_wait3A_100 : memref<400x128xf32, #tpu.memory_space<vmem_shared>>)
        tpu.yield
      }) : () -> ()
    } else {
    }
    "tpu.region"() ({
      %run_scoped3A = tpu.sem_alloc : memref<!tpu.dma_semaphore, #tpu.memory_space<semaphore_mem>>
      %dma_start3A_92 = arith.constant 0 : i32
      %dma_start3A_93 = tpu.memref_slice %arg3[%add3A, %dma_start3A_92] : memref<32x10000xi32, #tpu.memory_space<hbm>> -> memref<1x10000xi32, #tpu.memory_space<hbm>>
      %dma_start3A_94 = tpu.memref_squeeze %dma_start3A_93 : memref<1x10000xi32, #tpu.memory_space<hbm>> -> memref<10000xi32, #tpu.memory_space<hbm>>
      %dma_start3A_95 = arith.constant 0 : i32
      %dma_start3A_96 = tpu.memref_slice %arg3[%add3A, %dma_start3A_95] : memref<32x10000xi32, #tpu.memory_space<hbm>> -> memref<1x10000xi32, #tpu.memory_space<hbm>>
      %dma_start3A_97 = tpu.memref_squeeze %dma_start3A_96 : memref<1x10000xi32, #tpu.memory_space<hbm>> -> memref<10000xi32, #tpu.memory_space<hbm>>
      tpu.enqueue_dma source(%dma_start3A_97 : memref<10000xi32, #tpu.memory_space<hbm>>) target(%arg6 : memref<10000xi32, #tpu.memory_space<vmem>>) target_semaphore(%run_scoped3A : memref<!tpu.dma_semaphore, #tpu.memory_space<semaphore_mem>>)
      %dma_wait3A_98 = arith.constant 0 : i32
      %dma_wait3A_99 = tpu.memref_slice %arg3[%add3A, %dma_wait3A_98] : memref<32x10000xi32, #tpu.memory_space<hbm>> -> memref<1x10000xi32, #tpu.memory_space<hbm>>
      %dma_wait3A_100 = tpu.memref_squeeze %dma_wait3A_99 : memref<1x10000xi32, #tpu.memory_space<hbm>> -> memref<10000xi32, #tpu.memory_space<hbm>>
      %dma_wait3A_101 = arith.constant 0 : i32
      %dma_wait3A_102 = tpu.memref_slice %arg3[%add3A, %dma_wait3A_101] : memref<32x10000xi32, #tpu.memory_space<hbm>> -> memref<1x10000xi32, #tpu.memory_space<hbm>>
      %dma_wait3A_103 = tpu.memref_squeeze %dma_wait3A_102 : memref<1x10000xi32, #tpu.memory_space<hbm>> -> memref<10000xi32, #tpu.memory_space<hbm>>
      tpu.wait_dma2 semaphore(%run_scoped3A : memref<!tpu.dma_semaphore, #tpu.memory_space<semaphore_mem>>) src(%dma_wait3A_103 : memref<10000xi32, #tpu.memory_space<hbm>>) dst(%arg6 : memref<10000xi32, #tpu.memory_space<vmem>>)
      tpu.yield
    }) : () -> ()
    "tpu.region"() ({
      %run_scoped3A = tpu.sem_alloc : memref<!tpu.dma_semaphore, #tpu.memory_space<semaphore_mem>>
      %dma_start3A_92 = arith.constant 0 : i32
      %dma_start3A_93 = arith.constant 0 : i32
      %dma_start3A_94 = tpu.memref_slice %arg4[%add3A, %dma_start3A_92, %dma_start3A_93] : memref<32x125x80xi32, #tpu.memory_space<hbm>> -> memref<1x125x80xi32, #tpu.memory_space<hbm>>
      %dma_start3A_95 = tpu.memref_squeeze %dma_start3A_94 : memref<1x125x80xi32, #tpu.memory_space<hbm>> -> memref<125x80xi32, #tpu.memory_space<hbm>>
      %dma_start3A_96 = arith.constant 0 : i32
      %dma_start3A_97 = arith.constant 0 : i32
      %dma_start3A_98 = tpu.memref_slice %arg4[%add3A, %dma_start3A_96, %dma_start3A_97] : memref<32x125x80xi32, #tpu.memory_space<hbm>> -> memref<1x125x80xi32, #tpu.memory_space<hbm>>
      %dma_start3A_99 = tpu.memref_squeeze %dma_start3A_98 : memref<1x125x80xi32, #tpu.memory_space<hbm>> -> memref<125x80xi32, #tpu.memory_space<hbm>>
      tpu.enqueue_dma source(%dma_start3A_99 : memref<125x80xi32, #tpu.memory_space<hbm>>) target(%arg7 : memref<125x80xi32, #tpu.memory_space<vmem>>) target_semaphore(%run_scoped3A : memref<!tpu.dma_semaphore, #tpu.memory_space<semaphore_mem>>)
      %dma_wait3A_100 = arith.constant 0 : i32
      %dma_wait3A_101 = arith.constant 0 : i32
      %dma_wait3A_102 = tpu.memref_slice %arg4[%add3A, %dma_wait3A_100, %dma_wait3A_101] : memref<32x125x80xi32, #tpu.memory_space<hbm>> -> memref<1x125x80xi32, #tpu.memory_space<hbm>>
      %dma_wait3A_103 = tpu.memref_squeeze %dma_wait3A_102 : memref<1x125x80xi32, #tpu.memory_space<hbm>> -> memref<125x80xi32, #tpu.memory_space<hbm>>
      %dma_wait3A_104 = arith.constant 0 : i32
      %dma_wait3A_105 = arith.constant 0 : i32
      %dma_wait3A_106 = tpu.memref_slice %arg4[%add3A, %dma_wait3A_104, %dma_wait3A_105] : memref<32x125x80xi32, #tpu.memory_space<hbm>> -> memref<1x125x80xi32, #tpu.memory_space<hbm>>
      %dma_wait3A_107 = tpu.memref_squeeze %dma_wait3A_106 : memref<1x125x80xi32, #tpu.memory_space<hbm>> -> memref<125x80xi32, #tpu.memory_space<hbm>>
      tpu.wait_dma2 semaphore(%run_scoped3A : memref<!tpu.dma_semaphore, #tpu.memory_space<semaphore_mem>>) src(%dma_wait3A_107 : memref<125x80xi32, #tpu.memory_space<hbm>>) dst(%arg7 : memref<125x80xi32, #tpu.memory_space<vmem>>)
      tpu.yield
    }) : () -> ()
    %dma_start3A = arith.constant 0 : i32
    %dma_start3A_7 = tpu.memref_slice %arg6[%dma_start3A] : memref<10000xi32, #tpu.memory_space<vmem>> -> memref<80xi32, #tpu.memory_space<vmem>>
    %dma_start3A_8 = arith.constant 0 : i32
    %dma_start3A_9 = arith.constant 0 : i32
    %dma_start3A_10 = tpu.memref_slice %arg2[%dma_start3A_8, %dma_start3A_9] : memref<10000x128xf32, #tpu.memory_space<hbm>> -> memref<10000x128xf32, #tpu.memory_space<hbm>>
    tpu.enqueue_indirect_dma source(%dma_start3A_10 : memref<10000x128xf32, #tpu.memory_space<hbm>>) target(%arg8 : memref<80x128xf32, #tpu.memory_space<vmem>>) offsets(%dma_start3A_7 : memref<80xi32, #tpu.memory_space<vmem>>) semaphore(%arg11 : memref<!tpu.dma_semaphore, #tpu.memory_space<semaphore_mem>>)
    %dma_start3A_11 = arith.constant 80 : i32
    %dma_start3A_12 = tpu.memref_slice %arg6[%dma_start3A_11] : memref<10000xi32, #tpu.memory_space<vmem>> -> memref<80xi32, #tpu.memory_space<vmem>>
    %dma_start3A_13 = arith.constant 0 : i32
    %dma_start3A_14 = arith.constant 0 : i32
    %dma_start3A_15 = tpu.memref_slice %arg2[%dma_start3A_13, %dma_start3A_14] : memref<10000x128xf32, #tpu.memory_space<hbm>> -> memref<10000x128xf32, #tpu.memory_space<hbm>>
    tpu.enqueue_indirect_dma source(%dma_start3A_15 : memref<10000x128xf32, #tpu.memory_space<hbm>>) target(%arg9 : memref<80x128xf32, #tpu.memory_space<vmem>>) offsets(%dma_start3A_12 : memref<80xi32, #tpu.memory_space<vmem>>) semaphore(%arg12 : memref<!tpu.dma_semaphore, #tpu.memory_space<semaphore_mem>>)
    %barrier3A = arith.constant 0 : index
    tpu.barrier barrier_id(%barrier3A)
    %dma_wait3A = arith.constant 0 : i32
    %dma_wait3A_16 = tpu.memref_slice %arg6[%dma_wait3A] : memref<10000xi32, #tpu.memory_space<vmem>> -> memref<80xi32, #tpu.memory_space<vmem>>
    %dma_wait3A_17 = arith.constant 0 : i32
    %dma_wait3A_18 = arith.constant 0 : i32
    %dma_wait3A_19 = tpu.memref_slice %arg2[%dma_wait3A_17, %dma_wait3A_18] : memref<10000x128xf32, #tpu.memory_space<hbm>> -> memref<10000x128xf32, #tpu.memory_space<hbm>>
    tpu.wait_indirect_dma semaphore(%arg11 : memref<!tpu.dma_semaphore, #tpu.memory_space<semaphore_mem>>) src(%dma_wait3A_19 : memref<10000x128xf32, #tpu.memory_space<hbm>>) dst(%arg8 : memref<80x128xf32, #tpu.memory_space<vmem>>)
    %dma_start3A_20 = arith.constant 0 : i32
    %dma_start3A_21 = arith.constant 0 : i32
    %dma_start3A_22 = tpu.memref_slice %arg7[%dma_start3A_20, %dma_start3A_21] : memref<125x80xi32, #tpu.memory_space<vmem>> -> memref<1x80xi32, #tpu.memory_space<vmem>>
    %dma_start3A_23 = tpu.memref_squeeze %dma_start3A_22 : memref<1x80xi32, #tpu.memory_space<vmem>> -> memref<80xi32, #tpu.memory_space<vmem>>
    %dma_start3A_24 = arith.constant 0 : i32
    %dma_start3A_25 = arith.constant 0 : i32
    %dma_start3A_26 = tpu.memref_slice %arg10[%dma_start3A_24, %dma_start3A_25] : memref<10000x128xf32, #tpu.memory_space<vmem_shared>> -> memref<10000x128xf32, #tpu.memory_space<vmem_shared>>
    tpu.enqueue_indirect_dma source(%arg8 : memref<80x128xf32, #tpu.memory_space<vmem>>) target(%dma_start3A_26 : memref<10000x128xf32, #tpu.memory_space<vmem_shared>>) offsets(%dma_start3A_23 : memref<80xi32, #tpu.memory_space<vmem>>) semaphore(%arg13 : memref<!tpu.dma_semaphore, #tpu.memory_space<semaphore_mem>>) {add = true}
    %scan3A = arith.constant 0 : i32
    %scan3A_27 = arith.constant 61 : i32
    %scan3A_28 = arith.addi %scan3A, %scan3A_27 : i32
    %scan3A_29 = arith.constant 1 : i32
    scf.for %scan3A_92 = %scan3A to %scan3A_28 step %scan3A_29  : i32 {
      %mul3A_93 = arith.constant 2 : i32
      %mul3A_94 = arith.muli %scan3A_92, %mul3A_93 : i32
      %add3A_95 = arith.constant 1 : i32
      %add3A_96 = arith.addi %add3A_95, %mul3A_94 : i32
      %add3A_97 = arith.constant 0 : i32
      %add3A_98 = arith.addi %add3A_96, %add3A_97 : i32
      %mul3A_99 = arith.constant 80 : i32
      %mul3A_100 = arith.muli %add3A_98, %mul3A_99 : i32
      %dma_wait3A_101 = tpu.memref_slice %arg6[%mul3A_100] : memref<10000xi32, #tpu.memory_space<vmem>> -> memref<80xi32, #tpu.memory_space<vmem>>
      %dma_wait3A_102 = arith.constant 0 : i32
      %dma_wait3A_103 = arith.constant 0 : i32
      %dma_wait3A_104 = tpu.memref_slice %arg2[%dma_wait3A_102, %dma_wait3A_103] : memref<10000x128xf32, #tpu.memory_space<hbm>> -> memref<10000x128xf32, #tpu.memory_space<hbm>>
      tpu.wait_indirect_dma semaphore(%arg12 : memref<!tpu.dma_semaphore, #tpu.memory_space<semaphore_mem>>) src(%dma_wait3A_104 : memref<10000x128xf32, #tpu.memory_space<hbm>>) dst(%arg9 : memref<80x128xf32, #tpu.memory_space<vmem>>)
      %dma_start3A_105 = arith.constant 0 : i32
      %dma_start3A_106 = tpu.memref_slice %arg7[%add3A_98, %dma_start3A_105] : memref<125x80xi32, #tpu.memory_space<vmem>> -> memref<1x80xi32, #tpu.memory_space<vmem>>
      %dma_start3A_107 = tpu.memref_squeeze %dma_start3A_106 : memref<1x80xi32, #tpu.memory_space<vmem>> -> memref<80xi32, #tpu.memory_space<vmem>>
      %dma_start3A_108 = arith.constant 0 : i32
      %dma_start3A_109 = arith.constant 0 : i32
      %dma_start3A_110 = tpu.memref_slice %arg10[%dma_start3A_108, %dma_start3A_109] : memref<10000x128xf32, #tpu.memory_space<vmem_shared>> -> memref<10000x128xf32, #tpu.memory_space<vmem_shared>>
      tpu.enqueue_indirect_dma source(%arg9 : memref<80x128xf32, #tpu.memory_space<vmem>>) target(%dma_start3A_110 : memref<10000x128xf32, #tpu.memory_space<vmem_shared>>) offsets(%dma_start3A_107 : memref<80xi32, #tpu.memory_space<vmem>>) semaphore(%arg14 : memref<!tpu.dma_semaphore, #tpu.memory_space<semaphore_mem>>) {add = true}
      %sub3A = arith.constant 1 : i32
      %sub3A_111 = arith.subi %add3A_98, %sub3A : i32
      %dma_wait3A_112 = arith.constant 0 : i32
      %dma_wait3A_113 = tpu.memref_slice %arg7[%sub3A_111, %dma_wait3A_112] : memref<125x80xi32, #tpu.memory_space<vmem>> -> memref<1x80xi32, #tpu.memory_space<vmem>>
      %dma_wait3A_114 = tpu.memref_squeeze %dma_wait3A_113 : memref<1x80xi32, #tpu.memory_space<vmem>> -> memref<80xi32, #tpu.memory_space<vmem>>
      %dma_wait3A_115 = arith.constant 0 : i32
      %dma_wait3A_116 = arith.constant 0 : i32
      %dma_wait3A_117 = tpu.memref_slice %arg10[%dma_wait3A_115, %dma_wait3A_116] : memref<10000x128xf32, #tpu.memory_space<vmem_shared>> -> memref<10000x128xf32, #tpu.memory_space<vmem_shared>>
      tpu.wait_indirect_dma semaphore(%arg13 : memref<!tpu.dma_semaphore, #tpu.memory_space<semaphore_mem>>) src(%arg8 : memref<80x128xf32, #tpu.memory_space<vmem>>) dst(%dma_wait3A_117 : memref<10000x128xf32, #tpu.memory_space<vmem_shared>>)
      %add3A_118 = arith.constant 1 : i32
      %add3A_119 = arith.addi %add3A_98, %add3A_118 : i32
      %mul3A_120 = arith.constant 80 : i32
      %mul3A_121 = arith.muli %add3A_119, %mul3A_120 : i32
      %dma_start3A_122 = tpu.memref_slice %arg6[%mul3A_121] : memref<10000xi32, #tpu.memory_space<vmem>> -> memref<80xi32, #tpu.memory_space<vmem>>
      %dma_start3A_123 = arith.constant 0 : i32
      %dma_start3A_124 = arith.constant 0 : i32
      %dma_start3A_125 = tpu.memref_slice %arg2[%dma_start3A_123, %dma_start3A_124] : memref<10000x128xf32, #tpu.memory_space<hbm>> -> memref<10000x128xf32, #tpu.memory_space<hbm>>
      tpu.enqueue_indirect_dma source(%dma_start3A_125 : memref<10000x128xf32, #tpu.memory_space<hbm>>) target(%arg8 : memref<80x128xf32, #tpu.memory_space<vmem>>) offsets(%dma_start3A_122 : memref<80xi32, #tpu.memory_space<vmem>>) semaphore(%arg11 : memref<!tpu.dma_semaphore, #tpu.memory_space<semaphore_mem>>)
      %add3A_126 = arith.constant 1 : i32
      %add3A_127 = arith.addi %add3A_96, %add3A_126 : i32
      %mul3A_128 = arith.constant 80 : i32
      %mul3A_129 = arith.muli %add3A_127, %mul3A_128 : i32
      %dma_wait3A_130 = tpu.memref_slice %arg6[%mul3A_129] : memref<10000xi32, #tpu.memory_space<vmem>> -> memref<80xi32, #tpu.memory_space<vmem>>
      %dma_wait3A_131 = arith.constant 0 : i32
      %dma_wait3A_132 = arith.constant 0 : i32
      %dma_wait3A_133 = tpu.memref_slice %arg2[%dma_wait3A_131, %dma_wait3A_132] : memref<10000x128xf32, #tpu.memory_space<hbm>> -> memref<10000x128xf32, #tpu.memory_space<hbm>>
      tpu.wait_indirect_dma semaphore(%arg11 : memref<!tpu.dma_semaphore, #tpu.memory_space<semaphore_mem>>) src(%dma_wait3A_133 : memref<10000x128xf32, #tpu.memory_space<hbm>>) dst(%arg8 : memref<80x128xf32, #tpu.memory_space<vmem>>)
      %dma_start3A_134 = arith.constant 0 : i32
      %dma_start3A_135 = tpu.memref_slice %arg7[%add3A_127, %dma_start3A_134] : memref<125x80xi32, #tpu.memory_space<vmem>> -> memref<1x80xi32, #tpu.memory_space<vmem>>
      %dma_start3A_136 = tpu.memref_squeeze %dma_start3A_135 : memref<1x80xi32, #tpu.memory_space<vmem>> -> memref<80xi32, #tpu.memory_space<vmem>>
      %dma_start3A_137 = arith.constant 0 : i32
      %dma_start3A_138 = arith.constant 0 : i32
      %dma_start3A_139 = tpu.memref_slice %arg10[%dma_start3A_137, %dma_start3A_138] : memref<10000x128xf32, #tpu.memory_space<vmem_shared>> -> memref<10000x128xf32, #tpu.memory_space<vmem_shared>>
      tpu.enqueue_indirect_dma source(%arg8 : memref<80x128xf32, #tpu.memory_space<vmem>>) target(%dma_start3A_139 : memref<10000x128xf32, #tpu.memory_space<vmem_shared>>) offsets(%dma_start3A_136 : memref<80xi32, #tpu.memory_space<vmem>>) semaphore(%arg13 : memref<!tpu.dma_semaphore, #tpu.memory_space<semaphore_mem>>) {add = true}
      %sub3A_140 = arith.constant 1 : i32
      %sub3A_141 = arith.subi %add3A_127, %sub3A_140 : i32
      %dma_wait3A_142 = arith.constant 0 : i32
      %dma_wait3A_143 = tpu.memref_slice %arg7[%sub3A_141, %dma_wait3A_142] : memref<125x80xi32, #tpu.memory_space<vmem>> -> memref<1x80xi32, #tpu.memory_space<vmem>>
      %dma_wait3A_144 = tpu.memref_squeeze %dma_wait3A_143 : memref<1x80xi32, #tpu.memory_space<vmem>> -> memref<80xi32, #tpu.memory_space<vmem>>
      %dma_wait3A_145 = arith.constant 0 : i32
      %dma_wait3A_146 = arith.constant 0 : i32
      %dma_wait3A_147 = tpu.memref_slice %arg10[%dma_wait3A_145, %dma_wait3A_146] : memref<10000x128xf32, #tpu.memory_space<vmem_shared>> -> memref<10000x128xf32, #tpu.memory_space<vmem_shared>>
      tpu.wait_indirect_dma semaphore(%arg14 : memref<!tpu.dma_semaphore, #tpu.memory_space<semaphore_mem>>) src(%arg9 : memref<80x128xf32, #tpu.memory_space<vmem>>) dst(%dma_wait3A_147 : memref<10000x128xf32, #tpu.memory_space<vmem_shared>>)
      %add3A_148 = arith.constant 1 : i32
      %add3A_149 = arith.addi %add3A_127, %add3A_148 : i32
      %mul3A_150 = arith.constant 80 : i32
      %mul3A_151 = arith.muli %add3A_149, %mul3A_150 : i32
      %dma_start3A_152 = tpu.memref_slice %arg6[%mul3A_151] : memref<10000xi32, #tpu.memory_space<vmem>> -> memref<80xi32, #tpu.memory_space<vmem>>
      %dma_start3A_153 = arith.constant 0 : i32
      %dma_start3A_154 = arith.constant 0 : i32
      %dma_start3A_155 = tpu.memref_slice %arg2[%dma_start3A_153, %dma_start3A_154] : memref<10000x128xf32, #tpu.memory_space<hbm>> -> memref<10000x128xf32, #tpu.memory_space<hbm>>
      tpu.enqueue_indirect_dma source(%dma_start3A_155 : memref<10000x128xf32, #tpu.memory_space<hbm>>) target(%arg9 : memref<80x128xf32, #tpu.memory_space<vmem>>) offsets(%dma_start3A_152 : memref<80xi32, #tpu.memory_space<vmem>>) semaphore(%arg12 : memref<!tpu.dma_semaphore, #tpu.memory_space<semaphore_mem>>)
    }
    %scan3A_30 = arith.constant 61 : i32
    %dma_wait3A_31 = arith.constant 9840 : i32
    %dma_wait3A_32 = tpu.memref_slice %arg6[%dma_wait3A_31] : memref<10000xi32, #tpu.memory_space<vmem>> -> memref<80xi32, #tpu.memory_space<vmem>>
    %dma_wait3A_33 = arith.constant 0 : i32
    %dma_wait3A_34 = arith.constant 0 : i32
    %dma_wait3A_35 = tpu.memref_slice %arg2[%dma_wait3A_33, %dma_wait3A_34] : memref<10000x128xf32, #tpu.memory_space<hbm>> -> memref<10000x128xf32, #tpu.memory_space<hbm>>
    tpu.wait_indirect_dma semaphore(%arg12 : memref<!tpu.dma_semaphore, #tpu.memory_space<semaphore_mem>>) src(%dma_wait3A_35 : memref<10000x128xf32, #tpu.memory_space<hbm>>) dst(%arg9 : memref<80x128xf32, #tpu.memory_space<vmem>>)
    %dma_start3A_36 = arith.constant 123 : i32
    %dma_start3A_37 = arith.constant 0 : i32
    %dma_start3A_38 = tpu.memref_slice %arg7[%dma_start3A_36, %dma_start3A_37] : memref<125x80xi32, #tpu.memory_space<vmem>> -> memref<1x80xi32, #tpu.memory_space<vmem>>
    %dma_start3A_39 = tpu.memref_squeeze %dma_start3A_38 : memref<1x80xi32, #tpu.memory_space<vmem>> -> memref<80xi32, #tpu.memory_space<vmem>>
    %dma_start3A_40 = arith.constant 0 : i32
    %dma_start3A_41 = arith.constant 0 : i32
    %dma_start3A_42 = tpu.memref_slice %arg10[%dma_start3A_40, %dma_start3A_41] : memref<10000x128xf32, #tpu.memory_space<vmem_shared>> -> memref<10000x128xf32, #tpu.memory_space<vmem_shared>>
    tpu.enqueue_indirect_dma source(%arg9 : memref<80x128xf32, #tpu.memory_space<vmem>>) target(%dma_start3A_42 : memref<10000x128xf32, #tpu.memory_space<vmem_shared>>) offsets(%dma_start3A_39 : memref<80xi32, #tpu.memory_space<vmem>>) semaphore(%arg14 : memref<!tpu.dma_semaphore, #tpu.memory_space<semaphore_mem>>) {add = true}
    %dma_wait3A_43 = arith.constant 122 : i32
    %dma_wait3A_44 = arith.constant 0 : i32
    %dma_wait3A_45 = tpu.memref_slice %arg7[%dma_wait3A_43, %dma_wait3A_44] : memref<125x80xi32, #tpu.memory_space<vmem>> -> memref<1x80xi32, #tpu.memory_space<vmem>>
    %dma_wait3A_46 = tpu.memref_squeeze %dma_wait3A_45 : memref<1x80xi32, #tpu.memory_space<vmem>> -> memref<80xi32, #tpu.memory_space<vmem>>
    %dma_wait3A_47 = arith.constant 0 : i32
    %dma_wait3A_48 = arith.constant 0 : i32
    %dma_wait3A_49 = tpu.memref_slice %arg10[%dma_wait3A_47, %dma_wait3A_48] : memref<10000x128xf32, #tpu.memory_space<vmem_shared>> -> memref<10000x128xf32, #tpu.memory_space<vmem_shared>>
    tpu.wait_indirect_dma semaphore(%arg13 : memref<!tpu.dma_semaphore, #tpu.memory_space<semaphore_mem>>) src(%arg8 : memref<80x128xf32, #tpu.memory_space<vmem>>) dst(%dma_wait3A_49 : memref<10000x128xf32, #tpu.memory_space<vmem_shared>>)
    %dma_start3A_50 = arith.constant 9920 : i32
    %dma_start3A_51 = tpu.memref_slice %arg6[%dma_start3A_50] : memref<10000xi32, #tpu.memory_space<vmem>> -> memref<80xi32, #tpu.memory_space<vmem>>
    %dma_start3A_52 = arith.constant 0 : i32
    %dma_start3A_53 = arith.constant 0 : i32
    %dma_start3A_54 = tpu.memref_slice %arg2[%dma_start3A_52, %dma_start3A_53] : memref<10000x128xf32, #tpu.memory_space<hbm>> -> memref<10000x128xf32, #tpu.memory_space<hbm>>
    tpu.enqueue_indirect_dma source(%dma_start3A_54 : memref<10000x128xf32, #tpu.memory_space<hbm>>) target(%arg8 : memref<80x128xf32, #tpu.memory_space<vmem>>) offsets(%dma_start3A_51 : memref<80xi32, #tpu.memory_space<vmem>>) semaphore(%arg11 : memref<!tpu.dma_semaphore, #tpu.memory_space<semaphore_mem>>)
    %dma_wait3A_55 = arith.constant 9920 : i32
    %dma_wait3A_56 = tpu.memref_slice %arg6[%dma_wait3A_55] : memref<10000xi32, #tpu.memory_space<vmem>> -> memref<80xi32, #tpu.memory_space<vmem>>
    %dma_wait3A_57 = arith.constant 0 : i32
    %dma_wait3A_58 = arith.constant 0 : i32
    %dma_wait3A_59 = tpu.memref_slice %arg2[%dma_wait3A_57, %dma_wait3A_58] : memref<10000x128xf32, #tpu.memory_space<hbm>> -> memref<10000x128xf32, #tpu.memory_space<hbm>>
    tpu.wait_indirect_dma semaphore(%arg11 : memref<!tpu.dma_semaphore, #tpu.memory_space<semaphore_mem>>) src(%dma_wait3A_59 : memref<10000x128xf32, #tpu.memory_space<hbm>>) dst(%arg8 : memref<80x128xf32, #tpu.memory_space<vmem>>)
    %dma_start3A_60 = arith.constant 124 : i32
    %dma_start3A_61 = arith.constant 0 : i32
    %dma_start3A_62 = tpu.memref_slice %arg7[%dma_start3A_60, %dma_start3A_61] : memref<125x80xi32, #tpu.memory_space<vmem>> -> memref<1x80xi32, #tpu.memory_space<vmem>>
    %dma_start3A_63 = tpu.memref_squeeze %dma_start3A_62 : memref<1x80xi32, #tpu.memory_space<vmem>> -> memref<80xi32, #tpu.memory_space<vmem>>
    %dma_start3A_64 = arith.constant 0 : i32
    %dma_start3A_65 = arith.constant 0 : i32
    %dma_start3A_66 = tpu.memref_slice %arg10[%dma_start3A_64, %dma_start3A_65] : memref<10000x128xf32, #tpu.memory_space<vmem_shared>> -> memref<10000x128xf32, #tpu.memory_space<vmem_shared>>
    tpu.enqueue_indirect_dma source(%arg8 : memref<80x128xf32, #tpu.memory_space<vmem>>) target(%dma_start3A_66 : memref<10000x128xf32, #tpu.memory_space<vmem_shared>>) offsets(%dma_start3A_63 : memref<80xi32, #tpu.memory_space<vmem>>) semaphore(%arg13 : memref<!tpu.dma_semaphore, #tpu.memory_space<semaphore_mem>>) {add = true}
    %dma_wait3A_67 = arith.constant 123 : i32
    %dma_wait3A_68 = arith.constant 0 : i32
    %dma_wait3A_69 = tpu.memref_slice %arg7[%dma_wait3A_67, %dma_wait3A_68] : memref<125x80xi32, #tpu.memory_space<vmem>> -> memref<1x80xi32, #tpu.memory_space<vmem>>
    %dma_wait3A_70 = tpu.memref_squeeze %dma_wait3A_69 : memref<1x80xi32, #tpu.memory_space<vmem>> -> memref<80xi32, #tpu.memory_space<vmem>>
    %dma_wait3A_71 = arith.constant 0 : i32
    %dma_wait3A_72 = arith.constant 0 : i32
    %dma_wait3A_73 = tpu.memref_slice %arg10[%dma_wait3A_71, %dma_wait3A_72] : memref<10000x128xf32, #tpu.memory_space<vmem_shared>> -> memref<10000x128xf32, #tpu.memory_space<vmem_shared>>
    tpu.wait_indirect_dma semaphore(%arg14 : memref<!tpu.dma_semaphore, #tpu.memory_space<semaphore_mem>>) src(%arg9 : memref<80x128xf32, #tpu.memory_space<vmem>>) dst(%dma_wait3A_73 : memref<10000x128xf32, #tpu.memory_space<vmem_shared>>)
    %dma_wait3A_74 = arith.constant 124 : i32
    %dma_wait3A_75 = arith.constant 0 : i32
    %dma_wait3A_76 = tpu.memref_slice %arg7[%dma_wait3A_74, %dma_wait3A_75] : memref<125x80xi32, #tpu.memory_space<vmem>> -> memref<1x80xi32, #tpu.memory_space<vmem>>
    %dma_wait3A_77 = tpu.memref_squeeze %dma_wait3A_76 : memref<1x80xi32, #tpu.memory_space<vmem>> -> memref<80xi32, #tpu.memory_space<vmem>>
    %dma_wait3A_78 = arith.constant 0 : i32
    %dma_wait3A_79 = arith.constant 0 : i32
    %dma_wait3A_80 = tpu.memref_slice %arg10[%dma_wait3A_78, %dma_wait3A_79] : memref<10000x128xf32, #tpu.memory_space<vmem_shared>> -> memref<10000x128xf32, #tpu.memory_space<vmem_shared>>
    tpu.wait_indirect_dma semaphore(%arg13 : memref<!tpu.dma_semaphore, #tpu.memory_space<semaphore_mem>>) src(%arg8 : memref<80x128xf32, #tpu.memory_space<vmem>>) dst(%dma_wait3A_80 : memref<10000x128xf32, #tpu.memory_space<vmem_shared>>)
    %barrier3A_81 = arith.constant 0 : index
    tpu.barrier barrier_id(%barrier3A_81)
    %lt3A_82 = arith.constant 15 : i32
    %lt3A_83 = arith.cmpi slt, %arg1, %lt3A_82 : i32
    %convert_element_type3A_84 = arith.extui %lt3A_83 : i1 to i32
    %cond3A_85 = arith.constant 0 : i32
    %cond3A_86 = arith.cmpi ne, %convert_element_type3A_84, %cond3A_85 : i32
    scf.if %cond3A_86 {
      %mul3A_92 = arith.constant 640 : i32
      %mul3A_93 = arith.muli %arg1, %mul3A_92 : i32
      %mul3A_94 = arith.constant 640 : i32
      %mul3A_95 = arith.muli %arg1, %mul3A_94 : i32
      "tpu.region"() ({
        %run_scoped3A = tpu.sem_alloc : memref<!tpu.dma_semaphore, #tpu.memory_space<semaphore_mem>>
        %dma_start3A_96 = arith.constant 0 : i32
        %dma_start3A_97 = arith.constant 0 : i32
        %dma_start3A_98 = tpu.memref_slice %arg5[%arg0, %dma_start3A_96, %dma_start3A_97] : memref<2x10000x128xf32, #tpu.memory_space<hbm>> -> memref<1x10000x128xf32, #tpu.memory_space<hbm>>
        %dma_start3A_99 = tpu.memref_squeeze %dma_start3A_98 : memref<1x10000x128xf32, #tpu.memory_space<hbm>> -> memref<10000x128xf32, #tpu.memory_space<hbm>>
        %dma_start3A_100 = arith.constant 0 : i32
        %dma_start3A_101 = tpu.memref_slice %dma_start3A_99[%mul3A_95, %dma_start3A_100] : memref<10000x128xf32, #tpu.memory_space<hbm>> -> memref<640x128xf32, #tpu.memory_space<hbm>>
        %dma_start3A_102 = arith.constant 0 : i32
        %dma_start3A_103 = tpu.memref_slice %arg10[%mul3A_93, %dma_start3A_102] : memref<10000x128xf32, #tpu.memory_space<vmem_shared>> -> memref<640x128xf32, #tpu.memory_space<vmem_shared>>
        tpu.enqueue_dma source(%dma_start3A_103 : memref<640x128xf32, #tpu.memory_space<vmem_shared>>) target(%dma_start3A_101 : memref<640x128xf32, #tpu.memory_space<hbm>>) target_semaphore(%run_scoped3A : memref<!tpu.dma_semaphore, #tpu.memory_space<semaphore_mem>>)
        %dma_wait3A_104 = arith.constant 0 : i32
        %dma_wait3A_105 = arith.constant 0 : i32
        %dma_wait3A_106 = tpu.memref_slice %arg5[%arg0, %dma_wait3A_104, %dma_wait3A_105] : memref<2x10000x128xf32, #tpu.memory_space<hbm>> -> memref<1x10000x128xf32, #tpu.memory_space<hbm>>
        %dma_wait3A_107 = tpu.memref_squeeze %dma_wait3A_106 : memref<1x10000x128xf32, #tpu.memory_space<hbm>> -> memref<10000x128xf32, #tpu.memory_space<hbm>>
        %dma_wait3A_108 = arith.constant 0 : i32
        %dma_wait3A_109 = tpu.memref_slice %dma_wait3A_107[%mul3A_95, %dma_wait3A_108] : memref<10000x128xf32, #tpu.memory_space<hbm>> -> memref<640x128xf32, #tpu.memory_space<hbm>>
        %dma_wait3A_110 = arith.constant 0 : i32
        %dma_wait3A_111 = tpu.memref_slice %arg10[%mul3A_93, %dma_wait3A_110] : memref<10000x128xf32, #tpu.memory_space<vmem_shared>> -> memref<640x128xf32, #tpu.memory_space<vmem_shared>>
        tpu.wait_dma2 semaphore(%run_scoped3A : memref<!tpu.dma_semaphore, #tpu.memory_space<semaphore_mem>>) src(%dma_wait3A_111 : memref<640x128xf32, #tpu.memory_space<vmem_shared>>) dst(%dma_wait3A_109 : memref<640x128xf32, #tpu.memory_space<hbm>>)
        tpu.yield
      }) : () -> ()
    } else {
    }
    %eq3A_87 = arith.constant 15 : i32
    %eq3A_88 = arith.cmpi eq, %arg1, %eq3A_87 : i32
    %convert_element_type3A_89 = arith.extui %eq3A_88 : i1 to i32
    %cond3A_90 = arith.constant 0 : i32
    %cond3A_91 = arith.cmpi ne, %convert_element_type3A_89, %cond3A_90 : i32
    scf.if %cond3A_91 {
      "tpu.region"() ({
        %run_scoped3A = tpu.sem_alloc : memref<!tpu.dma_semaphore, #tpu.memory_space<semaphore_mem>>
        %dma_start3A_92 = arith.constant 0 : i32
        %dma_start3A_93 = arith.constant 0 : i32
        %dma_start3A_94 = tpu.memref_slice %arg5[%arg0, %dma_start3A_92, %dma_start3A_93] : memref<2x10000x128xf32, #tpu.memory_space<hbm>> -> memref<1x10000x128xf32, #tpu.memory_space<hbm>>
        %dma_start3A_95 = tpu.memref_squeeze %dma_start3A_94 : memref<1x10000x128xf32, #tpu.memory_space<hbm>> -> memref<10000x128xf32, #tpu.memory_space<hbm>>
        %dma_start3A_96 = arith.constant 9600 : i32
        %dma_start3A_97 = arith.constant 0 : i32
        %dma_start3A_98 = tpu.memref_slice %dma_start3A_95[%dma_start3A_96, %dma_start3A_97] : memref<10000x128xf32, #tpu.memory_space<hbm>> -> memref<400x128xf32, #tpu.memory_space<hbm>>
        %dma_start3A_99 = arith.constant 9600 : i32
        %dma_start3A_100 = arith.constant 0 : i32
        %dma_start3A_101 = tpu.memref_slice %arg10[%dma_start3A_99, %dma_start3A_100] : memref<10000x128xf32, #tpu.memory_space<vmem_shared>> -> memref<400x128xf32, #tpu.memory_space<vmem_shared>>
        tpu.enqueue_dma source(%dma_start3A_101 : memref<400x128xf32, #tpu.memory_space<vmem_shared>>) target(%dma_start3A_98 : memref<400x128xf32, #tpu.memory_space<hbm>>) target_semaphore(%run_scoped3A : memref<!tpu.dma_semaphore, #tpu.memory_space<semaphore_mem>>)
        %dma_wait3A_102 = arith.constant 0 : i32
        %dma_wait3A_103 = arith.constant 0 : i32
        %dma_wait3A_104 = tpu.memref_slice %arg5[%arg0, %dma_wait3A_102, %dma_wait3A_103] : memref<2x10000x128xf32, #tpu.memory_space<hbm>> -> memref<1x10000x128xf32, #tpu.memory_space<hbm>>
        %dma_wait3A_105 = tpu.memref_squeeze %dma_wait3A_104 : memref<1x10000x128xf32, #tpu.memory_space<hbm>> -> memref<10000x128xf32, #tpu.memory_space<hbm>>
        %dma_wait3A_106 = arith.constant 9600 : i32
        %dma_wait3A_107 = arith.constant 0 : i32
        %dma_wait3A_108 = tpu.memref_slice %dma_wait3A_105[%dma_wait3A_106, %dma_wait3A_107] : memref<10000x128xf32, #tpu.memory_space<hbm>> -> memref<400x128xf32, #tpu.memory_space<hbm>>
        %dma_wait3A_109 = arith.constant 9600 : i32
        %dma_wait3A_110 = arith.constant 0 : i32
        %dma_wait3A_111 = tpu.memref_slice %arg10[%dma_wait3A_109, %dma_wait3A_110] : memref<10000x128xf32, #tpu.memory_space<vmem_shared>> -> memref<400x128xf32, #tpu.memory_space<vmem_shared>>
        tpu.wait_dma2 semaphore(%run_scoped3A : memref<!tpu.dma_semaphore, #tpu.memory_space<semaphore_mem>>) src(%dma_wait3A_111 : memref<400x128xf32, #tpu.memory_space<vmem_shared>>) dst(%dma_wait3A_108 : memref<400x128xf32, #tpu.memory_space<hbm>>)
        tpu.yield
      }) : () -> ()
    } else {
    }
    return
  }
}

#map = affine_map<(d0, d1) -> (0, 0)>
#map1 = affine_map<(d0, d1) -> (0, 0, 0)>
module attributes {stable_mosaic.version = 14 : i64} {
  func.func @sc_agg(%arg0: i32, %arg1: i32, %arg2: memref<10000x128xf32, #tpu.memory_space<hbm>>, %arg3: memref<32x10000xi32, #tpu.memory_space<hbm>>, %arg4: memref<32x125x80xi32, #tpu.memory_space<hbm>>, %arg5: memref<2x10000x128xf32, #tpu.memory_space<hbm>>, %arg6: memref<10000xi32, #tpu.memory_space<vmem>>, %arg7: memref<125x80xi32, #tpu.memory_space<vmem>>, %arg8: memref<80x128xf32, #tpu.memory_space<vmem>>, %arg9: memref<80x128xf32, #tpu.memory_space<vmem>>, %arg10: memref<10000x128xf32, #tpu.memory_space<vmem_shared>>, %arg11: memref<!tpu.dma_semaphore, #tpu.memory_space<semaphore_mem>>, %arg12: memref<!tpu.dma_semaphore, #tpu.memory_space<semaphore_mem>>, %arg13: memref<!tpu.dma_semaphore, #tpu.memory_space<semaphore_mem>>, %arg14: memref<!tpu.dma_semaphore, #tpu.memory_space<semaphore_mem>>) attributes {dimension_semantics = [#tpu.dimension_semantics<core_parallel>, #tpu.dimension_semantics<subcore_parallel>], iteration_bounds = array<i64: 2, 16>, scalar_prefetch = 0 : i64, scratch_operands = 9 : i64, tpu.core_type = #tpu.core_type<sc_vector_subcore>, window_params = [{transform_indices = #map}, {transform_indices = #map}, {transform_indices = #map1}, {transform_indices = #map1}]} {
    %mul3A = arith.constant 2 : i32
    %mul3A_0 = arith.muli %arg1, %mul3A : i32
    %add3A = arith.addi %mul3A_0, %arg0 : i32
    %lt3A = arith.constant 15 : i32
    %lt3A_1 = arith.cmpi slt, %arg1, %lt3A : i32
    %convert_element_type3A = arith.extui %lt3A_1 : i1 to i32
    %cond3A = arith.constant 0 : i32
    %cond3A_2 = arith.cmpi ne, %convert_element_type3A, %cond3A : i32
    scf.if %cond3A_2 {
      %mul3A_92 = arith.constant 640 : i32
      %mul3A_93 = arith.muli %arg1, %mul3A_92 : i32
      %mul3A_94 = arith.constant 640 : i32
      %mul3A_95 = arith.muli %arg1, %mul3A_94 : i32
      "tpu.region"() ({
        %run_scoped3A = tpu.sem_alloc : memref<!tpu.dma_semaphore, #tpu.memory_space<semaphore_mem>>
        %dma_start3A_96 = arith.constant 0 : i32
        %dma_start3A_97 = tpu.memref_slice %arg10[%mul3A_95, %dma_start3A_96] : memref<10000x128xf32, #tpu.memory_space<vmem_shared>> -> memref<640x128xf32, #tpu.memory_space<vmem_shared>>
        %dma_start3A_98 = arith.constant 0 : i32
        %dma_start3A_99 = tpu.memref_slice %arg2[%mul3A_93, %dma_start3A_98] : memref<10000x128xf32, #tpu.memory_space<hbm>> -> memref<640x128xf32, #tpu.memory_space<hbm>>
        tpu.enqueue_dma source(%dma_start3A_99 : memref<640x128xf32, #tpu.memory_space<hbm>>) target(%dma_start3A_97 : memref<640x128xf32, #tpu.memory_space<vmem_shared>>) target_semaphore(%run_scoped3A : memref<!tpu.dma_semaphore, #tpu.memory_space<semaphore_mem>>)
        %dma_wait3A_100 = arith.constant 0 : i32
        %dma_wait3A_101 = tpu.memref_slice %arg10[%mul3A_95, %dma_wait3A_100] : memref<10000x128xf32, #tpu.memory_space<vmem_shared>> -> memref<640x128xf32, #tpu.memory_space<vmem_shared>>
        %dma_wait3A_102 = arith.constant 0 : i32
        %dma_wait3A_103 = tpu.memref_slice %arg2[%mul3A_93, %dma_wait3A_102] : memref<10000x128xf32, #tpu.memory_space<hbm>> -> memref<640x128xf32, #tpu.memory_space<hbm>>
        tpu.wait_dma2 semaphore(%run_scoped3A : memref<!tpu.dma_semaphore, #tpu.memory_space<semaphore_mem>>) src(%dma_wait3A_103 : memref<640x128xf32, #tpu.memory_space<hbm>>) dst(%dma_wait3A_101 : memref<640x128xf32, #tpu.memory_space<vmem_shared>>)
        tpu.yield
      }) : () -> ()
    } else {
    }
    %eq3A = arith.constant 15 : i32
    %eq3A_3 = arith.cmpi eq, %arg1, %eq3A : i32
    %convert_element_type3A_4 = arith.extui %eq3A_3 : i1 to i32
    %cond3A_5 = arith.constant 0 : i32
    %cond3A_6 = arith.cmpi ne, %convert_element_type3A_4, %cond3A_5 : i32
    scf.if %cond3A_6 {
      "tpu.region"() ({
        %run_scoped3A = tpu.sem_alloc : memref<!tpu.dma_semaphore, #tpu.memory_space<semaphore_mem>>
        %dma_start3A_92 = arith.constant 9600 : i32
        %dma_start3A_93 = arith.constant 0 : i32
        %dma_start3A_94 = tpu.memref_slice %arg10[%dma_start3A_92, %dma_start3A_93] : memref<10000x128xf32, #tpu.memory_space<vmem_shared>> -> memref<400x128xf32, #tpu.memory_space<vmem_shared>>
        %dma_start3A_95 = arith.constant 9600 : i32
        %dma_start3A_96 = arith.constant 0 : i32
        %dma_start3A_97 = tpu.memref_slice %arg2[%dma_start3A_95, %dma_start3A_96] : memref<10000x128xf32, #tpu.memory_space<hbm>> -> memref<400x128xf32, #tpu.memory_space<hbm>>
        tpu.enqueue_dma source(%dma_start3A_97 : memref<400x128xf32, #tpu.memory_space<hbm>>) target(%dma_start3A_94 : memref<400x128xf32, #tpu.memory_space<vmem_shared>>) target_semaphore(%run_scoped3A : memref<!tpu.dma_semaphore, #tpu.memory_space<semaphore_mem>>)
        %dma_wait3A_98 = arith.constant 9600 : i32
        %dma_wait3A_99 = arith.constant 0 : i32
        %dma_wait3A_100 = tpu.memref_slice %arg10[%dma_wait3A_98, %dma_wait3A_99] : memref<10000x128xf32, #tpu.memory_space<vmem_shared>> -> memref<400x128xf32, #tpu.memory_space<vmem_shared>>
        %dma_wait3A_101 = arith.constant 9600 : i32
        %dma_wait3A_102 = arith.constant 0 : i32
        %dma_wait3A_103 = tpu.memref_slice %arg2[%dma_wait3A_101, %dma_wait3A_102] : memref<10000x128xf32, #tpu.memory_space<hbm>> -> memref<400x128xf32, #tpu.memory_space<hbm>>
        tpu.wait_dma2 semaphore(%run_scoped3A : memref<!tpu.dma_semaphore, #tpu.memory_space<semaphore_mem>>) src(%dma_wait3A_103 : memref<400x128xf32, #tpu.memory_space<hbm>>) dst(%dma_wait3A_100 : memref<400x128xf32, #tpu.memory_space<vmem_shared>>)
        tpu.yield
      }) : () -> ()
    } else {
    }
    "tpu.region"() ({
      %run_scoped3A = tpu.sem_alloc : memref<!tpu.dma_semaphore, #tpu.memory_space<semaphore_mem>>
      %dma_start3A_92 = arith.constant 0 : i32
      %dma_start3A_93 = tpu.memref_slice %arg3[%add3A, %dma_start3A_92] : memref<32x10000xi32, #tpu.memory_space<hbm>> -> memref<1x10000xi32, #tpu.memory_space<hbm>>
      %dma_start3A_94 = tpu.memref_squeeze %dma_start3A_93 : memref<1x10000xi32, #tpu.memory_space<hbm>> -> memref<10000xi32, #tpu.memory_space<hbm>>
      %dma_start3A_95 = arith.constant 0 : i32
      %dma_start3A_96 = tpu.memref_slice %arg3[%add3A, %dma_start3A_95] : memref<32x10000xi32, #tpu.memory_space<hbm>> -> memref<1x10000xi32, #tpu.memory_space<hbm>>
      %dma_start3A_97 = tpu.memref_squeeze %dma_start3A_96 : memref<1x10000xi32, #tpu.memory_space<hbm>> -> memref<10000xi32, #tpu.memory_space<hbm>>
      tpu.enqueue_dma source(%dma_start3A_97 : memref<10000xi32, #tpu.memory_space<hbm>>) target(%arg6 : memref<10000xi32, #tpu.memory_space<vmem>>) target_semaphore(%run_scoped3A : memref<!tpu.dma_semaphore, #tpu.memory_space<semaphore_mem>>)
      %dma_wait3A_98 = arith.constant 0 : i32
      %dma_wait3A_99 = tpu.memref_slice %arg3[%add3A, %dma_wait3A_98] : memref<32x10000xi32, #tpu.memory_space<hbm>> -> memref<1x10000xi32, #tpu.memory_space<hbm>>
      %dma_wait3A_100 = tpu.memref_squeeze %dma_wait3A_99 : memref<1x10000xi32, #tpu.memory_space<hbm>> -> memref<10000xi32, #tpu.memory_space<hbm>>
      %dma_wait3A_101 = arith.constant 0 : i32
      %dma_wait3A_102 = tpu.memref_slice %arg3[%add3A, %dma_wait3A_101] : memref<32x10000xi32, #tpu.memory_space<hbm>> -> memref<1x10000xi32, #tpu.memory_space<hbm>>
      %dma_wait3A_103 = tpu.memref_squeeze %dma_wait3A_102 : memref<1x10000xi32, #tpu.memory_space<hbm>> -> memref<10000xi32, #tpu.memory_space<hbm>>
      tpu.wait_dma2 semaphore(%run_scoped3A : memref<!tpu.dma_semaphore, #tpu.memory_space<semaphore_mem>>) src(%dma_wait3A_103 : memref<10000xi32, #tpu.memory_space<hbm>>) dst(%arg6 : memref<10000xi32, #tpu.memory_space<vmem>>)
      tpu.yield
    }) : () -> ()
    "tpu.region"() ({
      %run_scoped3A = tpu.sem_alloc : memref<!tpu.dma_semaphore, #tpu.memory_space<semaphore_mem>>
      %dma_start3A_92 = arith.constant 0 : i32
      %dma_start3A_93 = arith.constant 0 : i32
      %dma_start3A_94 = tpu.memref_slice %arg4[%add3A, %dma_start3A_92, %dma_start3A_93] : memref<32x125x80xi32, #tpu.memory_space<hbm>> -> memref<1x125x80xi32, #tpu.memory_space<hbm>>
      %dma_start3A_95 = tpu.memref_squeeze %dma_start3A_94 : memref<1x125x80xi32, #tpu.memory_space<hbm>> -> memref<125x80xi32, #tpu.memory_space<hbm>>
      %dma_start3A_96 = arith.constant 0 : i32
      %dma_start3A_97 = arith.constant 0 : i32
      %dma_start3A_98 = tpu.memref_slice %arg4[%add3A, %dma_start3A_96, %dma_start3A_97] : memref<32x125x80xi32, #tpu.memory_space<hbm>> -> memref<1x125x80xi32, #tpu.memory_space<hbm>>
      %dma_start3A_99 = tpu.memref_squeeze %dma_start3A_98 : memref<1x125x80xi32, #tpu.memory_space<hbm>> -> memref<125x80xi32, #tpu.memory_space<hbm>>
      tpu.enqueue_dma source(%dma_start3A_99 : memref<125x80xi32, #tpu.memory_space<hbm>>) target(%arg7 : memref<125x80xi32, #tpu.memory_space<vmem>>) target_semaphore(%run_scoped3A : memref<!tpu.dma_semaphore, #tpu.memory_space<semaphore_mem>>)
      %dma_wait3A_100 = arith.constant 0 : i32
      %dma_wait3A_101 = arith.constant 0 : i32
      %dma_wait3A_102 = tpu.memref_slice %arg4[%add3A, %dma_wait3A_100, %dma_wait3A_101] : memref<32x125x80xi32, #tpu.memory_space<hbm>> -> memref<1x125x80xi32, #tpu.memory_space<hbm>>
      %dma_wait3A_103 = tpu.memref_squeeze %dma_wait3A_102 : memref<1x125x80xi32, #tpu.memory_space<hbm>> -> memref<125x80xi32, #tpu.memory_space<hbm>>
      %dma_wait3A_104 = arith.constant 0 : i32
      %dma_wait3A_105 = arith.constant 0 : i32
      %dma_wait3A_106 = tpu.memref_slice %arg4[%add3A, %dma_wait3A_104, %dma_wait3A_105] : memref<32x125x80xi32, #tpu.memory_space<hbm>> -> memref<1x125x80xi32, #tpu.memory_space<hbm>>
      %dma_wait3A_107 = tpu.memref_squeeze %dma_wait3A_106 : memref<1x125x80xi32, #tpu.memory_space<hbm>> -> memref<125x80xi32, #tpu.memory_space<hbm>>
      tpu.wait_dma2 semaphore(%run_scoped3A : memref<!tpu.dma_semaphore, #tpu.memory_space<semaphore_mem>>) src(%dma_wait3A_107 : memref<125x80xi32, #tpu.memory_space<hbm>>) dst(%arg7 : memref<125x80xi32, #tpu.memory_space<vmem>>)
      tpu.yield
    }) : () -> ()
    %dma_start3A = arith.constant 0 : i32
    %dma_start3A_7 = tpu.memref_slice %arg6[%dma_start3A] : memref<10000xi32, #tpu.memory_space<vmem>> -> memref<80xi32, #tpu.memory_space<vmem>>
    %dma_start3A_8 = arith.constant 0 : i32
    %dma_start3A_9 = arith.constant 0 : i32
    %dma_start3A_10 = tpu.memref_slice %arg2[%dma_start3A_8, %dma_start3A_9] : memref<10000x128xf32, #tpu.memory_space<hbm>> -> memref<10000x128xf32, #tpu.memory_space<hbm>>
    tpu.enqueue_indirect_dma source(%dma_start3A_10 : memref<10000x128xf32, #tpu.memory_space<hbm>>) target(%arg8 : memref<80x128xf32, #tpu.memory_space<vmem>>) offsets(%dma_start3A_7 : memref<80xi32, #tpu.memory_space<vmem>>) semaphore(%arg11 : memref<!tpu.dma_semaphore, #tpu.memory_space<semaphore_mem>>)
    %dma_start3A_11 = arith.constant 80 : i32
    %dma_start3A_12 = tpu.memref_slice %arg6[%dma_start3A_11] : memref<10000xi32, #tpu.memory_space<vmem>> -> memref<80xi32, #tpu.memory_space<vmem>>
    %dma_start3A_13 = arith.constant 0 : i32
    %dma_start3A_14 = arith.constant 0 : i32
    %dma_start3A_15 = tpu.memref_slice %arg2[%dma_start3A_13, %dma_start3A_14] : memref<10000x128xf32, #tpu.memory_space<hbm>> -> memref<10000x128xf32, #tpu.memory_space<hbm>>
    tpu.enqueue_indirect_dma source(%dma_start3A_15 : memref<10000x128xf32, #tpu.memory_space<hbm>>) target(%arg9 : memref<80x128xf32, #tpu.memory_space<vmem>>) offsets(%dma_start3A_12 : memref<80xi32, #tpu.memory_space<vmem>>) semaphore(%arg12 : memref<!tpu.dma_semaphore, #tpu.memory_space<semaphore_mem>>)
    %barrier3A = arith.constant 0 : index
    tpu.barrier barrier_id(%barrier3A)
    %dma_wait3A = arith.constant 0 : i32
    %dma_wait3A_16 = tpu.memref_slice %arg6[%dma_wait3A] : memref<10000xi32, #tpu.memory_space<vmem>> -> memref<80xi32, #tpu.memory_space<vmem>>
    %dma_wait3A_17 = arith.constant 0 : i32
    %dma_wait3A_18 = arith.constant 0 : i32
    %dma_wait3A_19 = tpu.memref_slice %arg2[%dma_wait3A_17, %dma_wait3A_18] : memref<10000x128xf32, #tpu.memory_space<hbm>> -> memref<10000x128xf32, #tpu.memory_space<hbm>>
    tpu.wait_indirect_dma semaphore(%arg11 : memref<!tpu.dma_semaphore, #tpu.memory_space<semaphore_mem>>) src(%dma_wait3A_19 : memref<10000x128xf32, #tpu.memory_space<hbm>>) dst(%arg8 : memref<80x128xf32, #tpu.memory_space<vmem>>)
    %dma_start3A_20 = arith.constant 0 : i32
    %dma_start3A_21 = arith.constant 0 : i32
    %dma_start3A_22 = tpu.memref_slice %arg7[%dma_start3A_20, %dma_start3A_21] : memref<125x80xi32, #tpu.memory_space<vmem>> -> memref<1x80xi32, #tpu.memory_space<vmem>>
    %dma_start3A_23 = tpu.memref_squeeze %dma_start3A_22 : memref<1x80xi32, #tpu.memory_space<vmem>> -> memref<80xi32, #tpu.memory_space<vmem>>
    %dma_start3A_24 = arith.constant 0 : i32
    %dma_start3A_25 = arith.constant 0 : i32
    %dma_start3A_26 = tpu.memref_slice %arg10[%dma_start3A_24, %dma_start3A_25] : memref<10000x128xf32, #tpu.memory_space<vmem_shared>> -> memref<10000x128xf32, #tpu.memory_space<vmem_shared>>
    tpu.enqueue_indirect_dma source(%arg8 : memref<80x128xf32, #tpu.memory_space<vmem>>) target(%dma_start3A_26 : memref<10000x128xf32, #tpu.memory_space<vmem_shared>>) offsets(%dma_start3A_23 : memref<80xi32, #tpu.memory_space<vmem>>) semaphore(%arg13 : memref<!tpu.dma_semaphore, #tpu.memory_space<semaphore_mem>>) {add = true}
    %scan3A = arith.constant 0 : i32
    %scan3A_27 = arith.constant 61 : i32
    %scan3A_28 = arith.addi %scan3A, %scan3A_27 : i32
    %scan3A_29 = arith.constant 1 : i32
    scf.for %scan3A_92 = %scan3A to %scan3A_28 step %scan3A_29  : i32 {
      %mul3A_93 = arith.constant 2 : i32
      %mul3A_94 = arith.muli %scan3A_92, %mul3A_93 : i32
      %add3A_95 = arith.constant 1 : i32
      %add3A_96 = arith.addi %add3A_95, %mul3A_94 : i32
      %add3A_97 = arith.constant 0 : i32
      %add3A_98 = arith.addi %add3A_96, %add3A_97 : i32
      %mul3A_99 = arith.constant 80 : i32
      %mul3A_100 = arith.muli %add3A_98, %mul3A_99 : i32
      %dma_wait3A_101 = tpu.memref_slice %arg6[%mul3A_100] : memref<10000xi32, #tpu.memory_space<vmem>> -> memref<80xi32, #tpu.memory_space<vmem>>
      %dma_wait3A_102 = arith.constant 0 : i32
      %dma_wait3A_103 = arith.constant 0 : i32
      %dma_wait3A_104 = tpu.memref_slice %arg2[%dma_wait3A_102, %dma_wait3A_103] : memref<10000x128xf32, #tpu.memory_space<hbm>> -> memref<10000x128xf32, #tpu.memory_space<hbm>>
      tpu.wait_indirect_dma semaphore(%arg12 : memref<!tpu.dma_semaphore, #tpu.memory_space<semaphore_mem>>) src(%dma_wait3A_104 : memref<10000x128xf32, #tpu.memory_space<hbm>>) dst(%arg9 : memref<80x128xf32, #tpu.memory_space<vmem>>)
      %dma_start3A_105 = arith.constant 0 : i32
      %dma_start3A_106 = tpu.memref_slice %arg7[%add3A_98, %dma_start3A_105] : memref<125x80xi32, #tpu.memory_space<vmem>> -> memref<1x80xi32, #tpu.memory_space<vmem>>
      %dma_start3A_107 = tpu.memref_squeeze %dma_start3A_106 : memref<1x80xi32, #tpu.memory_space<vmem>> -> memref<80xi32, #tpu.memory_space<vmem>>
      %dma_start3A_108 = arith.constant 0 : i32
      %dma_start3A_109 = arith.constant 0 : i32
      %dma_start3A_110 = tpu.memref_slice %arg10[%dma_start3A_108, %dma_start3A_109] : memref<10000x128xf32, #tpu.memory_space<vmem_shared>> -> memref<10000x128xf32, #tpu.memory_space<vmem_shared>>
      tpu.enqueue_indirect_dma source(%arg9 : memref<80x128xf32, #tpu.memory_space<vmem>>) target(%dma_start3A_110 : memref<10000x128xf32, #tpu.memory_space<vmem_shared>>) offsets(%dma_start3A_107 : memref<80xi32, #tpu.memory_space<vmem>>) semaphore(%arg14 : memref<!tpu.dma_semaphore, #tpu.memory_space<semaphore_mem>>) {add = true}
      %sub3A = arith.constant 1 : i32
      %sub3A_111 = arith.subi %add3A_98, %sub3A : i32
      %dma_wait3A_112 = arith.constant 0 : i32
      %dma_wait3A_113 = tpu.memref_slice %arg7[%sub3A_111, %dma_wait3A_112] : memref<125x80xi32, #tpu.memory_space<vmem>> -> memref<1x80xi32, #tpu.memory_space<vmem>>
      %dma_wait3A_114 = tpu.memref_squeeze %dma_wait3A_113 : memref<1x80xi32, #tpu.memory_space<vmem>> -> memref<80xi32, #tpu.memory_space<vmem>>
      %dma_wait3A_115 = arith.constant 0 : i32
      %dma_wait3A_116 = arith.constant 0 : i32
      %dma_wait3A_117 = tpu.memref_slice %arg10[%dma_wait3A_115, %dma_wait3A_116] : memref<10000x128xf32, #tpu.memory_space<vmem_shared>> -> memref<10000x128xf32, #tpu.memory_space<vmem_shared>>
      tpu.wait_indirect_dma semaphore(%arg13 : memref<!tpu.dma_semaphore, #tpu.memory_space<semaphore_mem>>) src(%arg8 : memref<80x128xf32, #tpu.memory_space<vmem>>) dst(%dma_wait3A_117 : memref<10000x128xf32, #tpu.memory_space<vmem_shared>>)
      %add3A_118 = arith.constant 1 : i32
      %add3A_119 = arith.addi %add3A_98, %add3A_118 : i32
      %mul3A_120 = arith.constant 80 : i32
      %mul3A_121 = arith.muli %add3A_119, %mul3A_120 : i32
      %dma_start3A_122 = tpu.memref_slice %arg6[%mul3A_121] : memref<10000xi32, #tpu.memory_space<vmem>> -> memref<80xi32, #tpu.memory_space<vmem>>
      %dma_start3A_123 = arith.constant 0 : i32
      %dma_start3A_124 = arith.constant 0 : i32
      %dma_start3A_125 = tpu.memref_slice %arg2[%dma_start3A_123, %dma_start3A_124] : memref<10000x128xf32, #tpu.memory_space<hbm>> -> memref<10000x128xf32, #tpu.memory_space<hbm>>
      tpu.enqueue_indirect_dma source(%dma_start3A_125 : memref<10000x128xf32, #tpu.memory_space<hbm>>) target(%arg8 : memref<80x128xf32, #tpu.memory_space<vmem>>) offsets(%dma_start3A_122 : memref<80xi32, #tpu.memory_space<vmem>>) semaphore(%arg11 : memref<!tpu.dma_semaphore, #tpu.memory_space<semaphore_mem>>)
      %add3A_126 = arith.constant 1 : i32
      %add3A_127 = arith.addi %add3A_96, %add3A_126 : i32
      %mul3A_128 = arith.constant 80 : i32
      %mul3A_129 = arith.muli %add3A_127, %mul3A_128 : i32
      %dma_wait3A_130 = tpu.memref_slice %arg6[%mul3A_129] : memref<10000xi32, #tpu.memory_space<vmem>> -> memref<80xi32, #tpu.memory_space<vmem>>
      %dma_wait3A_131 = arith.constant 0 : i32
      %dma_wait3A_132 = arith.constant 0 : i32
      %dma_wait3A_133 = tpu.memref_slice %arg2[%dma_wait3A_131, %dma_wait3A_132] : memref<10000x128xf32, #tpu.memory_space<hbm>> -> memref<10000x128xf32, #tpu.memory_space<hbm>>
      tpu.wait_indirect_dma semaphore(%arg11 : memref<!tpu.dma_semaphore, #tpu.memory_space<semaphore_mem>>) src(%dma_wait3A_133 : memref<10000x128xf32, #tpu.memory_space<hbm>>) dst(%arg8 : memref<80x128xf32, #tpu.memory_space<vmem>>)
      %dma_start3A_134 = arith.constant 0 : i32
      %dma_start3A_135 = tpu.memref_slice %arg7[%add3A_127, %dma_start3A_134] : memref<125x80xi32, #tpu.memory_space<vmem>> -> memref<1x80xi32, #tpu.memory_space<vmem>>
      %dma_start3A_136 = tpu.memref_squeeze %dma_start3A_135 : memref<1x80xi32, #tpu.memory_space<vmem>> -> memref<80xi32, #tpu.memory_space<vmem>>
      %dma_start3A_137 = arith.constant 0 : i32
      %dma_start3A_138 = arith.constant 0 : i32
      %dma_start3A_139 = tpu.memref_slice %arg10[%dma_start3A_137, %dma_start3A_138] : memref<10000x128xf32, #tpu.memory_space<vmem_shared>> -> memref<10000x128xf32, #tpu.memory_space<vmem_shared>>
      tpu.enqueue_indirect_dma source(%arg8 : memref<80x128xf32, #tpu.memory_space<vmem>>) target(%dma_start3A_139 : memref<10000x128xf32, #tpu.memory_space<vmem_shared>>) offsets(%dma_start3A_136 : memref<80xi32, #tpu.memory_space<vmem>>) semaphore(%arg13 : memref<!tpu.dma_semaphore, #tpu.memory_space<semaphore_mem>>) {add = true}
      %sub3A_140 = arith.constant 1 : i32
      %sub3A_141 = arith.subi %add3A_127, %sub3A_140 : i32
      %dma_wait3A_142 = arith.constant 0 : i32
      %dma_wait3A_143 = tpu.memref_slice %arg7[%sub3A_141, %dma_wait3A_142] : memref<125x80xi32, #tpu.memory_space<vmem>> -> memref<1x80xi32, #tpu.memory_space<vmem>>
      %dma_wait3A_144 = tpu.memref_squeeze %dma_wait3A_143 : memref<1x80xi32, #tpu.memory_space<vmem>> -> memref<80xi32, #tpu.memory_space<vmem>>
      %dma_wait3A_145 = arith.constant 0 : i32
      %dma_wait3A_146 = arith.constant 0 : i32
      %dma_wait3A_147 = tpu.memref_slice %arg10[%dma_wait3A_145, %dma_wait3A_146] : memref<10000x128xf32, #tpu.memory_space<vmem_shared>> -> memref<10000x128xf32, #tpu.memory_space<vmem_shared>>
      tpu.wait_indirect_dma semaphore(%arg14 : memref<!tpu.dma_semaphore, #tpu.memory_space<semaphore_mem>>) src(%arg9 : memref<80x128xf32, #tpu.memory_space<vmem>>) dst(%dma_wait3A_147 : memref<10000x128xf32, #tpu.memory_space<vmem_shared>>)
      %add3A_148 = arith.constant 1 : i32
      %add3A_149 = arith.addi %add3A_127, %add3A_148 : i32
      %mul3A_150 = arith.constant 80 : i32
      %mul3A_151 = arith.muli %add3A_149, %mul3A_150 : i32
      %dma_start3A_152 = tpu.memref_slice %arg6[%mul3A_151] : memref<10000xi32, #tpu.memory_space<vmem>> -> memref<80xi32, #tpu.memory_space<vmem>>
      %dma_start3A_153 = arith.constant 0 : i32
      %dma_start3A_154 = arith.constant 0 : i32
      %dma_start3A_155 = tpu.memref_slice %arg2[%dma_start3A_153, %dma_start3A_154] : memref<10000x128xf32, #tpu.memory_space<hbm>> -> memref<10000x128xf32, #tpu.memory_space<hbm>>
      tpu.enqueue_indirect_dma source(%dma_start3A_155 : memref<10000x128xf32, #tpu.memory_space<hbm>>) target(%arg9 : memref<80x128xf32, #tpu.memory_space<vmem>>) offsets(%dma_start3A_152 : memref<80xi32, #tpu.memory_space<vmem>>) semaphore(%arg12 : memref<!tpu.dma_semaphore, #tpu.memory_space<semaphore_mem>>)
    }
    %scan3A_30 = arith.constant 61 : i32
    %dma_wait3A_31 = arith.constant 9840 : i32
    %dma_wait3A_32 = tpu.memref_slice %arg6[%dma_wait3A_31] : memref<10000xi32, #tpu.memory_space<vmem>> -> memref<80xi32, #tpu.memory_space<vmem>>
    %dma_wait3A_33 = arith.constant 0 : i32
    %dma_wait3A_34 = arith.constant 0 : i32
    %dma_wait3A_35 = tpu.memref_slice %arg2[%dma_wait3A_33, %dma_wait3A_34] : memref<10000x128xf32, #tpu.memory_space<hbm>> -> memref<10000x128xf32, #tpu.memory_space<hbm>>
    tpu.wait_indirect_dma semaphore(%arg12 : memref<!tpu.dma_semaphore, #tpu.memory_space<semaphore_mem>>) src(%dma_wait3A_35 : memref<10000x128xf32, #tpu.memory_space<hbm>>) dst(%arg9 : memref<80x128xf32, #tpu.memory_space<vmem>>)
    %dma_start3A_36 = arith.constant 123 : i32
    %dma_start3A_37 = arith.constant 0 : i32
    %dma_start3A_38 = tpu.memref_slice %arg7[%dma_start3A_36, %dma_start3A_37] : memref<125x80xi32, #tpu.memory_space<vmem>> -> memref<1x80xi32, #tpu.memory_space<vmem>>
    %dma_start3A_39 = tpu.memref_squeeze %dma_start3A_38 : memref<1x80xi32, #tpu.memory_space<vmem>> -> memref<80xi32, #tpu.memory_space<vmem>>
    %dma_start3A_40 = arith.constant 0 : i32
    %dma_start3A_41 = arith.constant 0 : i32
    %dma_start3A_42 = tpu.memref_slice %arg10[%dma_start3A_40, %dma_start3A_41] : memref<10000x128xf32, #tpu.memory_space<vmem_shared>> -> memref<10000x128xf32, #tpu.memory_space<vmem_shared>>
    tpu.enqueue_indirect_dma source(%arg9 : memref<80x128xf32, #tpu.memory_space<vmem>>) target(%dma_start3A_42 : memref<10000x128xf32, #tpu.memory_space<vmem_shared>>) offsets(%dma_start3A_39 : memref<80xi32, #tpu.memory_space<vmem>>) semaphore(%arg14 : memref<!tpu.dma_semaphore, #tpu.memory_space<semaphore_mem>>) {add = true}
    %dma_wait3A_43 = arith.constant 122 : i32
    %dma_wait3A_44 = arith.constant 0 : i32
    %dma_wait3A_45 = tpu.memref_slice %arg7[%dma_wait3A_43, %dma_wait3A_44] : memref<125x80xi32, #tpu.memory_space<vmem>> -> memref<1x80xi32, #tpu.memory_space<vmem>>
    %dma_wait3A_46 = tpu.memref_squeeze %dma_wait3A_45 : memref<1x80xi32, #tpu.memory_space<vmem>> -> memref<80xi32, #tpu.memory_space<vmem>>
    %dma_wait3A_47 = arith.constant 0 : i32
    %dma_wait3A_48 = arith.constant 0 : i32
    %dma_wait3A_49 = tpu.memref_slice %arg10[%dma_wait3A_47, %dma_wait3A_48] : memref<10000x128xf32, #tpu.memory_space<vmem_shared>> -> memref<10000x128xf32, #tpu.memory_space<vmem_shared>>
    tpu.wait_indirect_dma semaphore(%arg13 : memref<!tpu.dma_semaphore, #tpu.memory_space<semaphore_mem>>) src(%arg8 : memref<80x128xf32, #tpu.memory_space<vmem>>) dst(%dma_wait3A_49 : memref<10000x128xf32, #tpu.memory_space<vmem_shared>>)
    %dma_start3A_50 = arith.constant 9920 : i32
    %dma_start3A_51 = tpu.memref_slice %arg6[%dma_start3A_50] : memref<10000xi32, #tpu.memory_space<vmem>> -> memref<80xi32, #tpu.memory_space<vmem>>
    %dma_start3A_52 = arith.constant 0 : i32
    %dma_start3A_53 = arith.constant 0 : i32
    %dma_start3A_54 = tpu.memref_slice %arg2[%dma_start3A_52, %dma_start3A_53] : memref<10000x128xf32, #tpu.memory_space<hbm>> -> memref<10000x128xf32, #tpu.memory_space<hbm>>
    tpu.enqueue_indirect_dma source(%dma_start3A_54 : memref<10000x128xf32, #tpu.memory_space<hbm>>) target(%arg8 : memref<80x128xf32, #tpu.memory_space<vmem>>) offsets(%dma_start3A_51 : memref<80xi32, #tpu.memory_space<vmem>>) semaphore(%arg11 : memref<!tpu.dma_semaphore, #tpu.memory_space<semaphore_mem>>)
    %dma_wait3A_55 = arith.constant 9920 : i32
    %dma_wait3A_56 = tpu.memref_slice %arg6[%dma_wait3A_55] : memref<10000xi32, #tpu.memory_space<vmem>> -> memref<80xi32, #tpu.memory_space<vmem>>
    %dma_wait3A_57 = arith.constant 0 : i32
    %dma_wait3A_58 = arith.constant 0 : i32
    %dma_wait3A_59 = tpu.memref_slice %arg2[%dma_wait3A_57, %dma_wait3A_58] : memref<10000x128xf32, #tpu.memory_space<hbm>> -> memref<10000x128xf32, #tpu.memory_space<hbm>>
    tpu.wait_indirect_dma semaphore(%arg11 : memref<!tpu.dma_semaphore, #tpu.memory_space<semaphore_mem>>) src(%dma_wait3A_59 : memref<10000x128xf32, #tpu.memory_space<hbm>>) dst(%arg8 : memref<80x128xf32, #tpu.memory_space<vmem>>)
    %dma_start3A_60 = arith.constant 124 : i32
    %dma_start3A_61 = arith.constant 0 : i32
    %dma_start3A_62 = tpu.memref_slice %arg7[%dma_start3A_60, %dma_start3A_61] : memref<125x80xi32, #tpu.memory_space<vmem>> -> memref<1x80xi32, #tpu.memory_space<vmem>>
    %dma_start3A_63 = tpu.memref_squeeze %dma_start3A_62 : memref<1x80xi32, #tpu.memory_space<vmem>> -> memref<80xi32, #tpu.memory_space<vmem>>
    %dma_start3A_64 = arith.constant 0 : i32
    %dma_start3A_65 = arith.constant 0 : i32
    %dma_start3A_66 = tpu.memref_slice %arg10[%dma_start3A_64, %dma_start3A_65] : memref<10000x128xf32, #tpu.memory_space<vmem_shared>> -> memref<10000x128xf32, #tpu.memory_space<vmem_shared>>
    tpu.enqueue_indirect_dma source(%arg8 : memref<80x128xf32, #tpu.memory_space<vmem>>) target(%dma_start3A_66 : memref<10000x128xf32, #tpu.memory_space<vmem_shared>>) offsets(%dma_start3A_63 : memref<80xi32, #tpu.memory_space<vmem>>) semaphore(%arg13 : memref<!tpu.dma_semaphore, #tpu.memory_space<semaphore_mem>>) {add = true}
    %dma_wait3A_67 = arith.constant 123 : i32
    %dma_wait3A_68 = arith.constant 0 : i32
    %dma_wait3A_69 = tpu.memref_slice %arg7[%dma_wait3A_67, %dma_wait3A_68] : memref<125x80xi32, #tpu.memory_space<vmem>> -> memref<1x80xi32, #tpu.memory_space<vmem>>
    %dma_wait3A_70 = tpu.memref_squeeze %dma_wait3A_69 : memref<1x80xi32, #tpu.memory_space<vmem>> -> memref<80xi32, #tpu.memory_space<vmem>>
    %dma_wait3A_71 = arith.constant 0 : i32
    %dma_wait3A_72 = arith.constant 0 : i32
    %dma_wait3A_73 = tpu.memref_slice %arg10[%dma_wait3A_71, %dma_wait3A_72] : memref<10000x128xf32, #tpu.memory_space<vmem_shared>> -> memref<10000x128xf32, #tpu.memory_space<vmem_shared>>
    tpu.wait_indirect_dma semaphore(%arg14 : memref<!tpu.dma_semaphore, #tpu.memory_space<semaphore_mem>>) src(%arg9 : memref<80x128xf32, #tpu.memory_space<vmem>>) dst(%dma_wait3A_73 : memref<10000x128xf32, #tpu.memory_space<vmem_shared>>)
    %dma_wait3A_74 = arith.constant 124 : i32
    %dma_wait3A_75 = arith.constant 0 : i32
    %dma_wait3A_76 = tpu.memref_slice %arg7[%dma_wait3A_74, %dma_wait3A_75] : memref<125x80xi32, #tpu.memory_space<vmem>> -> memref<1x80xi32, #tpu.memory_space<vmem>>
    %dma_wait3A_77 = tpu.memref_squeeze %dma_wait3A_76 : memref<1x80xi32, #tpu.memory_space<vmem>> -> memref<80xi32, #tpu.memory_space<vmem>>
    %dma_wait3A_78 = arith.constant 0 : i32
    %dma_wait3A_79 = arith.constant 0 : i32
    %dma_wait3A_80 = tpu.memref_slice %arg10[%dma_wait3A_78, %dma_wait3A_79] : memref<10000x128xf32, #tpu.memory_space<vmem_shared>> -> memref<10000x128xf32, #tpu.memory_space<vmem_shared>>
    tpu.wait_indirect_dma semaphore(%arg13 : memref<!tpu.dma_semaphore, #tpu.memory_space<semaphore_mem>>) src(%arg8 : memref<80x128xf32, #tpu.memory_space<vmem>>) dst(%dma_wait3A_80 : memref<10000x128xf32, #tpu.memory_space<vmem_shared>>)
    %barrier3A_81 = arith.constant 0 : index
    tpu.barrier barrier_id(%barrier3A_81)
    %lt3A_82 = arith.constant 15 : i32
    %lt3A_83 = arith.cmpi slt, %arg1, %lt3A_82 : i32
    %convert_element_type3A_84 = arith.extui %lt3A_83 : i1 to i32
    %cond3A_85 = arith.constant 0 : i32
    %cond3A_86 = arith.cmpi ne, %convert_element_type3A_84, %cond3A_85 : i32
    scf.if %cond3A_86 {
      %mul3A_92 = arith.constant 640 : i32
      %mul3A_93 = arith.muli %arg1, %mul3A_92 : i32
      %mul3A_94 = arith.constant 640 : i32
      %mul3A_95 = arith.muli %arg1, %mul3A_94 : i32
      "tpu.region"() ({
        %run_scoped3A = tpu.sem_alloc : memref<!tpu.dma_semaphore, #tpu.memory_space<semaphore_mem>>
        %dma_start3A_96 = arith.constant 0 : i32
        %dma_start3A_97 = arith.constant 0 : i32
        %dma_start3A_98 = tpu.memref_slice %arg5[%arg0, %dma_start3A_96, %dma_start3A_97] : memref<2x10000x128xf32, #tpu.memory_space<hbm>> -> memref<1x10000x128xf32, #tpu.memory_space<hbm>>
        %dma_start3A_99 = tpu.memref_squeeze %dma_start3A_98 : memref<1x10000x128xf32, #tpu.memory_space<hbm>> -> memref<10000x128xf32, #tpu.memory_space<hbm>>
        %dma_start3A_100 = arith.constant 0 : i32
        %dma_start3A_101 = tpu.memref_slice %dma_start3A_99[%mul3A_95, %dma_start3A_100] : memref<10000x128xf32, #tpu.memory_space<hbm>> -> memref<640x128xf32, #tpu.memory_space<hbm>>
        %dma_start3A_102 = arith.constant 0 : i32
        %dma_start3A_103 = tpu.memref_slice %arg10[%mul3A_93, %dma_start3A_102] : memref<10000x128xf32, #tpu.memory_space<vmem_shared>> -> memref<640x128xf32, #tpu.memory_space<vmem_shared>>
        tpu.enqueue_dma source(%dma_start3A_103 : memref<640x128xf32, #tpu.memory_space<vmem_shared>>) target(%dma_start3A_101 : memref<640x128xf32, #tpu.memory_space<hbm>>) target_semaphore(%run_scoped3A : memref<!tpu.dma_semaphore, #tpu.memory_space<semaphore_mem>>)
        %dma_wait3A_104 = arith.constant 0 : i32
        %dma_wait3A_105 = arith.constant 0 : i32
        %dma_wait3A_106 = tpu.memref_slice %arg5[%arg0, %dma_wait3A_104, %dma_wait3A_105] : memref<2x10000x128xf32, #tpu.memory_space<hbm>> -> memref<1x10000x128xf32, #tpu.memory_space<hbm>>
        %dma_wait3A_107 = tpu.memref_squeeze %dma_wait3A_106 : memref<1x10000x128xf32, #tpu.memory_space<hbm>> -> memref<10000x128xf32, #tpu.memory_space<hbm>>
        %dma_wait3A_108 = arith.constant 0 : i32
        %dma_wait3A_109 = tpu.memref_slice %dma_wait3A_107[%mul3A_95, %dma_wait3A_108] : memref<10000x128xf32, #tpu.memory_space<hbm>> -> memref<640x128xf32, #tpu.memory_space<hbm>>
        %dma_wait3A_110 = arith.constant 0 : i32
        %dma_wait3A_111 = tpu.memref_slice %arg10[%mul3A_93, %dma_wait3A_110] : memref<10000x128xf32, #tpu.memory_space<vmem_shared>> -> memref<640x128xf32, #tpu.memory_space<vmem_shared>>
        tpu.wait_dma2 semaphore(%run_scoped3A : memref<!tpu.dma_semaphore, #tpu.memory_space<semaphore_mem>>) src(%dma_wait3A_111 : memref<640x128xf32, #tpu.memory_space<vmem_shared>>) dst(%dma_wait3A_109 : memref<640x128xf32, #tpu.memory_space<hbm>>)
        tpu.yield
      }) : () -> ()
    } else {
    }
    %eq3A_87 = arith.constant 15 : i32
    %eq3A_88 = arith.cmpi eq, %arg1, %eq3A_87 : i32
    %convert_element_type3A_89 = arith.extui %eq3A_88 : i1 to i32
    %cond3A_90 = arith.constant 0 : i32
    %cond3A_91 = arith.cmpi ne, %convert_element_type3A_89, %cond3A_90 : i32
    scf.if %cond3A_91 {
      "tpu.region"() ({
        %run_scoped3A = tpu.sem_alloc : memref<!tpu.dma_semaphore, #tpu.memory_space<semaphore_mem>>
        %dma_start3A_92 = arith.constant 0 : i32
        %dma_start3A_93 = arith.constant 0 : i32
        %dma_start3A_94 = tpu.memref_slice %arg5[%arg0, %dma_start3A_92, %dma_start3A_93] : memref<2x10000x128xf32, #tpu.memory_space<hbm>> -> memref<1x10000x128xf32, #tpu.memory_space<hbm>>
        %dma_start3A_95 = tpu.memref_squeeze %dma_start3A_94 : memref<1x10000x128xf32, #tpu.memory_space<hbm>> -> memref<10000x128xf32, #tpu.memory_space<hbm>>
        %dma_start3A_96 = arith.constant 9600 : i32
        %dma_start3A_97 = arith.constant 0 : i32
        %dma_start3A_98 = tpu.memref_slice %dma_start3A_95[%dma_start3A_96, %dma_start3A_97] : memref<10000x128xf32, #tpu.memory_space<hbm>> -> memref<400x128xf32, #tpu.memory_space<hbm>>
        %dma_start3A_99 = arith.constant 9600 : i32
        %dma_start3A_100 = arith.constant 0 : i32
        %dma_start3A_101 = tpu.memref_slice %arg10[%dma_start3A_99, %dma_start3A_100] : memref<10000x128xf32, #tpu.memory_space<vmem_shared>> -> memref<400x128xf32, #tpu.memory_space<vmem_shared>>
        tpu.enqueue_dma source(%dma_start3A_101 : memref<400x128xf32, #tpu.memory_space<vmem_shared>>) target(%dma_start3A_98 : memref<400x128xf32, #tpu.memory_space<hbm>>) target_semaphore(%run_scoped3A : memref<!tpu.dma_semaphore, #tpu.memory_space<semaphore_mem>>)
        %dma_wait3A_102 = arith.constant 0 : i32
        %dma_wait3A_103 = arith.constant 0 : i32
        %dma_wait3A_104 = tpu.memref_slice %arg5[%arg0, %dma_wait3A_102, %dma_wait3A_103] : memref<2x10000x128xf32, #tpu.memory_space<hbm>> -> memref<1x10000x128xf32, #tpu.memory_space<hbm>>
        %dma_wait3A_105 = tpu.memref_squeeze %dma_wait3A_104 : memref<1x10000x128xf32, #tpu.memory_space<hbm>> -> memref<10000x128xf32, #tpu.memory_space<hbm>>
        %dma_wait3A_106 = arith.constant 9600 : i32
        %dma_wait3A_107 = arith.constant 0 : i32
        %dma_wait3A_108 = tpu.memref_slice %dma_wait3A_105[%dma_wait3A_106, %dma_wait3A_107] : memref<10000x128xf32, #tpu.memory_space<hbm>> -> memref<400x128xf32, #tpu.memory_space<hbm>>
        %dma_wait3A_109 = arith.constant 9600 : i32
        %dma_wait3A_110 = arith.constant 0 : i32
        %dma_wait3A_111 = tpu.memref_slice %arg10[%dma_wait3A_109, %dma_wait3A_110] : memref<10000x128xf32, #tpu.memory_space<vmem_shared>> -> memref<400x128xf32, #tpu.memory_space<vmem_shared>>
        tpu.wait_dma2 semaphore(%run_scoped3A : memref<!tpu.dma_semaphore, #tpu.memory_space<semaphore_mem>>) src(%dma_wait3A_111 : memref<400x128xf32, #tpu.memory_space<vmem_shared>>) dst(%dma_wait3A_108 : memref<400x128xf32, #tpu.memory_space<hbm>>)
        tpu.yield
      }) : () -> ()
    } else {
    }
    return
  }
}

#map = affine_map<(d0, d1) -> (0, 0)>
#map1 = affine_map<(d0, d1) -> (0, 0, 0)>
module attributes {stable_mosaic.version = 14 : i64} {
  func.func @sc_agg(%arg0: i32, %arg1: i32, %arg2: memref<10000x128xf32, #tpu.memory_space<hbm>>, %arg3: memref<32x10000xi32, #tpu.memory_space<hbm>>, %arg4: memref<32x125x80xi32, #tpu.memory_space<hbm>>, %arg5: memref<2x10000x128xf32, #tpu.memory_space<hbm>>, %arg6: memref<10000xi32, #tpu.memory_space<vmem>>, %arg7: memref<125x80xi32, #tpu.memory_space<vmem>>, %arg8: memref<80x128xf32, #tpu.memory_space<vmem>>, %arg9: memref<80x128xf32, #tpu.memory_space<vmem>>, %arg10: memref<10000x128xf32, #tpu.memory_space<vmem_shared>>, %arg11: memref<!tpu.dma_semaphore, #tpu.memory_space<semaphore_mem>>, %arg12: memref<!tpu.dma_semaphore, #tpu.memory_space<semaphore_mem>>, %arg13: memref<!tpu.dma_semaphore, #tpu.memory_space<semaphore_mem>>, %arg14: memref<!tpu.dma_semaphore, #tpu.memory_space<semaphore_mem>>) attributes {dimension_semantics = [#tpu.dimension_semantics<core_parallel>, #tpu.dimension_semantics<subcore_parallel>], iteration_bounds = array<i64: 2, 16>, scalar_prefetch = 0 : i64, scratch_operands = 9 : i64, tpu.core_type = #tpu.core_type<sc_vector_subcore>, window_params = [{transform_indices = #map}, {transform_indices = #map}, {transform_indices = #map1}, {transform_indices = #map1}]} {
    %mul3A = arith.constant 2 : i32
    %mul3A_0 = arith.muli %arg1, %mul3A : i32
    %add3A = arith.addi %mul3A_0, %arg0 : i32
    %lt3A = arith.constant 15 : i32
    %lt3A_1 = arith.cmpi slt, %arg1, %lt3A : i32
    %convert_element_type3A = arith.extui %lt3A_1 : i1 to i32
    %cond3A = arith.constant 0 : i32
    %cond3A_2 = arith.cmpi ne, %convert_element_type3A, %cond3A : i32
    scf.if %cond3A_2 {
      %mul3A_92 = arith.constant 640 : i32
      %mul3A_93 = arith.muli %arg1, %mul3A_92 : i32
      %mul3A_94 = arith.constant 640 : i32
      %mul3A_95 = arith.muli %arg1, %mul3A_94 : i32
      "tpu.region"() ({
        %run_scoped3A = tpu.sem_alloc : memref<!tpu.dma_semaphore, #tpu.memory_space<semaphore_mem>>
        %dma_start3A_96 = arith.constant 0 : i32
        %dma_start3A_97 = tpu.memref_slice %arg10[%mul3A_95, %dma_start3A_96] : memref<10000x128xf32, #tpu.memory_space<vmem_shared>> -> memref<640x128xf32, #tpu.memory_space<vmem_shared>>
        %dma_start3A_98 = arith.constant 0 : i32
        %dma_start3A_99 = tpu.memref_slice %arg2[%mul3A_93, %dma_start3A_98] : memref<10000x128xf32, #tpu.memory_space<hbm>> -> memref<640x128xf32, #tpu.memory_space<hbm>>
        tpu.enqueue_dma source(%dma_start3A_99 : memref<640x128xf32, #tpu.memory_space<hbm>>) target(%dma_start3A_97 : memref<640x128xf32, #tpu.memory_space<vmem_shared>>) target_semaphore(%run_scoped3A : memref<!tpu.dma_semaphore, #tpu.memory_space<semaphore_mem>>)
        %dma_wait3A_100 = arith.constant 0 : i32
        %dma_wait3A_101 = tpu.memref_slice %arg10[%mul3A_95, %dma_wait3A_100] : memref<10000x128xf32, #tpu.memory_space<vmem_shared>> -> memref<640x128xf32, #tpu.memory_space<vmem_shared>>
        %dma_wait3A_102 = arith.constant 0 : i32
        %dma_wait3A_103 = tpu.memref_slice %arg2[%mul3A_93, %dma_wait3A_102] : memref<10000x128xf32, #tpu.memory_space<hbm>> -> memref<640x128xf32, #tpu.memory_space<hbm>>
        tpu.wait_dma2 semaphore(%run_scoped3A : memref<!tpu.dma_semaphore, #tpu.memory_space<semaphore_mem>>) src(%dma_wait3A_103 : memref<640x128xf32, #tpu.memory_space<hbm>>) dst(%dma_wait3A_101 : memref<640x128xf32, #tpu.memory_space<vmem_shared>>)
        tpu.yield
      }) : () -> ()
    } else {
    }
    %eq3A = arith.constant 15 : i32
    %eq3A_3 = arith.cmpi eq, %arg1, %eq3A : i32
    %convert_element_type3A_4 = arith.extui %eq3A_3 : i1 to i32
    %cond3A_5 = arith.constant 0 : i32
    %cond3A_6 = arith.cmpi ne, %convert_element_type3A_4, %cond3A_5 : i32
    scf.if %cond3A_6 {
      "tpu.region"() ({
        %run_scoped3A = tpu.sem_alloc : memref<!tpu.dma_semaphore, #tpu.memory_space<semaphore_mem>>
        %dma_start3A_92 = arith.constant 9600 : i32
        %dma_start3A_93 = arith.constant 0 : i32
        %dma_start3A_94 = tpu.memref_slice %arg10[%dma_start3A_92, %dma_start3A_93] : memref<10000x128xf32, #tpu.memory_space<vmem_shared>> -> memref<400x128xf32, #tpu.memory_space<vmem_shared>>
        %dma_start3A_95 = arith.constant 9600 : i32
        %dma_start3A_96 = arith.constant 0 : i32
        %dma_start3A_97 = tpu.memref_slice %arg2[%dma_start3A_95, %dma_start3A_96] : memref<10000x128xf32, #tpu.memory_space<hbm>> -> memref<400x128xf32, #tpu.memory_space<hbm>>
        tpu.enqueue_dma source(%dma_start3A_97 : memref<400x128xf32, #tpu.memory_space<hbm>>) target(%dma_start3A_94 : memref<400x128xf32, #tpu.memory_space<vmem_shared>>) target_semaphore(%run_scoped3A : memref<!tpu.dma_semaphore, #tpu.memory_space<semaphore_mem>>)
        %dma_wait3A_98 = arith.constant 9600 : i32
        %dma_wait3A_99 = arith.constant 0 : i32
        %dma_wait3A_100 = tpu.memref_slice %arg10[%dma_wait3A_98, %dma_wait3A_99] : memref<10000x128xf32, #tpu.memory_space<vmem_shared>> -> memref<400x128xf32, #tpu.memory_space<vmem_shared>>
        %dma_wait3A_101 = arith.constant 9600 : i32
        %dma_wait3A_102 = arith.constant 0 : i32
        %dma_wait3A_103 = tpu.memref_slice %arg2[%dma_wait3A_101, %dma_wait3A_102] : memref<10000x128xf32, #tpu.memory_space<hbm>> -> memref<400x128xf32, #tpu.memory_space<hbm>>
        tpu.wait_dma2 semaphore(%run_scoped3A : memref<!tpu.dma_semaphore, #tpu.memory_space<semaphore_mem>>) src(%dma_wait3A_103 : memref<400x128xf32, #tpu.memory_space<hbm>>) dst(%dma_wait3A_100 : memref<400x128xf32, #tpu.memory_space<vmem_shared>>)
        tpu.yield
      }) : () -> ()
    } else {
    }
    "tpu.region"() ({
      %run_scoped3A = tpu.sem_alloc : memref<!tpu.dma_semaphore, #tpu.memory_space<semaphore_mem>>
      %dma_start3A_92 = arith.constant 0 : i32
      %dma_start3A_93 = tpu.memref_slice %arg3[%add3A, %dma_start3A_92] : memref<32x10000xi32, #tpu.memory_space<hbm>> -> memref<1x10000xi32, #tpu.memory_space<hbm>>
      %dma_start3A_94 = tpu.memref_squeeze %dma_start3A_93 : memref<1x10000xi32, #tpu.memory_space<hbm>> -> memref<10000xi32, #tpu.memory_space<hbm>>
      %dma_start3A_95 = arith.constant 0 : i32
      %dma_start3A_96 = tpu.memref_slice %arg3[%add3A, %dma_start3A_95] : memref<32x10000xi32, #tpu.memory_space<hbm>> -> memref<1x10000xi32, #tpu.memory_space<hbm>>
      %dma_start3A_97 = tpu.memref_squeeze %dma_start3A_96 : memref<1x10000xi32, #tpu.memory_space<hbm>> -> memref<10000xi32, #tpu.memory_space<hbm>>
      tpu.enqueue_dma source(%dma_start3A_97 : memref<10000xi32, #tpu.memory_space<hbm>>) target(%arg6 : memref<10000xi32, #tpu.memory_space<vmem>>) target_semaphore(%run_scoped3A : memref<!tpu.dma_semaphore, #tpu.memory_space<semaphore_mem>>)
      %dma_wait3A_98 = arith.constant 0 : i32
      %dma_wait3A_99 = tpu.memref_slice %arg3[%add3A, %dma_wait3A_98] : memref<32x10000xi32, #tpu.memory_space<hbm>> -> memref<1x10000xi32, #tpu.memory_space<hbm>>
      %dma_wait3A_100 = tpu.memref_squeeze %dma_wait3A_99 : memref<1x10000xi32, #tpu.memory_space<hbm>> -> memref<10000xi32, #tpu.memory_space<hbm>>
      %dma_wait3A_101 = arith.constant 0 : i32
      %dma_wait3A_102 = tpu.memref_slice %arg3[%add3A, %dma_wait3A_101] : memref<32x10000xi32, #tpu.memory_space<hbm>> -> memref<1x10000xi32, #tpu.memory_space<hbm>>
      %dma_wait3A_103 = tpu.memref_squeeze %dma_wait3A_102 : memref<1x10000xi32, #tpu.memory_space<hbm>> -> memref<10000xi32, #tpu.memory_space<hbm>>
      tpu.wait_dma2 semaphore(%run_scoped3A : memref<!tpu.dma_semaphore, #tpu.memory_space<semaphore_mem>>) src(%dma_wait3A_103 : memref<10000xi32, #tpu.memory_space<hbm>>) dst(%arg6 : memref<10000xi32, #tpu.memory_space<vmem>>)
      tpu.yield
    }) : () -> ()
    "tpu.region"() ({
      %run_scoped3A = tpu.sem_alloc : memref<!tpu.dma_semaphore, #tpu.memory_space<semaphore_mem>>
      %dma_start3A_92 = arith.constant 0 : i32
      %dma_start3A_93 = arith.constant 0 : i32
      %dma_start3A_94 = tpu.memref_slice %arg4[%add3A, %dma_start3A_92, %dma_start3A_93] : memref<32x125x80xi32, #tpu.memory_space<hbm>> -> memref<1x125x80xi32, #tpu.memory_space<hbm>>
      %dma_start3A_95 = tpu.memref_squeeze %dma_start3A_94 : memref<1x125x80xi32, #tpu.memory_space<hbm>> -> memref<125x80xi32, #tpu.memory_space<hbm>>
      %dma_start3A_96 = arith.constant 0 : i32
      %dma_start3A_97 = arith.constant 0 : i32
      %dma_start3A_98 = tpu.memref_slice %arg4[%add3A, %dma_start3A_96, %dma_start3A_97] : memref<32x125x80xi32, #tpu.memory_space<hbm>> -> memref<1x125x80xi32, #tpu.memory_space<hbm>>
      %dma_start3A_99 = tpu.memref_squeeze %dma_start3A_98 : memref<1x125x80xi32, #tpu.memory_space<hbm>> -> memref<125x80xi32, #tpu.memory_space<hbm>>
      tpu.enqueue_dma source(%dma_start3A_99 : memref<125x80xi32, #tpu.memory_space<hbm>>) target(%arg7 : memref<125x80xi32, #tpu.memory_space<vmem>>) target_semaphore(%run_scoped3A : memref<!tpu.dma_semaphore, #tpu.memory_space<semaphore_mem>>)
      %dma_wait3A_100 = arith.constant 0 : i32
      %dma_wait3A_101 = arith.constant 0 : i32
      %dma_wait3A_102 = tpu.memref_slice %arg4[%add3A, %dma_wait3A_100, %dma_wait3A_101] : memref<32x125x80xi32, #tpu.memory_space<hbm>> -> memref<1x125x80xi32, #tpu.memory_space<hbm>>
      %dma_wait3A_103 = tpu.memref_squeeze %dma_wait3A_102 : memref<1x125x80xi32, #tpu.memory_space<hbm>> -> memref<125x80xi32, #tpu.memory_space<hbm>>
      %dma_wait3A_104 = arith.constant 0 : i32
      %dma_wait3A_105 = arith.constant 0 : i32
      %dma_wait3A_106 = tpu.memref_slice %arg4[%add3A, %dma_wait3A_104, %dma_wait3A_105] : memref<32x125x80xi32, #tpu.memory_space<hbm>> -> memref<1x125x80xi32, #tpu.memory_space<hbm>>
      %dma_wait3A_107 = tpu.memref_squeeze %dma_wait3A_106 : memref<1x125x80xi32, #tpu.memory_space<hbm>> -> memref<125x80xi32, #tpu.memory_space<hbm>>
      tpu.wait_dma2 semaphore(%run_scoped3A : memref<!tpu.dma_semaphore, #tpu.memory_space<semaphore_mem>>) src(%dma_wait3A_107 : memref<125x80xi32, #tpu.memory_space<hbm>>) dst(%arg7 : memref<125x80xi32, #tpu.memory_space<vmem>>)
      tpu.yield
    }) : () -> ()
    %dma_start3A = arith.constant 0 : i32
    %dma_start3A_7 = tpu.memref_slice %arg6[%dma_start3A] : memref<10000xi32, #tpu.memory_space<vmem>> -> memref<80xi32, #tpu.memory_space<vmem>>
    %dma_start3A_8 = arith.constant 0 : i32
    %dma_start3A_9 = arith.constant 0 : i32
    %dma_start3A_10 = tpu.memref_slice %arg2[%dma_start3A_8, %dma_start3A_9] : memref<10000x128xf32, #tpu.memory_space<hbm>> -> memref<10000x128xf32, #tpu.memory_space<hbm>>
    tpu.enqueue_indirect_dma source(%dma_start3A_10 : memref<10000x128xf32, #tpu.memory_space<hbm>>) target(%arg8 : memref<80x128xf32, #tpu.memory_space<vmem>>) offsets(%dma_start3A_7 : memref<80xi32, #tpu.memory_space<vmem>>) semaphore(%arg11 : memref<!tpu.dma_semaphore, #tpu.memory_space<semaphore_mem>>)
    %dma_start3A_11 = arith.constant 80 : i32
    %dma_start3A_12 = tpu.memref_slice %arg6[%dma_start3A_11] : memref<10000xi32, #tpu.memory_space<vmem>> -> memref<80xi32, #tpu.memory_space<vmem>>
    %dma_start3A_13 = arith.constant 0 : i32
    %dma_start3A_14 = arith.constant 0 : i32
    %dma_start3A_15 = tpu.memref_slice %arg2[%dma_start3A_13, %dma_start3A_14] : memref<10000x128xf32, #tpu.memory_space<hbm>> -> memref<10000x128xf32, #tpu.memory_space<hbm>>
    tpu.enqueue_indirect_dma source(%dma_start3A_15 : memref<10000x128xf32, #tpu.memory_space<hbm>>) target(%arg9 : memref<80x128xf32, #tpu.memory_space<vmem>>) offsets(%dma_start3A_12 : memref<80xi32, #tpu.memory_space<vmem>>) semaphore(%arg12 : memref<!tpu.dma_semaphore, #tpu.memory_space<semaphore_mem>>)
    %barrier3A = arith.constant 0 : index
    tpu.barrier barrier_id(%barrier3A)
    %dma_wait3A = arith.constant 0 : i32
    %dma_wait3A_16 = tpu.memref_slice %arg6[%dma_wait3A] : memref<10000xi32, #tpu.memory_space<vmem>> -> memref<80xi32, #tpu.memory_space<vmem>>
    %dma_wait3A_17 = arith.constant 0 : i32
    %dma_wait3A_18 = arith.constant 0 : i32
    %dma_wait3A_19 = tpu.memref_slice %arg2[%dma_wait3A_17, %dma_wait3A_18] : memref<10000x128xf32, #tpu.memory_space<hbm>> -> memref<10000x128xf32, #tpu.memory_space<hbm>>
    tpu.wait_indirect_dma semaphore(%arg11 : memref<!tpu.dma_semaphore, #tpu.memory_space<semaphore_mem>>) src(%dma_wait3A_19 : memref<10000x128xf32, #tpu.memory_space<hbm>>) dst(%arg8 : memref<80x128xf32, #tpu.memory_space<vmem>>)
    %dma_start3A_20 = arith.constant 0 : i32
    %dma_start3A_21 = arith.constant 0 : i32
    %dma_start3A_22 = tpu.memref_slice %arg7[%dma_start3A_20, %dma_start3A_21] : memref<125x80xi32, #tpu.memory_space<vmem>> -> memref<1x80xi32, #tpu.memory_space<vmem>>
    %dma_start3A_23 = tpu.memref_squeeze %dma_start3A_22 : memref<1x80xi32, #tpu.memory_space<vmem>> -> memref<80xi32, #tpu.memory_space<vmem>>
    %dma_start3A_24 = arith.constant 0 : i32
    %dma_start3A_25 = arith.constant 0 : i32
    %dma_start3A_26 = tpu.memref_slice %arg10[%dma_start3A_24, %dma_start3A_25] : memref<10000x128xf32, #tpu.memory_space<vmem_shared>> -> memref<10000x128xf32, #tpu.memory_space<vmem_shared>>
    tpu.enqueue_indirect_dma source(%arg8 : memref<80x128xf32, #tpu.memory_space<vmem>>) target(%dma_start3A_26 : memref<10000x128xf32, #tpu.memory_space<vmem_shared>>) offsets(%dma_start3A_23 : memref<80xi32, #tpu.memory_space<vmem>>) semaphore(%arg13 : memref<!tpu.dma_semaphore, #tpu.memory_space<semaphore_mem>>) {add = true}
    %scan3A = arith.constant 0 : i32
    %scan3A_27 = arith.constant 61 : i32
    %scan3A_28 = arith.addi %scan3A, %scan3A_27 : i32
    %scan3A_29 = arith.constant 1 : i32
    scf.for %scan3A_92 = %scan3A to %scan3A_28 step %scan3A_29  : i32 {
      %mul3A_93 = arith.constant 2 : i32
      %mul3A_94 = arith.muli %scan3A_92, %mul3A_93 : i32
      %add3A_95 = arith.constant 1 : i32
      %add3A_96 = arith.addi %add3A_95, %mul3A_94 : i32
      %add3A_97 = arith.constant 0 : i32
      %add3A_98 = arith.addi %add3A_96, %add3A_97 : i32
      %mul3A_99 = arith.constant 80 : i32
      %mul3A_100 = arith.muli %add3A_98, %mul3A_99 : i32
      %dma_wait3A_101 = tpu.memref_slice %arg6[%mul3A_100] : memref<10000xi32, #tpu.memory_space<vmem>> -> memref<80xi32, #tpu.memory_space<vmem>>
      %dma_wait3A_102 = arith.constant 0 : i32
      %dma_wait3A_103 = arith.constant 0 : i32
      %dma_wait3A_104 = tpu.memref_slice %arg2[%dma_wait3A_102, %dma_wait3A_103] : memref<10000x128xf32, #tpu.memory_space<hbm>> -> memref<10000x128xf32, #tpu.memory_space<hbm>>
      tpu.wait_indirect_dma semaphore(%arg12 : memref<!tpu.dma_semaphore, #tpu.memory_space<semaphore_mem>>) src(%dma_wait3A_104 : memref<10000x128xf32, #tpu.memory_space<hbm>>) dst(%arg9 : memref<80x128xf32, #tpu.memory_space<vmem>>)
      %dma_start3A_105 = arith.constant 0 : i32
      %dma_start3A_106 = tpu.memref_slice %arg7[%add3A_98, %dma_start3A_105] : memref<125x80xi32, #tpu.memory_space<vmem>> -> memref<1x80xi32, #tpu.memory_space<vmem>>
      %dma_start3A_107 = tpu.memref_squeeze %dma_start3A_106 : memref<1x80xi32, #tpu.memory_space<vmem>> -> memref<80xi32, #tpu.memory_space<vmem>>
      %dma_start3A_108 = arith.constant 0 : i32
      %dma_start3A_109 = arith.constant 0 : i32
      %dma_start3A_110 = tpu.memref_slice %arg10[%dma_start3A_108, %dma_start3A_109] : memref<10000x128xf32, #tpu.memory_space<vmem_shared>> -> memref<10000x128xf32, #tpu.memory_space<vmem_shared>>
      tpu.enqueue_indirect_dma source(%arg9 : memref<80x128xf32, #tpu.memory_space<vmem>>) target(%dma_start3A_110 : memref<10000x128xf32, #tpu.memory_space<vmem_shared>>) offsets(%dma_start3A_107 : memref<80xi32, #tpu.memory_space<vmem>>) semaphore(%arg14 : memref<!tpu.dma_semaphore, #tpu.memory_space<semaphore_mem>>) {add = true}
      %sub3A = arith.constant 1 : i32
      %sub3A_111 = arith.subi %add3A_98, %sub3A : i32
      %dma_wait3A_112 = arith.constant 0 : i32
      %dma_wait3A_113 = tpu.memref_slice %arg7[%sub3A_111, %dma_wait3A_112] : memref<125x80xi32, #tpu.memory_space<vmem>> -> memref<1x80xi32, #tpu.memory_space<vmem>>
      %dma_wait3A_114 = tpu.memref_squeeze %dma_wait3A_113 : memref<1x80xi32, #tpu.memory_space<vmem>> -> memref<80xi32, #tpu.memory_space<vmem>>
      %dma_wait3A_115 = arith.constant 0 : i32
      %dma_wait3A_116 = arith.constant 0 : i32
      %dma_wait3A_117 = tpu.memref_slice %arg10[%dma_wait3A_115, %dma_wait3A_116] : memref<10000x128xf32, #tpu.memory_space<vmem_shared>> -> memref<10000x128xf32, #tpu.memory_space<vmem_shared>>
      tpu.wait_indirect_dma semaphore(%arg13 : memref<!tpu.dma_semaphore, #tpu.memory_space<semaphore_mem>>) src(%arg8 : memref<80x128xf32, #tpu.memory_space<vmem>>) dst(%dma_wait3A_117 : memref<10000x128xf32, #tpu.memory_space<vmem_shared>>)
      %add3A_118 = arith.constant 1 : i32
      %add3A_119 = arith.addi %add3A_98, %add3A_118 : i32
      %mul3A_120 = arith.constant 80 : i32
      %mul3A_121 = arith.muli %add3A_119, %mul3A_120 : i32
      %dma_start3A_122 = tpu.memref_slice %arg6[%mul3A_121] : memref<10000xi32, #tpu.memory_space<vmem>> -> memref<80xi32, #tpu.memory_space<vmem>>
      %dma_start3A_123 = arith.constant 0 : i32
      %dma_start3A_124 = arith.constant 0 : i32
      %dma_start3A_125 = tpu.memref_slice %arg2[%dma_start3A_123, %dma_start3A_124] : memref<10000x128xf32, #tpu.memory_space<hbm>> -> memref<10000x128xf32, #tpu.memory_space<hbm>>
      tpu.enqueue_indirect_dma source(%dma_start3A_125 : memref<10000x128xf32, #tpu.memory_space<hbm>>) target(%arg8 : memref<80x128xf32, #tpu.memory_space<vmem>>) offsets(%dma_start3A_122 : memref<80xi32, #tpu.memory_space<vmem>>) semaphore(%arg11 : memref<!tpu.dma_semaphore, #tpu.memory_space<semaphore_mem>>)
      %add3A_126 = arith.constant 1 : i32
      %add3A_127 = arith.addi %add3A_96, %add3A_126 : i32
      %mul3A_128 = arith.constant 80 : i32
      %mul3A_129 = arith.muli %add3A_127, %mul3A_128 : i32
      %dma_wait3A_130 = tpu.memref_slice %arg6[%mul3A_129] : memref<10000xi32, #tpu.memory_space<vmem>> -> memref<80xi32, #tpu.memory_space<vmem>>
      %dma_wait3A_131 = arith.constant 0 : i32
      %dma_wait3A_132 = arith.constant 0 : i32
      %dma_wait3A_133 = tpu.memref_slice %arg2[%dma_wait3A_131, %dma_wait3A_132] : memref<10000x128xf32, #tpu.memory_space<hbm>> -> memref<10000x128xf32, #tpu.memory_space<hbm>>
      tpu.wait_indirect_dma semaphore(%arg11 : memref<!tpu.dma_semaphore, #tpu.memory_space<semaphore_mem>>) src(%dma_wait3A_133 : memref<10000x128xf32, #tpu.memory_space<hbm>>) dst(%arg8 : memref<80x128xf32, #tpu.memory_space<vmem>>)
      %dma_start3A_134 = arith.constant 0 : i32
      %dma_start3A_135 = tpu.memref_slice %arg7[%add3A_127, %dma_start3A_134] : memref<125x80xi32, #tpu.memory_space<vmem>> -> memref<1x80xi32, #tpu.memory_space<vmem>>
      %dma_start3A_136 = tpu.memref_squeeze %dma_start3A_135 : memref<1x80xi32, #tpu.memory_space<vmem>> -> memref<80xi32, #tpu.memory_space<vmem>>
      %dma_start3A_137 = arith.constant 0 : i32
      %dma_start3A_138 = arith.constant 0 : i32
      %dma_start3A_139 = tpu.memref_slice %arg10[%dma_start3A_137, %dma_start3A_138] : memref<10000x128xf32, #tpu.memory_space<vmem_shared>> -> memref<10000x128xf32, #tpu.memory_space<vmem_shared>>
      tpu.enqueue_indirect_dma source(%arg8 : memref<80x128xf32, #tpu.memory_space<vmem>>) target(%dma_start3A_139 : memref<10000x128xf32, #tpu.memory_space<vmem_shared>>) offsets(%dma_start3A_136 : memref<80xi32, #tpu.memory_space<vmem>>) semaphore(%arg13 : memref<!tpu.dma_semaphore, #tpu.memory_space<semaphore_mem>>) {add = true}
      %sub3A_140 = arith.constant 1 : i32
      %sub3A_141 = arith.subi %add3A_127, %sub3A_140 : i32
      %dma_wait3A_142 = arith.constant 0 : i32
      %dma_wait3A_143 = tpu.memref_slice %arg7[%sub3A_141, %dma_wait3A_142] : memref<125x80xi32, #tpu.memory_space<vmem>> -> memref<1x80xi32, #tpu.memory_space<vmem>>
      %dma_wait3A_144 = tpu.memref_squeeze %dma_wait3A_143 : memref<1x80xi32, #tpu.memory_space<vmem>> -> memref<80xi32, #tpu.memory_space<vmem>>
      %dma_wait3A_145 = arith.constant 0 : i32
      %dma_wait3A_146 = arith.constant 0 : i32
      %dma_wait3A_147 = tpu.memref_slice %arg10[%dma_wait3A_145, %dma_wait3A_146] : memref<10000x128xf32, #tpu.memory_space<vmem_shared>> -> memref<10000x128xf32, #tpu.memory_space<vmem_shared>>
      tpu.wait_indirect_dma semaphore(%arg14 : memref<!tpu.dma_semaphore, #tpu.memory_space<semaphore_mem>>) src(%arg9 : memref<80x128xf32, #tpu.memory_space<vmem>>) dst(%dma_wait3A_147 : memref<10000x128xf32, #tpu.memory_space<vmem_shared>>)
      %add3A_148 = arith.constant 1 : i32
      %add3A_149 = arith.addi %add3A_127, %add3A_148 : i32
      %mul3A_150 = arith.constant 80 : i32
      %mul3A_151 = arith.muli %add3A_149, %mul3A_150 : i32
      %dma_start3A_152 = tpu.memref_slice %arg6[%mul3A_151] : memref<10000xi32, #tpu.memory_space<vmem>> -> memref<80xi32, #tpu.memory_space<vmem>>
      %dma_start3A_153 = arith.constant 0 : i32
      %dma_start3A_154 = arith.constant 0 : i32
      %dma_start3A_155 = tpu.memref_slice %arg2[%dma_start3A_153, %dma_start3A_154] : memref<10000x128xf32, #tpu.memory_space<hbm>> -> memref<10000x128xf32, #tpu.memory_space<hbm>>
      tpu.enqueue_indirect_dma source(%dma_start3A_155 : memref<10000x128xf32, #tpu.memory_space<hbm>>) target(%arg9 : memref<80x128xf32, #tpu.memory_space<vmem>>) offsets(%dma_start3A_152 : memref<80xi32, #tpu.memory_space<vmem>>) semaphore(%arg12 : memref<!tpu.dma_semaphore, #tpu.memory_space<semaphore_mem>>)
    }
    %scan3A_30 = arith.constant 61 : i32
    %dma_wait3A_31 = arith.constant 9840 : i32
    %dma_wait3A_32 = tpu.memref_slice %arg6[%dma_wait3A_31] : memref<10000xi32, #tpu.memory_space<vmem>> -> memref<80xi32, #tpu.memory_space<vmem>>
    %dma_wait3A_33 = arith.constant 0 : i32
    %dma_wait3A_34 = arith.constant 0 : i32
    %dma_wait3A_35 = tpu.memref_slice %arg2[%dma_wait3A_33, %dma_wait3A_34] : memref<10000x128xf32, #tpu.memory_space<hbm>> -> memref<10000x128xf32, #tpu.memory_space<hbm>>
    tpu.wait_indirect_dma semaphore(%arg12 : memref<!tpu.dma_semaphore, #tpu.memory_space<semaphore_mem>>) src(%dma_wait3A_35 : memref<10000x128xf32, #tpu.memory_space<hbm>>) dst(%arg9 : memref<80x128xf32, #tpu.memory_space<vmem>>)
    %dma_start3A_36 = arith.constant 123 : i32
    %dma_start3A_37 = arith.constant 0 : i32
    %dma_start3A_38 = tpu.memref_slice %arg7[%dma_start3A_36, %dma_start3A_37] : memref<125x80xi32, #tpu.memory_space<vmem>> -> memref<1x80xi32, #tpu.memory_space<vmem>>
    %dma_start3A_39 = tpu.memref_squeeze %dma_start3A_38 : memref<1x80xi32, #tpu.memory_space<vmem>> -> memref<80xi32, #tpu.memory_space<vmem>>
    %dma_start3A_40 = arith.constant 0 : i32
    %dma_start3A_41 = arith.constant 0 : i32
    %dma_start3A_42 = tpu.memref_slice %arg10[%dma_start3A_40, %dma_start3A_41] : memref<10000x128xf32, #tpu.memory_space<vmem_shared>> -> memref<10000x128xf32, #tpu.memory_space<vmem_shared>>
    tpu.enqueue_indirect_dma source(%arg9 : memref<80x128xf32, #tpu.memory_space<vmem>>) target(%dma_start3A_42 : memref<10000x128xf32, #tpu.memory_space<vmem_shared>>) offsets(%dma_start3A_39 : memref<80xi32, #tpu.memory_space<vmem>>) semaphore(%arg14 : memref<!tpu.dma_semaphore, #tpu.memory_space<semaphore_mem>>) {add = true}
    %dma_wait3A_43 = arith.constant 122 : i32
    %dma_wait3A_44 = arith.constant 0 : i32
    %dma_wait3A_45 = tpu.memref_slice %arg7[%dma_wait3A_43, %dma_wait3A_44] : memref<125x80xi32, #tpu.memory_space<vmem>> -> memref<1x80xi32, #tpu.memory_space<vmem>>
    %dma_wait3A_46 = tpu.memref_squeeze %dma_wait3A_45 : memref<1x80xi32, #tpu.memory_space<vmem>> -> memref<80xi32, #tpu.memory_space<vmem>>
    %dma_wait3A_47 = arith.constant 0 : i32
    %dma_wait3A_48 = arith.constant 0 : i32
    %dma_wait3A_49 = tpu.memref_slice %arg10[%dma_wait3A_47, %dma_wait3A_48] : memref<10000x128xf32, #tpu.memory_space<vmem_shared>> -> memref<10000x128xf32, #tpu.memory_space<vmem_shared>>
    tpu.wait_indirect_dma semaphore(%arg13 : memref<!tpu.dma_semaphore, #tpu.memory_space<semaphore_mem>>) src(%arg8 : memref<80x128xf32, #tpu.memory_space<vmem>>) dst(%dma_wait3A_49 : memref<10000x128xf32, #tpu.memory_space<vmem_shared>>)
    %dma_start3A_50 = arith.constant 9920 : i32
    %dma_start3A_51 = tpu.memref_slice %arg6[%dma_start3A_50] : memref<10000xi32, #tpu.memory_space<vmem>> -> memref<80xi32, #tpu.memory_space<vmem>>
    %dma_start3A_52 = arith.constant 0 : i32
    %dma_start3A_53 = arith.constant 0 : i32
    %dma_start3A_54 = tpu.memref_slice %arg2[%dma_start3A_52, %dma_start3A_53] : memref<10000x128xf32, #tpu.memory_space<hbm>> -> memref<10000x128xf32, #tpu.memory_space<hbm>>
    tpu.enqueue_indirect_dma source(%dma_start3A_54 : memref<10000x128xf32, #tpu.memory_space<hbm>>) target(%arg8 : memref<80x128xf32, #tpu.memory_space<vmem>>) offsets(%dma_start3A_51 : memref<80xi32, #tpu.memory_space<vmem>>) semaphore(%arg11 : memref<!tpu.dma_semaphore, #tpu.memory_space<semaphore_mem>>)
    %dma_wait3A_55 = arith.constant 9920 : i32
    %dma_wait3A_56 = tpu.memref_slice %arg6[%dma_wait3A_55] : memref<10000xi32, #tpu.memory_space<vmem>> -> memref<80xi32, #tpu.memory_space<vmem>>
    %dma_wait3A_57 = arith.constant 0 : i32
    %dma_wait3A_58 = arith.constant 0 : i32
    %dma_wait3A_59 = tpu.memref_slice %arg2[%dma_wait3A_57, %dma_wait3A_58] : memref<10000x128xf32, #tpu.memory_space<hbm>> -> memref<10000x128xf32, #tpu.memory_space<hbm>>
    tpu.wait_indirect_dma semaphore(%arg11 : memref<!tpu.dma_semaphore, #tpu.memory_space<semaphore_mem>>) src(%dma_wait3A_59 : memref<10000x128xf32, #tpu.memory_space<hbm>>) dst(%arg8 : memref<80x128xf32, #tpu.memory_space<vmem>>)
    %dma_start3A_60 = arith.constant 124 : i32
    %dma_start3A_61 = arith.constant 0 : i32
    %dma_start3A_62 = tpu.memref_slice %arg7[%dma_start3A_60, %dma_start3A_61] : memref<125x80xi32, #tpu.memory_space<vmem>> -> memref<1x80xi32, #tpu.memory_space<vmem>>
    %dma_start3A_63 = tpu.memref_squeeze %dma_start3A_62 : memref<1x80xi32, #tpu.memory_space<vmem>> -> memref<80xi32, #tpu.memory_space<vmem>>
    %dma_start3A_64 = arith.constant 0 : i32
    %dma_start3A_65 = arith.constant 0 : i32
    %dma_start3A_66 = tpu.memref_slice %arg10[%dma_start3A_64, %dma_start3A_65] : memref<10000x128xf32, #tpu.memory_space<vmem_shared>> -> memref<10000x128xf32, #tpu.memory_space<vmem_shared>>
    tpu.enqueue_indirect_dma source(%arg8 : memref<80x128xf32, #tpu.memory_space<vmem>>) target(%dma_start3A_66 : memref<10000x128xf32, #tpu.memory_space<vmem_shared>>) offsets(%dma_start3A_63 : memref<80xi32, #tpu.memory_space<vmem>>) semaphore(%arg13 : memref<!tpu.dma_semaphore, #tpu.memory_space<semaphore_mem>>) {add = true}
    %dma_wait3A_67 = arith.constant 123 : i32
    %dma_wait3A_68 = arith.constant 0 : i32
    %dma_wait3A_69 = tpu.memref_slice %arg7[%dma_wait3A_67, %dma_wait3A_68] : memref<125x80xi32, #tpu.memory_space<vmem>> -> memref<1x80xi32, #tpu.memory_space<vmem>>
    %dma_wait3A_70 = tpu.memref_squeeze %dma_wait3A_69 : memref<1x80xi32, #tpu.memory_space<vmem>> -> memref<80xi32, #tpu.memory_space<vmem>>
    %dma_wait3A_71 = arith.constant 0 : i32
    %dma_wait3A_72 = arith.constant 0 : i32
    %dma_wait3A_73 = tpu.memref_slice %arg10[%dma_wait3A_71, %dma_wait3A_72] : memref<10000x128xf32, #tpu.memory_space<vmem_shared>> -> memref<10000x128xf32, #tpu.memory_space<vmem_shared>>
    tpu.wait_indirect_dma semaphore(%arg14 : memref<!tpu.dma_semaphore, #tpu.memory_space<semaphore_mem>>) src(%arg9 : memref<80x128xf32, #tpu.memory_space<vmem>>) dst(%dma_wait3A_73 : memref<10000x128xf32, #tpu.memory_space<vmem_shared>>)
    %dma_wait3A_74 = arith.constant 124 : i32
    %dma_wait3A_75 = arith.constant 0 : i32
    %dma_wait3A_76 = tpu.memref_slice %arg7[%dma_wait3A_74, %dma_wait3A_75] : memref<125x80xi32, #tpu.memory_space<vmem>> -> memref<1x80xi32, #tpu.memory_space<vmem>>
    %dma_wait3A_77 = tpu.memref_squeeze %dma_wait3A_76 : memref<1x80xi32, #tpu.memory_space<vmem>> -> memref<80xi32, #tpu.memory_space<vmem>>
    %dma_wait3A_78 = arith.constant 0 : i32
    %dma_wait3A_79 = arith.constant 0 : i32
    %dma_wait3A_80 = tpu.memref_slice %arg10[%dma_wait3A_78, %dma_wait3A_79] : memref<10000x128xf32, #tpu.memory_space<vmem_shared>> -> memref<10000x128xf32, #tpu.memory_space<vmem_shared>>
    tpu.wait_indirect_dma semaphore(%arg13 : memref<!tpu.dma_semaphore, #tpu.memory_space<semaphore_mem>>) src(%arg8 : memref<80x128xf32, #tpu.memory_space<vmem>>) dst(%dma_wait3A_80 : memref<10000x128xf32, #tpu.memory_space<vmem_shared>>)
    %barrier3A_81 = arith.constant 0 : index
    tpu.barrier barrier_id(%barrier3A_81)
    %lt3A_82 = arith.constant 15 : i32
    %lt3A_83 = arith.cmpi slt, %arg1, %lt3A_82 : i32
    %convert_element_type3A_84 = arith.extui %lt3A_83 : i1 to i32
    %cond3A_85 = arith.constant 0 : i32
    %cond3A_86 = arith.cmpi ne, %convert_element_type3A_84, %cond3A_85 : i32
    scf.if %cond3A_86 {
      %mul3A_92 = arith.constant 640 : i32
      %mul3A_93 = arith.muli %arg1, %mul3A_92 : i32
      %mul3A_94 = arith.constant 640 : i32
      %mul3A_95 = arith.muli %arg1, %mul3A_94 : i32
      "tpu.region"() ({
        %run_scoped3A = tpu.sem_alloc : memref<!tpu.dma_semaphore, #tpu.memory_space<semaphore_mem>>
        %dma_start3A_96 = arith.constant 0 : i32
        %dma_start3A_97 = arith.constant 0 : i32
        %dma_start3A_98 = tpu.memref_slice %arg5[%arg0, %dma_start3A_96, %dma_start3A_97] : memref<2x10000x128xf32, #tpu.memory_space<hbm>> -> memref<1x10000x128xf32, #tpu.memory_space<hbm>>
        %dma_start3A_99 = tpu.memref_squeeze %dma_start3A_98 : memref<1x10000x128xf32, #tpu.memory_space<hbm>> -> memref<10000x128xf32, #tpu.memory_space<hbm>>
        %dma_start3A_100 = arith.constant 0 : i32
        %dma_start3A_101 = tpu.memref_slice %dma_start3A_99[%mul3A_95, %dma_start3A_100] : memref<10000x128xf32, #tpu.memory_space<hbm>> -> memref<640x128xf32, #tpu.memory_space<hbm>>
        %dma_start3A_102 = arith.constant 0 : i32
        %dma_start3A_103 = tpu.memref_slice %arg10[%mul3A_93, %dma_start3A_102] : memref<10000x128xf32, #tpu.memory_space<vmem_shared>> -> memref<640x128xf32, #tpu.memory_space<vmem_shared>>
        tpu.enqueue_dma source(%dma_start3A_103 : memref<640x128xf32, #tpu.memory_space<vmem_shared>>) target(%dma_start3A_101 : memref<640x128xf32, #tpu.memory_space<hbm>>) target_semaphore(%run_scoped3A : memref<!tpu.dma_semaphore, #tpu.memory_space<semaphore_mem>>)
        %dma_wait3A_104 = arith.constant 0 : i32
        %dma_wait3A_105 = arith.constant 0 : i32
        %dma_wait3A_106 = tpu.memref_slice %arg5[%arg0, %dma_wait3A_104, %dma_wait3A_105] : memref<2x10000x128xf32, #tpu.memory_space<hbm>> -> memref<1x10000x128xf32, #tpu.memory_space<hbm>>
        %dma_wait3A_107 = tpu.memref_squeeze %dma_wait3A_106 : memref<1x10000x128xf32, #tpu.memory_space<hbm>> -> memref<10000x128xf32, #tpu.memory_space<hbm>>
        %dma_wait3A_108 = arith.constant 0 : i32
        %dma_wait3A_109 = tpu.memref_slice %dma_wait3A_107[%mul3A_95, %dma_wait3A_108] : memref<10000x128xf32, #tpu.memory_space<hbm>> -> memref<640x128xf32, #tpu.memory_space<hbm>>
        %dma_wait3A_110 = arith.constant 0 : i32
        %dma_wait3A_111 = tpu.memref_slice %arg10[%mul3A_93, %dma_wait3A_110] : memref<10000x128xf32, #tpu.memory_space<vmem_shared>> -> memref<640x128xf32, #tpu.memory_space<vmem_shared>>
        tpu.wait_dma2 semaphore(%run_scoped3A : memref<!tpu.dma_semaphore, #tpu.memory_space<semaphore_mem>>) src(%dma_wait3A_111 : memref<640x128xf32, #tpu.memory_space<vmem_shared>>) dst(%dma_wait3A_109 : memref<640x128xf32, #tpu.memory_space<hbm>>)
        tpu.yield
      }) : () -> ()
    } else {
    }
    %eq3A_87 = arith.constant 15 : i32
    %eq3A_88 = arith.cmpi eq, %arg1, %eq3A_87 : i32
    %convert_element_type3A_89 = arith.extui %eq3A_88 : i1 to i32
    %cond3A_90 = arith.constant 0 : i32
    %cond3A_91 = arith.cmpi ne, %convert_element_type3A_89, %cond3A_90 : i32
    scf.if %cond3A_91 {
      "tpu.region"() ({
        %run_scoped3A = tpu.sem_alloc : memref<!tpu.dma_semaphore, #tpu.memory_space<semaphore_mem>>
        %dma_start3A_92 = arith.constant 0 : i32
        %dma_start3A_93 = arith.constant 0 : i32
        %dma_start3A_94 = tpu.memref_slice %arg5[%arg0, %dma_start3A_92, %dma_start3A_93] : memref<2x10000x128xf32, #tpu.memory_space<hbm>> -> memref<1x10000x128xf32, #tpu.memory_space<hbm>>
        %dma_start3A_95 = tpu.memref_squeeze %dma_start3A_94 : memref<1x10000x128xf32, #tpu.memory_space<hbm>> -> memref<10000x128xf32, #tpu.memory_space<hbm>>
        %dma_start3A_96 = arith.constant 9600 : i32
        %dma_start3A_97 = arith.constant 0 : i32
        %dma_start3A_98 = tpu.memref_slice %dma_start3A_95[%dma_start3A_96, %dma_start3A_97] : memref<10000x128xf32, #tpu.memory_space<hbm>> -> memref<400x128xf32, #tpu.memory_space<hbm>>
        %dma_start3A_99 = arith.constant 9600 : i32
        %dma_start3A_100 = arith.constant 0 : i32
        %dma_start3A_101 = tpu.memref_slice %arg10[%dma_start3A_99, %dma_start3A_100] : memref<10000x128xf32, #tpu.memory_space<vmem_shared>> -> memref<400x128xf32, #tpu.memory_space<vmem_shared>>
        tpu.enqueue_dma source(%dma_start3A_101 : memref<400x128xf32, #tpu.memory_space<vmem_shared>>) target(%dma_start3A_98 : memref<400x128xf32, #tpu.memory_space<hbm>>) target_semaphore(%run_scoped3A : memref<!tpu.dma_semaphore, #tpu.memory_space<semaphore_mem>>)
        %dma_wait3A_102 = arith.constant 0 : i32
        %dma_wait3A_103 = arith.constant 0 : i32
        %dma_wait3A_104 = tpu.memref_slice %arg5[%arg0, %dma_wait3A_102, %dma_wait3A_103] : memref<2x10000x128xf32, #tpu.memory_space<hbm>> -> memref<1x10000x128xf32, #tpu.memory_space<hbm>>
        %dma_wait3A_105 = tpu.memref_squeeze %dma_wait3A_104 : memref<1x10000x128xf32, #tpu.memory_space<hbm>> -> memref<10000x128xf32, #tpu.memory_space<hbm>>
        %dma_wait3A_106 = arith.constant 9600 : i32
        %dma_wait3A_107 = arith.constant 0 : i32
        %dma_wait3A_108 = tpu.memref_slice %dma_wait3A_105[%dma_wait3A_106, %dma_wait3A_107] : memref<10000x128xf32, #tpu.memory_space<hbm>> -> memref<400x128xf32, #tpu.memory_space<hbm>>
        %dma_wait3A_109 = arith.constant 9600 : i32
        %dma_wait3A_110 = arith.constant 0 : i32
        %dma_wait3A_111 = tpu.memref_slice %arg10[%dma_wait3A_109, %dma_wait3A_110] : memref<10000x128xf32, #tpu.memory_space<vmem_shared>> -> memref<400x128xf32, #tpu.memory_space<vmem_shared>>
        tpu.wait_dma2 semaphore(%run_scoped3A : memref<!tpu.dma_semaphore, #tpu.memory_space<semaphore_mem>>) src(%dma_wait3A_111 : memref<400x128xf32, #tpu.memory_space<vmem_shared>>) dst(%dma_wait3A_108 : memref<400x128xf32, #tpu.memory_space<hbm>>)
        tpu.yield
      }) : () -> ()
    } else {
    }
    return
  }
}

#map = affine_map<(d0, d1) -> (0, 0)>
#map1 = affine_map<(d0, d1) -> (0, 0, 0)>
module attributes {stable_mosaic.version = 14 : i64} {
  func.func @sc_agg(%arg0: i32, %arg1: i32, %arg2: memref<10000x128xf32, #tpu.memory_space<hbm>>, %arg3: memref<32x10000xi32, #tpu.memory_space<hbm>>, %arg4: memref<32x125x80xi32, #tpu.memory_space<hbm>>, %arg5: memref<2x10000x128xf32, #tpu.memory_space<hbm>>, %arg6: memref<10000xi32, #tpu.memory_space<vmem>>, %arg7: memref<125x80xi32, #tpu.memory_space<vmem>>, %arg8: memref<80x128xf32, #tpu.memory_space<vmem>>, %arg9: memref<80x128xf32, #tpu.memory_space<vmem>>, %arg10: memref<10000x128xf32, #tpu.memory_space<vmem_shared>>, %arg11: memref<!tpu.dma_semaphore, #tpu.memory_space<semaphore_mem>>, %arg12: memref<!tpu.dma_semaphore, #tpu.memory_space<semaphore_mem>>, %arg13: memref<!tpu.dma_semaphore, #tpu.memory_space<semaphore_mem>>, %arg14: memref<!tpu.dma_semaphore, #tpu.memory_space<semaphore_mem>>) attributes {dimension_semantics = [#tpu.dimension_semantics<core_parallel>, #tpu.dimension_semantics<subcore_parallel>], iteration_bounds = array<i64: 2, 16>, scalar_prefetch = 0 : i64, scratch_operands = 9 : i64, tpu.core_type = #tpu.core_type<sc_vector_subcore>, window_params = [{transform_indices = #map}, {transform_indices = #map}, {transform_indices = #map1}, {transform_indices = #map1}]} {
    %mul3A = arith.constant 2 : i32
    %mul3A_0 = arith.muli %arg1, %mul3A : i32
    %add3A = arith.addi %mul3A_0, %arg0 : i32
    %lt3A = arith.constant 15 : i32
    %lt3A_1 = arith.cmpi slt, %arg1, %lt3A : i32
    %convert_element_type3A = arith.extui %lt3A_1 : i1 to i32
    %cond3A = arith.constant 0 : i32
    %cond3A_2 = arith.cmpi ne, %convert_element_type3A, %cond3A : i32
    scf.if %cond3A_2 {
      %mul3A_92 = arith.constant 640 : i32
      %mul3A_93 = arith.muli %arg1, %mul3A_92 : i32
      %mul3A_94 = arith.constant 640 : i32
      %mul3A_95 = arith.muli %arg1, %mul3A_94 : i32
      "tpu.region"() ({
        %run_scoped3A = tpu.sem_alloc : memref<!tpu.dma_semaphore, #tpu.memory_space<semaphore_mem>>
        %dma_start3A_96 = arith.constant 0 : i32
        %dma_start3A_97 = tpu.memref_slice %arg10[%mul3A_95, %dma_start3A_96] : memref<10000x128xf32, #tpu.memory_space<vmem_shared>> -> memref<640x128xf32, #tpu.memory_space<vmem_shared>>
        %dma_start3A_98 = arith.constant 0 : i32
        %dma_start3A_99 = tpu.memref_slice %arg2[%mul3A_93, %dma_start3A_98] : memref<10000x128xf32, #tpu.memory_space<hbm>> -> memref<640x128xf32, #tpu.memory_space<hbm>>
        tpu.enqueue_dma source(%dma_start3A_99 : memref<640x128xf32, #tpu.memory_space<hbm>>) target(%dma_start3A_97 : memref<640x128xf32, #tpu.memory_space<vmem_shared>>) target_semaphore(%run_scoped3A : memref<!tpu.dma_semaphore, #tpu.memory_space<semaphore_mem>>)
        %dma_wait3A_100 = arith.constant 0 : i32
        %dma_wait3A_101 = tpu.memref_slice %arg10[%mul3A_95, %dma_wait3A_100] : memref<10000x128xf32, #tpu.memory_space<vmem_shared>> -> memref<640x128xf32, #tpu.memory_space<vmem_shared>>
        %dma_wait3A_102 = arith.constant 0 : i32
        %dma_wait3A_103 = tpu.memref_slice %arg2[%mul3A_93, %dma_wait3A_102] : memref<10000x128xf32, #tpu.memory_space<hbm>> -> memref<640x128xf32, #tpu.memory_space<hbm>>
        tpu.wait_dma2 semaphore(%run_scoped3A : memref<!tpu.dma_semaphore, #tpu.memory_space<semaphore_mem>>) src(%dma_wait3A_103 : memref<640x128xf32, #tpu.memory_space<hbm>>) dst(%dma_wait3A_101 : memref<640x128xf32, #tpu.memory_space<vmem_shared>>)
        tpu.yield
      }) : () -> ()
    } else {
    }
    %eq3A = arith.constant 15 : i32
    %eq3A_3 = arith.cmpi eq, %arg1, %eq3A : i32
    %convert_element_type3A_4 = arith.extui %eq3A_3 : i1 to i32
    %cond3A_5 = arith.constant 0 : i32
    %cond3A_6 = arith.cmpi ne, %convert_element_type3A_4, %cond3A_5 : i32
    scf.if %cond3A_6 {
      "tpu.region"() ({
        %run_scoped3A = tpu.sem_alloc : memref<!tpu.dma_semaphore, #tpu.memory_space<semaphore_mem>>
        %dma_start3A_92 = arith.constant 9600 : i32
        %dma_start3A_93 = arith.constant 0 : i32
        %dma_start3A_94 = tpu.memref_slice %arg10[%dma_start3A_92, %dma_start3A_93] : memref<10000x128xf32, #tpu.memory_space<vmem_shared>> -> memref<400x128xf32, #tpu.memory_space<vmem_shared>>
        %dma_start3A_95 = arith.constant 9600 : i32
        %dma_start3A_96 = arith.constant 0 : i32
        %dma_start3A_97 = tpu.memref_slice %arg2[%dma_start3A_95, %dma_start3A_96] : memref<10000x128xf32, #tpu.memory_space<hbm>> -> memref<400x128xf32, #tpu.memory_space<hbm>>
        tpu.enqueue_dma source(%dma_start3A_97 : memref<400x128xf32, #tpu.memory_space<hbm>>) target(%dma_start3A_94 : memref<400x128xf32, #tpu.memory_space<vmem_shared>>) target_semaphore(%run_scoped3A : memref<!tpu.dma_semaphore, #tpu.memory_space<semaphore_mem>>)
        %dma_wait3A_98 = arith.constant 9600 : i32
        %dma_wait3A_99 = arith.constant 0 : i32
        %dma_wait3A_100 = tpu.memref_slice %arg10[%dma_wait3A_98, %dma_wait3A_99] : memref<10000x128xf32, #tpu.memory_space<vmem_shared>> -> memref<400x128xf32, #tpu.memory_space<vmem_shared>>
        %dma_wait3A_101 = arith.constant 9600 : i32
        %dma_wait3A_102 = arith.constant 0 : i32
        %dma_wait3A_103 = tpu.memref_slice %arg2[%dma_wait3A_101, %dma_wait3A_102] : memref<10000x128xf32, #tpu.memory_space<hbm>> -> memref<400x128xf32, #tpu.memory_space<hbm>>
        tpu.wait_dma2 semaphore(%run_scoped3A : memref<!tpu.dma_semaphore, #tpu.memory_space<semaphore_mem>>) src(%dma_wait3A_103 : memref<400x128xf32, #tpu.memory_space<hbm>>) dst(%dma_wait3A_100 : memref<400x128xf32, #tpu.memory_space<vmem_shared>>)
        tpu.yield
      }) : () -> ()
    } else {
    }
    "tpu.region"() ({
      %run_scoped3A = tpu.sem_alloc : memref<!tpu.dma_semaphore, #tpu.memory_space<semaphore_mem>>
      %dma_start3A_92 = arith.constant 0 : i32
      %dma_start3A_93 = tpu.memref_slice %arg3[%add3A, %dma_start3A_92] : memref<32x10000xi32, #tpu.memory_space<hbm>> -> memref<1x10000xi32, #tpu.memory_space<hbm>>
      %dma_start3A_94 = tpu.memref_squeeze %dma_start3A_93 : memref<1x10000xi32, #tpu.memory_space<hbm>> -> memref<10000xi32, #tpu.memory_space<hbm>>
      %dma_start3A_95 = arith.constant 0 : i32
      %dma_start3A_96 = tpu.memref_slice %arg3[%add3A, %dma_start3A_95] : memref<32x10000xi32, #tpu.memory_space<hbm>> -> memref<1x10000xi32, #tpu.memory_space<hbm>>
      %dma_start3A_97 = tpu.memref_squeeze %dma_start3A_96 : memref<1x10000xi32, #tpu.memory_space<hbm>> -> memref<10000xi32, #tpu.memory_space<hbm>>
      tpu.enqueue_dma source(%dma_start3A_97 : memref<10000xi32, #tpu.memory_space<hbm>>) target(%arg6 : memref<10000xi32, #tpu.memory_space<vmem>>) target_semaphore(%run_scoped3A : memref<!tpu.dma_semaphore, #tpu.memory_space<semaphore_mem>>)
      %dma_wait3A_98 = arith.constant 0 : i32
      %dma_wait3A_99 = tpu.memref_slice %arg3[%add3A, %dma_wait3A_98] : memref<32x10000xi32, #tpu.memory_space<hbm>> -> memref<1x10000xi32, #tpu.memory_space<hbm>>
      %dma_wait3A_100 = tpu.memref_squeeze %dma_wait3A_99 : memref<1x10000xi32, #tpu.memory_space<hbm>> -> memref<10000xi32, #tpu.memory_space<hbm>>
      %dma_wait3A_101 = arith.constant 0 : i32
      %dma_wait3A_102 = tpu.memref_slice %arg3[%add3A, %dma_wait3A_101] : memref<32x10000xi32, #tpu.memory_space<hbm>> -> memref<1x10000xi32, #tpu.memory_space<hbm>>
      %dma_wait3A_103 = tpu.memref_squeeze %dma_wait3A_102 : memref<1x10000xi32, #tpu.memory_space<hbm>> -> memref<10000xi32, #tpu.memory_space<hbm>>
      tpu.wait_dma2 semaphore(%run_scoped3A : memref<!tpu.dma_semaphore, #tpu.memory_space<semaphore_mem>>) src(%dma_wait3A_103 : memref<10000xi32, #tpu.memory_space<hbm>>) dst(%arg6 : memref<10000xi32, #tpu.memory_space<vmem>>)
      tpu.yield
    }) : () -> ()
    "tpu.region"() ({
      %run_scoped3A = tpu.sem_alloc : memref<!tpu.dma_semaphore, #tpu.memory_space<semaphore_mem>>
      %dma_start3A_92 = arith.constant 0 : i32
      %dma_start3A_93 = arith.constant 0 : i32
      %dma_start3A_94 = tpu.memref_slice %arg4[%add3A, %dma_start3A_92, %dma_start3A_93] : memref<32x125x80xi32, #tpu.memory_space<hbm>> -> memref<1x125x80xi32, #tpu.memory_space<hbm>>
      %dma_start3A_95 = tpu.memref_squeeze %dma_start3A_94 : memref<1x125x80xi32, #tpu.memory_space<hbm>> -> memref<125x80xi32, #tpu.memory_space<hbm>>
      %dma_start3A_96 = arith.constant 0 : i32
      %dma_start3A_97 = arith.constant 0 : i32
      %dma_start3A_98 = tpu.memref_slice %arg4[%add3A, %dma_start3A_96, %dma_start3A_97] : memref<32x125x80xi32, #tpu.memory_space<hbm>> -> memref<1x125x80xi32, #tpu.memory_space<hbm>>
      %dma_start3A_99 = tpu.memref_squeeze %dma_start3A_98 : memref<1x125x80xi32, #tpu.memory_space<hbm>> -> memref<125x80xi32, #tpu.memory_space<hbm>>
      tpu.enqueue_dma source(%dma_start3A_99 : memref<125x80xi32, #tpu.memory_space<hbm>>) target(%arg7 : memref<125x80xi32, #tpu.memory_space<vmem>>) target_semaphore(%run_scoped3A : memref<!tpu.dma_semaphore, #tpu.memory_space<semaphore_mem>>)
      %dma_wait3A_100 = arith.constant 0 : i32
      %dma_wait3A_101 = arith.constant 0 : i32
      %dma_wait3A_102 = tpu.memref_slice %arg4[%add3A, %dma_wait3A_100, %dma_wait3A_101] : memref<32x125x80xi32, #tpu.memory_space<hbm>> -> memref<1x125x80xi32, #tpu.memory_space<hbm>>
      %dma_wait3A_103 = tpu.memref_squeeze %dma_wait3A_102 : memref<1x125x80xi32, #tpu.memory_space<hbm>> -> memref<125x80xi32, #tpu.memory_space<hbm>>
      %dma_wait3A_104 = arith.constant 0 : i32
      %dma_wait3A_105 = arith.constant 0 : i32
      %dma_wait3A_106 = tpu.memref_slice %arg4[%add3A, %dma_wait3A_104, %dma_wait3A_105] : memref<32x125x80xi32, #tpu.memory_space<hbm>> -> memref<1x125x80xi32, #tpu.memory_space<hbm>>
      %dma_wait3A_107 = tpu.memref_squeeze %dma_wait3A_106 : memref<1x125x80xi32, #tpu.memory_space<hbm>> -> memref<125x80xi32, #tpu.memory_space<hbm>>
      tpu.wait_dma2 semaphore(%run_scoped3A : memref<!tpu.dma_semaphore, #tpu.memory_space<semaphore_mem>>) src(%dma_wait3A_107 : memref<125x80xi32, #tpu.memory_space<hbm>>) dst(%arg7 : memref<125x80xi32, #tpu.memory_space<vmem>>)
      tpu.yield
    }) : () -> ()
    %dma_start3A = arith.constant 0 : i32
    %dma_start3A_7 = tpu.memref_slice %arg6[%dma_start3A] : memref<10000xi32, #tpu.memory_space<vmem>> -> memref<80xi32, #tpu.memory_space<vmem>>
    %dma_start3A_8 = arith.constant 0 : i32
    %dma_start3A_9 = arith.constant 0 : i32
    %dma_start3A_10 = tpu.memref_slice %arg2[%dma_start3A_8, %dma_start3A_9] : memref<10000x128xf32, #tpu.memory_space<hbm>> -> memref<10000x128xf32, #tpu.memory_space<hbm>>
    tpu.enqueue_indirect_dma source(%dma_start3A_10 : memref<10000x128xf32, #tpu.memory_space<hbm>>) target(%arg8 : memref<80x128xf32, #tpu.memory_space<vmem>>) offsets(%dma_start3A_7 : memref<80xi32, #tpu.memory_space<vmem>>) semaphore(%arg11 : memref<!tpu.dma_semaphore, #tpu.memory_space<semaphore_mem>>)
    %dma_start3A_11 = arith.constant 80 : i32
    %dma_start3A_12 = tpu.memref_slice %arg6[%dma_start3A_11] : memref<10000xi32, #tpu.memory_space<vmem>> -> memref<80xi32, #tpu.memory_space<vmem>>
    %dma_start3A_13 = arith.constant 0 : i32
    %dma_start3A_14 = arith.constant 0 : i32
    %dma_start3A_15 = tpu.memref_slice %arg2[%dma_start3A_13, %dma_start3A_14] : memref<10000x128xf32, #tpu.memory_space<hbm>> -> memref<10000x128xf32, #tpu.memory_space<hbm>>
    tpu.enqueue_indirect_dma source(%dma_start3A_15 : memref<10000x128xf32, #tpu.memory_space<hbm>>) target(%arg9 : memref<80x128xf32, #tpu.memory_space<vmem>>) offsets(%dma_start3A_12 : memref<80xi32, #tpu.memory_space<vmem>>) semaphore(%arg12 : memref<!tpu.dma_semaphore, #tpu.memory_space<semaphore_mem>>)
    %barrier3A = arith.constant 0 : index
    tpu.barrier barrier_id(%barrier3A)
    %dma_wait3A = arith.constant 0 : i32
    %dma_wait3A_16 = tpu.memref_slice %arg6[%dma_wait3A] : memref<10000xi32, #tpu.memory_space<vmem>> -> memref<80xi32, #tpu.memory_space<vmem>>
    %dma_wait3A_17 = arith.constant 0 : i32
    %dma_wait3A_18 = arith.constant 0 : i32
    %dma_wait3A_19 = tpu.memref_slice %arg2[%dma_wait3A_17, %dma_wait3A_18] : memref<10000x128xf32, #tpu.memory_space<hbm>> -> memref<10000x128xf32, #tpu.memory_space<hbm>>
    tpu.wait_indirect_dma semaphore(%arg11 : memref<!tpu.dma_semaphore, #tpu.memory_space<semaphore_mem>>) src(%dma_wait3A_19 : memref<10000x128xf32, #tpu.memory_space<hbm>>) dst(%arg8 : memref<80x128xf32, #tpu.memory_space<vmem>>)
    %dma_start3A_20 = arith.constant 0 : i32
    %dma_start3A_21 = arith.constant 0 : i32
    %dma_start3A_22 = tpu.memref_slice %arg7[%dma_start3A_20, %dma_start3A_21] : memref<125x80xi32, #tpu.memory_space<vmem>> -> memref<1x80xi32, #tpu.memory_space<vmem>>
    %dma_start3A_23 = tpu.memref_squeeze %dma_start3A_22 : memref<1x80xi32, #tpu.memory_space<vmem>> -> memref<80xi32, #tpu.memory_space<vmem>>
    %dma_start3A_24 = arith.constant 0 : i32
    %dma_start3A_25 = arith.constant 0 : i32
    %dma_start3A_26 = tpu.memref_slice %arg10[%dma_start3A_24, %dma_start3A_25] : memref<10000x128xf32, #tpu.memory_space<vmem_shared>> -> memref<10000x128xf32, #tpu.memory_space<vmem_shared>>
    tpu.enqueue_indirect_dma source(%arg8 : memref<80x128xf32, #tpu.memory_space<vmem>>) target(%dma_start3A_26 : memref<10000x128xf32, #tpu.memory_space<vmem_shared>>) offsets(%dma_start3A_23 : memref<80xi32, #tpu.memory_space<vmem>>) semaphore(%arg13 : memref<!tpu.dma_semaphore, #tpu.memory_space<semaphore_mem>>) {add = true}
    %scan3A = arith.constant 0 : i32
    %scan3A_27 = arith.constant 61 : i32
    %scan3A_28 = arith.addi %scan3A, %scan3A_27 : i32
    %scan3A_29 = arith.constant 1 : i32
    scf.for %scan3A_92 = %scan3A to %scan3A_28 step %scan3A_29  : i32 {
      %mul3A_93 = arith.constant 2 : i32
      %mul3A_94 = arith.muli %scan3A_92, %mul3A_93 : i32
      %add3A_95 = arith.constant 1 : i32
      %add3A_96 = arith.addi %add3A_95, %mul3A_94 : i32
      %add3A_97 = arith.constant 0 : i32
      %add3A_98 = arith.addi %add3A_96, %add3A_97 : i32
      %mul3A_99 = arith.constant 80 : i32
      %mul3A_100 = arith.muli %add3A_98, %mul3A_99 : i32
      %dma_wait3A_101 = tpu.memref_slice %arg6[%mul3A_100] : memref<10000xi32, #tpu.memory_space<vmem>> -> memref<80xi32, #tpu.memory_space<vmem>>
      %dma_wait3A_102 = arith.constant 0 : i32
      %dma_wait3A_103 = arith.constant 0 : i32
      %dma_wait3A_104 = tpu.memref_slice %arg2[%dma_wait3A_102, %dma_wait3A_103] : memref<10000x128xf32, #tpu.memory_space<hbm>> -> memref<10000x128xf32, #tpu.memory_space<hbm>>
      tpu.wait_indirect_dma semaphore(%arg12 : memref<!tpu.dma_semaphore, #tpu.memory_space<semaphore_mem>>) src(%dma_wait3A_104 : memref<10000x128xf32, #tpu.memory_space<hbm>>) dst(%arg9 : memref<80x128xf32, #tpu.memory_space<vmem>>)
      %dma_start3A_105 = arith.constant 0 : i32
      %dma_start3A_106 = tpu.memref_slice %arg7[%add3A_98, %dma_start3A_105] : memref<125x80xi32, #tpu.memory_space<vmem>> -> memref<1x80xi32, #tpu.memory_space<vmem>>
      %dma_start3A_107 = tpu.memref_squeeze %dma_start3A_106 : memref<1x80xi32, #tpu.memory_space<vmem>> -> memref<80xi32, #tpu.memory_space<vmem>>
      %dma_start3A_108 = arith.constant 0 : i32
      %dma_start3A_109 = arith.constant 0 : i32
      %dma_start3A_110 = tpu.memref_slice %arg10[%dma_start3A_108, %dma_start3A_109] : memref<10000x128xf32, #tpu.memory_space<vmem_shared>> -> memref<10000x128xf32, #tpu.memory_space<vmem_shared>>
      tpu.enqueue_indirect_dma source(%arg9 : memref<80x128xf32, #tpu.memory_space<vmem>>) target(%dma_start3A_110 : memref<10000x128xf32, #tpu.memory_space<vmem_shared>>) offsets(%dma_start3A_107 : memref<80xi32, #tpu.memory_space<vmem>>) semaphore(%arg14 : memref<!tpu.dma_semaphore, #tpu.memory_space<semaphore_mem>>) {add = true}
      %sub3A = arith.constant 1 : i32
      %sub3A_111 = arith.subi %add3A_98, %sub3A : i32
      %dma_wait3A_112 = arith.constant 0 : i32
      %dma_wait3A_113 = tpu.memref_slice %arg7[%sub3A_111, %dma_wait3A_112] : memref<125x80xi32, #tpu.memory_space<vmem>> -> memref<1x80xi32, #tpu.memory_space<vmem>>
      %dma_wait3A_114 = tpu.memref_squeeze %dma_wait3A_113 : memref<1x80xi32, #tpu.memory_space<vmem>> -> memref<80xi32, #tpu.memory_space<vmem>>
      %dma_wait3A_115 = arith.constant 0 : i32
      %dma_wait3A_116 = arith.constant 0 : i32
      %dma_wait3A_117 = tpu.memref_slice %arg10[%dma_wait3A_115, %dma_wait3A_116] : memref<10000x128xf32, #tpu.memory_space<vmem_shared>> -> memref<10000x128xf32, #tpu.memory_space<vmem_shared>>
      tpu.wait_indirect_dma semaphore(%arg13 : memref<!tpu.dma_semaphore, #tpu.memory_space<semaphore_mem>>) src(%arg8 : memref<80x128xf32, #tpu.memory_space<vmem>>) dst(%dma_wait3A_117 : memref<10000x128xf32, #tpu.memory_space<vmem_shared>>)
      %add3A_118 = arith.constant 1 : i32
      %add3A_119 = arith.addi %add3A_98, %add3A_118 : i32
      %mul3A_120 = arith.constant 80 : i32
      %mul3A_121 = arith.muli %add3A_119, %mul3A_120 : i32
      %dma_start3A_122 = tpu.memref_slice %arg6[%mul3A_121] : memref<10000xi32, #tpu.memory_space<vmem>> -> memref<80xi32, #tpu.memory_space<vmem>>
      %dma_start3A_123 = arith.constant 0 : i32
      %dma_start3A_124 = arith.constant 0 : i32
      %dma_start3A_125 = tpu.memref_slice %arg2[%dma_start3A_123, %dma_start3A_124] : memref<10000x128xf32, #tpu.memory_space<hbm>> -> memref<10000x128xf32, #tpu.memory_space<hbm>>
      tpu.enqueue_indirect_dma source(%dma_start3A_125 : memref<10000x128xf32, #tpu.memory_space<hbm>>) target(%arg8 : memref<80x128xf32, #tpu.memory_space<vmem>>) offsets(%dma_start3A_122 : memref<80xi32, #tpu.memory_space<vmem>>) semaphore(%arg11 : memref<!tpu.dma_semaphore, #tpu.memory_space<semaphore_mem>>)
      %add3A_126 = arith.constant 1 : i32
      %add3A_127 = arith.addi %add3A_96, %add3A_126 : i32
      %mul3A_128 = arith.constant 80 : i32
      %mul3A_129 = arith.muli %add3A_127, %mul3A_128 : i32
      %dma_wait3A_130 = tpu.memref_slice %arg6[%mul3A_129] : memref<10000xi32, #tpu.memory_space<vmem>> -> memref<80xi32, #tpu.memory_space<vmem>>
      %dma_wait3A_131 = arith.constant 0 : i32
      %dma_wait3A_132 = arith.constant 0 : i32
      %dma_wait3A_133 = tpu.memref_slice %arg2[%dma_wait3A_131, %dma_wait3A_132] : memref<10000x128xf32, #tpu.memory_space<hbm>> -> memref<10000x128xf32, #tpu.memory_space<hbm>>
      tpu.wait_indirect_dma semaphore(%arg11 : memref<!tpu.dma_semaphore, #tpu.memory_space<semaphore_mem>>) src(%dma_wait3A_133 : memref<10000x128xf32, #tpu.memory_space<hbm>>) dst(%arg8 : memref<80x128xf32, #tpu.memory_space<vmem>>)
      %dma_start3A_134 = arith.constant 0 : i32
      %dma_start3A_135 = tpu.memref_slice %arg7[%add3A_127, %dma_start3A_134] : memref<125x80xi32, #tpu.memory_space<vmem>> -> memref<1x80xi32, #tpu.memory_space<vmem>>
      %dma_start3A_136 = tpu.memref_squeeze %dma_start3A_135 : memref<1x80xi32, #tpu.memory_space<vmem>> -> memref<80xi32, #tpu.memory_space<vmem>>
      %dma_start3A_137 = arith.constant 0 : i32
      %dma_start3A_138 = arith.constant 0 : i32
      %dma_start3A_139 = tpu.memref_slice %arg10[%dma_start3A_137, %dma_start3A_138] : memref<10000x128xf32, #tpu.memory_space<vmem_shared>> -> memref<10000x128xf32, #tpu.memory_space<vmem_shared>>
      tpu.enqueue_indirect_dma source(%arg8 : memref<80x128xf32, #tpu.memory_space<vmem>>) target(%dma_start3A_139 : memref<10000x128xf32, #tpu.memory_space<vmem_shared>>) offsets(%dma_start3A_136 : memref<80xi32, #tpu.memory_space<vmem>>) semaphore(%arg13 : memref<!tpu.dma_semaphore, #tpu.memory_space<semaphore_mem>>) {add = true}
      %sub3A_140 = arith.constant 1 : i32
      %sub3A_141 = arith.subi %add3A_127, %sub3A_140 : i32
      %dma_wait3A_142 = arith.constant 0 : i32
      %dma_wait3A_143 = tpu.memref_slice %arg7[%sub3A_141, %dma_wait3A_142] : memref<125x80xi32, #tpu.memory_space<vmem>> -> memref<1x80xi32, #tpu.memory_space<vmem>>
      %dma_wait3A_144 = tpu.memref_squeeze %dma_wait3A_143 : memref<1x80xi32, #tpu.memory_space<vmem>> -> memref<80xi32, #tpu.memory_space<vmem>>
      %dma_wait3A_145 = arith.constant 0 : i32
      %dma_wait3A_146 = arith.constant 0 : i32
      %dma_wait3A_147 = tpu.memref_slice %arg10[%dma_wait3A_145, %dma_wait3A_146] : memref<10000x128xf32, #tpu.memory_space<vmem_shared>> -> memref<10000x128xf32, #tpu.memory_space<vmem_shared>>
      tpu.wait_indirect_dma semaphore(%arg14 : memref<!tpu.dma_semaphore, #tpu.memory_space<semaphore_mem>>) src(%arg9 : memref<80x128xf32, #tpu.memory_space<vmem>>) dst(%dma_wait3A_147 : memref<10000x128xf32, #tpu.memory_space<vmem_shared>>)
      %add3A_148 = arith.constant 1 : i32
      %add3A_149 = arith.addi %add3A_127, %add3A_148 : i32
      %mul3A_150 = arith.constant 80 : i32
      %mul3A_151 = arith.muli %add3A_149, %mul3A_150 : i32
      %dma_start3A_152 = tpu.memref_slice %arg6[%mul3A_151] : memref<10000xi32, #tpu.memory_space<vmem>> -> memref<80xi32, #tpu.memory_space<vmem>>
      %dma_start3A_153 = arith.constant 0 : i32
      %dma_start3A_154 = arith.constant 0 : i32
      %dma_start3A_155 = tpu.memref_slice %arg2[%dma_start3A_153, %dma_start3A_154] : memref<10000x128xf32, #tpu.memory_space<hbm>> -> memref<10000x128xf32, #tpu.memory_space<hbm>>
      tpu.enqueue_indirect_dma source(%dma_start3A_155 : memref<10000x128xf32, #tpu.memory_space<hbm>>) target(%arg9 : memref<80x128xf32, #tpu.memory_space<vmem>>) offsets(%dma_start3A_152 : memref<80xi32, #tpu.memory_space<vmem>>) semaphore(%arg12 : memref<!tpu.dma_semaphore, #tpu.memory_space<semaphore_mem>>)
    }
    %scan3A_30 = arith.constant 61 : i32
    %dma_wait3A_31 = arith.constant 9840 : i32
    %dma_wait3A_32 = tpu.memref_slice %arg6[%dma_wait3A_31] : memref<10000xi32, #tpu.memory_space<vmem>> -> memref<80xi32, #tpu.memory_space<vmem>>
    %dma_wait3A_33 = arith.constant 0 : i32
    %dma_wait3A_34 = arith.constant 0 : i32
    %dma_wait3A_35 = tpu.memref_slice %arg2[%dma_wait3A_33, %dma_wait3A_34] : memref<10000x128xf32, #tpu.memory_space<hbm>> -> memref<10000x128xf32, #tpu.memory_space<hbm>>
    tpu.wait_indirect_dma semaphore(%arg12 : memref<!tpu.dma_semaphore, #tpu.memory_space<semaphore_mem>>) src(%dma_wait3A_35 : memref<10000x128xf32, #tpu.memory_space<hbm>>) dst(%arg9 : memref<80x128xf32, #tpu.memory_space<vmem>>)
    %dma_start3A_36 = arith.constant 123 : i32
    %dma_start3A_37 = arith.constant 0 : i32
    %dma_start3A_38 = tpu.memref_slice %arg7[%dma_start3A_36, %dma_start3A_37] : memref<125x80xi32, #tpu.memory_space<vmem>> -> memref<1x80xi32, #tpu.memory_space<vmem>>
    %dma_start3A_39 = tpu.memref_squeeze %dma_start3A_38 : memref<1x80xi32, #tpu.memory_space<vmem>> -> memref<80xi32, #tpu.memory_space<vmem>>
    %dma_start3A_40 = arith.constant 0 : i32
    %dma_start3A_41 = arith.constant 0 : i32
    %dma_start3A_42 = tpu.memref_slice %arg10[%dma_start3A_40, %dma_start3A_41] : memref<10000x128xf32, #tpu.memory_space<vmem_shared>> -> memref<10000x128xf32, #tpu.memory_space<vmem_shared>>
    tpu.enqueue_indirect_dma source(%arg9 : memref<80x128xf32, #tpu.memory_space<vmem>>) target(%dma_start3A_42 : memref<10000x128xf32, #tpu.memory_space<vmem_shared>>) offsets(%dma_start3A_39 : memref<80xi32, #tpu.memory_space<vmem>>) semaphore(%arg14 : memref<!tpu.dma_semaphore, #tpu.memory_space<semaphore_mem>>) {add = true}
    %dma_wait3A_43 = arith.constant 122 : i32
    %dma_wait3A_44 = arith.constant 0 : i32
    %dma_wait3A_45 = tpu.memref_slice %arg7[%dma_wait3A_43, %dma_wait3A_44] : memref<125x80xi32, #tpu.memory_space<vmem>> -> memref<1x80xi32, #tpu.memory_space<vmem>>
    %dma_wait3A_46 = tpu.memref_squeeze %dma_wait3A_45 : memref<1x80xi32, #tpu.memory_space<vmem>> -> memref<80xi32, #tpu.memory_space<vmem>>
    %dma_wait3A_47 = arith.constant 0 : i32
    %dma_wait3A_48 = arith.constant 0 : i32
    %dma_wait3A_49 = tpu.memref_slice %arg10[%dma_wait3A_47, %dma_wait3A_48] : memref<10000x128xf32, #tpu.memory_space<vmem_shared>> -> memref<10000x128xf32, #tpu.memory_space<vmem_shared>>
    tpu.wait_indirect_dma semaphore(%arg13 : memref<!tpu.dma_semaphore, #tpu.memory_space<semaphore_mem>>) src(%arg8 : memref<80x128xf32, #tpu.memory_space<vmem>>) dst(%dma_wait3A_49 : memref<10000x128xf32, #tpu.memory_space<vmem_shared>>)
    %dma_start3A_50 = arith.constant 9920 : i32
    %dma_start3A_51 = tpu.memref_slice %arg6[%dma_start3A_50] : memref<10000xi32, #tpu.memory_space<vmem>> -> memref<80xi32, #tpu.memory_space<vmem>>
    %dma_start3A_52 = arith.constant 0 : i32
    %dma_start3A_53 = arith.constant 0 : i32
    %dma_start3A_54 = tpu.memref_slice %arg2[%dma_start3A_52, %dma_start3A_53] : memref<10000x128xf32, #tpu.memory_space<hbm>> -> memref<10000x128xf32, #tpu.memory_space<hbm>>
    tpu.enqueue_indirect_dma source(%dma_start3A_54 : memref<10000x128xf32, #tpu.memory_space<hbm>>) target(%arg8 : memref<80x128xf32, #tpu.memory_space<vmem>>) offsets(%dma_start3A_51 : memref<80xi32, #tpu.memory_space<vmem>>) semaphore(%arg11 : memref<!tpu.dma_semaphore, #tpu.memory_space<semaphore_mem>>)
    %dma_wait3A_55 = arith.constant 9920 : i32
    %dma_wait3A_56 = tpu.memref_slice %arg6[%dma_wait3A_55] : memref<10000xi32, #tpu.memory_space<vmem>> -> memref<80xi32, #tpu.memory_space<vmem>>
    %dma_wait3A_57 = arith.constant 0 : i32
    %dma_wait3A_58 = arith.constant 0 : i32
    %dma_wait3A_59 = tpu.memref_slice %arg2[%dma_wait3A_57, %dma_wait3A_58] : memref<10000x128xf32, #tpu.memory_space<hbm>> -> memref<10000x128xf32, #tpu.memory_space<hbm>>
    tpu.wait_indirect_dma semaphore(%arg11 : memref<!tpu.dma_semaphore, #tpu.memory_space<semaphore_mem>>) src(%dma_wait3A_59 : memref<10000x128xf32, #tpu.memory_space<hbm>>) dst(%arg8 : memref<80x128xf32, #tpu.memory_space<vmem>>)
    %dma_start3A_60 = arith.constant 124 : i32
    %dma_start3A_61 = arith.constant 0 : i32
    %dma_start3A_62 = tpu.memref_slice %arg7[%dma_start3A_60, %dma_start3A_61] : memref<125x80xi32, #tpu.memory_space<vmem>> -> memref<1x80xi32, #tpu.memory_space<vmem>>
    %dma_start3A_63 = tpu.memref_squeeze %dma_start3A_62 : memref<1x80xi32, #tpu.memory_space<vmem>> -> memref<80xi32, #tpu.memory_space<vmem>>
    %dma_start3A_64 = arith.constant 0 : i32
    %dma_start3A_65 = arith.constant 0 : i32
    %dma_start3A_66 = tpu.memref_slice %arg10[%dma_start3A_64, %dma_start3A_65] : memref<10000x128xf32, #tpu.memory_space<vmem_shared>> -> memref<10000x128xf32, #tpu.memory_space<vmem_shared>>
    tpu.enqueue_indirect_dma source(%arg8 : memref<80x128xf32, #tpu.memory_space<vmem>>) target(%dma_start3A_66 : memref<10000x128xf32, #tpu.memory_space<vmem_shared>>) offsets(%dma_start3A_63 : memref<80xi32, #tpu.memory_space<vmem>>) semaphore(%arg13 : memref<!tpu.dma_semaphore, #tpu.memory_space<semaphore_mem>>) {add = true}
    %dma_wait3A_67 = arith.constant 123 : i32
    %dma_wait3A_68 = arith.constant 0 : i32
    %dma_wait3A_69 = tpu.memref_slice %arg7[%dma_wait3A_67, %dma_wait3A_68] : memref<125x80xi32, #tpu.memory_space<vmem>> -> memref<1x80xi32, #tpu.memory_space<vmem>>
    %dma_wait3A_70 = tpu.memref_squeeze %dma_wait3A_69 : memref<1x80xi32, #tpu.memory_space<vmem>> -> memref<80xi32, #tpu.memory_space<vmem>>
    %dma_wait3A_71 = arith.constant 0 : i32
    %dma_wait3A_72 = arith.constant 0 : i32
    %dma_wait3A_73 = tpu.memref_slice %arg10[%dma_wait3A_71, %dma_wait3A_72] : memref<10000x128xf32, #tpu.memory_space<vmem_shared>> -> memref<10000x128xf32, #tpu.memory_space<vmem_shared>>
    tpu.wait_indirect_dma semaphore(%arg14 : memref<!tpu.dma_semaphore, #tpu.memory_space<semaphore_mem>>) src(%arg9 : memref<80x128xf32, #tpu.memory_space<vmem>>) dst(%dma_wait3A_73 : memref<10000x128xf32, #tpu.memory_space<vmem_shared>>)
    %dma_wait3A_74 = arith.constant 124 : i32
    %dma_wait3A_75 = arith.constant 0 : i32
    %dma_wait3A_76 = tpu.memref_slice %arg7[%dma_wait3A_74, %dma_wait3A_75] : memref<125x80xi32, #tpu.memory_space<vmem>> -> memref<1x80xi32, #tpu.memory_space<vmem>>
    %dma_wait3A_77 = tpu.memref_squeeze %dma_wait3A_76 : memref<1x80xi32, #tpu.memory_space<vmem>> -> memref<80xi32, #tpu.memory_space<vmem>>
    %dma_wait3A_78 = arith.constant 0 : i32
    %dma_wait3A_79 = arith.constant 0 : i32
    %dma_wait3A_80 = tpu.memref_slice %arg10[%dma_wait3A_78, %dma_wait3A_79] : memref<10000x128xf32, #tpu.memory_space<vmem_shared>> -> memref<10000x128xf32, #tpu.memory_space<vmem_shared>>
    tpu.wait_indirect_dma semaphore(%arg13 : memref<!tpu.dma_semaphore, #tpu.memory_space<semaphore_mem>>) src(%arg8 : memref<80x128xf32, #tpu.memory_space<vmem>>) dst(%dma_wait3A_80 : memref<10000x128xf32, #tpu.memory_space<vmem_shared>>)
    %barrier3A_81 = arith.constant 0 : index
    tpu.barrier barrier_id(%barrier3A_81)
    %lt3A_82 = arith.constant 15 : i32
    %lt3A_83 = arith.cmpi slt, %arg1, %lt3A_82 : i32
    %convert_element_type3A_84 = arith.extui %lt3A_83 : i1 to i32
    %cond3A_85 = arith.constant 0 : i32
    %cond3A_86 = arith.cmpi ne, %convert_element_type3A_84, %cond3A_85 : i32
    scf.if %cond3A_86 {
      %mul3A_92 = arith.constant 640 : i32
      %mul3A_93 = arith.muli %arg1, %mul3A_92 : i32
      %mul3A_94 = arith.constant 640 : i32
      %mul3A_95 = arith.muli %arg1, %mul3A_94 : i32
      "tpu.region"() ({
        %run_scoped3A = tpu.sem_alloc : memref<!tpu.dma_semaphore, #tpu.memory_space<semaphore_mem>>
        %dma_start3A_96 = arith.constant 0 : i32
        %dma_start3A_97 = arith.constant 0 : i32
        %dma_start3A_98 = tpu.memref_slice %arg5[%arg0, %dma_start3A_96, %dma_start3A_97] : memref<2x10000x128xf32, #tpu.memory_space<hbm>> -> memref<1x10000x128xf32, #tpu.memory_space<hbm>>
        %dma_start3A_99 = tpu.memref_squeeze %dma_start3A_98 : memref<1x10000x128xf32, #tpu.memory_space<hbm>> -> memref<10000x128xf32, #tpu.memory_space<hbm>>
        %dma_start3A_100 = arith.constant 0 : i32
        %dma_start3A_101 = tpu.memref_slice %dma_start3A_99[%mul3A_95, %dma_start3A_100] : memref<10000x128xf32, #tpu.memory_space<hbm>> -> memref<640x128xf32, #tpu.memory_space<hbm>>
        %dma_start3A_102 = arith.constant 0 : i32
        %dma_start3A_103 = tpu.memref_slice %arg10[%mul3A_93, %dma_start3A_102] : memref<10000x128xf32, #tpu.memory_space<vmem_shared>> -> memref<640x128xf32, #tpu.memory_space<vmem_shared>>
        tpu.enqueue_dma source(%dma_start3A_103 : memref<640x128xf32, #tpu.memory_space<vmem_shared>>) target(%dma_start3A_101 : memref<640x128xf32, #tpu.memory_space<hbm>>) target_semaphore(%run_scoped3A : memref<!tpu.dma_semaphore, #tpu.memory_space<semaphore_mem>>)
        %dma_wait3A_104 = arith.constant 0 : i32
        %dma_wait3A_105 = arith.constant 0 : i32
        %dma_wait3A_106 = tpu.memref_slice %arg5[%arg0, %dma_wait3A_104, %dma_wait3A_105] : memref<2x10000x128xf32, #tpu.memory_space<hbm>> -> memref<1x10000x128xf32, #tpu.memory_space<hbm>>
        %dma_wait3A_107 = tpu.memref_squeeze %dma_wait3A_106 : memref<1x10000x128xf32, #tpu.memory_space<hbm>> -> memref<10000x128xf32, #tpu.memory_space<hbm>>
        %dma_wait3A_108 = arith.constant 0 : i32
        %dma_wait3A_109 = tpu.memref_slice %dma_wait3A_107[%mul3A_95, %dma_wait3A_108] : memref<10000x128xf32, #tpu.memory_space<hbm>> -> memref<640x128xf32, #tpu.memory_space<hbm>>
        %dma_wait3A_110 = arith.constant 0 : i32
        %dma_wait3A_111 = tpu.memref_slice %arg10[%mul3A_93, %dma_wait3A_110] : memref<10000x128xf32, #tpu.memory_space<vmem_shared>> -> memref<640x128xf32, #tpu.memory_space<vmem_shared>>
        tpu.wait_dma2 semaphore(%run_scoped3A : memref<!tpu.dma_semaphore, #tpu.memory_space<semaphore_mem>>) src(%dma_wait3A_111 : memref<640x128xf32, #tpu.memory_space<vmem_shared>>) dst(%dma_wait3A_109 : memref<640x128xf32, #tpu.memory_space<hbm>>)
        tpu.yield
      }) : () -> ()
    } else {
    }
    %eq3A_87 = arith.constant 15 : i32
    %eq3A_88 = arith.cmpi eq, %arg1, %eq3A_87 : i32
    %convert_element_type3A_89 = arith.extui %eq3A_88 : i1 to i32
    %cond3A_90 = arith.constant 0 : i32
    %cond3A_91 = arith.cmpi ne, %convert_element_type3A_89, %cond3A_90 : i32
    scf.if %cond3A_91 {
      "tpu.region"() ({
        %run_scoped3A = tpu.sem_alloc : memref<!tpu.dma_semaphore, #tpu.memory_space<semaphore_mem>>
        %dma_start3A_92 = arith.constant 0 : i32
        %dma_start3A_93 = arith.constant 0 : i32
        %dma_start3A_94 = tpu.memref_slice %arg5[%arg0, %dma_start3A_92, %dma_start3A_93] : memref<2x10000x128xf32, #tpu.memory_space<hbm>> -> memref<1x10000x128xf32, #tpu.memory_space<hbm>>
        %dma_start3A_95 = tpu.memref_squeeze %dma_start3A_94 : memref<1x10000x128xf32, #tpu.memory_space<hbm>> -> memref<10000x128xf32, #tpu.memory_space<hbm>>
        %dma_start3A_96 = arith.constant 9600 : i32
        %dma_start3A_97 = arith.constant 0 : i32
        %dma_start3A_98 = tpu.memref_slice %dma_start3A_95[%dma_start3A_96, %dma_start3A_97] : memref<10000x128xf32, #tpu.memory_space<hbm>> -> memref<400x128xf32, #tpu.memory_space<hbm>>
        %dma_start3A_99 = arith.constant 9600 : i32
        %dma_start3A_100 = arith.constant 0 : i32
        %dma_start3A_101 = tpu.memref_slice %arg10[%dma_start3A_99, %dma_start3A_100] : memref<10000x128xf32, #tpu.memory_space<vmem_shared>> -> memref<400x128xf32, #tpu.memory_space<vmem_shared>>
        tpu.enqueue_dma source(%dma_start3A_101 : memref<400x128xf32, #tpu.memory_space<vmem_shared>>) target(%dma_start3A_98 : memref<400x128xf32, #tpu.memory_space<hbm>>) target_semaphore(%run_scoped3A : memref<!tpu.dma_semaphore, #tpu.memory_space<semaphore_mem>>)
        %dma_wait3A_102 = arith.constant 0 : i32
        %dma_wait3A_103 = arith.constant 0 : i32
        %dma_wait3A_104 = tpu.memref_slice %arg5[%arg0, %dma_wait3A_102, %dma_wait3A_103] : memref<2x10000x128xf32, #tpu.memory_space<hbm>> -> memref<1x10000x128xf32, #tpu.memory_space<hbm>>
        %dma_wait3A_105 = tpu.memref_squeeze %dma_wait3A_104 : memref<1x10000x128xf32, #tpu.memory_space<hbm>> -> memref<10000x128xf32, #tpu.memory_space<hbm>>
        %dma_wait3A_106 = arith.constant 9600 : i32
        %dma_wait3A_107 = arith.constant 0 : i32
        %dma_wait3A_108 = tpu.memref_slice %dma_wait3A_105[%dma_wait3A_106, %dma_wait3A_107] : memref<10000x128xf32, #tpu.memory_space<hbm>> -> memref<400x128xf32, #tpu.memory_space<hbm>>
        %dma_wait3A_109 = arith.constant 9600 : i32
        %dma_wait3A_110 = arith.constant 0 : i32
        %dma_wait3A_111 = tpu.memref_slice %arg10[%dma_wait3A_109, %dma_wait3A_110] : memref<10000x128xf32, #tpu.memory_space<vmem_shared>> -> memref<400x128xf32, #tpu.memory_space<vmem_shared>>
        tpu.wait_dma2 semaphore(%run_scoped3A : memref<!tpu.dma_semaphore, #tpu.memory_space<semaphore_mem>>) src(%dma_wait3A_111 : memref<400x128xf32, #tpu.memory_space<vmem_shared>>) dst(%dma_wait3A_108 : memref<400x128xf32, #tpu.memory_space<hbm>>)
        tpu.yield
      }) : () -> ()
    } else {
    }
    return
  }
}

module attributes {stable_mosaic.version = 14 : i64} {
  func.func @_embed_body(%arg0: i32, %arg1: memref<1000x1xi32, #tpu.memory_space<vmem>>, %arg2: memref<128x128xf32, #tpu.memory_space<vmem>>, %arg3: memref<1000x128xf32, #tpu.memory_space<vmem>>) attributes {dimension_semantics = [#tpu.dimension_semantics<arbitrary>], iteration_bounds = array<i64: 10>, scalar_prefetch = 0 : i64, scratch_operands = 0 : i64, tpu.core_type = #tpu.core_type<tc>, window_params = [{transform_indices = @transform_0, window_bounds = array<i64: 1000, 1>}, {pipeline_mode = #tpu.pipeline_mode<synchronous>, transform_indices = @transform_1, window_bounds = array<i64: 128, 128>}, {transform_indices = @transform_2, window_bounds = array<i64: 1000, 128>}]} {
    %get3A = arith.constant 0 : index
    %get3A_0 = arith.constant 0 : index
    %get3A_1 = vector.load %arg1[%get3A, %get3A_0] : memref<1000x1xi32, #tpu.memory_space<vmem>>, vector<1000x1xi32>
    %iota3A = tpu.iota {dimensions = array<i32: 1>} : vector<1000x128xi32>
    %eq3A = vector.broadcast %get3A_1 : vector<1000x1xi32> to vector<1000x128xi32>
    %eq3A_2 = arith.cmpi eq, %eq3A, %iota3A : vector<1000x128xi32>
    %convert_element_type3A = arith.extui %eq3A_2 : vector<1000x128xi1> to vector<1000x128xi32>
    %convert_element_type3A_3 = arith.sitofp %convert_element_type3A : vector<1000x128xi32> to vector<1000x128xf32>
    %get3A_4 = arith.constant 0 : index
    %get3A_5 = arith.constant 0 : index
    %get3A_6 = vector.load %arg2[%get3A_4, %get3A_5] : memref<128x128xf32, #tpu.memory_space<vmem>>, vector<128x128xf32>
    %dot_general3A = arith.constant dense<0.000000e+00> : vector<1000x128xf32>
    %dot_general3A_7 = tpu.matmul %convert_element_type3A_3, %get3A_6, %dot_general3A {dimension_numbers = #tpu.dot_dimension_numbers<[1], [0], [0], [1], [0, 0, 1, 1], [], []>, transpose_lhs_hint = false} : vector<1000x128xf32>, vector<128x128xf32>, vector<1000x128xf32> -> vector<1000x128xf32>
    %swap3A = arith.constant 0 : index
    %swap3A_8 = arith.constant 0 : index
    %swap3A_9 = vector.load %arg3[%swap3A, %swap3A_8] : memref<1000x128xf32, #tpu.memory_space<vmem>>, vector<1000x128xf32>
    tpu.vector_store %arg3[%swap3A, %swap3A_8], %dot_general3A_7 {strides = array<i32>} : memref<1000x128xf32, #tpu.memory_space<vmem>>, vector<1000x128xf32>,
    return
  }
  func.func @transform_0(%arg0: i32) -> (i32, i32) {
    %c0_i32 = arith.constant 0 : i32
    %c0_i32_0 = arith.constant 0 : i32
    return %arg0, %c0_i32 : i32, i32
  }
  func.func @transform_1(%arg0: i32) -> (i32, i32) {
    %c0_i32 = arith.constant 0 : i32
    %c0_i32_0 = arith.constant 0 : i32
    %c0_i32_1 = arith.constant 0 : i32
    return %c0_i32, %c0_i32_0 : i32, i32
  }
  func.func @transform_2(%arg0: i32) -> (i32, i32) {
    %c0_i32 = arith.constant 0 : i32
    %c0_i32_0 = arith.constant 0 : i32
    return %arg0, %c0_i32 : i32, i32
  }
}

module attributes {stable_mosaic.version = 14 : i64} {
  func.func @_mlp_body(%arg0: i32, %arg1: memref<1000x128xf32, #tpu.memory_space<vmem>>, %arg2: memref<1000x128xf32, #tpu.memory_space<vmem>>, %arg3: memref<1000x128xf32, #tpu.memory_space<vmem>>, %arg4: memref<128x128xf32, #tpu.memory_space<vmem>>, %arg5: memref<1x128xf32, #tpu.memory_space<vmem>>, %arg6: memref<128x128xf32, #tpu.memory_space<vmem>>, %arg7: memref<1x128xf32, #tpu.memory_space<vmem>>, %arg8: memref<1000x128xf32, #tpu.memory_space<vmem>>) attributes {dimension_semantics = [#tpu.dimension_semantics<arbitrary>], iteration_bounds = array<i64: 10>, scalar_prefetch = 0 : i64, scratch_operands = 0 : i64, tpu.core_type = #tpu.core_type<tc>, window_params = [{transform_indices = @transform_0, window_bounds = array<i64: 1000, 128>}, {transform_indices = @transform_1, window_bounds = array<i64: 1000, 128>}, {transform_indices = @transform_2, window_bounds = array<i64: 1000, 128>}, {pipeline_mode = #tpu.pipeline_mode<synchronous>, transform_indices = @transform_3, window_bounds = array<i64: 128, 128>}, {pipeline_mode = #tpu.pipeline_mode<synchronous>, transform_indices = @transform_4, window_bounds = array<i64: 1, 128>}, {pipeline_mode = #tpu.pipeline_mode<synchronous>, transform_indices = @transform_5, window_bounds = array<i64: 128, 128>}, {pipeline_mode = #tpu.pipeline_mode<synchronous>, transform_indices = @transform_6, window_bounds = array<i64: 1, 128>}, {transform_indices = @transform_7, window_bounds = array<i64: 1000, 128>}]} {
    %get3A = arith.constant 0 : index
    %get3A_0 = arith.constant 0 : index
    %get3A_1 = vector.load %arg2[%get3A, %get3A_0] : memref<1000x128xf32, #tpu.memory_space<vmem>>, vector<1000x128xf32>
    %get3A_2 = arith.constant 0 : index
    %get3A_3 = arith.constant 0 : index
    %get3A_4 = vector.load %arg3[%get3A_2, %get3A_3] : memref<1000x128xf32, #tpu.memory_space<vmem>>, vector<1000x128xf32>
    %add3A = arith.addf %get3A_1, %get3A_4 : vector<1000x128xf32>
    %get3A_5 = arith.constant 0 : index
    %get3A_6 = arith.constant 0 : index
    %get3A_7 = vector.load %arg1[%get3A_5, %get3A_6] : memref<1000x128xf32, #tpu.memory_space<vmem>>, vector<1000x128xf32>
    %sub3A = arith.subf %add3A, %get3A_7 : vector<1000x128xf32>
    %get3A_8 = arith.constant 0 : index
    %get3A_9 = arith.constant 0 : index
    %get3A_10 = vector.load %arg4[%get3A_8, %get3A_9] : memref<128x128xf32, #tpu.memory_space<vmem>>, vector<128x128xf32>
    %dot_general3A = arith.constant dense<0.000000e+00> : vector<1000x128xf32>
    %dot_general3A_11 = tpu.matmul %sub3A, %get3A_10, %dot_general3A {dimension_numbers = #tpu.dot_dimension_numbers<[1], [1], [0], [0], [0, 0, 1, 0], [], []>, transpose_lhs_hint = false} : vector<1000x128xf32>, vector<128x128xf32>, vector<1000x128xf32> -> vector<1000x128xf32>
    %get3A_12 = arith.constant 0 : index
    %get3A_13 = arith.constant 0 : index
    %get3A_14 = vector.load %arg5[%get3A_12, %get3A_13] : memref<1x128xf32, #tpu.memory_space<vmem>>, vector<1x128xf32>
    %add3A_15 = vector.broadcast %get3A_14 : vector<1x128xf32> to vector<1000x128xf32>
    %add3A_16 = arith.addf %dot_general3A_11, %add3A_15 : vector<1000x128xf32>
    %max3A = arith.constant 0.000000e+00 : f32
    %max3A_17 = vector.broadcast %max3A : f32 to vector<1000x128xf32>
    %max3A_18 = arith.maximumf %add3A_16, %max3A_17 : vector<1000x128xf32>
    %get3A_19 = arith.constant 0 : index
    %get3A_20 = arith.constant 0 : index
    %get3A_21 = vector.load %arg6[%get3A_19, %get3A_20] : memref<128x128xf32, #tpu.memory_space<vmem>>, vector<128x128xf32>
    %dot_general3A_22 = arith.constant dense<0.000000e+00> : vector<1000x128xf32>
    %dot_general3A_23 = tpu.matmul %max3A_18, %get3A_21, %dot_general3A_22 {dimension_numbers = #tpu.dot_dimension_numbers<[1], [1], [0], [0], [0, 0, 1, 0], [], []>, transpose_lhs_hint = false} : vector<1000x128xf32>, vector<128x128xf32>, vector<1000x128xf32> -> vector<1000x128xf32>
    %get3A_24 = arith.constant 0 : index
    %get3A_25 = arith.constant 0 : index
    %get3A_26 = vector.load %arg7[%get3A_24, %get3A_25] : memref<1x128xf32, #tpu.memory_space<vmem>>, vector<1x128xf32>
    %add3A_27 = vector.broadcast %get3A_26 : vector<1x128xf32> to vector<1000x128xf32>
    %add3A_28 = arith.addf %dot_general3A_23, %add3A_27 : vector<1000x128xf32>
    %max3A_29 = arith.constant 0.000000e+00 : f32
    %max3A_30 = vector.broadcast %max3A_29 : f32 to vector<1000x128xf32>
    %max3A_31 = arith.maximumf %add3A_28, %max3A_30 : vector<1000x128xf32>
    %swap3A = arith.constant 0 : index
    %swap3A_32 = arith.constant 0 : index
    %swap3A_33 = vector.load %arg8[%swap3A, %swap3A_32] : memref<1000x128xf32, #tpu.memory_space<vmem>>, vector<1000x128xf32>
    tpu.vector_store %arg8[%swap3A, %swap3A_32], %max3A_31 {strides = array<i32>} : memref<1000x128xf32, #tpu.memory_space<vmem>>, vector<1000x128xf32>,
    return
  }
  func.func @transform_0(%arg0: i32) -> (i32, i32) {
    %c0_i32 = arith.constant 0 : i32
    %c0_i32_0 = arith.constant 0 : i32
    return %arg0, %c0_i32 : i32, i32
  }
  func.func @transform_1(%arg0: i32) -> (i32, i32) {
    %c0_i32 = arith.constant 0 : i32
    %c0_i32_0 = arith.constant 0 : i32
    return %arg0, %c0_i32 : i32, i32
  }
  func.func @transform_2(%arg0: i32) -> (i32, i32) {
    %c0_i32 = arith.constant 0 : i32
    %c0_i32_0 = arith.constant 0 : i32
    return %arg0, %c0_i32 : i32, i32
  }
  func.func @transform_3(%arg0: i32) -> (i32, i32) {
    %c0_i32 = arith.constant 0 : i32
    %c0_i32_0 = arith.constant 0 : i32
    %c0_i32_1 = arith.constant 0 : i32
    return %c0_i32, %c0_i32_0 : i32, i32
  }
  func.func @transform_4(%arg0: i32) -> (i32, i32) {
    %c0_i32 = arith.constant 0 : i32
    %c0_i32_0 = arith.constant 0 : i32
    %c0_i32_1 = arith.constant 0 : i32
    return %c0_i32, %c0_i32_0 : i32, i32
  }
  func.func @transform_5(%arg0: i32) -> (i32, i32) {
    %c0_i32 = arith.constant 0 : i32
    %c0_i32_0 = arith.constant 0 : i32
    %c0_i32_1 = arith.constant 0 : i32
    return %c0_i32, %c0_i32_0 : i32, i32
  }
  func.func @transform_6(%arg0: i32) -> (i32, i32) {
    %c0_i32 = arith.constant 0 : i32
    %c0_i32_0 = arith.constant 0 : i32
    %c0_i32_1 = arith.constant 0 : i32
    return %c0_i32, %c0_i32_0 : i32, i32
  }
  func.func @transform_7(%arg0: i32) -> (i32, i32) {
    %c0_i32 = arith.constant 0 : i32
    %c0_i32_0 = arith.constant 0 : i32
    return %arg0, %c0_i32 : i32, i32
  }
}

module attributes {stable_mosaic.version = 14 : i64} {
  func.func @_mlp_pool_body(%arg0: i32, %arg1: memref<1000x1xi32, #tpu.memory_space<vmem>>, %arg2: memref<1000x128xf32, #tpu.memory_space<vmem>>, %arg3: memref<1000x128xf32, #tpu.memory_space<vmem>>, %arg4: memref<1000x128xf32, #tpu.memory_space<vmem>>, %arg5: memref<128x128xf32, #tpu.memory_space<vmem>>, %arg6: memref<1x128xf32, #tpu.memory_space<vmem>>, %arg7: memref<128x128xf32, #tpu.memory_space<vmem>>, %arg8: memref<1x128xf32, #tpu.memory_space<vmem>>, %arg9: memref<64x128xf32, #tpu.memory_space<vmem>>, %arg10: memref<64x128xf32, #tpu.memory_space<vmem>>) attributes {dimension_semantics = [#tpu.dimension_semantics<arbitrary>], iteration_bounds = array<i64: 10>, scalar_prefetch = 0 : i64, scratch_operands = 1 : i64, tpu.core_type = #tpu.core_type<tc>, window_params = [{transform_indices = @transform_0, window_bounds = array<i64: 1000, 1>}, {transform_indices = @transform_1, window_bounds = array<i64: 1000, 128>}, {transform_indices = @transform_2, window_bounds = array<i64: 1000, 128>}, {transform_indices = @transform_3, window_bounds = array<i64: 1000, 128>}, {pipeline_mode = #tpu.pipeline_mode<synchronous>, transform_indices = @transform_4, window_bounds = array<i64: 128, 128>}, {pipeline_mode = #tpu.pipeline_mode<synchronous>, transform_indices = @transform_5, window_bounds = array<i64: 1, 128>}, {pipeline_mode = #tpu.pipeline_mode<synchronous>, transform_indices = @transform_6, window_bounds = array<i64: 128, 128>}, {pipeline_mode = #tpu.pipeline_mode<synchronous>, transform_indices = @transform_7, window_bounds = array<i64: 1, 128>}, {pipeline_mode = #tpu.pipeline_mode<synchronous>, transform_indices = @transform_8, window_bounds = array<i64: 64, 128>}]} {
    %eq3A = arith.constant 0 : i32
    %eq3A_0 = arith.cmpi eq, %arg0, %eq3A : i32
    %convert_element_type3A = arith.extui %eq3A_0 : i1 to i32
    %cond3A = arith.constant 0 : i32
    %cond3A_1 = arith.cmpi ne, %convert_element_type3A, %cond3A : i32
    scf.if %cond3A_1 {
      %broadcast_in_dim3A_64 = arith.constant 0.000000e+00 : f32
      %broadcast_in_dim3A_65 = vector.broadcast %broadcast_in_dim3A_64 : f32 to vector<64x128xf32>
      %swap3A_66 = arith.constant 0 : index
      %swap3A_67 = arith.constant 0 : index
      %swap3A_68 = vector.load %arg9[%swap3A_66, %swap3A_67] : memref<64x128xf32, #tpu.memory_space<vmem>>, vector<64x128xf32>
      tpu.vector_store %arg9[%swap3A_66, %swap3A_67], %broadcast_in_dim3A_65 {strides = array<i32>} : memref<64x128xf32, #tpu.memory_space<vmem>>, vector<64x128xf32>,
      %broadcast_in_dim3A_69 = arith.constant 0.000000e+00 : f32
      %broadcast_in_dim3A_70 = vector.broadcast %broadcast_in_dim3A_69 : f32 to vector<64x128xf32>
      %swap3A_71 = arith.constant 0 : index
      %swap3A_72 = arith.constant 0 : index
      %swap3A_73 = vector.load %arg10[%swap3A_71, %swap3A_72] : memref<64x128xf32, #tpu.memory_space<vmem>>, vector<64x128xf32>
      tpu.vector_store %arg10[%swap3A_71, %swap3A_72], %broadcast_in_dim3A_70 {strides = array<i32>} : memref<64x128xf32, #tpu.memory_space<vmem>>, vector<64x128xf32>,
    } else {
    }
    %get3A = arith.constant 0 : index
    %get3A_2 = arith.constant 0 : index
    %get3A_3 = vector.load %arg3[%get3A, %get3A_2] : memref<1000x128xf32, #tpu.memory_space<vmem>>, vector<1000x128xf32>
    %get3A_4 = arith.constant 0 : index
    %get3A_5 = arith.constant 0 : index
    %get3A_6 = vector.load %arg4[%get3A_4, %get3A_5] : memref<1000x128xf32, #tpu.memory_space<vmem>>, vector<1000x128xf32>
    %add3A = arith.addf %get3A_3, %get3A_6 : vector<1000x128xf32>
    %get3A_7 = arith.constant 0 : index
    %get3A_8 = arith.constant 0 : index
    %get3A_9 = vector.load %arg2[%get3A_7, %get3A_8] : memref<1000x128xf32, #tpu.memory_space<vmem>>, vector<1000x128xf32>
    %sub3A = arith.subf %add3A, %get3A_9 : vector<1000x128xf32>
    %get3A_10 = arith.constant 0 : index
    %get3A_11 = arith.constant 0 : index
    %get3A_12 = vector.load %arg5[%get3A_10, %get3A_11] : memref<128x128xf32, #tpu.memory_space<vmem>>, vector<128x128xf32>
    %dot_general3A = arith.constant dense<0.000000e+00> : vector<1000x128xf32>
    %dot_general3A_13 = tpu.matmul %sub3A, %get3A_12, %dot_general3A {dimension_numbers = #tpu.dot_dimension_numbers<[1], [1], [0], [0], [0, 0, 1, 0], [], []>, transpose_lhs_hint = false} : vector<1000x128xf32>, vector<128x128xf32>, vector<1000x128xf32> -> vector<1000x128xf32>
    %get3A_14 = arith.constant 0 : index
    %get3A_15 = arith.constant 0 : index
    %get3A_16 = vector.load %arg6[%get3A_14, %get3A_15] : memref<1x128xf32, #tpu.memory_space<vmem>>, vector<1x128xf32>
    %add3A_17 = vector.broadcast %get3A_16 : vector<1x128xf32> to vector<1000x128xf32>
    %add3A_18 = arith.addf %dot_general3A_13, %add3A_17 : vector<1000x128xf32>
    %max3A = arith.constant 0.000000e+00 : f32
    %max3A_19 = vector.broadcast %max3A : f32 to vector<1000x128xf32>
    %max3A_20 = arith.maximumf %add3A_18, %max3A_19 : vector<1000x128xf32>
    %get3A_21 = arith.constant 0 : index
    %get3A_22 = arith.constant 0 : index
    %get3A_23 = vector.load %arg7[%get3A_21, %get3A_22] : memref<128x128xf32, #tpu.memory_space<vmem>>, vector<128x128xf32>
    %dot_general3A_24 = arith.constant dense<0.000000e+00> : vector<1000x128xf32>
    %dot_general3A_25 = tpu.matmul %max3A_20, %get3A_23, %dot_general3A_24 {dimension_numbers = #tpu.dot_dimension_numbers<[1], [1], [0], [0], [0, 0, 1, 0], [], []>, transpose_lhs_hint = false} : vector<1000x128xf32>, vector<128x128xf32>, vector<1000x128xf32> -> vector<1000x128xf32>
    %get3A_26 = arith.constant 0 : index
    %get3A_27 = arith.constant 0 : index
    %get3A_28 = vector.load %arg8[%get3A_26, %get3A_27] : memref<1x128xf32, #tpu.memory_space<vmem>>, vector<1x128xf32>
    %add3A_29 = vector.broadcast %get3A_28 : vector<1x128xf32> to vector<1000x128xf32>
    %add3A_30 = arith.addf %dot_general3A_25, %add3A_29 : vector<1000x128xf32>
    %max3A_31 = arith.constant 0.000000e+00 : f32
    %max3A_32 = vector.broadcast %max3A_31 : f32 to vector<1000x128xf32>
    %max3A_33 = arith.maximumf %add3A_30, %max3A_32 : vector<1000x128xf32>
    %get3A_34 = arith.constant 0 : index
    %get3A_35 = arith.constant 0 : index
    %get3A_36 = vector.load %arg1[%get3A_34, %get3A_35] : memref<1000x1xi32, #tpu.memory_space<vmem>>, vector<1000x1xi32>
    %iota3A = tpu.iota {dimensions = array<i32: 1>} : vector<1000x64xi32>
    %eq3A_37 = vector.broadcast %get3A_36 : vector<1000x1xi32> to vector<1000x64xi32>
    %eq3A_38 = arith.cmpi eq, %eq3A_37, %iota3A : vector<1000x64xi32>
    %convert_element_type3A_39 = arith.extui %eq3A_38 : vector<1000x64xi1> to vector<1000x64xi32>
    %convert_element_type3A_40 = arith.sitofp %convert_element_type3A_39 : vector<1000x64xi32> to vector<1000x64xf32>
    %get3A_41 = arith.constant 0 : index
    %get3A_42 = arith.constant 0 : index
    %get3A_43 = vector.load %arg9[%get3A_41, %get3A_42] : memref<64x128xf32, #tpu.memory_space<vmem>>, vector<64x128xf32>
    %dot_general3A_44 = arith.constant dense<0.000000e+00> : vector<64x128xf32>
    %dot_general3A_45 = tpu.matmul %convert_element_type3A_40, %max3A_33, %dot_general3A_44 {dimension_numbers = #tpu.dot_dimension_numbers<[0], [0], [1], [1], [0, 1, 1, 1], [], []>, transpose_lhs_hint = false} : vector<1000x64xf32>, vector<1000x128xf32>, vector<64x128xf32> -> vector<64x128xf32>
    %add3A_46 = arith.addf %get3A_43, %dot_general3A_45 : vector<64x128xf32>
    %swap3A = arith.constant 0 : index
    %swap3A_47 = arith.constant 0 : index
    %swap3A_48 = vector.load %arg9[%swap3A, %swap3A_47] : memref<64x128xf32, #tpu.memory_space<vmem>>, vector<64x128xf32>
    tpu.vector_store %arg9[%swap3A, %swap3A_47], %add3A_46 {strides = array<i32>} : memref<64x128xf32, #tpu.memory_space<vmem>>, vector<64x128xf32>,
    %get3A_49 = arith.constant 0 : index
    %get3A_50 = arith.constant 0 : index
    %get3A_51 = vector.load %arg10[%get3A_49, %get3A_50] : memref<64x128xf32, #tpu.memory_space<vmem>>, vector<64x128xf32>
    %broadcast_in_dim3A = arith.constant 1.000000e+00 : f32
    %broadcast_in_dim3A_52 = vector.broadcast %broadcast_in_dim3A : f32 to vector<1000x128xf32>
    %dot_general3A_53 = arith.constant dense<0.000000e+00> : vector<64x128xf32>
    %dot_general3A_54 = tpu.matmul %convert_element_type3A_40, %broadcast_in_dim3A_52, %dot_general3A_53 {dimension_numbers = #tpu.dot_dimension_numbers<[0], [0], [1], [1], [0, 1, 1, 1], [], []>, transpose_lhs_hint = false} : vector<1000x64xf32>, vector<1000x128xf32>, vector<64x128xf32> -> vector<64x128xf32>
    %add3A_55 = arith.addf %get3A_51, %dot_general3A_54 : vector<64x128xf32>
    %swap3A_56 = arith.constant 0 : index
    %swap3A_57 = arith.constant 0 : index
    %swap3A_58 = vector.load %arg10[%swap3A_56, %swap3A_57] : memref<64x128xf32, #tpu.memory_space<vmem>>, vector<64x128xf32>
    tpu.vector_store %arg10[%swap3A_56, %swap3A_57], %add3A_55 {strides = array<i32>} : memref<64x128xf32, #tpu.memory_space<vmem>>, vector<64x128xf32>,
    %eq3A_59 = arith.constant 9 : i32
    %eq3A_60 = arith.cmpi eq, %arg0, %eq3A_59 : i32
    %convert_element_type3A_61 = arith.extui %eq3A_60 : i1 to i32
    %cond3A_62 = arith.constant 0 : i32
    %cond3A_63 = arith.cmpi ne, %convert_element_type3A_61, %cond3A_62 : i32
    scf.if %cond3A_63 {
      %get3A_64 = arith.constant 0 : index
      %get3A_65 = arith.constant 0 : index
      %get3A_66 = vector.load %arg9[%get3A_64, %get3A_65] : memref<64x128xf32, #tpu.memory_space<vmem>>, vector<64x128xf32>
      %get3A_67 = arith.constant 0 : index
      %get3A_68 = arith.constant 0 : index
      %get3A_69 = vector.load %arg10[%get3A_67, %get3A_68] : memref<64x128xf32, #tpu.memory_space<vmem>>, vector<64x128xf32>
      %max3A_70 = arith.constant 1.000000e+00 : f32
      %max3A_71 = vector.broadcast %max3A_70 : f32 to vector<64x128xf32>
      %max3A_72 = arith.maximumf %get3A_69, %max3A_71 : vector<64x128xf32>
      %div3A = arith.divf %get3A_66, %max3A_72 : vector<64x128xf32>
      %swap3A_73 = arith.constant 0 : index
      %swap3A_74 = arith.constant 0 : index
      %swap3A_75 = vector.load %arg9[%swap3A_73, %swap3A_74] : memref<64x128xf32, #tpu.memory_space<vmem>>, vector<64x128xf32>
      tpu.vector_store %arg9[%swap3A_73, %swap3A_74], %div3A {strides = array<i32>} : memref<64x128xf32, #tpu.memory_space<vmem>>, vector<64x128xf32>,
    } else {
    }
    return
  }
  func.func @transform_0(%arg0: i32) -> (i32, i32) {
    %c0_i32 = arith.constant 0 : i32
    %c0_i32_0 = arith.constant 0 : i32
    return %arg0, %c0_i32 : i32, i32
  }
  func.func @transform_1(%arg0: i32) -> (i32, i32) {
    %c0_i32 = arith.constant 0 : i32
    %c0_i32_0 = arith.constant 0 : i32
    return %arg0, %c0_i32 : i32, i32
  }
  func.func @transform_2(%arg0: i32) -> (i32, i32) {
    %c0_i32 = arith.constant 0 : i32
    %c0_i32_0 = arith.constant 0 : i32
    return %arg0, %c0_i32 : i32, i32
  }
  func.func @transform_3(%arg0: i32) -> (i32, i32) {
    %c0_i32 = arith.constant 0 : i32
    %c0_i32_0 = arith.constant 0 : i32
    return %arg0, %c0_i32 : i32, i32
  }
  func.func @transform_4(%arg0: i32) -> (i32, i32) {
    %c0_i32 = arith.constant 0 : i32
    %c0_i32_0 = arith.constant 0 : i32
    %c0_i32_1 = arith.constant 0 : i32
    return %c0_i32, %c0_i32_0 : i32, i32
  }
  func.func @transform_5(%arg0: i32) -> (i32, i32) {
    %c0_i32 = arith.constant 0 : i32
    %c0_i32_0 = arith.constant 0 : i32
    %c0_i32_1 = arith.constant 0 : i32
    return %c0_i32, %c0_i32_0 : i32, i32
  }
  func.func @transform_6(%arg0: i32) -> (i32, i32) {
    %c0_i32 = arith.constant 0 : i32
    %c0_i32_0 = arith.constant 0 : i32
    %c0_i32_1 = arith.constant 0 : i32
    return %c0_i32, %c0_i32_0 : i32, i32
  }
  func.func @transform_7(%arg0: i32) -> (i32, i32) {
    %c0_i32 = arith.constant 0 : i32
    %c0_i32_0 = arith.constant 0 : i32
    %c0_i32_1 = arith.constant 0 : i32
    return %c0_i32, %c0_i32_0 : i32, i32
  }
  func.func @transform_8(%arg0: i32) -> (i32, i32) {
    %c0_i32 = arith.constant 0 : i32
    %c0_i32_0 = arith.constant 0 : i32
    %c0_i32_1 = arith.constant 0 : i32
    return %c0_i32, %c0_i32_0 : i32, i32
  }
}

</mosaic_0001>

<sc_bundles>
// kernel: kernel.15.cloned.1.call-start
scs
__scs_entry_jumppad:
0x0: {  	(pc) =	sbr.rel $0x88, $3  }
0x1: {  	(tag) =	ssettag $0x0;
	lr =	simm.s32 $0x1  }
0x2: {  	[smem:$0x3F99] =	sst lr;
	_ =	strace $0xD0000000  }
0x3: {  	_ = 	snop  }
0x4: {  	_ = 	snop  }
0x5: {  	_ = 	snop  }
0x6: {  	_ = 	snop  }
0x7: {  	_ = 	snop  }
__scs_overlays_trampoline_lowered:
0x8: {  	[smem:$0x3FA8] =	sst s0  }
0x9: {  	[smem:$0x3FA9] =	sst s1  }
0xa: {  	[smem:$0x3FAA] =	sst s2  }
0xb: {  	[smem:$0x3FAB] =	sst s3  }
0xc: {  	[smem:$0x3FAC] =	sst s4  }
0xd: {  	[smem:$0x3FAD] =	sst s5  }
0xe: {  	[smem:$0x3FAE] =	sst s6  }
0xf: {  	[smem:$0x3FAF] =	sst s7  }
0x10: {  	[smem:$0x3FB0] =	sst s8  }
0x11: {  	[smem:$0x3FB1] =	sst s9;
	s0 =	simm.s32 @!p0 $0x0  }
0x12: {  	s1 =	sld [smem:$0x3F97];
	s0 =	simm.s32 @p0 $0x1  }
0x13: {  	[smem:$0x3FB2] =	sst s0;
	s0 =	simm.s32 @!p1 $0x0  }
0x14: {  	s2 =	sld [smem:$0x3F96];
	s0 =	simm.s32 @p1 $0x1  }
0x15: {  	[smem:$0x3FB3] =	sst s0;
	s0 =	simm.s32 @!p2 $0x0  }
0x16: {  	s3 =	sld [smem:$0x3FDB];
	s0 =	simm.s32 @p2 $0x1  }
0x17: {  	s4 =	simm.s32 $0x1BF5;
	[smem:$0x3FB5] =	sst s0  }
0x18: {  	s0 =	sld [smem:$0x3F98];
	_ =	swait.ge [sflag:s4], $0x0  }
0x19: {  	s7 =	sld [smem:$0x3F99]  }
0x1a: {  	s8 =	sadd.s32 $0xFFFFE003, lr  }
0x1b: {  	s9 =	sadd.s32 $0xFFFFFEF7, lr;
	s5 =	simm.s32 $0xFFFFFFFF;
	p2 =	slt.u32 s8, $0xFFFFF086  }
0x1c: {  	p1 =	slt.u32 s9, $0xF7A;
	s5 =	simm.s32 @!p2 $0x0  }
0x1d: {  	s5 =	simm.s32 @p1 $0x1;
	p0 =	seq.s32 s7, s2  }
0x1e: {  	s7 =	smul.u32 @!p0 $0xF7A, s2;
	p2 =	seq.s32 @!p0 s5, $0x0  }
0x1f: {  	s9 =	smul.u32 $0xF7A, s1;
	s8 =	simm.s32 @!p0 $0x1BF5;
	p2 =	por !p2, p0  }
0x20: {  	[sflag:s8] =	ssyncset.s32 @!p0 $0xFFFFF086;
	s6 =	sadd.s32 @!p0 s3, s7;
	s7 =	simm.s32 @!p0 $0x108  }
0x21: {  	s3 =	sadd.s32 s3, s9;
	s6 =	sadd.s32 @!p0 $0x88, s6;
	s7 =	simm.s32 @p2 $0x1082  }
0x22: {  	[simem:s7], [sflag:s8] =	dma.local @!p0 [hbm:s6], $0xF7A  }
0x23: {  	s9 =	sor.u32 $0xD0000000, s2;
	s6 =	simm.s32 $0x108;
	_ =	swait.ge @!p0 [sflag:s8], $0x0  }
0x24: {  	s3 =	sadd.s32 $0x88, s3;
	s6 =	simm.s32 @!p1 $0x1082;
	[sflag:s4] =	ssyncset.s32 $0xFFFFF086  }
0x25: {  	[simem:s6], [sflag:s4] =	dma.local [hbm:s3], $0xF7A  }
0x26: {  	[smem:$0x3F99] =	sst s1;
	(tag) =	ssettag s2;
	_ =	strace s9  }
0x27: {  	s1 =	sld [smem:$0x3FA9]  }
0x28: {  	s2 =	sld [smem:$0x3FAA]  }
0x29: {  	s4 =	sld [smem:$0x3FAC]  }
0x2a: {  	p0 =	seq.s32 s5, $0x0;
	s5 =	sld [smem:$0x3FAD]  }
0x2b: {  	s6 =	sld [smem:$0x3FAE]  }
0x2c: {  	s7 =	sld [smem:$0x3FAF]  }
0x2d: {  	s3 =	simm.s32 $0x108;
	s8 =	sld [smem:$0x3FB0]  }
0x2e: {  	s3 =	simm.s32 @!p0 $0x1082;
	s9 =	sld [smem:$0x3FB1]  }
0x2f: {  	lr =	sadd.s32 s0, s3;
	s0 =	sld [smem:$0x3FA8]  }
0x30: {  	s3 =	sld [smem:$0x3FAB]  }
0x31: {  	[smem:$0x3FB4] =	sst s10  }
0x32: {  	s10 =	sld [smem:$0x3FB2];
	_ =	sdelay $0x3  }
0x33: {  	p0 =	seq.s32 s10, $0x1;
	s10 =	sld [smem:$0x3FB4];
	_ =	sdelay $0x3  }
0x34: {  	[smem:$0x3FB4] =	sst s10  }
0x35: {  	s10 =	sld [smem:$0x3FB3];
	_ =	sdelay $0x3  }
0x36: {  	p1 =	seq.s32 s10, $0x1;
	s10 =	sld [smem:$0x3FB4];
	_ =	sdelay $0x3  }
0x37: {  	[smem:$0x3FB4] =	sst s10  }
0x38: {  	s10 =	sld [smem:$0x3FB5]  }
0x39: {  	_ = 	snop;
	(pc) =	sbr.ind lr, $3  }
0x3a: {  	_ = 	snop  }
0x3b: {  	_ = 	snop  }
0x3c: {  	p2 =	seq.s32 s10, $0x1;
	s10 =	sld [smem:$0x3FB4]  }
0x3d: {  	_ =	shalt  }
0x3e: {  	_ =	shalt  }
0x3f: {  	_ =	shalt  }
0x40: {  	_ =	shalt  }
0x41: {  	_ =	shalt  }
0x42: {  	_ =	shalt  }
0x43: {  	_ =	shalt  }
0x44: {  	_ =	shalt  }
0x45: {  	_ =	shalt  }
0x46: {  	_ =	shalt  }
0x47: {  	_ =	shalt  }
0x48: {  	_ =	shalt  }
0x49: {  	_ =	shalt  }
0x4a: {  	_ =	shalt  }
0x4b: {  	_ =	shalt  }
0x4c: {  	_ =	shalt  }
0x4d: {  	_ =	shalt  }
0x4e: {  	_ =	shalt  }
0x4f: {  	_ =	shalt  }
0x50: {  	_ =	shalt  }
0x51: {  	_ =	shalt  }
0x52: {  	_ =	shalt  }
0x53: {  	_ =	shalt  }
0x54: {  	_ =	shalt  }
0x55: {  	_ =	shalt  }
0x56: {  	_ =	shalt  }
0x57: {  	_ =	shalt  }
0x58: {  	_ =	shalt  }
0x59: {  	_ =	shalt  }
0x5a: {  	_ =	shalt  }
0x5b: {  	_ =	shalt  }
0x5c: {  	_ =	shalt  }
0x5d: {  	_ =	shalt  }
0x5e: {  	_ =	shalt  }
0x5f: {  	_ =	shalt  }
0x60: {  	_ =	shalt  }
0x61: {  	_ =	shalt  }
0x62: {  	_ =	shalt  }
0x63: {  	_ =	shalt  }
0x64: {  	_ =	shalt  }
0x65: {  	_ =	shalt  }
0x66: {  	_ =	shalt  }
0x67: {  	_ =	shalt  }
0x68: {  	_ =	shalt  }
0x69: {  	_ =	shalt  }
0x6a: {  	_ =	shalt  }
0x6b: {  	_ =	shalt  }
0x6c: {  	_ =	shalt  }
0x6d: {  	_ =	shalt  }
0x6e: {  	_ =	shalt  }
0x6f: {  	_ =	shalt  }
0x70: {  	_ =	shalt  }
0x71: {  	_ =	shalt  }
0x72: {  	_ =	shalt  }
0x73: {  	_ =	shalt  }
0x74: {  	_ =	shalt  }
0x75: {  	_ =	shalt  }
0x76: {  	_ =	shalt  }
0x77: {  	_ =	shalt  }
0x78: {  	_ =	shalt  }
0x79: {  	_ =	shalt  }
0x7a: {  	_ =	shalt  }
0x7b: {  	_ =	shalt  }
0x7c: {  	_ =	shalt  }
0x7d: {  	_ =	shalt  }
0x7e: {  	_ =	shalt  }
0x7f: {  	_ =	shalt  }
0x80: {  	_ =	shalt  }
0x81: {  	_ =	shalt  }
0x82: {  	_ =	shalt  }
0x83: {  	_ =	shalt  }
0x84: {  	_ =	shalt  }
0x85: {  	_ =	shalt  }
0x86: {  	_ =	shalt  }
0x87: {  	_ =	shalt  }
.Lfunc_end0:
.L_simem_size_0:
called_computation_lowered:
.L_overlay_start_0:
0x88: {  	s2 =	sld [smem:$0x3FD9]  }
0x89: {  	s3 =	sld [smem:$0x3FFE];
	_ =	sdelay $0x1  }
0x8a: {  	s1 =	srdreg.scid  }
0x8b: {  	s0 =	sand.u32 $0x1, s1  }
0x8c: {  	s16 =	sshll.u32 s0, $0xA;
	s2 =	sadd.s32 s3, s2  }
0x8d: {  	s2 =	sadd.s32 s2, s16  }
0x8e: {  	[smem:$0x3FC0] =	sst s2  }
0x8f: {  	_ = 	snop  }
0x90: {  	(tm) =	ssettm $0x1  }
0x91: {  	s17 =	sld [smem:$0x3FFB];
	_ =	sdelay $0x3  }
0x92: {  	_ =	strace s17  }
0x93: {  	s2 =	sld [smem:$0x3FFC];
	_ =	sdelay $0x3  }
0x94: {  	_ =	strace s2  }
0x95: {  	s2 =	sld [smem:$0x3FFD];
	_ =	sdelay $0x3  }
0x96: {  	_ =	strace s2  }
0x97: {  	_ =	strace $0x8FFFFFFF  }
0x98: {  	s18 =	sld [smem:$0x3FDB];
	_ =	sdelay $0x1  }
0x99: {  	s19 =	simm.s32 $_scs_section_size  }
0x9a: {  	s4 =	simm.s32 $_size__tile_overlayer_lowered;
	s5 =	simm.s32 $_tile_overlayer_lowered  }
0x9b: {  	s22 =	simm.s32 $0x1BFF;
	s21 =	sshll.u32 s5, $0x1;
	s2 =	sadd.s32 s19, s18  }
0x9c: {  	s6 =	simm.s32 $0x0;
	s20 =	sshll.u32 s4, $0x1;
	s4 =	sadd.s32 s21, s2  }
0x9d: {  	[timem:s6], [sflag:s22] =	dma.local [hbm:s4], s20  }
0x9e: {  	_ =	swait.ge [sflag:s22], s20  }
0x9f: {  	s3 =	ssub.s32 $0x0, s20;
	[sflag:s22] =	ssyncset.done $0x0  }
0xa0: {  	[sflag:s22] =	ssyncadd.s32 s3;
	_ =	sdelay $0x1  }
0xa1: {  	s23 =	simm.s32 $0x1B8B  }
0xa2: {  	_ =	swait.ge [sflag:s23], $0x1  }
0xa3: {  	[sflag:s23] =	ssyncset.done $0x0  }
0xa4: {  	s25 =	simm.s32 $0x1B8E;
	s24 =	sld [smem:$0x3FFE];
	[sflag:s23] =	ssyncadd.s32 $0xFFFFFFFF  }
0xa5: {  	s26 =	simm.s32 $execute0_lowered;
	[smem:$0x3FD2] =	sst s25  }
0xa6: {  	s4 =	sshll.u32 s26, $0x1;
	_ =	strace $0x80000046;
	[dreg:$0x1] =	wrdreg $0xFFFFFFFF  }
0xa7: {  	s28 =	simm.s32 $_size_execute0_lowered;
	s2 =	sadd.s32 s2, s4;
	[dreg:$0x0] =	wrdreg $0x0  }
0xa8: {  	s4 =	sshll.u32 s28, $0x1;
	[dreg:$0x2] =	wrdreg s2  }
0xa9: {  	[dreg:$0x3] =	wrdreg s4  }
0xaa: {  	[dreg:$0x4] =	wrdreg $0xC0  }
0xab: {  	_ =	task [dreg:s6], $0x5FFFF  }
0xac: {  	[dreg:$0x1] =	wrdreg $0xFFFFFFFF  }
0xad: {  	[dreg:$0x0] =	wrdreg $0x60  }
0xae: {  	[dreg:$0x2] =	wrdreg s24  }
0xaf: {  	[dreg:$0x3] =	wrdreg $0xB7800  }
0xb0: {  	[dreg:$0x4] =	wrdreg $0x9  }
0xb1: {  	_ =	task.clear_ibuf [dreg:s6], $0x5FFFF;
	_ =	strace $0x90000046  }
0xb2: {  	s29 =	simm.s32 $0x9;
	_ =	strace $0x80000048  }
0xb3: {  	_ =	swait.ge [sflag:s29], $0x1  }
0xb4: {  	[sflag:s29] =	ssyncadd.s32 $0xFFFFFFFF  }
0xb5: {  	_ =	strace $0x90000048  }
0xb6: {  	_ =	sfence  }
0xb7: {  	s30 =	sld [smem:$0x0];
	_ =	sdelay $0x2  }
0xb8: {  	s31 =	sshll.u32 s1, $0xD;
	s1 =	sshrl.u32 s1, $0x2  }
0xb9: {  	s3 =	sand.u32 $0x4000, s31;
	s1 =	sadd.s32 s1, s30  }
0xba: {  	s0 =	sor.u32 s3, s0;
	s1 =	sshll.u32 s1, $0x11  }
0xbb: {  	s0 =	sor.u32 s1, s0  }
0xbc: {  	s0 =	sadd.s32 $0x8F2B, s0  }
0xbd: {  	[sflag:s0] =	ssyncadd.remote.s32 $0x1  }
0xbe: {  	_ =	sfence.sel $0xFFFF  }
0xbf: {  	[dreg:$0x0] =	wrdreg $0xFFFFFFFF;
	(pc) =	sbr.abs _section_cstart, $3  }
0xc0: {  	[dreg:$0x1] =	wrdreg $0xFFFFFFFF  }
0xc1: {  	_ =	task.clear_ibuf [dreg:s6], $0x2FFFF;
	_ =	strace $0x9FFFFFFF  }
0xc2: {  	(tm) =	ssettm $0x7FFFFFFF  }
0xc3: {  	_ =	shalt  }
tec
execute0_lowered:
.L_overlay_start_1:
0x0: {  	(tag) =	ssettag $0x1  }
0x1: {  	s0 =	srdreg.scid;
	s7 =	rddreg [dreg:$0x0]  }
0x2: {  	s13 =	stileid.u32;
	s2 =	rddreg [dreg:$0x1]  }
0x3: {  	s16 =	simm.s32 $0x400;
	s17 =	simm.s32 $0x5;
	s18 =	simm.s32 $0x2780  }
0x4: {  	s19 =	simm.s32 $0x50;
	s20 =	simm.s32 $0x6780;
	s21 =	simm.s32 $0x8F80  }
0x5: {  	s22 =	simm.s32 $0x1;
	s23 =	simm.s32 $0x2;
	s24 =	simm.s32 $0x3  }
0x6: {  	s25 =	simm.s32 $0x4;
	s26 =	simm.s32 $0x6500;
	s28 =	simm.s32 $0x26C0  }
0x7: {  	s29 =	simm.s32 $0x6580;
	s30 =	simm.s32 $0x0;
	s0 =	sand.u32 $0x1, s0  }
0x8: {  	s1 =	sshll.u32 s13, $0x1;
	s3 =	sshrl.u32 s13, $0x2;
	s31 =	smul.u32 $0x50000, s13  }
0x9: {  	s12 =	sadd.s32 $0x12C000, s2;
	p0 =	seq.s32 s13, $0xF;
	s4 =	smul.u32 $0x13C00, s3  }
0xa: {  	s1 =	sor.u32 s0, s1;
	s3 =	simm.s32 $0x0;
	s6 =	smul.u32 $0x27100, s0  }
0xb: {  	s0 =	ssub.s32 $0x2, s0;
	s12 =	sshrl.u32 @p0 s12, $0x3;
	s5 =	sshll.u32 s1, $0x7  }
0xc: {  	[smem:$0x7FF] =	sst s3;
	s1 =	sshll.u32 s1, $0xB;
	s9 =	sshrl.u32 s0, $0x1  }
0xd: {  	s10 =	sshrl.u32 s31, $0x2;
	s5 =	sand.u32 $0x380, s5;
	_ =	strace $0x80000047  }
0xe: {  	s1 =	sadd.s32 s1, s7;
	s11 =	sadd.s32 s6, s7;
	s0 =	ssub.s32 s0, s9  }
0xf: {  	s14 =	sadd.s32 s10, s2;
	s5 =	sor.u32 s4, s5;
	s4 =	sadd.s32 $0x21000, s7  }
0x10: {  	s9 =	sadd.s32 $0x7200, s1;
	s10 =	sadd.s32 $0x48200, s11;
	s5 =	sshrl.u32 s5, $0x3  }
0x11: {  	s11 =	smax.u32 s0, $0x1;
	s8 =	sadd.s32 s5, s7;
	s5 =	smul.u32 $0x2800, s13  }
0x12: {  	s0 =	sshll.u32 @!p0 s13, $0x6;
	s14 =	sshrl.u32 @!p0 s14, $0x3;
	s7 =	sadd.s32 $0x46800, s7  }
0x13: {  	s13 =	sor.u32 @!p0 $0x1C05, s0;
	s8 =	sadd.s32 $0x17200, s8;
	s6 =	sadd.s32 s4, s5  }
.LBB2_1:
0x14: {  	s0 =	simm.s32 @p0 $0x1FC5  }
0x15: {  	[spmem:s12], [sflag:s0] =	dma.local @p0 [hbm:s7], $0x1900  }
0x16: {  	s0 =	simm.s32 @p0 $0x5  }
0x17: {  	_ =	swait.ge @p0 [sflag:s0], $0x1900  }
0x18: {  	[sflag:s0] =	ssyncset.done @p0 $0x0  }
0x19: {  	[sflag:s0] =	ssyncadd.s32 @p0 $0xFFFFE700;
	s0 =	simm.s32 @!p0 $0x5  }
0x1a: {  	[spmem:s14], [sflag:s13] =	dma.local @!p0 [hbm:s6], $0x2800  }
0x1b: {  	_ =	swait.ge @!p0 [sflag:s0], $0x2800  }
0x1c: {  	[sflag:s0] =	ssyncset.done @!p0 $0x0  }
0x1d: {  	s1 =	simm.s32 $0x80;
	[sflag:s0] =	ssyncadd.s32 @!p0 $0xFFFFD800  }
0x1e: {  	[tilespmem:s3], [sflag:$0x5] =	stream.strided.gather [hbm4b:s8+s1], $0x2780, s16, s1, $0x38;
	[tilespmem:$0x1F000] =	vst v63  }
0x1f: {  	_ =	swait.ge [sflag:s17], $0x2780  }
0x20: {  	[sflag:s17] =	ssyncset.done $0x0  }
0x21: {  	[sflag:s17] =	ssyncadd.s32 $0xFFFFD880  }
0x22: {  	[tilespmem:s18], [sflag:$0x5] =	stream.linear.gather [hbm4b:s9+s3], $0x3E80, $0x38;
	[tilespmem:$0x1F000] =	vst v63  }
0x23: {  	_ =	swait.ge [sflag:s17], $0x3E80  }
0x24: {  	[sflag:s17] =	ssyncset.done $0x0  }
0x25: {  	[sflag:s17] =	ssyncadd.s32 $0xFFFFC180  }
0x26: {  	[tilespmem:s20], [sflag:$0x1] =	stream.indirect.gather [hbm4b:s4+s19], $0x80, s3, s19, $0xb8;
	[tilespmem:$0x1F000] =	vst v63  }
0x27: {  	_ = 	snop  }
0x28: {  	[tilespmem:s21], [sflag:$0x2] =	stream.indirect.gather [hbm4b:s4+s19], $0x80, s19, s19, $0xb8;
	[tilespmem:$0x1F000] =	vst v63  }
0x29: {  	[bflag:$0x0] =	sbarrier.arrive $0xFFFF  }
0x2a: {  	_ =	swait.ge [sflag:s22], $0x2800  }
0x2b: {  	[sflag:s22] =	ssyncset.done $0x0  }
0x2c: {  	[sflag:s22] =	ssyncadd.s32 $0xFFFFD800  }
0x2d: {  	[spmem:s2] =	stream.indirect.scatter.add.f32 [tilespmem:s20], [sflag:$0x3], $0x80, s18, s19, $0xb8;
	[tilespmem:$0x1F000] =	vst v63  }
0x2e: {  	_ =	swait.ge [sflag:s23], $0x2800  }
0x2f: {  	[sflag:s23] =	ssyncset.done $0x0  }
0x30: {  	s15 =	simm.s32 $0x2800;
	[sflag:s23] =	ssyncadd.s32 $0xFFFFD800  }
0x31: {  	[spmem:s2] =	stream.indirect.scatter.add.f32 [tilespmem:s21], [sflag:$0x4], $0x80, s15, s19, $0xb8;
	[tilespmem:$0x1F000] =	vst v63  }
0x32: {  	_ =	swait.ge [sflag:s24], $0x2800  }
0x33: {  	[sflag:s24] =	ssyncset.done $0x0  }
0x34: {  	s1 =	simm.s32 $0xA0;
	[sflag:s24] =	ssyncadd.s32 $0xFFFFD800  }
0x35: {  	[tilespmem:s20], [sflag:$0x1] =	stream.indirect.gather [hbm4b:s4+s19], $0x80, s1, s19, $0xb8;
	[tilespmem:$0x1F000] =	vst v63  }
0x36: {  	_ =	swait.ge [sflag:s22], $0x2800  }
0x37: {  	[sflag:s22] =	ssyncset.done $0x0  }
0x38: {  	s15 =	simm.s32 $0x2880;
	[sflag:s22] =	ssyncadd.s32 $0xFFFFD800  }
0x39: {  	[spmem:s2] =	stream.indirect.scatter.add.f32 [tilespmem:s20], [sflag:$0x3], $0x80, s15, s19, $0xb8;
	[tilespmem:$0x1F000] =	vst v63  }
0x3a: {  	_ =	swait.ge [sflag:s25], $0x2800  }
0x3b: {  	s31 =	simm.s32 $0xFFFF6A00;
	[sflag:s25] =	ssyncset.done $0x0  }
0x3c: {  	s0 =	simm.s32 $0xF0;
	s1 =	simm.s32 $0x2900;
	[sflag:s25] =	ssyncadd.s32 $0xFFFFD800  }
.LBB2_2:
0x3d: {  	[tilespmem:s21], [sflag:$0x2] =	stream.indirect.gather [hbm4b:s4+s19], $0x80, s0, s19, $0xb8;
	[tilespmem:$0x1F000] =	vst v63  }
0x3e: {  	s0 =	smov.u32 s31  }
0x3f: {  	p1 =	sne.s32 s31, $0xFFFFFD80;
	s31 =	sadd.s32 $0x280, s31;
	_ =	swait.ge [sflag:s23], $0x2800  }
0x40: {  	[sflag:s23] =	ssyncset.done $0x0  }
0x41: {  	[sflag:s23] =	ssyncadd.s32 $0xFFFFD800  }
0x42: {  	[spmem:s2] =	stream.indirect.scatter.add.f32 [tilespmem:s21], [sflag:$0x4], $0x80, s1, s19, $0xb8;
	[tilespmem:$0x1F000] =	vst v63  }
0x43: {  	_ =	swait.ge [sflag:s24], $0x2800  }
0x44: {  	s0 =	sshra.s32 s0, $0x2;
	[sflag:s24] =	ssyncset.done $0x0  }
0x45: {  	s15 =	sadd.s32 $0x26C0, s0;
	[sflag:s24] =	ssyncadd.s32 $0xFFFFD800  }
0x46: {  	[tilespmem:s20], [sflag:$0x1] =	stream.indirect.gather [hbm4b:s4+s19], $0x80, s15, s19, $0xb8;
	[tilespmem:$0x1F000] =	vst v63  }
0x47: {  	_ =	swait.ge [sflag:s22], $0x2800  }
0x48: {  	[sflag:s22] =	ssyncset.done $0x0  }
.Ltmp0:
0x49: {  	s15 =	sadd.s32 $0x80, s1;
	[sflag:s22] =	ssyncadd.s32 $0xFFFFD800;
	(pc) =	sbr.rel @p1 .LBB2_2-.Ltmp0, $4  }
0x4a: {  	[spmem:s2] =	stream.indirect.scatter.add.f32 [tilespmem:s20], [sflag:$0x3], $0x80, s15, s19, $0xb8;
	[tilespmem:$0x1F000] =	vst v63  }
0x4b: {  	_ =	swait.ge [sflag:s25], $0x2800  }
0x4c: {  	[sflag:s25] =	ssyncset.done $0x0  }
0x4d: {  	s0 =	sadd.s32 $0x2710, s0;
	s1 =	sadd.s32 $0x100, s1;
	[sflag:s25] =	ssyncadd.s32 $0xFFFFD800  }
0x4e: {  	[tilespmem:s21], [sflag:$0x2] =	stream.indirect.gather [hbm4b:s4+s19], $0x80, s0, s19, $0xb8;
	[tilespmem:$0x1F000] =	vst v63  }
0x4f: {  	_ =	swait.ge [sflag:s23], $0x2800  }
0x50: {  	[sflag:s23] =	ssyncset.done $0x0  }
0x51: {  	[sflag:s23] =	ssyncadd.s32 $0xFFFFD800  }
0x52: {  	[spmem:s2] =	stream.indirect.scatter.add.f32 [tilespmem:s21], [sflag:$0x4], $0x80, s26, s19, $0xb8;
	[tilespmem:$0x1F000] =	vst v63  }
0x53: {  	_ =	swait.ge [sflag:s24], $0x2800  }
0x54: {  	[sflag:s24] =	ssyncset.done $0x0  }
0x55: {  	[sflag:s24] =	ssyncadd.s32 $0xFFFFD800  }
0x56: {  	[tilespmem:s20], [sflag:$0x1] =	stream.indirect.gather [hbm4b:s4+s19], $0x80, s28, s19, $0xb8;
	[tilespmem:$0x1F000] =	vst v63  }
0x57: {  	_ =	swait.ge [sflag:s22], $0x2800  }
0x58: {  	[sflag:s22] =	ssyncset.done $0x0  }
0x59: {  	[sflag:s22] =	ssyncadd.s32 $0xFFFFD800  }
0x5a: {  	[spmem:s2] =	stream.indirect.scatter.add.f32 [tilespmem:s20], [sflag:$0x3], $0x80, s29, s19, $0xb8;
	[tilespmem:$0x1F000] =	vst v63  }
0x5b: {  	_ =	swait.ge [sflag:s25], $0x2800  }
0x5c: {  	[sflag:s25] =	ssyncset.done $0x0  }
0x5d: {  	[sflag:s25] =	ssyncadd.s32 $0xFFFFD800  }
0x5e: {  	_ =	swait.ge [sflag:s24], $0x2800  }
0x5f: {  	[sflag:s24] =	ssyncset.done $0x0  }
0x60: {  	[sflag:s24] =	ssyncadd.s32 $0xFFFFD800  }
0x61: {  	s0 =	sadd.s32 @p0 $0x25800, s10;
	s1 =	simm.s32 @p0 $0x1FC5;
	[bflag:$0x0] =	sbarrier.arrive $0xFFFF  }
0x62: {  	[hbm:s0], [sflag:s1] =	dma.local @p0 [spmem:s12], $0x1900  }
0x63: {  	s0 =	simm.s32 @p0 $0x5  }
0x64: {  	_ =	swait.ge @p0 [sflag:s0], $0x1900  }
0x65: {  	s30 =	sadd.s32 $0x1, s30;
	[sflag:s0] =	ssyncset.done @p0 $0x0  }
0x66: {  	p1 =	sne.s32 s30, s11;
	[sflag:s0] =	ssyncadd.s32 @p0 $0xFFFFE700;
	s0 =	sadd.s32 @!p0 s5, s10  }
0x67: {  	[hbm:s0], [sflag:s13] =	dma.local @!p0 [spmem:s14], $0x2800  }
.Ltmp1:
0x68: {  	_ = 	snop;
	(pc) =	sbr.rel @p1 .LBB2_1-.Ltmp1, $4  }
0x69: {  	s0 =	simm.s32 @!p0 $0x5  }
0x6a: {  	_ =	swait.ge @!p0 [sflag:s0], $0x2800  }
0x6b: {  	[sflag:s0] =	ssyncset.done @!p0 $0x0  }
0x6c: {  	[sflag:s0] =	ssyncadd.s32 @!p0 $0xFFFFD800  }
0x6d: {  	_ =	sfence.sel $0x180000  }
0x6e: {  	[bflag:$0x0] =	sbarrier.arrive $0xFFFF  }
0x6f: {  	_ =	strace $0x90000047  }
0x70: {  	s0 =	stileid.u32;
	[bflag:$0x2] =	sbarrier.arrive $0xFFFF  }
0x71: {  	p0 =	sne.s32 s0, $0x0;
	s0 =	rddreg [dreg:$0x2]  }
0x72: {  	s0 =	sadd.s32 @!p0 $0x100000, s0  }
0x73: {  	[sflag:s0] =	ssyncadd.tile.s32 @!p0 $0x1;
	_ =	shalt  }
.Lfunc_end2:
_tile_overlayer_lowered:
.L_overlay_start_2:
0x74: {  	(tag) =	ssettag $0x2  }
0x75: {  	s0 =	rddreg [dreg:$0x0];
	s2 =	stileid.u32  }
0x76: {  	s1 =	rddreg [dreg:$0x1];
	p0 =	sne.s32 s2, $0x0  }
0x77: {  	s3 =	rddreg [dreg:$0x2];
	[bflag:$0x3] =	sbarrier.arrive $0xFFFF;
	s2 =	simm.s32 @!p0 $0x1C05  }
0x78: {  	[timem:s3], [sflag:s2] =	dma.local @!p0 [hbm:s0], s1  }
0x79: {  	s0 =	simm.s32 @!p0 $0x5  }
0x7a: {  	_ =	swait.ge @!p0 [sflag:s0], s1  }
0x7b: {  	s1 =	ssub.s32 @!p0 $0x0, s1;
	[sflag:s0] =	ssyncset.done @!p0 $0x0  }
0x7c: {  	[sflag:s0] =	ssyncadd.s32 @!p0 s1  }
0x7d: {  	[bflag:$0x3] =	sbarrier.arrive $0xFFFF  }
0x7e: {  	_ =	shalt  }

// kernel: kernel.18.cloned.1.call-start
scs
__scs_entry_jumppad:
0x0: {  	(pc) =	sbr.rel $0x88, $3  }
0x1: {  	(tag) =	ssettag $0x0;
	lr =	simm.s32 $0x1  }
0x2: {  	[smem:$0x3F99] =	sst lr;
	_ =	strace $0xD0000000  }
0x3: {  	_ = 	snop  }
0x4: {  	_ = 	snop  }
0x5: {  	_ = 	snop  }
0x6: {  	_ = 	snop  }
0x7: {  	_ = 	snop  }
__scs_overlays_trampoline_lowered:
0x8: {  	[smem:$0x3FA8] =	sst s0  }
0x9: {  	[smem:$0x3FA9] =	sst s1  }
0xa: {  	[smem:$0x3FAA] =	sst s2  }
0xb: {  	[smem:$0x3FAB] =	sst s3  }
0xc: {  	[smem:$0x3FAC] =	sst s4  }
0xd: {  	[smem:$0x3FAD] =	sst s5  }
0xe: {  	[smem:$0x3FAE] =	sst s6  }
0xf: {  	[smem:$0x3FAF] =	sst s7  }
0x10: {  	[smem:$0x3FB0] =	sst s8  }
0x11: {  	[smem:$0x3FB1] =	sst s9;
	s0 =	simm.s32 @!p0 $0x0  }
0x12: {  	s1 =	sld [smem:$0x3F97];
	s0 =	simm.s32 @p0 $0x1  }
0x13: {  	[smem:$0x3FB2] =	sst s0;
	s0 =	simm.s32 @!p1 $0x0  }
0x14: {  	s2 =	sld [smem:$0x3F96];
	s0 =	simm.s32 @p1 $0x1  }
0x15: {  	[smem:$0x3FB3] =	sst s0;
	s0 =	simm.s32 @!p2 $0x0  }
0x16: {  	s3 =	sld [smem:$0x3FDB];
	s0 =	simm.s32 @p2 $0x1  }
0x17: {  	s4 =	simm.s32 $0x1BF5;
	[smem:$0x3FB5] =	sst s0  }
0x18: {  	s0 =	sld [smem:$0x3F98];
	_ =	swait.ge [sflag:s4], $0x0  }
0x19: {  	s7 =	sld [smem:$0x3F99]  }
0x1a: {  	s8 =	sadd.s32 $0xFFFFE003, lr  }
0x1b: {  	s9 =	sadd.s32 $0xFFFFFEF7, lr;
	s5 =	simm.s32 $0xFFFFFFFF;
	p2 =	slt.u32 s8, $0xFFFFF086  }
0x1c: {  	p1 =	slt.u32 s9, $0xF7A;
	s5 =	simm.s32 @!p2 $0x0  }
0x1d: {  	s5 =	simm.s32 @p1 $0x1;
	p0 =	seq.s32 s7, s2  }
0x1e: {  	s7 =	smul.u32 @!p0 $0xF7A, s2;
	p2 =	seq.s32 @!p0 s5, $0x0  }
0x1f: {  	s9 =	smul.u32 $0xF7A, s1;
	s8 =	simm.s32 @!p0 $0x1BF5;
	p2 =	por !p2, p0  }
0x20: {  	[sflag:s8] =	ssyncset.s32 @!p0 $0xFFFFF086;
	s6 =	sadd.s32 @!p0 s3, s7;
	s7 =	simm.s32 @!p0 $0x108  }
0x21: {  	s3 =	sadd.s32 s3, s9;
	s6 =	sadd.s32 @!p0 $0x88, s6;
	s7 =	simm.s32 @p2 $0x1082  }
0x22: {  	[simem:s7], [sflag:s8] =	dma.local @!p0 [hbm:s6], $0xF7A  }
0x23: {  	s9 =	sor.u32 $0xD0000000, s2;
	s6 =	simm.s32 $0x108;
	_ =	swait.ge @!p0 [sflag:s8], $0x0  }
0x24: {  	s3 =	sadd.s32 $0x88, s3;
	s6 =	simm.s32 @!p1 $0x1082;
	[sflag:s4] =	ssyncset.s32 $0xFFFFF086  }
0x25: {  	[simem:s6], [sflag:s4] =	dma.local [hbm:s3], $0xF7A  }
0x26: {  	[smem:$0x3F99] =	sst s1;
	(tag) =	ssettag s2;
	_ =	strace s9  }
0x27: {  	s1 =	sld [smem:$0x3FA9]  }
0x28: {  	s2 =	sld [smem:$0x3FAA]  }
0x29: {  	s4 =	sld [smem:$0x3FAC]  }
0x2a: {  	p0 =	seq.s32 s5, $0x0;
	s5 =	sld [smem:$0x3FAD]  }
0x2b: {  	s6 =	sld [smem:$0x3FAE]  }
0x2c: {  	s7 =	sld [smem:$0x3FAF]  }
0x2d: {  	s3 =	simm.s32 $0x108;
	s8 =	sld [smem:$0x3FB0]  }
0x2e: {  	s3 =	simm.s32 @!p0 $0x1082;
	s9 =	sld [smem:$0x3FB1]  }
0x2f: {  	lr =	sadd.s32 s0, s3;
	s0 =	sld [smem:$0x3FA8]  }
0x30: {  	s3 =	sld [smem:$0x3FAB]  }
0x31: {  	[smem:$0x3FB4] =	sst s10  }
0x32: {  	s10 =	sld [smem:$0x3FB2];
	_ =	sdelay $0x3  }
0x33: {  	p0 =	seq.s32 s10, $0x1;
	s10 =	sld [smem:$0x3FB4];
	_ =	sdelay $0x3  }
0x34: {  	[smem:$0x3FB4] =	sst s10  }
0x35: {  	s10 =	sld [smem:$0x3FB3];
	_ =	sdelay $0x3  }
0x36: {  	p1 =	seq.s32 s10, $0x1;
	s10 =	sld [smem:$0x3FB4];
	_ =	sdelay $0x3  }
0x37: {  	[smem:$0x3FB4] =	sst s10  }
0x38: {  	s10 =	sld [smem:$0x3FB5]  }
0x39: {  	_ = 	snop;
	(pc) =	sbr.ind lr, $3  }
0x3a: {  	_ = 	snop  }
0x3b: {  	_ = 	snop  }
0x3c: {  	p2 =	seq.s32 s10, $0x1;
	s10 =	sld [smem:$0x3FB4]  }
0x3d: {  	_ =	shalt  }
0x3e: {  	_ =	shalt  }
0x3f: {  	_ =	shalt  }
0x40: {  	_ =	shalt  }
0x41: {  	_ =	shalt  }
0x42: {  	_ =	shalt  }
0x43: {  	_ =	shalt  }
0x44: {  	_ =	shalt  }
0x45: {  	_ =	shalt  }
0x46: {  	_ =	shalt  }
0x47: {  	_ =	shalt  }
0x48: {  	_ =	shalt  }
0x49: {  	_ =	shalt  }
0x4a: {  	_ =	shalt  }
0x4b: {  	_ =	shalt  }
0x4c: {  	_ =	shalt  }
0x4d: {  	_ =	shalt  }
0x4e: {  	_ =	shalt  }
0x4f: {  	_ =	shalt  }
0x50: {  	_ =	shalt  }
0x51: {  	_ =	shalt  }
0x52: {  	_ =	shalt  }
0x53: {  	_ =	shalt  }
0x54: {  	_ =	shalt  }
0x55: {  	_ =	shalt  }
0x56: {  	_ =	shalt  }
0x57: {  	_ =	shalt  }
0x58: {  	_ =	shalt  }
0x59: {  	_ =	shalt  }
0x5a: {  	_ =	shalt  }
0x5b: {  	_ =	shalt  }
0x5c: {  	_ =	shalt  }
0x5d: {  	_ =	shalt  }
0x5e: {  	_ =	shalt  }
0x5f: {  	_ =	shalt  }
0x60: {  	_ =	shalt  }
0x61: {  	_ =	shalt  }
0x62: {  	_ =	shalt  }
0x63: {  	_ =	shalt  }
0x64: {  	_ =	shalt  }
0x65: {  	_ =	shalt  }
0x66: {  	_ =	shalt  }
0x67: {  	_ =	shalt  }
0x68: {  	_ =	shalt  }
0x69: {  	_ =	shalt  }
0x6a: {  	_ =	shalt  }
0x6b: {  	_ =	shalt  }
0x6c: {  	_ =	shalt  }
0x6d: {  	_ =	shalt  }
0x6e: {  	_ =	shalt  }
0x6f: {  	_ =	shalt  }
0x70: {  	_ =	shalt  }
0x71: {  	_ =	shalt  }
0x72: {  	_ =	shalt  }
0x73: {  	_ =	shalt  }
0x74: {  	_ =	shalt  }
0x75: {  	_ =	shalt  }
0x76: {  	_ =	shalt  }
0x77: {  	_ =	shalt  }
0x78: {  	_ =	shalt  }
0x79: {  	_ =	shalt  }
0x7a: {  	_ =	shalt  }
0x7b: {  	_ =	shalt  }
0x7c: {  	_ =	shalt  }
0x7d: {  	_ =	shalt  }
0x7e: {  	_ =	shalt  }
0x7f: {  	_ =	shalt  }
0x80: {  	_ =	shalt  }
0x81: {  	_ =	shalt  }
0x82: {  	_ =	shalt  }
0x83: {  	_ =	shalt  }
0x84: {  	_ =	shalt  }
0x85: {  	_ =	shalt  }
0x86: {  	_ =	shalt  }
0x87: {  	_ =	shalt  }
.Lfunc_end0:
.L_simem_size_0:
called_computation.1_lowered:
.L_overlay_start_0:
0x88: {  	s2 =	sld [smem:$0x3FD9]  }
0x89: {  	s3 =	sld [smem:$0x3FFE];
	_ =	sdelay $0x1  }
0x8a: {  	s1 =	srdreg.scid  }
0x8b: {  	s0 =	sand.u32 $0x1, s1  }
0x8c: {  	s16 =	sshll.u32 s0, $0xA;
	s2 =	sadd.s32 s3, s2  }
0x8d: {  	s2 =	sadd.s32 s2, s16  }
0x8e: {  	[smem:$0x3FC0] =	sst s2  }
0x8f: {  	_ = 	snop  }
0x90: {  	(tm) =	ssettm $0x1  }
0x91: {  	s17 =	sld [smem:$0x3FFB];
	_ =	sdelay $0x3  }
0x92: {  	_ =	strace s17  }
0x93: {  	s2 =	sld [smem:$0x3FFC];
	_ =	sdelay $0x3  }
0x94: {  	_ =	strace s2  }
0x95: {  	s2 =	sld [smem:$0x3FFD];
	_ =	sdelay $0x3  }
0x96: {  	_ =	strace s2  }
0x97: {  	_ =	strace $0x8FFFFFFF  }
0x98: {  	s18 =	sld [smem:$0x3FDB];
	_ =	sdelay $0x1  }
0x99: {  	s19 =	simm.s32 $_scs_section_size  }
0x9a: {  	s4 =	simm.s32 $_size__tile_overlayer_lowered;
	s5 =	simm.s32 $_tile_overlayer_lowered  }
0x9b: {  	s22 =	simm.s32 $0x1BFF;
	s21 =	sshll.u32 s5, $0x1;
	s2 =	sadd.s32 s19, s18  }
0x9c: {  	s6 =	simm.s32 $0x0;
	s20 =	sshll.u32 s4, $0x1;
	s4 =	sadd.s32 s21, s2  }
0x9d: {  	[timem:s6], [sflag:s22] =	dma.local [hbm:s4], s20  }
0x9e: {  	_ =	swait.ge [sflag:s22], s20  }
0x9f: {  	s3 =	ssub.s32 $0x0, s20;
	[sflag:s22] =	ssyncset.done $0x0  }
0xa0: {  	[sflag:s22] =	ssyncadd.s32 s3;
	_ =	sdelay $0x1  }
0xa1: {  	s23 =	simm.s32 $0x1B8B  }
0xa2: {  	_ =	swait.ge [sflag:s23], $0x1  }
0xa3: {  	[sflag:s23] =	ssyncset.done $0x0  }
0xa4: {  	s25 =	simm.s32 $0x1B8E;
	s24 =	sld [smem:$0x3FFE];
	[sflag:s23] =	ssyncadd.s32 $0xFFFFFFFF  }
0xa5: {  	s26 =	simm.s32 $execute0_lowered;
	[smem:$0x3FD2] =	sst s25  }
0xa6: {  	s4 =	sshll.u32 s26, $0x1;
	_ =	strace $0x80000049;
	[dreg:$0x1] =	wrdreg $0xFFFFFFFF  }
0xa7: {  	s28 =	simm.s32 $_size_execute0_lowered;
	s2 =	sadd.s32 s2, s4;
	[dreg:$0x0] =	wrdreg $0x0  }
0xa8: {  	s4 =	sshll.u32 s28, $0x1;
	[dreg:$0x2] =	wrdreg s2  }
0xa9: {  	[dreg:$0x3] =	wrdreg s4  }
0xaa: {  	[dreg:$0x4] =	wrdreg $0xC0  }
0xab: {  	_ =	task [dreg:s6], $0x5FFFF  }
0xac: {  	[dreg:$0x1] =	wrdreg $0xFFFFFFFF  }
0xad: {  	[dreg:$0x0] =	wrdreg $0x60  }
0xae: {  	[dreg:$0x2] =	wrdreg s24  }
0xaf: {  	[dreg:$0x3] =	wrdreg $0xB7800  }
0xb0: {  	[dreg:$0x4] =	wrdreg $0x9  }
0xb1: {  	_ =	task.clear_ibuf [dreg:s6], $0x5FFFF;
	_ =	strace $0x90000049  }
0xb2: {  	s29 =	simm.s32 $0x9;
	_ =	strace $0x8000004B  }
0xb3: {  	_ =	swait.ge [sflag:s29], $0x1  }
0xb4: {  	[sflag:s29] =	ssyncadd.s32 $0xFFFFFFFF  }
0xb5: {  	_ =	strace $0x9000004B  }
0xb6: {  	_ =	sfence  }
0xb7: {  	s30 =	sld [smem:$0x0];
	_ =	sdelay $0x2  }
0xb8: {  	s31 =	sshll.u32 s1, $0xD;
	s1 =	sshrl.u32 s1, $0x2  }
0xb9: {  	s3 =	sand.u32 $0x4000, s31;
	s1 =	sadd.s32 s1, s30  }
0xba: {  	s0 =	sor.u32 s3, s0;
	s1 =	sshll.u32 s1, $0x11  }
0xbb: {  	s0 =	sor.u32 s1, s0  }
0xbc: {  	s0 =	sadd.s32 $0x8F2B, s0  }
0xbd: {  	[sflag:s0] =	ssyncadd.remote.s32 $0x1  }
0xbe: {  	_ =	sfence.sel $0xFFFF  }
0xbf: {  	[dreg:$0x0] =	wrdreg $0xFFFFFFFF;
	(pc) =	sbr.abs _section_cstart, $3  }
0xc0: {  	[dreg:$0x1] =	wrdreg $0xFFFFFFFF  }
0xc1: {  	_ =	task.clear_ibuf [dreg:s6], $0x2FFFF;
	_ =	strace $0x9FFFFFFF  }
0xc2: {  	(tm) =	ssettm $0x7FFFFFFF  }
0xc3: {  	_ =	shalt  }
tec
execute0_lowered:
.L_overlay_start_1:
0x0: {  	(tag) =	ssettag $0x1  }
0x1: {  	s0 =	srdreg.scid;
	s7 =	rddreg [dreg:$0x0]  }
0x2: {  	s13 =	stileid.u32;
	s2 =	rddreg [dreg:$0x1]  }
0x3: {  	s16 =	simm.s32 $0x400;
	s17 =	simm.s32 $0x5;
	s18 =	simm.s32 $0x2780  }
0x4: {  	s19 =	simm.s32 $0x50;
	s20 =	simm.s32 $0x6780;
	s21 =	simm.s32 $0x8F80  }
0x5: {  	s22 =	simm.s32 $0x1;
	s23 =	simm.s32 $0x2;
	s24 =	simm.s32 $0x3  }
0x6: {  	s25 =	simm.s32 $0x4;
	s26 =	simm.s32 $0x6500;
	s28 =	simm.s32 $0x26C0  }
0x7: {  	s29 =	simm.s32 $0x6580;
	s30 =	simm.s32 $0x0;
	s0 =	sand.u32 $0x1, s0  }
0x8: {  	s1 =	sshll.u32 s13, $0x1;
	s3 =	sshrl.u32 s13, $0x2;
	s31 =	smul.u32 $0x50000, s13  }
0x9: {  	s12 =	sadd.s32 $0x12C000, s2;
	p0 =	seq.s32 s13, $0xF;
	s4 =	smul.u32 $0x13C00, s3  }
0xa: {  	s1 =	sor.u32 s0, s1;
	s3 =	simm.s32 $0x0;
	s6 =	smul.u32 $0x27100, s0  }
0xb: {  	s0 =	ssub.s32 $0x2, s0;
	s12 =	sshrl.u32 @p0 s12, $0x3;
	s5 =	sshll.u32 s1, $0x7  }
0xc: {  	[smem:$0x7FF] =	sst s3;
	s1 =	sshll.u32 s1, $0xB;
	s9 =	sshrl.u32 s0, $0x1  }
0xd: {  	s10 =	sshrl.u32 s31, $0x2;
	s5 =	sand.u32 $0x380, s5;
	_ =	strace $0x8000004A  }
0xe: {  	s1 =	sadd.s32 s1, s7;
	s11 =	sadd.s32 s6, s7;
	s0 =	ssub.s32 s0, s9  }
0xf: {  	s14 =	sadd.s32 s10, s2;
	s5 =	sor.u32 s4, s5;
	s4 =	sadd.s32 $0x21000, s7  }
0x10: {  	s9 =	sadd.s32 $0x7200, s1;
	s10 =	sadd.s32 $0x48200, s11;
	s5 =	sshrl.u32 s5, $0x3  }
0x11: {  	s11 =	smax.u32 s0, $0x1;
	s8 =	sadd.s32 s5, s7;
	s5 =	smul.u32 $0x2800, s13  }
0x12: {  	s0 =	sshll.u32 @!p0 s13, $0x6;
	s14 =	sshrl.u32 @!p0 s14, $0x3;
	s7 =	sadd.s32 $0x46800, s7  }
0x13: {  	s13 =	sor.u32 @!p0 $0x1C05, s0;
	s8 =	sadd.s32 $0x17200, s8;
	s6 =	sadd.s32 s4, s5  }
.LBB2_1:
0x14: {  	s0 =	simm.s32 @p0 $0x1FC5  }
0x15: {  	[spmem:s12], [sflag:s0] =	dma.local @p0 [hbm:s7], $0x1900  }
0x16: {  	s0 =	simm.s32 @p0 $0x5  }
0x17: {  	_ =	swait.ge @p0 [sflag:s0], $0x1900  }
0x18: {  	[sflag:s0] =	ssyncset.done @p0 $0x0  }
0x19: {  	[sflag:s0] =	ssyncadd.s32 @p0 $0xFFFFE700;
	s0 =	simm.s32 @!p0 $0x5  }
0x1a: {  	[spmem:s14], [sflag:s13] =	dma.local @!p0 [hbm:s6], $0x2800  }
0x1b: {  	_ =	swait.ge @!p0 [sflag:s0], $0x2800  }
0x1c: {  	[sflag:s0] =	ssyncset.done @!p0 $0x0  }
0x1d: {  	s1 =	simm.s32 $0x80;
	[sflag:s0] =	ssyncadd.s32 @!p0 $0xFFFFD800  }
0x1e: {  	[tilespmem:s3], [sflag:$0x5] =	stream.strided.gather [hbm4b:s8+s1], $0x2780, s16, s1, $0x38;
	[tilespmem:$0x1F000] =	vst v63  }
0x1f: {  	_ =	swait.ge [sflag:s17], $0x2780  }
0x20: {  	[sflag:s17] =	ssyncset.done $0x0  }
0x21: {  	[sflag:s17] =	ssyncadd.s32 $0xFFFFD880  }
0x22: {  	[tilespmem:s18], [sflag:$0x5] =	stream.linear.gather [hbm4b:s9+s3], $0x3E80, $0x38;
	[tilespmem:$0x1F000] =	vst v63  }
0x23: {  	_ =	swait.ge [sflag:s17], $0x3E80  }
0x24: {  	[sflag:s17] =	ssyncset.done $0x0  }
0x25: {  	[sflag:s17] =	ssyncadd.s32 $0xFFFFC180  }
0x26: {  	[tilespmem:s20], [sflag:$0x1] =	stream.indirect.gather [hbm4b:s4+s19], $0x80, s3, s19, $0xb8;
	[tilespmem:$0x1F000] =	vst v63  }
0x27: {  	_ = 	snop  }
0x28: {  	[tilespmem:s21], [sflag:$0x2] =	stream.indirect.gather [hbm4b:s4+s19], $0x80, s19, s19, $0xb8;
	[tilespmem:$0x1F000] =	vst v63  }
0x29: {  	[bflag:$0x0] =	sbarrier.arrive $0xFFFF  }
0x2a: {  	_ =	swait.ge [sflag:s22], $0x2800  }
0x2b: {  	[sflag:s22] =	ssyncset.done $0x0  }
0x2c: {  	[sflag:s22] =	ssyncadd.s32 $0xFFFFD800  }
0x2d: {  	[spmem:s2] =	stream.indirect.scatter.add.f32 [tilespmem:s20], [sflag:$0x3], $0x80, s18, s19, $0xb8;
	[tilespmem:$0x1F000] =	vst v63  }
0x2e: {  	_ =	swait.ge [sflag:s23], $0x2800  }
0x2f: {  	[sflag:s23] =	ssyncset.done $0x0  }
0x30: {  	s15 =	simm.s32 $0x2800;
	[sflag:s23] =	ssyncadd.s32 $0xFFFFD800  }
0x31: {  	[spmem:s2] =	stream.indirect.scatter.add.f32 [tilespmem:s21], [sflag:$0x4], $0x80, s15, s19, $0xb8;
	[tilespmem:$0x1F000] =	vst v63  }
0x32: {  	_ =	swait.ge [sflag:s24], $0x2800  }
0x33: {  	[sflag:s24] =	ssyncset.done $0x0  }
0x34: {  	s1 =	simm.s32 $0xA0;
	[sflag:s24] =	ssyncadd.s32 $0xFFFFD800  }
0x35: {  	[tilespmem:s20], [sflag:$0x1] =	stream.indirect.gather [hbm4b:s4+s19], $0x80, s1, s19, $0xb8;
	[tilespmem:$0x1F000] =	vst v63  }
0x36: {  	_ =	swait.ge [sflag:s22], $0x2800  }
0x37: {  	[sflag:s22] =	ssyncset.done $0x0  }
0x38: {  	s15 =	simm.s32 $0x2880;
	[sflag:s22] =	ssyncadd.s32 $0xFFFFD800  }
0x39: {  	[spmem:s2] =	stream.indirect.scatter.add.f32 [tilespmem:s20], [sflag:$0x3], $0x80, s15, s19, $0xb8;
	[tilespmem:$0x1F000] =	vst v63  }
0x3a: {  	_ =	swait.ge [sflag:s25], $0x2800  }
0x3b: {  	s31 =	simm.s32 $0xFFFF6A00;
	[sflag:s25] =	ssyncset.done $0x0  }
0x3c: {  	s0 =	simm.s32 $0xF0;
	s1 =	simm.s32 $0x2900;
	[sflag:s25] =	ssyncadd.s32 $0xFFFFD800  }
.LBB2_2:
0x3d: {  	[tilespmem:s21], [sflag:$0x2] =	stream.indirect.gather [hbm4b:s4+s19], $0x80, s0, s19, $0xb8;
	[tilespmem:$0x1F000] =	vst v63  }
0x3e: {  	s0 =	smov.u32 s31  }
0x3f: {  	p1 =	sne.s32 s31, $0xFFFFFD80;
	s31 =	sadd.s32 $0x280, s31;
	_ =	swait.ge [sflag:s23], $0x2800  }
0x40: {  	[sflag:s23] =	ssyncset.done $0x0  }
0x41: {  	[sflag:s23] =	ssyncadd.s32 $0xFFFFD800  }
0x42: {  	[spmem:s2] =	stream.indirect.scatter.add.f32 [tilespmem:s21], [sflag:$0x4], $0x80, s1, s19, $0xb8;
	[tilespmem:$0x1F000] =	vst v63  }
0x43: {  	_ =	swait.ge [sflag:s24], $0x2800  }
0x44: {  	s0 =	sshra.s32 s0, $0x2;
	[sflag:s24] =	ssyncset.done $0x0  }
0x45: {  	s15 =	sadd.s32 $0x26C0, s0;
	[sflag:s24] =	ssyncadd.s32 $0xFFFFD800  }
0x46: {  	[tilespmem:s20], [sflag:$0x1] =	stream.indirect.gather [hbm4b:s4+s19], $0x80, s15, s19, $0xb8;
	[tilespmem:$0x1F000] =	vst v63  }
0x47: {  	_ =	swait.ge [sflag:s22], $0x2800  }
0x48: {  	[sflag:s22] =	ssyncset.done $0x0  }
.Ltmp0:
0x49: {  	s15 =	sadd.s32 $0x80, s1;
	[sflag:s22] =	ssyncadd.s32 $0xFFFFD800;
	(pc) =	sbr.rel @p1 .LBB2_2-.Ltmp0, $4  }
0x4a: {  	[spmem:s2] =	stream.indirect.scatter.add.f32 [tilespmem:s20], [sflag:$0x3], $0x80, s15, s19, $0xb8;
	[tilespmem:$0x1F000] =	vst v63  }
0x4b: {  	_ =	swait.ge [sflag:s25], $0x2800  }
0x4c: {  	[sflag:s25] =	ssyncset.done $0x0  }
0x4d: {  	s0 =	sadd.s32 $0x2710, s0;
	s1 =	sadd.s32 $0x100, s1;
	[sflag:s25] =	ssyncadd.s32 $0xFFFFD800  }
0x4e: {  	[tilespmem:s21], [sflag:$0x2] =	stream.indirect.gather [hbm4b:s4+s19], $0x80, s0, s19, $0xb8;
	[tilespmem:$0x1F000] =	vst v63  }
0x4f: {  	_ =	swait.ge [sflag:s23], $0x2800  }
0x50: {  	[sflag:s23] =	ssyncset.done $0x0  }
0x51: {  	[sflag:s23] =	ssyncadd.s32 $0xFFFFD800  }
0x52: {  	[spmem:s2] =	stream.indirect.scatter.add.f32 [tilespmem:s21], [sflag:$0x4], $0x80, s26, s19, $0xb8;
	[tilespmem:$0x1F000] =	vst v63  }
0x53: {  	_ =	swait.ge [sflag:s24], $0x2800  }
0x54: {  	[sflag:s24] =	ssyncset.done $0x0  }
0x55: {  	[sflag:s24] =	ssyncadd.s32 $0xFFFFD800  }
0x56: {  	[tilespmem:s20], [sflag:$0x1] =	stream.indirect.gather [hbm4b:s4+s19], $0x80, s28, s19, $0xb8;
	[tilespmem:$0x1F000] =	vst v63  }
0x57: {  	_ =	swait.ge [sflag:s22], $0x2800  }
0x58: {  	[sflag:s22] =	ssyncset.done $0x0  }
0x59: {  	[sflag:s22] =	ssyncadd.s32 $0xFFFFD800  }
0x5a: {  	[spmem:s2] =	stream.indirect.scatter.add.f32 [tilespmem:s20], [sflag:$0x3], $0x80, s29, s19, $0xb8;
	[tilespmem:$0x1F000] =	vst v63  }
0x5b: {  	_ =	swait.ge [sflag:s25], $0x2800  }
0x5c: {  	[sflag:s25] =	ssyncset.done $0x0  }
0x5d: {  	[sflag:s25] =	ssyncadd.s32 $0xFFFFD800  }
0x5e: {  	_ =	swait.ge [sflag:s24], $0x2800  }
0x5f: {  	[sflag:s24] =	ssyncset.done $0x0  }
0x60: {  	[sflag:s24] =	ssyncadd.s32 $0xFFFFD800  }
0x61: {  	s0 =	sadd.s32 @p0 $0x25800, s10;
	s1 =	simm.s32 @p0 $0x1FC5;
	[bflag:$0x0] =	sbarrier.arrive $0xFFFF  }
0x62: {  	[hbm:s0], [sflag:s1] =	dma.local @p0 [spmem:s12], $0x1900  }
0x63: {  	s0 =	simm.s32 @p0 $0x5  }
0x64: {  	_ =	swait.ge @p0 [sflag:s0], $0x1900  }
0x65: {  	s30 =	sadd.s32 $0x1, s30;
	[sflag:s0] =	ssyncset.done @p0 $0x0  }
0x66: {  	p1 =	sne.s32 s30, s11;
	[sflag:s0] =	ssyncadd.s32 @p0 $0xFFFFE700;
	s0 =	sadd.s32 @!p0 s5, s10  }
0x67: {  	[hbm:s0], [sflag:s13] =	dma.local @!p0 [spmem:s14], $0x2800  }
.Ltmp1:
0x68: {  	_ = 	snop;
	(pc) =	sbr.rel @p1 .LBB2_1-.Ltmp1, $4  }
0x69: {  	s0 =	simm.s32 @!p0 $0x5  }
0x6a: {  	_ =	swait.ge @!p0 [sflag:s0], $0x2800  }
0x6b: {  	[sflag:s0] =	ssyncset.done @!p0 $0x0  }
0x6c: {  	[sflag:s0] =	ssyncadd.s32 @!p0 $0xFFFFD800  }
0x6d: {  	_ =	sfence.sel $0x180000  }
0x6e: {  	[bflag:$0x0] =	sbarrier.arrive $0xFFFF  }
0x6f: {  	_ =	strace $0x9000004A  }
0x70: {  	s0 =	stileid.u32;
	[bflag:$0x2] =	sbarrier.arrive $0xFFFF  }
0x71: {  	p0 =	sne.s32 s0, $0x0;
	s0 =	rddreg [dreg:$0x2]  }
0x72: {  	s0 =	sadd.s32 @!p0 $0x100000, s0  }
0x73: {  	[sflag:s0] =	ssyncadd.tile.s32 @!p0 $0x1;
	_ =	shalt  }
.Lfunc_end2:
_tile_overlayer_lowered:
.L_overlay_start_2:
0x74: {  	(tag) =	ssettag $0x2  }
0x75: {  	s0 =	rddreg [dreg:$0x0];
	s2 =	stileid.u32  }
0x76: {  	s1 =	rddreg [dreg:$0x1];
	p0 =	sne.s32 s2, $0x0  }
0x77: {  	s3 =	rddreg [dreg:$0x2];
	[bflag:$0x3] =	sbarrier.arrive $0xFFFF;
	s2 =	simm.s32 @!p0 $0x1C05  }
0x78: {  	[timem:s3], [sflag:s2] =	dma.local @!p0 [hbm:s0], s1  }
0x79: {  	s0 =	simm.s32 @!p0 $0x5  }
0x7a: {  	_ =	swait.ge @!p0 [sflag:s0], s1  }
0x7b: {  	s1 =	ssub.s32 @!p0 $0x0, s1;
	[sflag:s0] =	ssyncset.done @!p0 $0x0  }
0x7c: {  	[sflag:s0] =	ssyncadd.s32 @!p0 s1  }
0x7d: {  	[bflag:$0x3] =	sbarrier.arrive $0xFFFF  }
0x7e: {  	_ =	shalt  }

// kernel: kernel.21.cloned.1.call-start
scs
__scs_entry_jumppad:
0x0: {  	(pc) =	sbr.rel $0x88, $3  }
0x1: {  	(tag) =	ssettag $0x0;
	lr =	simm.s32 $0x1  }
0x2: {  	[smem:$0x3F99] =	sst lr;
	_ =	strace $0xD0000000  }
0x3: {  	_ = 	snop  }
0x4: {  	_ = 	snop  }
0x5: {  	_ = 	snop  }
0x6: {  	_ = 	snop  }
0x7: {  	_ = 	snop  }
__scs_overlays_trampoline_lowered:
0x8: {  	[smem:$0x3FA8] =	sst s0  }
0x9: {  	[smem:$0x3FA9] =	sst s1  }
0xa: {  	[smem:$0x3FAA] =	sst s2  }
0xb: {  	[smem:$0x3FAB] =	sst s3  }
0xc: {  	[smem:$0x3FAC] =	sst s4  }
0xd: {  	[smem:$0x3FAD] =	sst s5  }
0xe: {  	[smem:$0x3FAE] =	sst s6  }
0xf: {  	[smem:$0x3FAF] =	sst s7  }
0x10: {  	[smem:$0x3FB0] =	sst s8  }
0x11: {  	[smem:$0x3FB1] =	sst s9;
	s0 =	simm.s32 @!p0 $0x0  }
0x12: {  	s1 =	sld [smem:$0x3F97];
	s0 =	simm.s32 @p0 $0x1  }
0x13: {  	[smem:$0x3FB2] =	sst s0;
	s0 =	simm.s32 @!p1 $0x0  }
0x14: {  	s2 =	sld [smem:$0x3F96];
	s0 =	simm.s32 @p1 $0x1  }
0x15: {  	[smem:$0x3FB3] =	sst s0;
	s0 =	simm.s32 @!p2 $0x0  }
0x16: {  	s3 =	sld [smem:$0x3FDB];
	s0 =	simm.s32 @p2 $0x1  }
0x17: {  	s4 =	simm.s32 $0x1BF5;
	[smem:$0x3FB5] =	sst s0  }
0x18: {  	s0 =	sld [smem:$0x3F98];
	_ =	swait.ge [sflag:s4], $0x0  }
0x19: {  	s7 =	sld [smem:$0x3F99]  }
0x1a: {  	s8 =	sadd.s32 $0xFFFFE003, lr  }
0x1b: {  	s9 =	sadd.s32 $0xFFFFFEF7, lr;
	s5 =	simm.s32 $0xFFFFFFFF;
	p2 =	slt.u32 s8, $0xFFFFF086  }
0x1c: {  	p1 =	slt.u32 s9, $0xF7A;
	s5 =	simm.s32 @!p2 $0x0  }
0x1d: {  	s5 =	simm.s32 @p1 $0x1;
	p0 =	seq.s32 s7, s2  }
0x1e: {  	s7 =	smul.u32 @!p0 $0xF7A, s2;
	p2 =	seq.s32 @!p0 s5, $0x0  }
0x1f: {  	s9 =	smul.u32 $0xF7A, s1;
	s8 =	simm.s32 @!p0 $0x1BF5;
	p2 =	por !p2, p0  }
0x20: {  	[sflag:s8] =	ssyncset.s32 @!p0 $0xFFFFF086;
	s6 =	sadd.s32 @!p0 s3, s7;
	s7 =	simm.s32 @!p0 $0x108  }
0x21: {  	s3 =	sadd.s32 s3, s9;
	s6 =	sadd.s32 @!p0 $0x88, s6;
	s7 =	simm.s32 @p2 $0x1082  }
0x22: {  	[simem:s7], [sflag:s8] =	dma.local @!p0 [hbm:s6], $0xF7A  }
0x23: {  	s9 =	sor.u32 $0xD0000000, s2;
	s6 =	simm.s32 $0x108;
	_ =	swait.ge @!p0 [sflag:s8], $0x0  }
0x24: {  	s3 =	sadd.s32 $0x88, s3;
	s6 =	simm.s32 @!p1 $0x1082;
	[sflag:s4] =	ssyncset.s32 $0xFFFFF086  }
0x25: {  	[simem:s6], [sflag:s4] =	dma.local [hbm:s3], $0xF7A  }
0x26: {  	[smem:$0x3F99] =	sst s1;
	(tag) =	ssettag s2;
	_ =	strace s9  }
0x27: {  	s1 =	sld [smem:$0x3FA9]  }
0x28: {  	s2 =	sld [smem:$0x3FAA]  }
0x29: {  	s4 =	sld [smem:$0x3FAC]  }
0x2a: {  	p0 =	seq.s32 s5, $0x0;
	s5 =	sld [smem:$0x3FAD]  }
0x2b: {  	s6 =	sld [smem:$0x3FAE]  }
0x2c: {  	s7 =	sld [smem:$0x3FAF]  }
0x2d: {  	s3 =	simm.s32 $0x108;
	s8 =	sld [smem:$0x3FB0]  }
0x2e: {  	s3 =	simm.s32 @!p0 $0x1082;
	s9 =	sld [smem:$0x3FB1]  }
0x2f: {  	lr =	sadd.s32 s0, s3;
	s0 =	sld [smem:$0x3FA8]  }
0x30: {  	s3 =	sld [smem:$0x3FAB]  }
0x31: {  	[smem:$0x3FB4] =	sst s10  }
0x32: {  	s10 =	sld [smem:$0x3FB2];
	_ =	sdelay $0x3  }
0x33: {  	p0 =	seq.s32 s10, $0x1;
	s10 =	sld [smem:$0x3FB4];
	_ =	sdelay $0x3  }
0x34: {  	[smem:$0x3FB4] =	sst s10  }
0x35: {  	s10 =	sld [smem:$0x3FB3];
	_ =	sdelay $0x3  }
0x36: {  	p1 =	seq.s32 s10, $0x1;
	s10 =	sld [smem:$0x3FB4];
	_ =	sdelay $0x3  }
0x37: {  	[smem:$0x3FB4] =	sst s10  }
0x38: {  	s10 =	sld [smem:$0x3FB5]  }
0x39: {  	_ = 	snop;
	(pc) =	sbr.ind lr, $3  }
0x3a: {  	_ = 	snop  }
0x3b: {  	_ = 	snop  }
0x3c: {  	p2 =	seq.s32 s10, $0x1;
	s10 =	sld [smem:$0x3FB4]  }
0x3d: {  	_ =	shalt  }
0x3e: {  	_ =	shalt  }
0x3f: {  	_ =	shalt  }
0x40: {  	_ =	shalt  }
0x41: {  	_ =	shalt  }
0x42: {  	_ =	shalt  }
0x43: {  	_ =	shalt  }
0x44: {  	_ =	shalt  }
0x45: {  	_ =	shalt  }
0x46: {  	_ =	shalt  }
0x47: {  	_ =	shalt  }
0x48: {  	_ =	shalt  }
0x49: {  	_ =	shalt  }
0x4a: {  	_ =	shalt  }
0x4b: {  	_ =	shalt  }
0x4c: {  	_ =	shalt  }
0x4d: {  	_ =	shalt  }
0x4e: {  	_ =	shalt  }
0x4f: {  	_ =	shalt  }
0x50: {  	_ =	shalt  }
0x51: {  	_ =	shalt  }
0x52: {  	_ =	shalt  }
0x53: {  	_ =	shalt  }
0x54: {  	_ =	shalt  }
0x55: {  	_ =	shalt  }
0x56: {  	_ =	shalt  }
0x57: {  	_ =	shalt  }
0x58: {  	_ =	shalt  }
0x59: {  	_ =	shalt  }
0x5a: {  	_ =	shalt  }
0x5b: {  	_ =	shalt  }
0x5c: {  	_ =	shalt  }
0x5d: {  	_ =	shalt  }
0x5e: {  	_ =	shalt  }
0x5f: {  	_ =	shalt  }
0x60: {  	_ =	shalt  }
0x61: {  	_ =	shalt  }
0x62: {  	_ =	shalt  }
0x63: {  	_ =	shalt  }
0x64: {  	_ =	shalt  }
0x65: {  	_ =	shalt  }
0x66: {  	_ =	shalt  }
0x67: {  	_ =	shalt  }
0x68: {  	_ =	shalt  }
0x69: {  	_ =	shalt  }
0x6a: {  	_ =	shalt  }
0x6b: {  	_ =	shalt  }
0x6c: {  	_ =	shalt  }
0x6d: {  	_ =	shalt  }
0x6e: {  	_ =	shalt  }
0x6f: {  	_ =	shalt  }
0x70: {  	_ =	shalt  }
0x71: {  	_ =	shalt  }
0x72: {  	_ =	shalt  }
0x73: {  	_ =	shalt  }
0x74: {  	_ =	shalt  }
0x75: {  	_ =	shalt  }
0x76: {  	_ =	shalt  }
0x77: {  	_ =	shalt  }
0x78: {  	_ =	shalt  }
0x79: {  	_ =	shalt  }
0x7a: {  	_ =	shalt  }
0x7b: {  	_ =	shalt  }
0x7c: {  	_ =	shalt  }
0x7d: {  	_ =	shalt  }
0x7e: {  	_ =	shalt  }
0x7f: {  	_ =	shalt  }
0x80: {  	_ =	shalt  }
0x81: {  	_ =	shalt  }
0x82: {  	_ =	shalt  }
0x83: {  	_ =	shalt  }
0x84: {  	_ =	shalt  }
0x85: {  	_ =	shalt  }
0x86: {  	_ =	shalt  }
0x87: {  	_ =	shalt  }
.Lfunc_end0:
.L_simem_size_0:
called_computation.2_lowered:
.L_overlay_start_0:
0x88: {  	s2 =	sld [smem:$0x3FD9]  }
0x89: {  	s3 =	sld [smem:$0x3FFE];
	_ =	sdelay $0x1  }
0x8a: {  	s1 =	srdreg.scid  }
0x8b: {  	s0 =	sand.u32 $0x1, s1  }
0x8c: {  	s16 =	sshll.u32 s0, $0xA;
	s2 =	sadd.s32 s3, s2  }
0x8d: {  	s2 =	sadd.s32 s2, s16  }
0x8e: {  	[smem:$0x3FC0] =	sst s2  }
0x8f: {  	_ = 	snop  }
0x90: {  	(tm) =	ssettm $0x1  }
0x91: {  	s17 =	sld [smem:$0x3FFB];
	_ =	sdelay $0x3  }
0x92: {  	_ =	strace s17  }
0x93: {  	s2 =	sld [smem:$0x3FFC];
	_ =	sdelay $0x3  }
0x94: {  	_ =	strace s2  }
0x95: {  	s2 =	sld [smem:$0x3FFD];
	_ =	sdelay $0x3  }
0x96: {  	_ =	strace s2  }
0x97: {  	_ =	strace $0x8FFFFFFF  }
0x98: {  	s18 =	sld [smem:$0x3FDB];
	_ =	sdelay $0x1  }
0x99: {  	s19 =	simm.s32 $_scs_section_size  }
0x9a: {  	s4 =	simm.s32 $_size__tile_overlayer_lowered;
	s5 =	simm.s32 $_tile_overlayer_lowered  }
0x9b: {  	s22 =	simm.s32 $0x1BFF;
	s21 =	sshll.u32 s5, $0x1;
	s2 =	sadd.s32 s19, s18  }
0x9c: {  	s6 =	simm.s32 $0x0;
	s20 =	sshll.u32 s4, $0x1;
	s4 =	sadd.s32 s21, s2  }
0x9d: {  	[timem:s6], [sflag:s22] =	dma.local [hbm:s4], s20  }
0x9e: {  	_ =	swait.ge [sflag:s22], s20  }
0x9f: {  	s3 =	ssub.s32 $0x0, s20;
	[sflag:s22] =	ssyncset.done $0x0  }
0xa0: {  	[sflag:s22] =	ssyncadd.s32 s3;
	_ =	sdelay $0x1  }
0xa1: {  	s23 =	simm.s32 $0x1B8B  }
0xa2: {  	_ =	swait.ge [sflag:s23], $0x1  }
0xa3: {  	[sflag:s23] =	ssyncset.done $0x0  }
0xa4: {  	s25 =	simm.s32 $0x1B8E;
	s24 =	sld [smem:$0x3FFE];
	[sflag:s23] =	ssyncadd.s32 $0xFFFFFFFF  }
0xa5: {  	s26 =	simm.s32 $execute0_lowered;
	[smem:$0x3FD2] =	sst s25  }
0xa6: {  	s4 =	sshll.u32 s26, $0x1;
	_ =	strace $0x8000004C;
	[dreg:$0x1] =	wrdreg $0xFFFFFFFF  }
0xa7: {  	s28 =	simm.s32 $_size_execute0_lowered;
	s2 =	sadd.s32 s2, s4;
	[dreg:$0x0] =	wrdreg $0x0  }
0xa8: {  	s4 =	sshll.u32 s28, $0x1;
	[dreg:$0x2] =	wrdreg s2  }
0xa9: {  	[dreg:$0x3] =	wrdreg s4  }
0xaa: {  	[dreg:$0x4] =	wrdreg $0xC0  }
0xab: {  	_ =	task [dreg:s6], $0x5FFFF  }
0xac: {  	[dreg:$0x1] =	wrdreg $0xFFFFFFFF  }
0xad: {  	[dreg:$0x0] =	wrdreg $0x60  }
0xae: {  	[dreg:$0x2] =	wrdreg s24  }
0xaf: {  	[dreg:$0x3] =	wrdreg $0xB7800  }
0xb0: {  	[dreg:$0x4] =	wrdreg $0x9  }
0xb1: {  	_ =	task.clear_ibuf [dreg:s6], $0x5FFFF;
	_ =	strace $0x9000004C  }
0xb2: {  	s29 =	simm.s32 $0x9;
	_ =	strace $0x8000004E  }
0xb3: {  	_ =	swait.ge [sflag:s29], $0x1  }
0xb4: {  	[sflag:s29] =	ssyncadd.s32 $0xFFFFFFFF  }
0xb5: {  	_ =	strace $0x9000004E  }
0xb6: {  	_ =	sfence  }
0xb7: {  	s30 =	sld [smem:$0x0];
	_ =	sdelay $0x2  }
0xb8: {  	s31 =	sshll.u32 s1, $0xD;
	s1 =	sshrl.u32 s1, $0x2  }
0xb9: {  	s3 =	sand.u32 $0x4000, s31;
	s1 =	sadd.s32 s1, s30  }
0xba: {  	s0 =	sor.u32 s3, s0;
	s1 =	sshll.u32 s1, $0x11  }
0xbb: {  	s0 =	sor.u32 s1, s0  }
0xbc: {  	s0 =	sadd.s32 $0x8F2B, s0  }
0xbd: {  	[sflag:s0] =	ssyncadd.remote.s32 $0x1  }
0xbe: {  	_ =	sfence.sel $0xFFFF  }
0xbf: {  	[dreg:$0x0] =	wrdreg $0xFFFFFFFF;
	(pc) =	sbr.abs _section_cstart, $3  }
0xc0: {  	[dreg:$0x1] =	wrdreg $0xFFFFFFFF  }
0xc1: {  	_ =	task.clear_ibuf [dreg:s6], $0x2FFFF;
	_ =	strace $0x9FFFFFFF  }
0xc2: {  	(tm) =	ssettm $0x7FFFFFFF  }
0xc3: {  	_ =	shalt  }
tec
execute0_lowered:
.L_overlay_start_1:
0x0: {  	(tag) =	ssettag $0x1  }
0x1: {  	s0 =	srdreg.scid;
	s7 =	rddreg [dreg:$0x0]  }
0x2: {  	s13 =	stileid.u32;
	s2 =	rddreg [dreg:$0x1]  }
0x3: {  	s16 =	simm.s32 $0x400;
	s17 =	simm.s32 $0x5;
	s18 =	simm.s32 $0x2780  }
0x4: {  	s19 =	simm.s32 $0x50;
	s20 =	simm.s32 $0x6780;
	s21 =	simm.s32 $0x8F80  }
0x5: {  	s22 =	simm.s32 $0x1;
	s23 =	simm.s32 $0x2;
	s24 =	simm.s32 $0x3  }
0x6: {  	s25 =	simm.s32 $0x4;
	s26 =	simm.s32 $0x6500;
	s28 =	simm.s32 $0x26C0  }
0x7: {  	s29 =	simm.s32 $0x6580;
	s30 =	simm.s32 $0x0;
	s0 =	sand.u32 $0x1, s0  }
0x8: {  	s1 =	sshll.u32 s13, $0x1;
	s3 =	sshrl.u32 s13, $0x2;
	s31 =	smul.u32 $0x50000, s13  }
0x9: {  	s12 =	sadd.s32 $0x12C000, s2;
	p0 =	seq.s32 s13, $0xF;
	s4 =	smul.u32 $0x13C00, s3  }
0xa: {  	s1 =	sor.u32 s0, s1;
	s3 =	simm.s32 $0x0;
	s6 =	smul.u32 $0x27100, s0  }
0xb: {  	s0 =	ssub.s32 $0x2, s0;
	s12 =	sshrl.u32 @p0 s12, $0x3;
	s5 =	sshll.u32 s1, $0x7  }
0xc: {  	[smem:$0x7FF] =	sst s3;
	s1 =	sshll.u32 s1, $0xB;
	s9 =	sshrl.u32 s0, $0x1  }
0xd: {  	s10 =	sshrl.u32 s31, $0x2;
	s5 =	sand.u32 $0x380, s5;
	_ =	strace $0x8000004D  }
0xe: {  	s1 =	sadd.s32 s1, s7;
	s11 =	sadd.s32 s6, s7;
	s0 =	ssub.s32 s0, s9  }
0xf: {  	s14 =	sadd.s32 s10, s2;
	s5 =	sor.u32 s4, s5;
	s4 =	sadd.s32 $0x21000, s7  }
0x10: {  	s9 =	sadd.s32 $0x7200, s1;
	s10 =	sadd.s32 $0x48200, s11;
	s5 =	sshrl.u32 s5, $0x3  }
0x11: {  	s11 =	smax.u32 s0, $0x1;
	s8 =	sadd.s32 s5, s7;
	s5 =	smul.u32 $0x2800, s13  }
0x12: {  	s0 =	sshll.u32 @!p0 s13, $0x6;
	s14 =	sshrl.u32 @!p0 s14, $0x3;
	s7 =	sadd.s32 $0x46800, s7  }
0x13: {  	s13 =	sor.u32 @!p0 $0x1C05, s0;
	s8 =	sadd.s32 $0x17200, s8;
	s6 =	sadd.s32 s4, s5  }
.LBB2_1:
0x14: {  	s0 =	simm.s32 @p0 $0x1FC5  }
0x15: {  	[spmem:s12], [sflag:s0] =	dma.local @p0 [hbm:s7], $0x1900  }
0x16: {  	s0 =	simm.s32 @p0 $0x5  }
0x17: {  	_ =	swait.ge @p0 [sflag:s0], $0x1900  }
0x18: {  	[sflag:s0] =	ssyncset.done @p0 $0x0  }
0x19: {  	[sflag:s0] =	ssyncadd.s32 @p0 $0xFFFFE700;
	s0 =	simm.s32 @!p0 $0x5  }
0x1a: {  	[spmem:s14], [sflag:s13] =	dma.local @!p0 [hbm:s6], $0x2800  }
0x1b: {  	_ =	swait.ge @!p0 [sflag:s0], $0x2800  }
0x1c: {  	[sflag:s0] =	ssyncset.done @!p0 $0x0  }
0x1d: {  	s1 =	simm.s32 $0x80;
	[sflag:s0] =	ssyncadd.s32 @!p0 $0xFFFFD800  }
0x1e: {  	[tilespmem:s3], [sflag:$0x5] =	stream.strided.gather [hbm4b:s8+s1], $0x2780, s16, s1, $0x38;
	[tilespmem:$0x1F000] =	vst v63  }
0x1f: {  	_ =	swait.ge [sflag:s17], $0x2780  }
0x20: {  	[sflag:s17] =	ssyncset.done $0x0  }
0x21: {  	[sflag:s17] =	ssyncadd.s32 $0xFFFFD880  }
0x22: {  	[tilespmem:s18], [sflag:$0x5] =	stream.linear.gather [hbm4b:s9+s3], $0x3E80, $0x38;
	[tilespmem:$0x1F000] =	vst v63  }
0x23: {  	_ =	swait.ge [sflag:s17], $0x3E80  }
0x24: {  	[sflag:s17] =	ssyncset.done $0x0  }
0x25: {  	[sflag:s17] =	ssyncadd.s32 $0xFFFFC180  }
0x26: {  	[tilespmem:s20], [sflag:$0x1] =	stream.indirect.gather [hbm4b:s4+s19], $0x80, s3, s19, $0xb8;
	[tilespmem:$0x1F000] =	vst v63  }
0x27: {  	_ = 	snop  }
0x28: {  	[tilespmem:s21], [sflag:$0x2] =	stream.indirect.gather [hbm4b:s4+s19], $0x80, s19, s19, $0xb8;
	[tilespmem:$0x1F000] =	vst v63  }
0x29: {  	[bflag:$0x0] =	sbarrier.arrive $0xFFFF  }
0x2a: {  	_ =	swait.ge [sflag:s22], $0x2800  }
0x2b: {  	[sflag:s22] =	ssyncset.done $0x0  }
0x2c: {  	[sflag:s22] =	ssyncadd.s32 $0xFFFFD800  }
0x2d: {  	[spmem:s2] =	stream.indirect.scatter.add.f32 [tilespmem:s20], [sflag:$0x3], $0x80, s18, s19, $0xb8;
	[tilespmem:$0x1F000] =	vst v63  }
0x2e: {  	_ =	swait.ge [sflag:s23], $0x2800  }
0x2f: {  	[sflag:s23] =	ssyncset.done $0x0  }
0x30: {  	s15 =	simm.s32 $0x2800;
	[sflag:s23] =	ssyncadd.s32 $0xFFFFD800  }
0x31: {  	[spmem:s2] =	stream.indirect.scatter.add.f32 [tilespmem:s21], [sflag:$0x4], $0x80, s15, s19, $0xb8;
	[tilespmem:$0x1F000] =	vst v63  }
0x32: {  	_ =	swait.ge [sflag:s24], $0x2800  }
0x33: {  	[sflag:s24] =	ssyncset.done $0x0  }
0x34: {  	s1 =	simm.s32 $0xA0;
	[sflag:s24] =	ssyncadd.s32 $0xFFFFD800  }
0x35: {  	[tilespmem:s20], [sflag:$0x1] =	stream.indirect.gather [hbm4b:s4+s19], $0x80, s1, s19, $0xb8;
	[tilespmem:$0x1F000] =	vst v63  }
0x36: {  	_ =	swait.ge [sflag:s22], $0x2800  }
0x37: {  	[sflag:s22] =	ssyncset.done $0x0  }
0x38: {  	s15 =	simm.s32 $0x2880;
	[sflag:s22] =	ssyncadd.s32 $0xFFFFD800  }
0x39: {  	[spmem:s2] =	stream.indirect.scatter.add.f32 [tilespmem:s20], [sflag:$0x3], $0x80, s15, s19, $0xb8;
	[tilespmem:$0x1F000] =	vst v63  }
0x3a: {  	_ =	swait.ge [sflag:s25], $0x2800  }
0x3b: {  	s31 =	simm.s32 $0xFFFF6A00;
	[sflag:s25] =	ssyncset.done $0x0  }
0x3c: {  	s0 =	simm.s32 $0xF0;
	s1 =	simm.s32 $0x2900;
	[sflag:s25] =	ssyncadd.s32 $0xFFFFD800  }
.LBB2_2:
0x3d: {  	[tilespmem:s21], [sflag:$0x2] =	stream.indirect.gather [hbm4b:s4+s19], $0x80, s0, s19, $0xb8;
	[tilespmem:$0x1F000] =	vst v63  }
0x3e: {  	s0 =	smov.u32 s31  }
0x3f: {  	p1 =	sne.s32 s31, $0xFFFFFD80;
	s31 =	sadd.s32 $0x280, s31;
	_ =	swait.ge [sflag:s23], $0x2800  }
0x40: {  	[sflag:s23] =	ssyncset.done $0x0  }
0x41: {  	[sflag:s23] =	ssyncadd.s32 $0xFFFFD800  }
0x42: {  	[spmem:s2] =	stream.indirect.scatter.add.f32 [tilespmem:s21], [sflag:$0x4], $0x80, s1, s19, $0xb8;
	[tilespmem:$0x1F000] =	vst v63  }
0x43: {  	_ =	swait.ge [sflag:s24], $0x2800  }
0x44: {  	s0 =	sshra.s32 s0, $0x2;
	[sflag:s24] =	ssyncset.done $0x0  }
0x45: {  	s15 =	sadd.s32 $0x26C0, s0;
	[sflag:s24] =	ssyncadd.s32 $0xFFFFD800  }
0x46: {  	[tilespmem:s20], [sflag:$0x1] =	stream.indirect.gather [hbm4b:s4+s19], $0x80, s15, s19, $0xb8;
	[tilespmem:$0x1F000] =	vst v63  }
0x47: {  	_ =	swait.ge [sflag:s22], $0x2800  }
0x48: {  	[sflag:s22] =	ssyncset.done $0x0  }
.Ltmp0:
0x49: {  	s15 =	sadd.s32 $0x80, s1;
	[sflag:s22] =	ssyncadd.s32 $0xFFFFD800;
	(pc) =	sbr.rel @p1 .LBB2_2-.Ltmp0, $4  }
0x4a: {  	[spmem:s2] =	stream.indirect.scatter.add.f32 [tilespmem:s20], [sflag:$0x3], $0x80, s15, s19, $0xb8;
	[tilespmem:$0x1F000] =	vst v63  }
0x4b: {  	_ =	swait.ge [sflag:s25], $0x2800  }
0x4c: {  	[sflag:s25] =	ssyncset.done $0x0  }
0x4d: {  	s0 =	sadd.s32 $0x2710, s0;
	s1 =	sadd.s32 $0x100, s1;
	[sflag:s25] =	ssyncadd.s32 $0xFFFFD800  }
0x4e: {  	[tilespmem:s21], [sflag:$0x2] =	stream.indirect.gather [hbm4b:s4+s19], $0x80, s0, s19, $0xb8;
	[tilespmem:$0x1F000] =	vst v63  }
0x4f: {  	_ =	swait.ge [sflag:s23], $0x2800  }
0x50: {  	[sflag:s23] =	ssyncset.done $0x0  }
0x51: {  	[sflag:s23] =	ssyncadd.s32 $0xFFFFD800  }
0x52: {  	[spmem:s2] =	stream.indirect.scatter.add.f32 [tilespmem:s21], [sflag:$0x4], $0x80, s26, s19, $0xb8;
	[tilespmem:$0x1F000] =	vst v63  }
0x53: {  	_ =	swait.ge [sflag:s24], $0x2800  }
0x54: {  	[sflag:s24] =	ssyncset.done $0x0  }
0x55: {  	[sflag:s24] =	ssyncadd.s32 $0xFFFFD800  }
0x56: {  	[tilespmem:s20], [sflag:$0x1] =	stream.indirect.gather [hbm4b:s4+s19], $0x80, s28, s19, $0xb8;
	[tilespmem:$0x1F000] =	vst v63  }
0x57: {  	_ =	swait.ge [sflag:s22], $0x2800  }
0x58: {  	[sflag:s22] =	ssyncset.done $0x0  }
0x59: {  	[sflag:s22] =	ssyncadd.s32 $0xFFFFD800  }
0x5a: {  	[spmem:s2] =	stream.indirect.scatter.add.f32 [tilespmem:s20], [sflag:$0x3], $0x80, s29, s19, $0xb8;
	[tilespmem:$0x1F000] =	vst v63  }
0x5b: {  	_ =	swait.ge [sflag:s25], $0x2800  }
0x5c: {  	[sflag:s25] =	ssyncset.done $0x0  }
0x5d: {  	[sflag:s25] =	ssyncadd.s32 $0xFFFFD800  }
0x5e: {  	_ =	swait.ge [sflag:s24], $0x2800  }
0x5f: {  	[sflag:s24] =	ssyncset.done $0x0  }
0x60: {  	[sflag:s24] =	ssyncadd.s32 $0xFFFFD800  }
0x61: {  	s0 =	sadd.s32 @p0 $0x25800, s10;
	s1 =	simm.s32 @p0 $0x1FC5;
	[bflag:$0x0] =	sbarrier.arrive $0xFFFF  }
0x62: {  	[hbm:s0], [sflag:s1] =	dma.local @p0 [spmem:s12], $0x1900  }
0x63: {  	s0 =	simm.s32 @p0 $0x5  }
0x64: {  	_ =	swait.ge @p0 [sflag:s0], $0x1900  }
0x65: {  	s30 =	sadd.s32 $0x1, s30;
	[sflag:s0] =	ssyncset.done @p0 $0x0  }
0x66: {  	p1 =	sne.s32 s30, s11;
	[sflag:s0] =	ssyncadd.s32 @p0 $0xFFFFE700;
	s0 =	sadd.s32 @!p0 s5, s10  }
0x67: {  	[hbm:s0], [sflag:s13] =	dma.local @!p0 [spmem:s14], $0x2800  }
.Ltmp1:
0x68: {  	_ = 	snop;
	(pc) =	sbr.rel @p1 .LBB2_1-.Ltmp1, $4  }
0x69: {  	s0 =	simm.s32 @!p0 $0x5  }
0x6a: {  	_ =	swait.ge @!p0 [sflag:s0], $0x2800  }
0x6b: {  	[sflag:s0] =	ssyncset.done @!p0 $0x0  }
0x6c: {  	[sflag:s0] =	ssyncadd.s32 @!p0 $0xFFFFD800  }
0x6d: {  	_ =	sfence.sel $0x180000  }
0x6e: {  	[bflag:$0x0] =	sbarrier.arrive $0xFFFF  }
0x6f: {  	_ =	strace $0x9000004D  }
0x70: {  	s0 =	stileid.u32;
	[bflag:$0x2] =	sbarrier.arrive $0xFFFF  }
0x71: {  	p0 =	sne.s32 s0, $0x0;
	s0 =	rddreg [dreg:$0x2]  }
0x72: {  	s0 =	sadd.s32 @!p0 $0x100000, s0  }
0x73: {  	[sflag:s0] =	ssyncadd.tile.s32 @!p0 $0x1;
	_ =	shalt  }
.Lfunc_end2:
_tile_overlayer_lowered:
.L_overlay_start_2:
0x74: {  	(tag) =	ssettag $0x2  }
0x75: {  	s0 =	rddreg [dreg:$0x0];
	s2 =	stileid.u32  }
0x76: {  	s1 =	rddreg [dreg:$0x1];
	p0 =	sne.s32 s2, $0x0  }
0x77: {  	s3 =	rddreg [dreg:$0x2];
	[bflag:$0x3] =	sbarrier.arrive $0xFFFF;
	s2 =	simm.s32 @!p0 $0x1C05  }
0x78: {  	[timem:s3], [sflag:s2] =	dma.local @!p0 [hbm:s0], s1  }
0x79: {  	s0 =	simm.s32 @!p0 $0x5  }
0x7a: {  	_ =	swait.ge @!p0 [sflag:s0], s1  }
0x7b: {  	s1 =	ssub.s32 @!p0 $0x0, s1;
	[sflag:s0] =	ssyncset.done @!p0 $0x0  }
0x7c: {  	[sflag:s0] =	ssyncadd.s32 @!p0 s1  }
0x7d: {  	[bflag:$0x3] =	sbarrier.arrive $0xFFFF  }
0x7e: {  	_ =	shalt  }

// kernel: kernel.24.cloned.1.call-start
scs
__scs_entry_jumppad:
0x0: {  	(pc) =	sbr.rel $0x88, $3  }
0x1: {  	(tag) =	ssettag $0x0;
	lr =	simm.s32 $0x1  }
0x2: {  	[smem:$0x3F99] =	sst lr;
	_ =	strace $0xD0000000  }
0x3: {  	_ = 	snop  }
0x4: {  	_ = 	snop  }
0x5: {  	_ = 	snop  }
0x6: {  	_ = 	snop  }
0x7: {  	_ = 	snop  }
__scs_overlays_trampoline_lowered:
0x8: {  	[smem:$0x3FA8] =	sst s0  }
0x9: {  	[smem:$0x3FA9] =	sst s1  }
0xa: {  	[smem:$0x3FAA] =	sst s2  }
0xb: {  	[smem:$0x3FAB] =	sst s3  }
0xc: {  	[smem:$0x3FAC] =	sst s4  }
0xd: {  	[smem:$0x3FAD] =	sst s5  }
0xe: {  	[smem:$0x3FAE] =	sst s6  }
0xf: {  	[smem:$0x3FAF] =	sst s7  }
0x10: {  	[smem:$0x3FB0] =	sst s8  }
0x11: {  	[smem:$0x3FB1] =	sst s9;
	s0 =	simm.s32 @!p0 $0x0  }
0x12: {  	s1 =	sld [smem:$0x3F97];
	s0 =	simm.s32 @p0 $0x1  }
0x13: {  	[smem:$0x3FB2] =	sst s0;
	s0 =	simm.s32 @!p1 $0x0  }
0x14: {  	s2 =	sld [smem:$0x3F96];
	s0 =	simm.s32 @p1 $0x1  }
0x15: {  	[smem:$0x3FB3] =	sst s0;
	s0 =	simm.s32 @!p2 $0x0  }
0x16: {  	s3 =	sld [smem:$0x3FDB];
	s0 =	simm.s32 @p2 $0x1  }
0x17: {  	s4 =	simm.s32 $0x1BF5;
	[smem:$0x3FB5] =	sst s0  }
0x18: {  	s0 =	sld [smem:$0x3F98];
	_ =	swait.ge [sflag:s4], $0x0  }
0x19: {  	s7 =	sld [smem:$0x3F99]  }
0x1a: {  	s8 =	sadd.s32 $0xFFFFE003, lr  }
0x1b: {  	s9 =	sadd.s32 $0xFFFFFEF7, lr;
	s5 =	simm.s32 $0xFFFFFFFF;
	p2 =	slt.u32 s8, $0xFFFFF086  }
0x1c: {  	p1 =	slt.u32 s9, $0xF7A;
	s5 =	simm.s32 @!p2 $0x0  }
0x1d: {  	s5 =	simm.s32 @p1 $0x1;
	p0 =	seq.s32 s7, s2  }
0x1e: {  	s7 =	smul.u32 @!p0 $0xF7A, s2;
	p2 =	seq.s32 @!p0 s5, $0x0  }
0x1f: {  	s9 =	smul.u32 $0xF7A, s1;
	s8 =	simm.s32 @!p0 $0x1BF5;
	p2 =	por !p2, p0  }
0x20: {  	[sflag:s8] =	ssyncset.s32 @!p0 $0xFFFFF086;
	s6 =	sadd.s32 @!p0 s3, s7;
	s7 =	simm.s32 @!p0 $0x108  }
0x21: {  	s3 =	sadd.s32 s3, s9;
	s6 =	sadd.s32 @!p0 $0x88, s6;
	s7 =	simm.s32 @p2 $0x1082  }
0x22: {  	[simem:s7], [sflag:s8] =	dma.local @!p0 [hbm:s6], $0xF7A  }
0x23: {  	s9 =	sor.u32 $0xD0000000, s2;
	s6 =	simm.s32 $0x108;
	_ =	swait.ge @!p0 [sflag:s8], $0x0  }
0x24: {  	s3 =	sadd.s32 $0x88, s3;
	s6 =	simm.s32 @!p1 $0x1082;
	[sflag:s4] =	ssyncset.s32 $0xFFFFF086  }
0x25: {  	[simem:s6], [sflag:s4] =	dma.local [hbm:s3], $0xF7A  }
0x26: {  	[smem:$0x3F99] =	sst s1;
	(tag) =	ssettag s2;
	_ =	strace s9  }
0x27: {  	s1 =	sld [smem:$0x3FA9]  }
0x28: {  	s2 =	sld [smem:$0x3FAA]  }
0x29: {  	s4 =	sld [smem:$0x3FAC]  }
0x2a: {  	p0 =	seq.s32 s5, $0x0;
	s5 =	sld [smem:$0x3FAD]  }
0x2b: {  	s6 =	sld [smem:$0x3FAE]  }
0x2c: {  	s7 =	sld [smem:$0x3FAF]  }
0x2d: {  	s3 =	simm.s32 $0x108;
	s8 =	sld [smem:$0x3FB0]  }
0x2e: {  	s3 =	simm.s32 @!p0 $0x1082;
	s9 =	sld [smem:$0x3FB1]  }
0x2f: {  	lr =	sadd.s32 s0, s3;
	s0 =	sld [smem:$0x3FA8]  }
0x30: {  	s3 =	sld [smem:$0x3FAB]  }
0x31: {  	[smem:$0x3FB4] =	sst s10  }
0x32: {  	s10 =	sld [smem:$0x3FB2];
	_ =	sdelay $0x3  }
0x33: {  	p0 =	seq.s32 s10, $0x1;
	s10 =	sld [smem:$0x3FB4];
	_ =	sdelay $0x3  }
0x34: {  	[smem:$0x3FB4] =	sst s10  }
0x35: {  	s10 =	sld [smem:$0x3FB3];
	_ =	sdelay $0x3  }
0x36: {  	p1 =	seq.s32 s10, $0x1;
	s10 =	sld [smem:$0x3FB4];
	_ =	sdelay $0x3  }
0x37: {  	[smem:$0x3FB4] =	sst s10  }
0x38: {  	s10 =	sld [smem:$0x3FB5]  }
0x39: {  	_ = 	snop;
	(pc) =	sbr.ind lr, $3  }
0x3a: {  	_ = 	snop  }
0x3b: {  	_ = 	snop  }
0x3c: {  	p2 =	seq.s32 s10, $0x1;
	s10 =	sld [smem:$0x3FB4]  }
0x3d: {  	_ =	shalt  }
0x3e: {  	_ =	shalt  }
0x3f: {  	_ =	shalt  }
0x40: {  	_ =	shalt  }
0x41: {  	_ =	shalt  }
0x42: {  	_ =	shalt  }
0x43: {  	_ =	shalt  }
0x44: {  	_ =	shalt  }
0x45: {  	_ =	shalt  }
0x46: {  	_ =	shalt  }
0x47: {  	_ =	shalt  }
0x48: {  	_ =	shalt  }
0x49: {  	_ =	shalt  }
0x4a: {  	_ =	shalt  }
0x4b: {  	_ =	shalt  }
0x4c: {  	_ =	shalt  }
0x4d: {  	_ =	shalt  }
0x4e: {  	_ =	shalt  }
0x4f: {  	_ =	shalt  }
0x50: {  	_ =	shalt  }
0x51: {  	_ =	shalt  }
0x52: {  	_ =	shalt  }
0x53: {  	_ =	shalt  }
0x54: {  	_ =	shalt  }
0x55: {  	_ =	shalt  }
0x56: {  	_ =	shalt  }
0x57: {  	_ =	shalt  }
0x58: {  	_ =	shalt  }
0x59: {  	_ =	shalt  }
0x5a: {  	_ =	shalt  }
0x5b: {  	_ =	shalt  }
0x5c: {  	_ =	shalt  }
0x5d: {  	_ =	shalt  }
0x5e: {  	_ =	shalt  }
0x5f: {  	_ =	shalt  }
0x60: {  	_ =	shalt  }
0x61: {  	_ =	shalt  }
0x62: {  	_ =	shalt  }
0x63: {  	_ =	shalt  }
0x64: {  	_ =	shalt  }
0x65: {  	_ =	shalt  }
0x66: {  	_ =	shalt  }
0x67: {  	_ =	shalt  }
0x68: {  	_ =	shalt  }
0x69: {  	_ =	shalt  }
0x6a: {  	_ =	shalt  }
0x6b: {  	_ =	shalt  }
0x6c: {  	_ =	shalt  }
0x6d: {  	_ =	shalt  }
0x6e: {  	_ =	shalt  }
0x6f: {  	_ =	shalt  }
0x70: {  	_ =	shalt  }
0x71: {  	_ =	shalt  }
0x72: {  	_ =	shalt  }
0x73: {  	_ =	shalt  }
0x74: {  	_ =	shalt  }
0x75: {  	_ =	shalt  }
0x76: {  	_ =	shalt  }
0x77: {  	_ =	shalt  }
0x78: {  	_ =	shalt  }
0x79: {  	_ =	shalt  }
0x7a: {  	_ =	shalt  }
0x7b: {  	_ =	shalt  }
0x7c: {  	_ =	shalt  }
0x7d: {  	_ =	shalt  }
0x7e: {  	_ =	shalt  }
0x7f: {  	_ =	shalt  }
0x80: {  	_ =	shalt  }
0x81: {  	_ =	shalt  }
0x82: {  	_ =	shalt  }
0x83: {  	_ =	shalt  }
0x84: {  	_ =	shalt  }
0x85: {  	_ =	shalt  }
0x86: {  	_ =	shalt  }
0x87: {  	_ =	shalt  }
.Lfunc_end0:
.L_simem_size_0:
called_computation.3_lowered:
.L_overlay_start_0:
0x88: {  	s2 =	sld [smem:$0x3FD9]  }
0x89: {  	s3 =	sld [smem:$0x3FFE];
	_ =	sdelay $0x1  }
0x8a: {  	s1 =	srdreg.scid  }
0x8b: {  	s0 =	sand.u32 $0x1, s1  }
0x8c: {  	s16 =	sshll.u32 s0, $0xA;
	s2 =	sadd.s32 s3, s2  }
0x8d: {  	s2 =	sadd.s32 s2, s16  }
0x8e: {  	[smem:$0x3FC0] =	sst s2  }
0x8f: {  	_ = 	snop  }
0x90: {  	(tm) =	ssettm $0x1  }
0x91: {  	s17 =	sld [smem:$0x3FFB];
	_ =	sdelay $0x3  }
0x92: {  	_ =	strace s17  }
0x93: {  	s2 =	sld [smem:$0x3FFC];
	_ =	sdelay $0x3  }
0x94: {  	_ =	strace s2  }
0x95: {  	s2 =	sld [smem:$0x3FFD];
	_ =	sdelay $0x3  }
0x96: {  	_ =	strace s2  }
0x97: {  	_ =	strace $0x8FFFFFFF  }
0x98: {  	s18 =	sld [smem:$0x3FDB];
	_ =	sdelay $0x1  }
0x99: {  	s19 =	simm.s32 $_scs_section_size  }
0x9a: {  	s4 =	simm.s32 $_size__tile_overlayer_lowered;
	s5 =	simm.s32 $_tile_overlayer_lowered  }
0x9b: {  	s22 =	simm.s32 $0x1BFF;
	s21 =	sshll.u32 s5, $0x1;
	s2 =	sadd.s32 s19, s18  }
0x9c: {  	s6 =	simm.s32 $0x0;
	s20 =	sshll.u32 s4, $0x1;
	s4 =	sadd.s32 s21, s2  }
0x9d: {  	[timem:s6], [sflag:s22] =	dma.local [hbm:s4], s20  }
0x9e: {  	_ =	swait.ge [sflag:s22], s20  }
0x9f: {  	s3 =	ssub.s32 $0x0, s20;
	[sflag:s22] =	ssyncset.done $0x0  }
0xa0: {  	[sflag:s22] =	ssyncadd.s32 s3;
	_ =	sdelay $0x1  }
0xa1: {  	s23 =	simm.s32 $0x1B8B  }
0xa2: {  	_ =	swait.ge [sflag:s23], $0x1  }
0xa3: {  	[sflag:s23] =	ssyncset.done $0x0  }
0xa4: {  	s25 =	simm.s32 $0x1B8E;
	s24 =	sld [smem:$0x3FFE];
	[sflag:s23] =	ssyncadd.s32 $0xFFFFFFFF  }
0xa5: {  	s26 =	simm.s32 $execute0_lowered;
	[smem:$0x3FD2] =	sst s25  }
0xa6: {  	s4 =	sshll.u32 s26, $0x1;
	_ =	strace $0x8000004F;
	[dreg:$0x1] =	wrdreg $0xFFFFFFFF  }
0xa7: {  	s28 =	simm.s32 $_size_execute0_lowered;
	s2 =	sadd.s32 s2, s4;
	[dreg:$0x0] =	wrdreg $0x0  }
0xa8: {  	s4 =	sshll.u32 s28, $0x1;
	[dreg:$0x2] =	wrdreg s2  }
0xa9: {  	[dreg:$0x3] =	wrdreg s4  }
0xaa: {  	[dreg:$0x4] =	wrdreg $0xC0  }
0xab: {  	_ =	task [dreg:s6], $0x5FFFF  }
0xac: {  	[dreg:$0x1] =	wrdreg $0xFFFFFFFF  }
0xad: {  	[dreg:$0x0] =	wrdreg $0x60  }
0xae: {  	[dreg:$0x2] =	wrdreg s24  }
0xaf: {  	[dreg:$0x3] =	wrdreg $0xB7800  }
0xb0: {  	[dreg:$0x4] =	wrdreg $0x9  }
0xb1: {  	_ =	task.clear_ibuf [dreg:s6], $0x5FFFF;
	_ =	strace $0x9000004F  }
0xb2: {  	s29 =	simm.s32 $0x9;
	_ =	strace $0x80000051  }
0xb3: {  	_ =	swait.ge [sflag:s29], $0x1  }
0xb4: {  	[sflag:s29] =	ssyncadd.s32 $0xFFFFFFFF  }
0xb5: {  	_ =	strace $0x90000051  }
0xb6: {  	_ =	sfence  }
0xb7: {  	s30 =	sld [smem:$0x0];
	_ =	sdelay $0x2  }
0xb8: {  	s31 =	sshll.u32 s1, $0xD;
	s1 =	sshrl.u32 s1, $0x2  }
0xb9: {  	s3 =	sand.u32 $0x4000, s31;
	s1 =	sadd.s32 s1, s30  }
0xba: {  	s0 =	sor.u32 s3, s0;
	s1 =	sshll.u32 s1, $0x11  }
0xbb: {  	s0 =	sor.u32 s1, s0  }
0xbc: {  	s0 =	sadd.s32 $0x8F2B, s0  }
0xbd: {  	[sflag:s0] =	ssyncadd.remote.s32 $0x1  }
0xbe: {  	_ =	sfence.sel $0xFFFF  }
0xbf: {  	[dreg:$0x0] =	wrdreg $0xFFFFFFFF;
	(pc) =	sbr.abs _section_cstart, $3  }
0xc0: {  	[dreg:$0x1] =	wrdreg $0xFFFFFFFF  }
0xc1: {  	_ =	task.clear_ibuf [dreg:s6], $0x2FFFF;
	_ =	strace $0x9FFFFFFF  }
0xc2: {  	(tm) =	ssettm $0x7FFFFFFF  }
0xc3: {  	_ =	shalt  }
tec
execute0_lowered:
.L_overlay_start_1:
0x0: {  	(tag) =	ssettag $0x1  }
0x1: {  	s0 =	srdreg.scid;
	s7 =	rddreg [dreg:$0x0]  }
0x2: {  	s13 =	stileid.u32;
	s2 =	rddreg [dreg:$0x1]  }
0x3: {  	s16 =	simm.s32 $0x400;
	s17 =	simm.s32 $0x5;
	s18 =	simm.s32 $0x2780  }
0x4: {  	s19 =	simm.s32 $0x50;
	s20 =	simm.s32 $0x6780;
	s21 =	simm.s32 $0x8F80  }
0x5: {  	s22 =	simm.s32 $0x1;
	s23 =	simm.s32 $0x2;
	s24 =	simm.s32 $0x3  }
0x6: {  	s25 =	simm.s32 $0x4;
	s26 =	simm.s32 $0x6500;
	s28 =	simm.s32 $0x26C0  }
0x7: {  	s29 =	simm.s32 $0x6580;
	s30 =	simm.s32 $0x0;
	s0 =	sand.u32 $0x1, s0  }
0x8: {  	s1 =	sshll.u32 s13, $0x1;
	s3 =	sshrl.u32 s13, $0x2;
	s31 =	smul.u32 $0x50000, s13  }
0x9: {  	s12 =	sadd.s32 $0x12C000, s2;
	p0 =	seq.s32 s13, $0xF;
	s4 =	smul.u32 $0x13C00, s3  }
0xa: {  	s1 =	sor.u32 s0, s1;
	s3 =	simm.s32 $0x0;
	s6 =	smul.u32 $0x27100, s0  }
0xb: {  	s0 =	ssub.s32 $0x2, s0;
	s12 =	sshrl.u32 @p0 s12, $0x3;
	s5 =	sshll.u32 s1, $0x7  }
0xc: {  	[smem:$0x7FF] =	sst s3;
	s1 =	sshll.u32 s1, $0xB;
	s9 =	sshrl.u32 s0, $0x1  }
0xd: {  	s10 =	sshrl.u32 s31, $0x2;
	s5 =	sand.u32 $0x380, s5;
	_ =	strace $0x80000050  }
0xe: {  	s1 =	sadd.s32 s1, s7;
	s11 =	sadd.s32 s6, s7;
	s0 =	ssub.s32 s0, s9  }
0xf: {  	s14 =	sadd.s32 s10, s2;
	s5 =	sor.u32 s4, s5;
	s4 =	sadd.s32 $0x21000, s7  }
0x10: {  	s9 =	sadd.s32 $0x7200, s1;
	s10 =	sadd.s32 $0x48200, s11;
	s5 =	sshrl.u32 s5, $0x3  }
0x11: {  	s11 =	smax.u32 s0, $0x1;
	s8 =	sadd.s32 s5, s7;
	s5 =	smul.u32 $0x2800, s13  }
0x12: {  	s0 =	sshll.u32 @!p0 s13, $0x6;
	s14 =	sshrl.u32 @!p0 s14, $0x3;
	s7 =	sadd.s32 $0x46800, s7  }
0x13: {  	s13 =	sor.u32 @!p0 $0x1C05, s0;
	s8 =	sadd.s32 $0x17200, s8;
	s6 =	sadd.s32 s4, s5  }
.LBB2_1:
0x14: {  	s0 =	simm.s32 @p0 $0x1FC5  }
0x15: {  	[spmem:s12], [sflag:s0] =	dma.local @p0 [hbm:s7], $0x1900  }
0x16: {  	s0 =	simm.s32 @p0 $0x5  }
0x17: {  	_ =	swait.ge @p0 [sflag:s0], $0x1900  }
0x18: {  	[sflag:s0] =	ssyncset.done @p0 $0x0  }
0x19: {  	[sflag:s0] =	ssyncadd.s32 @p0 $0xFFFFE700;
	s0 =	simm.s32 @!p0 $0x5  }
0x1a: {  	[spmem:s14], [sflag:s13] =	dma.local @!p0 [hbm:s6], $0x2800  }
0x1b: {  	_ =	swait.ge @!p0 [sflag:s0], $0x2800  }
0x1c: {  	[sflag:s0] =	ssyncset.done @!p0 $0x0  }
0x1d: {  	s1 =	simm.s32 $0x80;
	[sflag:s0] =	ssyncadd.s32 @!p0 $0xFFFFD800  }
0x1e: {  	[tilespmem:s3], [sflag:$0x5] =	stream.strided.gather [hbm4b:s8+s1], $0x2780, s16, s1, $0x38;
	[tilespmem:$0x1F000] =	vst v63  }
0x1f: {  	_ =	swait.ge [sflag:s17], $0x2780  }
0x20: {  	[sflag:s17] =	ssyncset.done $0x0  }
0x21: {  	[sflag:s17] =	ssyncadd.s32 $0xFFFFD880  }
0x22: {  	[tilespmem:s18], [sflag:$0x5] =	stream.linear.gather [hbm4b:s9+s3], $0x3E80, $0x38;
	[tilespmem:$0x1F000] =	vst v63  }
0x23: {  	_ =	swait.ge [sflag:s17], $0x3E80  }
0x24: {  	[sflag:s17] =	ssyncset.done $0x0  }
0x25: {  	[sflag:s17] =	ssyncadd.s32 $0xFFFFC180  }
0x26: {  	[tilespmem:s20], [sflag:$0x1] =	stream.indirect.gather [hbm4b:s4+s19], $0x80, s3, s19, $0xb8;
	[tilespmem:$0x1F000] =	vst v63  }
0x27: {  	_ = 	snop  }
0x28: {  	[tilespmem:s21], [sflag:$0x2] =	stream.indirect.gather [hbm4b:s4+s19], $0x80, s19, s19, $0xb8;
	[tilespmem:$0x1F000] =	vst v63  }
0x29: {  	[bflag:$0x0] =	sbarrier.arrive $0xFFFF  }
0x2a: {  	_ =	swait.ge [sflag:s22], $0x2800  }
0x2b: {  	[sflag:s22] =	ssyncset.done $0x0  }
0x2c: {  	[sflag:s22] =	ssyncadd.s32 $0xFFFFD800  }
0x2d: {  	[spmem:s2] =	stream.indirect.scatter.add.f32 [tilespmem:s20], [sflag:$0x3], $0x80, s18, s19, $0xb8;
	[tilespmem:$0x1F000] =	vst v63  }
0x2e: {  	_ =	swait.ge [sflag:s23], $0x2800  }
0x2f: {  	[sflag:s23] =	ssyncset.done $0x0  }
0x30: {  	s15 =	simm.s32 $0x2800;
	[sflag:s23] =	ssyncadd.s32 $0xFFFFD800  }
0x31: {  	[spmem:s2] =	stream.indirect.scatter.add.f32 [tilespmem:s21], [sflag:$0x4], $0x80, s15, s19, $0xb8;
	[tilespmem:$0x1F000] =	vst v63  }
0x32: {  	_ =	swait.ge [sflag:s24], $0x2800  }
0x33: {  	[sflag:s24] =	ssyncset.done $0x0  }
0x34: {  	s1 =	simm.s32 $0xA0;
	[sflag:s24] =	ssyncadd.s32 $0xFFFFD800  }
0x35: {  	[tilespmem:s20], [sflag:$0x1] =	stream.indirect.gather [hbm4b:s4+s19], $0x80, s1, s19, $0xb8;
	[tilespmem:$0x1F000] =	vst v63  }
0x36: {  	_ =	swait.ge [sflag:s22], $0x2800  }
0x37: {  	[sflag:s22] =	ssyncset.done $0x0  }
0x38: {  	s15 =	simm.s32 $0x2880;
	[sflag:s22] =	ssyncadd.s32 $0xFFFFD800  }
0x39: {  	[spmem:s2] =	stream.indirect.scatter.add.f32 [tilespmem:s20], [sflag:$0x3], $0x80, s15, s19, $0xb8;
	[tilespmem:$0x1F000] =	vst v63  }
0x3a: {  	_ =	swait.ge [sflag:s25], $0x2800  }
0x3b: {  	s31 =	simm.s32 $0xFFFF6A00;
	[sflag:s25] =	ssyncset.done $0x0  }
0x3c: {  	s0 =	simm.s32 $0xF0;
	s1 =	simm.s32 $0x2900;
	[sflag:s25] =	ssyncadd.s32 $0xFFFFD800  }
.LBB2_2:
0x3d: {  	[tilespmem:s21], [sflag:$0x2] =	stream.indirect.gather [hbm4b:s4+s19], $0x80, s0, s19, $0xb8;
	[tilespmem:$0x1F000] =	vst v63  }
0x3e: {  	s0 =	smov.u32 s31  }
0x3f: {  	p1 =	sne.s32 s31, $0xFFFFFD80;
	s31 =	sadd.s32 $0x280, s31;
	_ =	swait.ge [sflag:s23], $0x2800  }
0x40: {  	[sflag:s23] =	ssyncset.done $0x0  }
0x41: {  	[sflag:s23] =	ssyncadd.s32 $0xFFFFD800  }
0x42: {  	[spmem:s2] =	stream.indirect.scatter.add.f32 [tilespmem:s21], [sflag:$0x4], $0x80, s1, s19, $0xb8;
	[tilespmem:$0x1F000] =	vst v63  }
0x43: {  	_ =	swait.ge [sflag:s24], $0x2800  }
0x44: {  	s0 =	sshra.s32 s0, $0x2;
	[sflag:s24] =	ssyncset.done $0x0  }
0x45: {  	s15 =	sadd.s32 $0x26C0, s0;
	[sflag:s24] =	ssyncadd.s32 $0xFFFFD800  }
0x46: {  	[tilespmem:s20], [sflag:$0x1] =	stream.indirect.gather [hbm4b:s4+s19], $0x80, s15, s19, $0xb8;
	[tilespmem:$0x1F000] =	vst v63  }
0x47: {  	_ =	swait.ge [sflag:s22], $0x2800  }
0x48: {  	[sflag:s22] =	ssyncset.done $0x0  }
.Ltmp0:
0x49: {  	s15 =	sadd.s32 $0x80, s1;
	[sflag:s22] =	ssyncadd.s32 $0xFFFFD800;
	(pc) =	sbr.rel @p1 .LBB2_2-.Ltmp0, $4  }
0x4a: {  	[spmem:s2] =	stream.indirect.scatter.add.f32 [tilespmem:s20], [sflag:$0x3], $0x80, s15, s19, $0xb8;
	[tilespmem:$0x1F000] =	vst v63  }
0x4b: {  	_ =	swait.ge [sflag:s25], $0x2800  }
0x4c: {  	[sflag:s25] =	ssyncset.done $0x0  }
0x4d: {  	s0 =	sadd.s32 $0x2710, s0;
	s1 =	sadd.s32 $0x100, s1;
	[sflag:s25] =	ssyncadd.s32 $0xFFFFD800  }
0x4e: {  	[tilespmem:s21], [sflag:$0x2] =	stream.indirect.gather [hbm4b:s4+s19], $0x80, s0, s19, $0xb8;
	[tilespmem:$0x1F000] =	vst v63  }
0x4f: {  	_ =	swait.ge [sflag:s23], $0x2800  }
0x50: {  	[sflag:s23] =	ssyncset.done $0x0  }
0x51: {  	[sflag:s23] =	ssyncadd.s32 $0xFFFFD800  }
0x52: {  	[spmem:s2] =	stream.indirect.scatter.add.f32 [tilespmem:s21], [sflag:$0x4], $0x80, s26, s19, $0xb8;
	[tilespmem:$0x1F000] =	vst v63  }
0x53: {  	_ =	swait.ge [sflag:s24], $0x2800  }
0x54: {  	[sflag:s24] =	ssyncset.done $0x0  }
0x55: {  	[sflag:s24] =	ssyncadd.s32 $0xFFFFD800  }
0x56: {  	[tilespmem:s20], [sflag:$0x1] =	stream.indirect.gather [hbm4b:s4+s19], $0x80, s28, s19, $0xb8;
	[tilespmem:$0x1F000] =	vst v63  }
0x57: {  	_ =	swait.ge [sflag:s22], $0x2800  }
0x58: {  	[sflag:s22] =	ssyncset.done $0x0  }
0x59: {  	[sflag:s22] =	ssyncadd.s32 $0xFFFFD800  }
0x5a: {  	[spmem:s2] =	stream.indirect.scatter.add.f32 [tilespmem:s20], [sflag:$0x3], $0x80, s29, s19, $0xb8;
	[tilespmem:$0x1F000] =	vst v63  }
0x5b: {  	_ =	swait.ge [sflag:s25], $0x2800  }
0x5c: {  	[sflag:s25] =	ssyncset.done $0x0  }
0x5d: {  	[sflag:s25] =	ssyncadd.s32 $0xFFFFD800  }
0x5e: {  	_ =	swait.ge [sflag:s24], $0x2800  }
0x5f: {  	[sflag:s24] =	ssyncset.done $0x0  }
0x60: {  	[sflag:s24] =	ssyncadd.s32 $0xFFFFD800  }
0x61: {  	s0 =	sadd.s32 @p0 $0x25800, s10;
	s1 =	simm.s32 @p0 $0x1FC5;
	[bflag:$0x0] =	sbarrier.arrive $0xFFFF  }
0x62: {  	[hbm:s0], [sflag:s1] =	dma.local @p0 [spmem:s12], $0x1900  }
0x63: {  	s0 =	simm.s32 @p0 $0x5  }
0x64: {  	_ =	swait.ge @p0 [sflag:s0], $0x1900  }
0x65: {  	s30 =	sadd.s32 $0x1, s30;
	[sflag:s0] =	ssyncset.done @p0 $0x0  }
0x66: {  	p1 =	sne.s32 s30, s11;
	[sflag:s0] =	ssyncadd.s32 @p0 $0xFFFFE700;
	s0 =	sadd.s32 @!p0 s5, s10  }
0x67: {  	[hbm:s0], [sflag:s13] =	dma.local @!p0 [spmem:s14], $0x2800  }
.Ltmp1:
0x68: {  	_ = 	snop;
	(pc) =	sbr.rel @p1 .LBB2_1-.Ltmp1, $4  }
0x69: {  	s0 =	simm.s32 @!p0 $0x5  }
0x6a: {  	_ =	swait.ge @!p0 [sflag:s0], $0x2800  }
0x6b: {  	[sflag:s0] =	ssyncset.done @!p0 $0x0  }
0x6c: {  	[sflag:s0] =	ssyncadd.s32 @!p0 $0xFFFFD800  }
0x6d: {  	_ =	sfence.sel $0x180000  }
0x6e: {  	[bflag:$0x0] =	sbarrier.arrive $0xFFFF  }
0x6f: {  	_ =	strace $0x90000050  }
0x70: {  	s0 =	stileid.u32;
	[bflag:$0x2] =	sbarrier.arrive $0xFFFF  }
0x71: {  	p0 =	sne.s32 s0, $0x0;
	s0 =	rddreg [dreg:$0x2]  }
0x72: {  	s0 =	sadd.s32 @!p0 $0x100000, s0  }
0x73: {  	[sflag:s0] =	ssyncadd.tile.s32 @!p0 $0x1;
	_ =	shalt  }
.Lfunc_end2:
_tile_overlayer_lowered:
.L_overlay_start_2:
0x74: {  	(tag) =	ssettag $0x2  }
0x75: {  	s0 =	rddreg [dreg:$0x0];
	s2 =	stileid.u32  }
0x76: {  	s1 =	rddreg [dreg:$0x1];
	p0 =	sne.s32 s2, $0x0  }
0x77: {  	s3 =	rddreg [dreg:$0x2];
	[bflag:$0x3] =	sbarrier.arrive $0xFFFF;
	s2 =	simm.s32 @!p0 $0x1C05  }
0x78: {  	[timem:s3], [sflag:s2] =	dma.local @!p0 [hbm:s0], s1  }
0x79: {  	s0 =	simm.s32 @!p0 $0x5  }
0x7a: {  	_ =	swait.ge @!p0 [sflag:s0], s1  }
0x7b: {  	s1 =	ssub.s32 @!p0 $0x0, s1;
	[sflag:s0] =	ssyncset.done @!p0 $0x0  }
0x7c: {  	[sflag:s0] =	ssyncadd.s32 @!p0 s1  }
0x7d: {  	[bflag:$0x3] =	sbarrier.arrive $0xFFFF  }
0x7e: {  	_ =	shalt  }

// kernel: kernel.27.cloned.1.call-start
scs
__scs_entry_jumppad:
0x0: {  	(pc) =	sbr.rel $0x88, $3  }
0x1: {  	(tag) =	ssettag $0x0;
	lr =	simm.s32 $0x1  }
0x2: {  	[smem:$0x3F99] =	sst lr;
	_ =	strace $0xD0000000  }
0x3: {  	_ = 	snop  }
0x4: {  	_ = 	snop  }
0x5: {  	_ = 	snop  }
0x6: {  	_ = 	snop  }
0x7: {  	_ = 	snop  }
__scs_overlays_trampoline_lowered:
0x8: {  	[smem:$0x3FA8] =	sst s0  }
0x9: {  	[smem:$0x3FA9] =	sst s1  }
0xa: {  	[smem:$0x3FAA] =	sst s2  }
0xb: {  	[smem:$0x3FAB] =	sst s3  }
0xc: {  	[smem:$0x3FAC] =	sst s4  }
0xd: {  	[smem:$0x3FAD] =	sst s5  }
0xe: {  	[smem:$0x3FAE] =	sst s6  }
0xf: {  	[smem:$0x3FAF] =	sst s7  }
0x10: {  	[smem:$0x3FB0] =	sst s8  }
0x11: {  	[smem:$0x3FB1] =	sst s9;
	s0 =	simm.s32 @!p0 $0x0  }
0x12: {  	s1 =	sld [smem:$0x3F97];
	s0 =	simm.s32 @p0 $0x1  }
0x13: {  	[smem:$0x3FB2] =	sst s0;
	s0 =	simm.s32 @!p1 $0x0  }
0x14: {  	s2 =	sld [smem:$0x3F96];
	s0 =	simm.s32 @p1 $0x1  }
0x15: {  	[smem:$0x3FB3] =	sst s0;
	s0 =	simm.s32 @!p2 $0x0  }
0x16: {  	s3 =	sld [smem:$0x3FDB];
	s0 =	simm.s32 @p2 $0x1  }
0x17: {  	s4 =	simm.s32 $0x1BF5;
	[smem:$0x3FB5] =	sst s0  }
0x18: {  	s0 =	sld [smem:$0x3F98];
	_ =	swait.ge [sflag:s4], $0x0  }
0x19: {  	s7 =	sld [smem:$0x3F99]  }
0x1a: {  	s8 =	sadd.s32 $0xFFFFE003, lr  }
0x1b: {  	s9 =	sadd.s32 $0xFFFFFEF7, lr;
	s5 =	simm.s32 $0xFFFFFFFF;
	p2 =	slt.u32 s8, $0xFFFFF086  }
0x1c: {  	p1 =	slt.u32 s9, $0xF7A;
	s5 =	simm.s32 @!p2 $0x0  }
0x1d: {  	s5 =	simm.s32 @p1 $0x1;
	p0 =	seq.s32 s7, s2  }
0x1e: {  	s7 =	smul.u32 @!p0 $0xF7A, s2;
	p2 =	seq.s32 @!p0 s5, $0x0  }
0x1f: {  	s9 =	smul.u32 $0xF7A, s1;
	s8 =	simm.s32 @!p0 $0x1BF5;
	p2 =	por !p2, p0  }
0x20: {  	[sflag:s8] =	ssyncset.s32 @!p0 $0xFFFFF086;
	s6 =	sadd.s32 @!p0 s3, s7;
	s7 =	simm.s32 @!p0 $0x108  }
0x21: {  	s3 =	sadd.s32 s3, s9;
	s6 =	sadd.s32 @!p0 $0x88, s6;
	s7 =	simm.s32 @p2 $0x1082  }
0x22: {  	[simem:s7], [sflag:s8] =	dma.local @!p0 [hbm:s6], $0xF7A  }
0x23: {  	s9 =	sor.u32 $0xD0000000, s2;
	s6 =	simm.s32 $0x108;
	_ =	swait.ge @!p0 [sflag:s8], $0x0  }
0x24: {  	s3 =	sadd.s32 $0x88, s3;
	s6 =	simm.s32 @!p1 $0x1082;
	[sflag:s4] =	ssyncset.s32 $0xFFFFF086  }
0x25: {  	[simem:s6], [sflag:s4] =	dma.local [hbm:s3], $0xF7A  }
0x26: {  	[smem:$0x3F99] =	sst s1;
	(tag) =	ssettag s2;
	_ =	strace s9  }
0x27: {  	s1 =	sld [smem:$0x3FA9]  }
0x28: {  	s2 =	sld [smem:$0x3FAA]  }
0x29: {  	s4 =	sld [smem:$0x3FAC]  }
0x2a: {  	p0 =	seq.s32 s5, $0x0;
	s5 =	sld [smem:$0x3FAD]  }
0x2b: {  	s6 =	sld [smem:$0x3FAE]  }
0x2c: {  	s7 =	sld [smem:$0x3FAF]  }
0x2d: {  	s3 =	simm.s32 $0x108;
	s8 =	sld [smem:$0x3FB0]  }
0x2e: {  	s3 =	simm.s32 @!p0 $0x1082;
	s9 =	sld [smem:$0x3FB1]  }
0x2f: {  	lr =	sadd.s32 s0, s3;
	s0 =	sld [smem:$0x3FA8]  }
0x30: {  	s3 =	sld [smem:$0x3FAB]  }
0x31: {  	[smem:$0x3FB4] =	sst s10  }
0x32: {  	s10 =	sld [smem:$0x3FB2];
	_ =	sdelay $0x3  }
0x33: {  	p0 =	seq.s32 s10, $0x1;
	s10 =	sld [smem:$0x3FB4];
	_ =	sdelay $0x3  }
0x34: {  	[smem:$0x3FB4] =	sst s10  }
0x35: {  	s10 =	sld [smem:$0x3FB3];
	_ =	sdelay $0x3  }
0x36: {  	p1 =	seq.s32 s10, $0x1;
	s10 =	sld [smem:$0x3FB4];
	_ =	sdelay $0x3  }
0x37: {  	[smem:$0x3FB4] =	sst s10  }
0x38: {  	s10 =	sld [smem:$0x3FB5]  }
0x39: {  	_ = 	snop;
	(pc) =	sbr.ind lr, $3  }
0x3a: {  	_ = 	snop  }
0x3b: {  	_ = 	snop  }
0x3c: {  	p2 =	seq.s32 s10, $0x1;
	s10 =	sld [smem:$0x3FB4]  }
0x3d: {  	_ =	shalt  }
0x3e: {  	_ =	shalt  }
0x3f: {  	_ =	shalt  }
0x40: {  	_ =	shalt  }
0x41: {  	_ =	shalt  }
0x42: {  	_ =	shalt  }
0x43: {  	_ =	shalt  }
0x44: {  	_ =	shalt  }
0x45: {  	_ =	shalt  }
0x46: {  	_ =	shalt  }
0x47: {  	_ =	shalt  }
0x48: {  	_ =	shalt  }
0x49: {  	_ =	shalt  }
0x4a: {  	_ =	shalt  }
0x4b: {  	_ =	shalt  }
0x4c: {  	_ =	shalt  }
0x4d: {  	_ =	shalt  }
0x4e: {  	_ =	shalt  }
0x4f: {  	_ =	shalt  }
0x50: {  	_ =	shalt  }
0x51: {  	_ =	shalt  }
0x52: {  	_ =	shalt  }
0x53: {  	_ =	shalt  }
0x54: {  	_ =	shalt  }
0x55: {  	_ =	shalt  }
0x56: {  	_ =	shalt  }
0x57: {  	_ =	shalt  }
0x58: {  	_ =	shalt  }
0x59: {  	_ =	shalt  }
0x5a: {  	_ =	shalt  }
0x5b: {  	_ =	shalt  }
0x5c: {  	_ =	shalt  }
0x5d: {  	_ =	shalt  }
0x5e: {  	_ =	shalt  }
0x5f: {  	_ =	shalt  }
0x60: {  	_ =	shalt  }
0x61: {  	_ =	shalt  }
0x62: {  	_ =	shalt  }
0x63: {  	_ =	shalt  }
0x64: {  	_ =	shalt  }
0x65: {  	_ =	shalt  }
0x66: {  	_ =	shalt  }
0x67: {  	_ =	shalt  }
0x68: {  	_ =	shalt  }
0x69: {  	_ =	shalt  }
0x6a: {  	_ =	shalt  }
0x6b: {  	_ =	shalt  }
0x6c: {  	_ =	shalt  }
0x6d: {  	_ =	shalt  }
0x6e: {  	_ =	shalt  }
0x6f: {  	_ =	shalt  }
0x70: {  	_ =	shalt  }
0x71: {  	_ =	shalt  }
0x72: {  	_ =	shalt  }
0x73: {  	_ =	shalt  }
0x74: {  	_ =	shalt  }
0x75: {  	_ =	shalt  }
0x76: {  	_ =	shalt  }
0x77: {  	_ =	shalt  }
0x78: {  	_ =	shalt  }
0x79: {  	_ =	shalt  }
0x7a: {  	_ =	shalt  }
0x7b: {  	_ =	shalt  }
0x7c: {  	_ =	shalt  }
0x7d: {  	_ =	shalt  }
0x7e: {  	_ =	shalt  }
0x7f: {  	_ =	shalt  }
0x80: {  	_ =	shalt  }
0x81: {  	_ =	shalt  }
0x82: {  	_ =	shalt  }
0x83: {  	_ =	shalt  }
0x84: {  	_ =	shalt  }
0x85: {  	_ =	shalt  }
0x86: {  	_ =	shalt  }
0x87: {  	_ =	shalt  }
.Lfunc_end0:
.L_simem_size_0:
called_computation.4_lowered:
.L_overlay_start_0:
0x88: {  	s2 =	sld [smem:$0x3FD9]  }
0x89: {  	s3 =	sld [smem:$0x3FFE];
	_ =	sdelay $0x1  }
0x8a: {  	s1 =	srdreg.scid  }
0x8b: {  	s0 =	sand.u32 $0x1, s1  }
0x8c: {  	s16 =	sshll.u32 s0, $0xA;
	s2 =	sadd.s32 s3, s2  }
0x8d: {  	s2 =	sadd.s32 s2, s16  }
0x8e: {  	[smem:$0x3FC0] =	sst s2  }
0x8f: {  	_ = 	snop  }
0x90: {  	(tm) =	ssettm $0x1  }
0x91: {  	s17 =	sld [smem:$0x3FFB];
	_ =	sdelay $0x3  }
0x92: {  	_ =	strace s17  }
0x93: {  	s2 =	sld [smem:$0x3FFC];
	_ =	sdelay $0x3  }
0x94: {  	_ =	strace s2  }
0x95: {  	s2 =	sld [smem:$0x3FFD];
	_ =	sdelay $0x3  }
0x96: {  	_ =	strace s2  }
0x97: {  	_ =	strace $0x8FFFFFFF  }
0x98: {  	s18 =	sld [smem:$0x3FDB];
	_ =	sdelay $0x1  }
0x99: {  	s19 =	simm.s32 $_scs_section_size  }
0x9a: {  	s4 =	simm.s32 $_size__tile_overlayer_lowered;
	s5 =	simm.s32 $_tile_overlayer_lowered  }
0x9b: {  	s22 =	simm.s32 $0x1BFF;
	s21 =	sshll.u32 s5, $0x1;
	s2 =	sadd.s32 s19, s18  }
0x9c: {  	s6 =	simm.s32 $0x0;
	s20 =	sshll.u32 s4, $0x1;
	s4 =	sadd.s32 s21, s2  }
0x9d: {  	[timem:s6], [sflag:s22] =	dma.local [hbm:s4], s20  }
0x9e: {  	_ =	swait.ge [sflag:s22], s20  }
0x9f: {  	s3 =	ssub.s32 $0x0, s20;
	[sflag:s22] =	ssyncset.done $0x0  }
0xa0: {  	[sflag:s22] =	ssyncadd.s32 s3;
	_ =	sdelay $0x1  }
0xa1: {  	s23 =	simm.s32 $0x1B8B  }
0xa2: {  	_ =	swait.ge [sflag:s23], $0x1  }
0xa3: {  	[sflag:s23] =	ssyncset.done $0x0  }
0xa4: {  	s25 =	simm.s32 $0x1B8E;
	s24 =	sld [smem:$0x3FFE];
	[sflag:s23] =	ssyncadd.s32 $0xFFFFFFFF  }
0xa5: {  	s26 =	simm.s32 $execute0_lowered;
	[smem:$0x3FD2] =	sst s25  }
0xa6: {  	s4 =	sshll.u32 s26, $0x1;
	_ =	strace $0x80000052;
	[dreg:$0x1] =	wrdreg $0xFFFFFFFF  }
0xa7: {  	s28 =	simm.s32 $_size_execute0_lowered;
	s2 =	sadd.s32 s2, s4;
	[dreg:$0x0] =	wrdreg $0x0  }
0xa8: {  	s4 =	sshll.u32 s28, $0x1;
	[dreg:$0x2] =	wrdreg s2  }
0xa9: {  	[dreg:$0x3] =	wrdreg s4  }
0xaa: {  	[dreg:$0x4] =	wrdreg $0xC0  }
0xab: {  	_ =	task [dreg:s6], $0x5FFFF  }
0xac: {  	[dreg:$0x1] =	wrdreg $0xFFFFFFFF  }
0xad: {  	[dreg:$0x0] =	wrdreg $0x60  }
0xae: {  	[dreg:$0x2] =	wrdreg s24  }
0xaf: {  	[dreg:$0x3] =	wrdreg $0xB7800  }
0xb0: {  	[dreg:$0x4] =	wrdreg $0x9  }
0xb1: {  	_ =	task.clear_ibuf [dreg:s6], $0x5FFFF;
	_ =	strace $0x90000052  }
0xb2: {  	s29 =	simm.s32 $0x9;
	_ =	strace $0x80000054  }
0xb3: {  	_ =	swait.ge [sflag:s29], $0x1  }
0xb4: {  	[sflag:s29] =	ssyncadd.s32 $0xFFFFFFFF  }
0xb5: {  	_ =	strace $0x90000054  }
0xb6: {  	_ =	sfence  }
0xb7: {  	s30 =	sld [smem:$0x0];
	_ =	sdelay $0x2  }
0xb8: {  	s31 =	sshll.u32 s1, $0xD;
	s1 =	sshrl.u32 s1, $0x2  }
0xb9: {  	s3 =	sand.u32 $0x4000, s31;
	s1 =	sadd.s32 s1, s30  }
0xba: {  	s0 =	sor.u32 s3, s0;
	s1 =	sshll.u32 s1, $0x11  }
0xbb: {  	s0 =	sor.u32 s1, s0  }
0xbc: {  	s0 =	sadd.s32 $0x8F2B, s0  }
0xbd: {  	[sflag:s0] =	ssyncadd.remote.s32 $0x1  }
0xbe: {  	_ =	sfence.sel $0xFFFF  }
0xbf: {  	[dreg:$0x0] =	wrdreg $0xFFFFFFFF;
	(pc) =	sbr.abs _section_cstart, $3  }
0xc0: {  	[dreg:$0x1] =	wrdreg $0xFFFFFFFF  }
0xc1: {  	_ =	task.clear_ibuf [dreg:s6], $0x2FFFF;
	_ =	strace $0x9FFFFFFF  }
0xc2: {  	(tm) =	ssettm $0x7FFFFFFF  }
0xc3: {  	_ =	shalt  }
tec
execute0_lowered:
.L_overlay_start_1:
0x0: {  	(tag) =	ssettag $0x1  }
0x1: {  	s0 =	srdreg.scid;
	s7 =	rddreg [dreg:$0x0]  }
0x2: {  	s13 =	stileid.u32;
	s2 =	rddreg [dreg:$0x1]  }
0x3: {  	s16 =	simm.s32 $0x400;
	s17 =	simm.s32 $0x5;
	s18 =	simm.s32 $0x2780  }
0x4: {  	s19 =	simm.s32 $0x50;
	s20 =	simm.s32 $0x6780;
	s21 =	simm.s32 $0x8F80  }
0x5: {  	s22 =	simm.s32 $0x1;
	s23 =	simm.s32 $0x2;
	s24 =	simm.s32 $0x3  }
0x6: {  	s25 =	simm.s32 $0x4;
	s26 =	simm.s32 $0x6500;
	s28 =	simm.s32 $0x26C0  }
0x7: {  	s29 =	simm.s32 $0x6580;
	s30 =	simm.s32 $0x0;
	s0 =	sand.u32 $0x1, s0  }
0x8: {  	s1 =	sshll.u32 s13, $0x1;
	s3 =	sshrl.u32 s13, $0x2;
	s31 =	smul.u32 $0x50000, s13  }
0x9: {  	s12 =	sadd.s32 $0x12C000, s2;
	p0 =	seq.s32 s13, $0xF;
	s4 =	smul.u32 $0x13C00, s3  }
0xa: {  	s1 =	sor.u32 s0, s1;
	s3 =	simm.s32 $0x0;
	s6 =	smul.u32 $0x27100, s0  }
0xb: {  	s0 =	ssub.s32 $0x2, s0;
	s12 =	sshrl.u32 @p0 s12, $0x3;
	s5 =	sshll.u32 s1, $0x7  }
0xc: {  	[smem:$0x7FF] =	sst s3;
	s1 =	sshll.u32 s1, $0xB;
	s9 =	sshrl.u32 s0, $0x1  }
0xd: {  	s10 =	sshrl.u32 s31, $0x2;
	s5 =	sand.u32 $0x380, s5;
	_ =	strace $0x80000053  }
0xe: {  	s1 =	sadd.s32 s1, s7;
	s11 =	sadd.s32 s6, s7;
	s0 =	ssub.s32 s0, s9  }
0xf: {  	s14 =	sadd.s32 s10, s2;
	s5 =	sor.u32 s4, s5;
	s4 =	sadd.s32 $0x21000, s7  }
0x10: {  	s9 =	sadd.s32 $0x7200, s1;
	s10 =	sadd.s32 $0x48200, s11;
	s5 =	sshrl.u32 s5, $0x3  }
0x11: {  	s11 =	smax.u32 s0, $0x1;
	s8 =	sadd.s32 s5, s7;
	s5 =	smul.u32 $0x2800, s13  }
0x12: {  	s0 =	sshll.u32 @!p0 s13, $0x6;
	s14 =	sshrl.u32 @!p0 s14, $0x3;
	s7 =	sadd.s32 $0x46800, s7  }
0x13: {  	s13 =	sor.u32 @!p0 $0x1C05, s0;
	s8 =	sadd.s32 $0x17200, s8;
	s6 =	sadd.s32 s4, s5  }
.LBB2_1:
0x14: {  	s0 =	simm.s32 @p0 $0x1FC5  }
0x15: {  	[spmem:s12], [sflag:s0] =	dma.local @p0 [hbm:s7], $0x1900  }
0x16: {  	s0 =	simm.s32 @p0 $0x5  }
0x17: {  	_ =	swait.ge @p0 [sflag:s0], $0x1900  }
0x18: {  	[sflag:s0] =	ssyncset.done @p0 $0x0  }
0x19: {  	[sflag:s0] =	ssyncadd.s32 @p0 $0xFFFFE700;
	s0 =	simm.s32 @!p0 $0x5  }
0x1a: {  	[spmem:s14], [sflag:s13] =	dma.local @!p0 [hbm:s6], $0x2800  }
0x1b: {  	_ =	swait.ge @!p0 [sflag:s0], $0x2800  }
0x1c: {  	[sflag:s0] =	ssyncset.done @!p0 $0x0  }
0x1d: {  	s1 =	simm.s32 $0x80;
	[sflag:s0] =	ssyncadd.s32 @!p0 $0xFFFFD800  }
0x1e: {  	[tilespmem:s3], [sflag:$0x5] =	stream.strided.gather [hbm4b:s8+s1], $0x2780, s16, s1, $0x38;
	[tilespmem:$0x1F000] =	vst v63  }
0x1f: {  	_ =	swait.ge [sflag:s17], $0x2780  }
0x20: {  	[sflag:s17] =	ssyncset.done $0x0  }
0x21: {  	[sflag:s17] =	ssyncadd.s32 $0xFFFFD880  }
0x22: {  	[tilespmem:s18], [sflag:$0x5] =	stream.linear.gather [hbm4b:s9+s3], $0x3E80, $0x38;
	[tilespmem:$0x1F000] =	vst v63  }
0x23: {  	_ =	swait.ge [sflag:s17], $0x3E80  }
0x24: {  	[sflag:s17] =	ssyncset.done $0x0  }
0x25: {  	[sflag:s17] =	ssyncadd.s32 $0xFFFFC180  }
0x26: {  	[tilespmem:s20], [sflag:$0x1] =	stream.indirect.gather [hbm4b:s4+s19], $0x80, s3, s19, $0xb8;
	[tilespmem:$0x1F000] =	vst v63  }
0x27: {  	_ = 	snop  }
0x28: {  	[tilespmem:s21], [sflag:$0x2] =	stream.indirect.gather [hbm4b:s4+s19], $0x80, s19, s19, $0xb8;
	[tilespmem:$0x1F000] =	vst v63  }
0x29: {  	[bflag:$0x0] =	sbarrier.arrive $0xFFFF  }
0x2a: {  	_ =	swait.ge [sflag:s22], $0x2800  }
0x2b: {  	[sflag:s22] =	ssyncset.done $0x0  }
0x2c: {  	[sflag:s22] =	ssyncadd.s32 $0xFFFFD800  }
0x2d: {  	[spmem:s2] =	stream.indirect.scatter.add.f32 [tilespmem:s20], [sflag:$0x3], $0x80, s18, s19, $0xb8;
	[tilespmem:$0x1F000] =	vst v63  }
0x2e: {  	_ =	swait.ge [sflag:s23], $0x2800  }
0x2f: {  	[sflag:s23] =	ssyncset.done $0x0  }
0x30: {  	s15 =	simm.s32 $0x2800;
	[sflag:s23] =	ssyncadd.s32 $0xFFFFD800  }
0x31: {  	[spmem:s2] =	stream.indirect.scatter.add.f32 [tilespmem:s21], [sflag:$0x4], $0x80, s15, s19, $0xb8;
	[tilespmem:$0x1F000] =	vst v63  }
0x32: {  	_ =	swait.ge [sflag:s24], $0x2800  }
0x33: {  	[sflag:s24] =	ssyncset.done $0x0  }
0x34: {  	s1 =	simm.s32 $0xA0;
	[sflag:s24] =	ssyncadd.s32 $0xFFFFD800  }
0x35: {  	[tilespmem:s20], [sflag:$0x1] =	stream.indirect.gather [hbm4b:s4+s19], $0x80, s1, s19, $0xb8;
	[tilespmem:$0x1F000] =	vst v63  }
0x36: {  	_ =	swait.ge [sflag:s22], $0x2800  }
0x37: {  	[sflag:s22] =	ssyncset.done $0x0  }
0x38: {  	s15 =	simm.s32 $0x2880;
	[sflag:s22] =	ssyncadd.s32 $0xFFFFD800  }
0x39: {  	[spmem:s2] =	stream.indirect.scatter.add.f32 [tilespmem:s20], [sflag:$0x3], $0x80, s15, s19, $0xb8;
	[tilespmem:$0x1F000] =	vst v63  }
0x3a: {  	_ =	swait.ge [sflag:s25], $0x2800  }
0x3b: {  	s31 =	simm.s32 $0xFFFF6A00;
	[sflag:s25] =	ssyncset.done $0x0  }
0x3c: {  	s0 =	simm.s32 $0xF0;
	s1 =	simm.s32 $0x2900;
	[sflag:s25] =	ssyncadd.s32 $0xFFFFD800  }
.LBB2_2:
0x3d: {  	[tilespmem:s21], [sflag:$0x2] =	stream.indirect.gather [hbm4b:s4+s19], $0x80, s0, s19, $0xb8;
	[tilespmem:$0x1F000] =	vst v63  }
0x3e: {  	s0 =	smov.u32 s31  }
0x3f: {  	p1 =	sne.s32 s31, $0xFFFFFD80;
	s31 =	sadd.s32 $0x280, s31;
	_ =	swait.ge [sflag:s23], $0x2800  }
0x40: {  	[sflag:s23] =	ssyncset.done $0x0  }
0x41: {  	[sflag:s23] =	ssyncadd.s32 $0xFFFFD800  }
0x42: {  	[spmem:s2] =	stream.indirect.scatter.add.f32 [tilespmem:s21], [sflag:$0x4], $0x80, s1, s19, $0xb8;
	[tilespmem:$0x1F000] =	vst v63  }
0x43: {  	_ =	swait.ge [sflag:s24], $0x2800  }
0x44: {  	s0 =	sshra.s32 s0, $0x2;
	[sflag:s24] =	ssyncset.done $0x0  }
0x45: {  	s15 =	sadd.s32 $0x26C0, s0;
	[sflag:s24] =	ssyncadd.s32 $0xFFFFD800  }
0x46: {  	[tilespmem:s20], [sflag:$0x1] =	stream.indirect.gather [hbm4b:s4+s19], $0x80, s15, s19, $0xb8;
	[tilespmem:$0x1F000] =	vst v63  }
0x47: {  	_ =	swait.ge [sflag:s22], $0x2800  }
0x48: {  	[sflag:s22] =	ssyncset.done $0x0  }
.Ltmp0:
0x49: {  	s15 =	sadd.s32 $0x80, s1;
	[sflag:s22] =	ssyncadd.s32 $0xFFFFD800;
	(pc) =	sbr.rel @p1 .LBB2_2-.Ltmp0, $4  }
0x4a: {  	[spmem:s2] =	stream.indirect.scatter.add.f32 [tilespmem:s20], [sflag:$0x3], $0x80, s15, s19, $0xb8;
	[tilespmem:$0x1F000] =	vst v63  }
0x4b: {  	_ =	swait.ge [sflag:s25], $0x2800  }
0x4c: {  	[sflag:s25] =	ssyncset.done $0x0  }
0x4d: {  	s0 =	sadd.s32 $0x2710, s0;
	s1 =	sadd.s32 $0x100, s1;
	[sflag:s25] =	ssyncadd.s32 $0xFFFFD800  }
0x4e: {  	[tilespmem:s21], [sflag:$0x2] =	stream.indirect.gather [hbm4b:s4+s19], $0x80, s0, s19, $0xb8;
	[tilespmem:$0x1F000] =	vst v63  }
0x4f: {  	_ =	swait.ge [sflag:s23], $0x2800  }
0x50: {  	[sflag:s23] =	ssyncset.done $0x0  }
0x51: {  	[sflag:s23] =	ssyncadd.s32 $0xFFFFD800  }
0x52: {  	[spmem:s2] =	stream.indirect.scatter.add.f32 [tilespmem:s21], [sflag:$0x4], $0x80, s26, s19, $0xb8;
	[tilespmem:$0x1F000] =	vst v63  }
0x53: {  	_ =	swait.ge [sflag:s24], $0x2800  }
0x54: {  	[sflag:s24] =	ssyncset.done $0x0  }
0x55: {  	[sflag:s24] =	ssyncadd.s32 $0xFFFFD800  }
0x56: {  	[tilespmem:s20], [sflag:$0x1] =	stream.indirect.gather [hbm4b:s4+s19], $0x80, s28, s19, $0xb8;
	[tilespmem:$0x1F000] =	vst v63  }
0x57: {  	_ =	swait.ge [sflag:s22], $0x2800  }
0x58: {  	[sflag:s22] =	ssyncset.done $0x0  }
0x59: {  	[sflag:s22] =	ssyncadd.s32 $0xFFFFD800  }
0x5a: {  	[spmem:s2] =	stream.indirect.scatter.add.f32 [tilespmem:s20], [sflag:$0x3], $0x80, s29, s19, $0xb8;
	[tilespmem:$0x1F000] =	vst v63  }
0x5b: {  	_ =	swait.ge [sflag:s25], $0x2800  }
0x5c: {  	[sflag:s25] =	ssyncset.done $0x0  }
0x5d: {  	[sflag:s25] =	ssyncadd.s32 $0xFFFFD800  }
0x5e: {  	_ =	swait.ge [sflag:s24], $0x2800  }
0x5f: {  	[sflag:s24] =	ssyncset.done $0x0  }
0x60: {  	[sflag:s24] =	ssyncadd.s32 $0xFFFFD800  }
0x61: {  	s0 =	sadd.s32 @p0 $0x25800, s10;
	s1 =	simm.s32 @p0 $0x1FC5;
	[bflag:$0x0] =	sbarrier.arrive $0xFFFF  }
0x62: {  	[hbm:s0], [sflag:s1] =	dma.local @p0 [spmem:s12], $0x1900  }
0x63: {  	s0 =	simm.s32 @p0 $0x5  }
0x64: {  	_ =	swait.ge @p0 [sflag:s0], $0x1900  }
0x65: {  	s30 =	sadd.s32 $0x1, s30;
	[sflag:s0] =	ssyncset.done @p0 $0x0  }
0x66: {  	p1 =	sne.s32 s30, s11;
	[sflag:s0] =	ssyncadd.s32 @p0 $0xFFFFE700;
	s0 =	sadd.s32 @!p0 s5, s10  }
0x67: {  	[hbm:s0], [sflag:s13] =	dma.local @!p0 [spmem:s14], $0x2800  }
.Ltmp1:
0x68: {  	_ = 	snop;
	(pc) =	sbr.rel @p1 .LBB2_1-.Ltmp1, $4  }
0x69: {  	s0 =	simm.s32 @!p0 $0x5  }
0x6a: {  	_ =	swait.ge @!p0 [sflag:s0], $0x2800  }
0x6b: {  	[sflag:s0] =	ssyncset.done @!p0 $0x0  }
0x6c: {  	[sflag:s0] =	ssyncadd.s32 @!p0 $0xFFFFD800  }
0x6d: {  	_ =	sfence.sel $0x180000  }
0x6e: {  	[bflag:$0x0] =	sbarrier.arrive $0xFFFF  }
0x6f: {  	_ =	strace $0x90000053  }
0x70: {  	s0 =	stileid.u32;
	[bflag:$0x2] =	sbarrier.arrive $0xFFFF  }
0x71: {  	p0 =	sne.s32 s0, $0x0;
	s0 =	rddreg [dreg:$0x2]  }
0x72: {  	s0 =	sadd.s32 @!p0 $0x100000, s0  }
0x73: {  	[sflag:s0] =	ssyncadd.tile.s32 @!p0 $0x1;
	_ =	shalt  }
.Lfunc_end2:
_tile_overlayer_lowered:
.L_overlay_start_2:
0x74: {  	(tag) =	ssettag $0x2  }
0x75: {  	s0 =	rddreg [dreg:$0x0];
	s2 =	stileid.u32  }
0x76: {  	s1 =	rddreg [dreg:$0x1];
	p0 =	sne.s32 s2, $0x0  }
0x77: {  	s3 =	rddreg [dreg:$0x2];
	[bflag:$0x3] =	sbarrier.arrive $0xFFFF;
	s2 =	simm.s32 @!p0 $0x1C05  }
0x78: {  	[timem:s3], [sflag:s2] =	dma.local @!p0 [hbm:s0], s1  }
0x79: {  	s0 =	simm.s32 @!p0 $0x5  }
0x7a: {  	_ =	swait.ge @!p0 [sflag:s0], s1  }
0x7b: {  	s1 =	ssub.s32 @!p0 $0x0, s1;
	[sflag:s0] =	ssyncset.done @!p0 $0x0  }
0x7c: {  	[sflag:s0] =	ssyncadd.s32 @!p0 s1  }
0x7d: {  	[bflag:$0x3] =	sbarrier.arrive $0xFFFF  }
0x7e: {  	_ =	shalt  }

// kernel: kernel.30.cloned.1.call-start
scs
__scs_entry_jumppad:
0x0: {  	(pc) =	sbr.rel $0x88, $3  }
0x1: {  	(tag) =	ssettag $0x0;
	lr =	simm.s32 $0x1  }
0x2: {  	[smem:$0x3F99] =	sst lr;
	_ =	strace $0xD0000000  }
0x3: {  	_ = 	snop  }
0x4: {  	_ = 	snop  }
0x5: {  	_ = 	snop  }
0x6: {  	_ = 	snop  }
0x7: {  	_ = 	snop  }
__scs_overlays_trampoline_lowered:
0x8: {  	[smem:$0x3FA8] =	sst s0  }
0x9: {  	[smem:$0x3FA9] =	sst s1  }
0xa: {  	[smem:$0x3FAA] =	sst s2  }
0xb: {  	[smem:$0x3FAB] =	sst s3  }
0xc: {  	[smem:$0x3FAC] =	sst s4  }
0xd: {  	[smem:$0x3FAD] =	sst s5  }
0xe: {  	[smem:$0x3FAE] =	sst s6  }
0xf: {  	[smem:$0x3FAF] =	sst s7  }
0x10: {  	[smem:$0x3FB0] =	sst s8  }
0x11: {  	[smem:$0x3FB1] =	sst s9;
	s0 =	simm.s32 @!p0 $0x0  }
0x12: {  	s1 =	sld [smem:$0x3F97];
	s0 =	simm.s32 @p0 $0x1  }
0x13: {  	[smem:$0x3FB2] =	sst s0;
	s0 =	simm.s32 @!p1 $0x0  }
0x14: {  	s2 =	sld [smem:$0x3F96];
	s0 =	simm.s32 @p1 $0x1  }
0x15: {  	[smem:$0x3FB3] =	sst s0;
	s0 =	simm.s32 @!p2 $0x0  }
0x16: {  	s3 =	sld [smem:$0x3FDB];
	s0 =	simm.s32 @p2 $0x1  }
0x17: {  	s4 =	simm.s32 $0x1BF5;
	[smem:$0x3FB5] =	sst s0  }
0x18: {  	s0 =	sld [smem:$0x3F98];
	_ =	swait.ge [sflag:s4], $0x0  }
0x19: {  	s7 =	sld [smem:$0x3F99]  }
0x1a: {  	s8 =	sadd.s32 $0xFFFFE003, lr  }
0x1b: {  	s9 =	sadd.s32 $0xFFFFFEF7, lr;
	s5 =	simm.s32 $0xFFFFFFFF;
	p2 =	slt.u32 s8, $0xFFFFF086  }
0x1c: {  	p1 =	slt.u32 s9, $0xF7A;
	s5 =	simm.s32 @!p2 $0x0  }
0x1d: {  	s5 =	simm.s32 @p1 $0x1;
	p0 =	seq.s32 s7, s2  }
0x1e: {  	s7 =	smul.u32 @!p0 $0xF7A, s2;
	p2 =	seq.s32 @!p0 s5, $0x0  }
0x1f: {  	s9 =	smul.u32 $0xF7A, s1;
	s8 =	simm.s32 @!p0 $0x1BF5;
	p2 =	por !p2, p0  }
0x20: {  	[sflag:s8] =	ssyncset.s32 @!p0 $0xFFFFF086;
	s6 =	sadd.s32 @!p0 s3, s7;
	s7 =	simm.s32 @!p0 $0x108  }
0x21: {  	s3 =	sadd.s32 s3, s9;
	s6 =	sadd.s32 @!p0 $0x88, s6;
	s7 =	simm.s32 @p2 $0x1082  }
0x22: {  	[simem:s7], [sflag:s8] =	dma.local @!p0 [hbm:s6], $0xF7A  }
0x23: {  	s9 =	sor.u32 $0xD0000000, s2;
	s6 =	simm.s32 $0x108;
	_ =	swait.ge @!p0 [sflag:s8], $0x0  }
0x24: {  	s3 =	sadd.s32 $0x88, s3;
	s6 =	simm.s32 @!p1 $0x1082;
	[sflag:s4] =	ssyncset.s32 $0xFFFFF086  }
0x25: {  	[simem:s6], [sflag:s4] =	dma.local [hbm:s3], $0xF7A  }
0x26: {  	[smem:$0x3F99] =	sst s1;
	(tag) =	ssettag s2;
	_ =	strace s9  }
0x27: {  	s1 =	sld [smem:$0x3FA9]  }
0x28: {  	s2 =	sld [smem:$0x3FAA]  }
0x29: {  	s4 =	sld [smem:$0x3FAC]  }
0x2a: {  	p0 =	seq.s32 s5, $0x0;
	s5 =	sld [smem:$0x3FAD]  }
0x2b: {  	s6 =	sld [smem:$0x3FAE]  }
0x2c: {  	s7 =	sld [smem:$0x3FAF]  }
0x2d: {  	s3 =	simm.s32 $0x108;
	s8 =	sld [smem:$0x3FB0]  }
0x2e: {  	s3 =	simm.s32 @!p0 $0x1082;
	s9 =	sld [smem:$0x3FB1]  }
0x2f: {  	lr =	sadd.s32 s0, s3;
	s0 =	sld [smem:$0x3FA8]  }
0x30: {  	s3 =	sld [smem:$0x3FAB]  }
0x31: {  	[smem:$0x3FB4] =	sst s10  }
0x32: {  	s10 =	sld [smem:$0x3FB2];
	_ =	sdelay $0x3  }
0x33: {  	p0 =	seq.s32 s10, $0x1;
	s10 =	sld [smem:$0x3FB4];
	_ =	sdelay $0x3  }
0x34: {  	[smem:$0x3FB4] =	sst s10  }
0x35: {  	s10 =	sld [smem:$0x3FB3];
	_ =	sdelay $0x3  }
0x36: {  	p1 =	seq.s32 s10, $0x1;
	s10 =	sld [smem:$0x3FB4];
	_ =	sdelay $0x3  }
0x37: {  	[smem:$0x3FB4] =	sst s10  }
0x38: {  	s10 =	sld [smem:$0x3FB5]  }
0x39: {  	_ = 	snop;
	(pc) =	sbr.ind lr, $3  }
0x3a: {  	_ = 	snop  }
0x3b: {  	_ = 	snop  }
0x3c: {  	p2 =	seq.s32 s10, $0x1;
	s10 =	sld [smem:$0x3FB4]  }
0x3d: {  	_ =	shalt  }
0x3e: {  	_ =	shalt  }
0x3f: {  	_ =	shalt  }
0x40: {  	_ =	shalt  }
0x41: {  	_ =	shalt  }
0x42: {  	_ =	shalt  }
0x43: {  	_ =	shalt  }
0x44: {  	_ =	shalt  }
0x45: {  	_ =	shalt  }
0x46: {  	_ =	shalt  }
0x47: {  	_ =	shalt  }
0x48: {  	_ =	shalt  }
0x49: {  	_ =	shalt  }
0x4a: {  	_ =	shalt  }
0x4b: {  	_ =	shalt  }
0x4c: {  	_ =	shalt  }
0x4d: {  	_ =	shalt  }
0x4e: {  	_ =	shalt  }
0x4f: {  	_ =	shalt  }
0x50: {  	_ =	shalt  }
0x51: {  	_ =	shalt  }
0x52: {  	_ =	shalt  }
0x53: {  	_ =	shalt  }
0x54: {  	_ =	shalt  }
0x55: {  	_ =	shalt  }
0x56: {  	_ =	shalt  }
0x57: {  	_ =	shalt  }
0x58: {  	_ =	shalt  }
0x59: {  	_ =	shalt  }
0x5a: {  	_ =	shalt  }
0x5b: {  	_ =	shalt  }
0x5c: {  	_ =	shalt  }
0x5d: {  	_ =	shalt  }
0x5e: {  	_ =	shalt  }
0x5f: {  	_ =	shalt  }
0x60: {  	_ =	shalt  }
0x61: {  	_ =	shalt  }
0x62: {  	_ =	shalt  }
0x63: {  	_ =	shalt  }
0x64: {  	_ =	shalt  }
0x65: {  	_ =	shalt  }
0x66: {  	_ =	shalt  }
0x67: {  	_ =	shalt  }
0x68: {  	_ =	shalt  }
0x69: {  	_ =	shalt  }
0x6a: {  	_ =	shalt  }
0x6b: {  	_ =	shalt  }
0x6c: {  	_ =	shalt  }
0x6d: {  	_ =	shalt  }
0x6e: {  	_ =	shalt  }
0x6f: {  	_ =	shalt  }
0x70: {  	_ =	shalt  }
0x71: {  	_ =	shalt  }
0x72: {  	_ =	shalt  }
0x73: {  	_ =	shalt  }
0x74: {  	_ =	shalt  }
0x75: {  	_ =	shalt  }
0x76: {  	_ =	shalt  }
0x77: {  	_ =	shalt  }
0x78: {  	_ =	shalt  }
0x79: {  	_ =	shalt  }
0x7a: {  	_ =	shalt  }
0x7b: {  	_ =	shalt  }
0x7c: {  	_ =	shalt  }
0x7d: {  	_ =	shalt  }
0x7e: {  	_ =	shalt  }
0x7f: {  	_ =	shalt  }
0x80: {  	_ =	shalt  }
0x81: {  	_ =	shalt  }
0x82: {  	_ =	shalt  }
0x83: {  	_ =	shalt  }
0x84: {  	_ =	shalt  }
0x85: {  	_ =	shalt  }
0x86: {  	_ =	shalt  }
0x87: {  	_ =	shalt  }
.Lfunc_end0:
.L_simem_size_0:
called_computation.5_lowered:
.L_overlay_start_0:
0x88: {  	s2 =	sld [smem:$0x3FD9]  }
0x89: {  	s3 =	sld [smem:$0x3FFE];
	_ =	sdelay $0x1  }
0x8a: {  	s1 =	srdreg.scid  }
0x8b: {  	s0 =	sand.u32 $0x1, s1  }
0x8c: {  	s16 =	sshll.u32 s0, $0xA;
	s2 =	sadd.s32 s3, s2  }
0x8d: {  	s2 =	sadd.s32 s2, s16  }
0x8e: {  	[smem:$0x3FC0] =	sst s2  }
0x8f: {  	_ = 	snop  }
0x90: {  	(tm) =	ssettm $0x1  }
0x91: {  	s17 =	sld [smem:$0x3FFB];
	_ =	sdelay $0x3  }
0x92: {  	_ =	strace s17  }
0x93: {  	s2 =	sld [smem:$0x3FFC];
	_ =	sdelay $0x3  }
0x94: {  	_ =	strace s2  }
0x95: {  	s2 =	sld [smem:$0x3FFD];
	_ =	sdelay $0x3  }
0x96: {  	_ =	strace s2  }
0x97: {  	_ =	strace $0x8FFFFFFF  }
0x98: {  	s18 =	sld [smem:$0x3FDB];
	_ =	sdelay $0x1  }
0x99: {  	s19 =	simm.s32 $_scs_section_size  }
0x9a: {  	s4 =	simm.s32 $_size__tile_overlayer_lowered;
	s5 =	simm.s32 $_tile_overlayer_lowered  }
0x9b: {  	s22 =	simm.s32 $0x1BFF;
	s21 =	sshll.u32 s5, $0x1;
	s2 =	sadd.s32 s19, s18  }
0x9c: {  	s6 =	simm.s32 $0x0;
	s20 =	sshll.u32 s4, $0x1;
	s4 =	sadd.s32 s21, s2  }
0x9d: {  	[timem:s6], [sflag:s22] =	dma.local [hbm:s4], s20  }
0x9e: {  	_ =	swait.ge [sflag:s22], s20  }
0x9f: {  	s3 =	ssub.s32 $0x0, s20;
	[sflag:s22] =	ssyncset.done $0x0  }
0xa0: {  	[sflag:s22] =	ssyncadd.s32 s3;
	_ =	sdelay $0x1  }
0xa1: {  	s23 =	simm.s32 $0x1B8B  }
0xa2: {  	_ =	swait.ge [sflag:s23], $0x1  }
0xa3: {  	[sflag:s23] =	ssyncset.done $0x0  }
0xa4: {  	s25 =	simm.s32 $0x1B8E;
	s24 =	sld [smem:$0x3FFE];
	[sflag:s23] =	ssyncadd.s32 $0xFFFFFFFF  }
0xa5: {  	s26 =	simm.s32 $execute0_lowered;
	[smem:$0x3FD2] =	sst s25  }
0xa6: {  	s4 =	sshll.u32 s26, $0x1;
	_ =	strace $0x80000055;
	[dreg:$0x1] =	wrdreg $0xFFFFFFFF  }
0xa7: {  	s28 =	simm.s32 $_size_execute0_lowered;
	s2 =	sadd.s32 s2, s4;
	[dreg:$0x0] =	wrdreg $0x0  }
0xa8: {  	s4 =	sshll.u32 s28, $0x1;
	[dreg:$0x2] =	wrdreg s2  }
0xa9: {  	[dreg:$0x3] =	wrdreg s4  }
0xaa: {  	[dreg:$0x4] =	wrdreg $0xC0  }
0xab: {  	_ =	task [dreg:s6], $0x5FFFF  }
0xac: {  	[dreg:$0x1] =	wrdreg $0xFFFFFFFF  }
0xad: {  	[dreg:$0x0] =	wrdreg $0x60  }
0xae: {  	[dreg:$0x2] =	wrdreg s24  }
0xaf: {  	[dreg:$0x3] =	wrdreg $0xB7800  }
0xb0: {  	[dreg:$0x4] =	wrdreg $0x9  }
0xb1: {  	_ =	task.clear_ibuf [dreg:s6], $0x5FFFF;
	_ =	strace $0x90000055  }
0xb2: {  	s29 =	simm.s32 $0x9;
	_ =	strace $0x80000057  }
0xb3: {  	_ =	swait.ge [sflag:s29], $0x1  }
0xb4: {  	[sflag:s29] =	ssyncadd.s32 $0xFFFFFFFF  }
0xb5: {  	_ =	strace $0x90000057  }
0xb6: {  	_ =	sfence  }
0xb7: {  	s30 =	sld [smem:$0x0];
	_ =	sdelay $0x2  }
0xb8: {  	s31 =	sshll.u32 s1, $0xD;
	s1 =	sshrl.u32 s1, $0x2  }
0xb9: {  	s3 =	sand.u32 $0x4000, s31;
	s1 =	sadd.s32 s1, s30  }
0xba: {  	s0 =	sor.u32 s3, s0;
	s1 =	sshll.u32 s1, $0x11  }
0xbb: {  	s0 =	sor.u32 s1, s0  }
0xbc: {  	s0 =	sadd.s32 $0x8F2B, s0  }
0xbd: {  	[sflag:s0] =	ssyncadd.remote.s32 $0x1  }
0xbe: {  	_ =	sfence.sel $0xFFFF  }
0xbf: {  	[dreg:$0x0] =	wrdreg $0xFFFFFFFF;
	(pc) =	sbr.abs _section_cstart, $3  }
0xc0: {  	[dreg:$0x1] =	wrdreg $0xFFFFFFFF  }
0xc1: {  	_ =	task.clear_ibuf [dreg:s6], $0x2FFFF;
	_ =	strace $0x9FFFFFFF  }
0xc2: {  	(tm) =	ssettm $0x7FFFFFFF  }
0xc3: {  	_ =	shalt  }
tec
execute0_lowered:
.L_overlay_start_1:
0x0: {  	(tag) =	ssettag $0x1  }
0x1: {  	s0 =	srdreg.scid;
	s7 =	rddreg [dreg:$0x0]  }
0x2: {  	s13 =	stileid.u32;
	s2 =	rddreg [dreg:$0x1]  }
0x3: {  	s16 =	simm.s32 $0x400;
	s17 =	simm.s32 $0x5;
	s18 =	simm.s32 $0x2780  }
0x4: {  	s19 =	simm.s32 $0x50;
	s20 =	simm.s32 $0x6780;
	s21 =	simm.s32 $0x8F80  }
0x5: {  	s22 =	simm.s32 $0x1;
	s23 =	simm.s32 $0x2;
	s24 =	simm.s32 $0x3  }
0x6: {  	s25 =	simm.s32 $0x4;
	s26 =	simm.s32 $0x6500;
	s28 =	simm.s32 $0x26C0  }
0x7: {  	s29 =	simm.s32 $0x6580;
	s30 =	simm.s32 $0x0;
	s0 =	sand.u32 $0x1, s0  }
0x8: {  	s1 =	sshll.u32 s13, $0x1;
	s3 =	sshrl.u32 s13, $0x2;
	s31 =	smul.u32 $0x50000, s13  }
0x9: {  	s12 =	sadd.s32 $0x12C000, s2;
	p0 =	seq.s32 s13, $0xF;
	s4 =	smul.u32 $0x13C00, s3  }
0xa: {  	s1 =	sor.u32 s0, s1;
	s3 =	simm.s32 $0x0;
	s6 =	smul.u32 $0x27100, s0  }
0xb: {  	s0 =	ssub.s32 $0x2, s0;
	s12 =	sshrl.u32 @p0 s12, $0x3;
	s5 =	sshll.u32 s1, $0x7  }
0xc: {  	[smem:$0x7FF] =	sst s3;
	s1 =	sshll.u32 s1, $0xB;
	s9 =	sshrl.u32 s0, $0x1  }
0xd: {  	s10 =	sshrl.u32 s31, $0x2;
	s5 =	sand.u32 $0x380, s5;
	_ =	strace $0x80000056  }
0xe: {  	s1 =	sadd.s32 s1, s7;
	s11 =	sadd.s32 s6, s7;
	s0 =	ssub.s32 s0, s9  }
0xf: {  	s14 =	sadd.s32 s10, s2;
	s5 =	sor.u32 s4, s5;
	s4 =	sadd.s32 $0x21000, s7  }
0x10: {  	s9 =	sadd.s32 $0x7200, s1;
	s10 =	sadd.s32 $0x48200, s11;
	s5 =	sshrl.u32 s5, $0x3  }
0x11: {  	s11 =	smax.u32 s0, $0x1;
	s8 =	sadd.s32 s5, s7;
	s5 =	smul.u32 $0x2800, s13  }
0x12: {  	s0 =	sshll.u32 @!p0 s13, $0x6;
	s14 =	sshrl.u32 @!p0 s14, $0x3;
	s7 =	sadd.s32 $0x46800, s7  }
0x13: {  	s13 =	sor.u32 @!p0 $0x1C05, s0;
	s8 =	sadd.s32 $0x17200, s8;
	s6 =	sadd.s32 s4, s5  }
.LBB2_1:
0x14: {  	s0 =	simm.s32 @p0 $0x1FC5  }
0x15: {  	[spmem:s12], [sflag:s0] =	dma.local @p0 [hbm:s7], $0x1900  }
0x16: {  	s0 =	simm.s32 @p0 $0x5  }
0x17: {  	_ =	swait.ge @p0 [sflag:s0], $0x1900  }
0x18: {  	[sflag:s0] =	ssyncset.done @p0 $0x0  }
0x19: {  	[sflag:s0] =	ssyncadd.s32 @p0 $0xFFFFE700;
	s0 =	simm.s32 @!p0 $0x5  }
0x1a: {  	[spmem:s14], [sflag:s13] =	dma.local @!p0 [hbm:s6], $0x2800  }
0x1b: {  	_ =	swait.ge @!p0 [sflag:s0], $0x2800  }
0x1c: {  	[sflag:s0] =	ssyncset.done @!p0 $0x0  }
0x1d: {  	s1 =	simm.s32 $0x80;
	[sflag:s0] =	ssyncadd.s32 @!p0 $0xFFFFD800  }
0x1e: {  	[tilespmem:s3], [sflag:$0x5] =	stream.strided.gather [hbm4b:s8+s1], $0x2780, s16, s1, $0x38;
	[tilespmem:$0x1F000] =	vst v63  }
0x1f: {  	_ =	swait.ge [sflag:s17], $0x2780  }
0x20: {  	[sflag:s17] =	ssyncset.done $0x0  }
0x21: {  	[sflag:s17] =	ssyncadd.s32 $0xFFFFD880  }
0x22: {  	[tilespmem:s18], [sflag:$0x5] =	stream.linear.gather [hbm4b:s9+s3], $0x3E80, $0x38;
	[tilespmem:$0x1F000] =	vst v63  }
0x23: {  	_ =	swait.ge [sflag:s17], $0x3E80  }
0x24: {  	[sflag:s17] =	ssyncset.done $0x0  }
0x25: {  	[sflag:s17] =	ssyncadd.s32 $0xFFFFC180  }
0x26: {  	[tilespmem:s20], [sflag:$0x1] =	stream.indirect.gather [hbm4b:s4+s19], $0x80, s3, s19, $0xb8;
	[tilespmem:$0x1F000] =	vst v63  }
0x27: {  	_ = 	snop  }
0x28: {  	[tilespmem:s21], [sflag:$0x2] =	stream.indirect.gather [hbm4b:s4+s19], $0x80, s19, s19, $0xb8;
	[tilespmem:$0x1F000] =	vst v63  }
0x29: {  	[bflag:$0x0] =	sbarrier.arrive $0xFFFF  }
0x2a: {  	_ =	swait.ge [sflag:s22], $0x2800  }
0x2b: {  	[sflag:s22] =	ssyncset.done $0x0  }
0x2c: {  	[sflag:s22] =	ssyncadd.s32 $0xFFFFD800  }
0x2d: {  	[spmem:s2] =	stream.indirect.scatter.add.f32 [tilespmem:s20], [sflag:$0x3], $0x80, s18, s19, $0xb8;
	[tilespmem:$0x1F000] =	vst v63  }
0x2e: {  	_ =	swait.ge [sflag:s23], $0x2800  }
0x2f: {  	[sflag:s23] =	ssyncset.done $0x0  }
0x30: {  	s15 =	simm.s32 $0x2800;
	[sflag:s23] =	ssyncadd.s32 $0xFFFFD800  }
0x31: {  	[spmem:s2] =	stream.indirect.scatter.add.f32 [tilespmem:s21], [sflag:$0x4], $0x80, s15, s19, $0xb8;
	[tilespmem:$0x1F000] =	vst v63  }
0x32: {  	_ =	swait.ge [sflag:s24], $0x2800  }
0x33: {  	[sflag:s24] =	ssyncset.done $0x0  }
0x34: {  	s1 =	simm.s32 $0xA0;
	[sflag:s24] =	ssyncadd.s32 $0xFFFFD800  }
0x35: {  	[tilespmem:s20], [sflag:$0x1] =	stream.indirect.gather [hbm4b:s4+s19], $0x80, s1, s19, $0xb8;
	[tilespmem:$0x1F000] =	vst v63  }
0x36: {  	_ =	swait.ge [sflag:s22], $0x2800  }
0x37: {  	[sflag:s22] =	ssyncset.done $0x0  }
0x38: {  	s15 =	simm.s32 $0x2880;
	[sflag:s22] =	ssyncadd.s32 $0xFFFFD800  }
0x39: {  	[spmem:s2] =	stream.indirect.scatter.add.f32 [tilespmem:s20], [sflag:$0x3], $0x80, s15, s19, $0xb8;
	[tilespmem:$0x1F000] =	vst v63  }
0x3a: {  	_ =	swait.ge [sflag:s25], $0x2800  }
0x3b: {  	s31 =	simm.s32 $0xFFFF6A00;
	[sflag:s25] =	ssyncset.done $0x0  }
0x3c: {  	s0 =	simm.s32 $0xF0;
	s1 =	simm.s32 $0x2900;
	[sflag:s25] =	ssyncadd.s32 $0xFFFFD800  }
.LBB2_2:
0x3d: {  	[tilespmem:s21], [sflag:$0x2] =	stream.indirect.gather [hbm4b:s4+s19], $0x80, s0, s19, $0xb8;
	[tilespmem:$0x1F000] =	vst v63  }
0x3e: {  	s0 =	smov.u32 s31  }
0x3f: {  	p1 =	sne.s32 s31, $0xFFFFFD80;
	s31 =	sadd.s32 $0x280, s31;
	_ =	swait.ge [sflag:s23], $0x2800  }
0x40: {  	[sflag:s23] =	ssyncset.done $0x0  }
0x41: {  	[sflag:s23] =	ssyncadd.s32 $0xFFFFD800  }
0x42: {  	[spmem:s2] =	stream.indirect.scatter.add.f32 [tilespmem:s21], [sflag:$0x4], $0x80, s1, s19, $0xb8;
	[tilespmem:$0x1F000] =	vst v63  }
0x43: {  	_ =	swait.ge [sflag:s24], $0x2800  }
0x44: {  	s0 =	sshra.s32 s0, $0x2;
	[sflag:s24] =	ssyncset.done $0x0  }
0x45: {  	s15 =	sadd.s32 $0x26C0, s0;
	[sflag:s24] =	ssyncadd.s32 $0xFFFFD800  }
0x46: {  	[tilespmem:s20], [sflag:$0x1] =	stream.indirect.gather [hbm4b:s4+s19], $0x80, s15, s19, $0xb8;
	[tilespmem:$0x1F000] =	vst v63  }
0x47: {  	_ =	swait.ge [sflag:s22], $0x2800  }
0x48: {  	[sflag:s22] =	ssyncset.done $0x0  }
.Ltmp0:
0x49: {  	s15 =	sadd.s32 $0x80, s1;
	[sflag:s22] =	ssyncadd.s32 $0xFFFFD800;
	(pc) =	sbr.rel @p1 .LBB2_2-.Ltmp0, $4  }
0x4a: {  	[spmem:s2] =	stream.indirect.scatter.add.f32 [tilespmem:s20], [sflag:$0x3], $0x80, s15, s19, $0xb8;
	[tilespmem:$0x1F000] =	vst v63  }
0x4b: {  	_ =	swait.ge [sflag:s25], $0x2800  }
0x4c: {  	[sflag:s25] =	ssyncset.done $0x0  }
0x4d: {  	s0 =	sadd.s32 $0x2710, s0;
	s1 =	sadd.s32 $0x100, s1;
	[sflag:s25] =	ssyncadd.s32 $0xFFFFD800  }
0x4e: {  	[tilespmem:s21], [sflag:$0x2] =	stream.indirect.gather [hbm4b:s4+s19], $0x80, s0, s19, $0xb8;
	[tilespmem:$0x1F000] =	vst v63  }
0x4f: {  	_ =	swait.ge [sflag:s23], $0x2800  }
0x50: {  	[sflag:s23] =	ssyncset.done $0x0  }
0x51: {  	[sflag:s23] =	ssyncadd.s32 $0xFFFFD800  }
0x52: {  	[spmem:s2] =	stream.indirect.scatter.add.f32 [tilespmem:s21], [sflag:$0x4], $0x80, s26, s19, $0xb8;
	[tilespmem:$0x1F000] =	vst v63  }
0x53: {  	_ =	swait.ge [sflag:s24], $0x2800  }
0x54: {  	[sflag:s24] =	ssyncset.done $0x0  }
0x55: {  	[sflag:s24] =	ssyncadd.s32 $0xFFFFD800  }
0x56: {  	[tilespmem:s20], [sflag:$0x1] =	stream.indirect.gather [hbm4b:s4+s19], $0x80, s28, s19, $0xb8;
	[tilespmem:$0x1F000] =	vst v63  }
0x57: {  	_ =	swait.ge [sflag:s22], $0x2800  }
0x58: {  	[sflag:s22] =	ssyncset.done $0x0  }
0x59: {  	[sflag:s22] =	ssyncadd.s32 $0xFFFFD800  }
0x5a: {  	[spmem:s2] =	stream.indirect.scatter.add.f32 [tilespmem:s20], [sflag:$0x3], $0x80, s29, s19, $0xb8;
	[tilespmem:$0x1F000] =	vst v63  }
0x5b: {  	_ =	swait.ge [sflag:s25], $0x2800  }
0x5c: {  	[sflag:s25] =	ssyncset.done $0x0  }
0x5d: {  	[sflag:s25] =	ssyncadd.s32 $0xFFFFD800  }
0x5e: {  	_ =	swait.ge [sflag:s24], $0x2800  }
0x5f: {  	[sflag:s24] =	ssyncset.done $0x0  }
0x60: {  	[sflag:s24] =	ssyncadd.s32 $0xFFFFD800  }
0x61: {  	s0 =	sadd.s32 @p0 $0x25800, s10;
	s1 =	simm.s32 @p0 $0x1FC5;
	[bflag:$0x0] =	sbarrier.arrive $0xFFFF  }
0x62: {  	[hbm:s0], [sflag:s1] =	dma.local @p0 [spmem:s12], $0x1900  }
0x63: {  	s0 =	simm.s32 @p0 $0x5  }
0x64: {  	_ =	swait.ge @p0 [sflag:s0], $0x1900  }
0x65: {  	s30 =	sadd.s32 $0x1, s30;
	[sflag:s0] =	ssyncset.done @p0 $0x0  }
0x66: {  	p1 =	sne.s32 s30, s11;
	[sflag:s0] =	ssyncadd.s32 @p0 $0xFFFFE700;
	s0 =	sadd.s32 @!p0 s5, s10  }
0x67: {  	[hbm:s0], [sflag:s13] =	dma.local @!p0 [spmem:s14], $0x2800  }
.Ltmp1:
0x68: {  	_ = 	snop;
	(pc) =	sbr.rel @p1 .LBB2_1-.Ltmp1, $4  }
0x69: {  	s0 =	simm.s32 @!p0 $0x5  }
0x6a: {  	_ =	swait.ge @!p0 [sflag:s0], $0x2800  }
0x6b: {  	[sflag:s0] =	ssyncset.done @!p0 $0x0  }
0x6c: {  	[sflag:s0] =	ssyncadd.s32 @!p0 $0xFFFFD800  }
0x6d: {  	_ =	sfence.sel $0x180000  }
0x6e: {  	[bflag:$0x0] =	sbarrier.arrive $0xFFFF  }
0x6f: {  	_ =	strace $0x90000056  }
0x70: {  	s0 =	stileid.u32;
	[bflag:$0x2] =	sbarrier.arrive $0xFFFF  }
0x71: {  	p0 =	sne.s32 s0, $0x0;
	s0 =	rddreg [dreg:$0x2]  }
0x72: {  	s0 =	sadd.s32 @!p0 $0x100000, s0  }
0x73: {  	[sflag:s0] =	ssyncadd.tile.s32 @!p0 $0x1;
	_ =	shalt  }
.Lfunc_end2:
_tile_overlayer_lowered:
.L_overlay_start_2:
0x74: {  	(tag) =	ssettag $0x2  }
0x75: {  	s0 =	rddreg [dreg:$0x0];
	s2 =	stileid.u32  }
0x76: {  	s1 =	rddreg [dreg:$0x1];
	p0 =	sne.s32 s2, $0x0  }
0x77: {  	s3 =	rddreg [dreg:$0x2];
	[bflag:$0x3] =	sbarrier.arrive $0xFFFF;
	s2 =	simm.s32 @!p0 $0x1C05  }
0x78: {  	[timem:s3], [sflag:s2] =	dma.local @!p0 [hbm:s0], s1  }
0x79: {  	s0 =	simm.s32 @!p0 $0x5  }
0x7a: {  	_ =	swait.ge @!p0 [sflag:s0], s1  }
0x7b: {  	s1 =	ssub.s32 @!p0 $0x0, s1;
	[sflag:s0] =	ssyncset.done @!p0 $0x0  }
0x7c: {  	[sflag:s0] =	ssyncadd.s32 @!p0 s1  }
0x7d: {  	[bflag:$0x3] =	sbarrier.arrive $0xFFFF  }
0x7e: {  	_ =	shalt  }

</sc_bundles>
